<compile_context>
chip_gen: v7x
topology: tpu7x:2x2x1
jax: 0.10.2.dev20260603
libtpu: 0.0.44.dev20260713+nightly
codegen_flags: <defaults>
</compile_context>

<pallas_src>
import functools

import jax
import jax.numpy as jnp
from jax import lax
from jax.experimental import pallas as pl
from jax.experimental.pallas import tpu as pltpu
from jax.experimental.pallas import tpu_sc as plsc

KE = 14.399645351950548
KEHALF = KE / 2.0
CUTOFF = 10.0
CUTON = 2.5
EPS = 1e-9
A0 = 0.5291772105638411
INV_ADIV = 1.0 / (0.8854 * A0)

NA = 100000
NE = 6400000
NM = 64
NA_PAD = 102400
ROWS = NA_PAD // 128
NC, NS, L = 2, 16, 16
NW = NC * NS
CH = 2048
KROW = CH // 128
NCHUNK = NE // CH
TMAX = -(-NCHUNK // NW)
APT = NA_PAD // NS



def _atom_body(charge_ref, idxm_ref, out_ref):
    charge = charge_ref[...]
    idxm = idxm_ref[...]
    vals = []
    for m in range(NM):
        mask = idxm == m
        qs = jnp.sum(jnp.where(mask, charge, 0.0))
        cnt = jnp.sum(jnp.where(mask, 1.0, 0.0))
        vals.append(-qs / jnp.maximum(cnt, 1.0))
    adj = jnp.zeros_like(charge)
    for m in range(NM):
        adj = jnp.where(idxm == m, vals[m], adj)
    out_ref[...] = charge + adj


def _stage1(charge2, idxm2):
    return pl.pallas_call(
        _atom_body,
        out_shape=jax.ShapeDtypeStruct((ROWS, 128), jnp.float32),
    )(charge2, idxm2)



def _rsqrt(x):
    i = plsc.bitcast(x, jnp.int32)
    i = 0x5F3759DF - lax.shift_right_logical(i, 1)
    y = plsc.bitcast(i, jnp.float32)
    for _ in range(3):
        y = y * (1.5 - 0.5 * x * y * y)
    return y


def _sc_body(qa_h, z_h, p0_h, rij_h, idxi_h, idxj_h, zero_h, out_hbm,
             qa_s, z_s, acc_s, *rest):
    bufsA = rest[0:10]
    bufsB = rest[10:20]
    p0_v, zbuf, zbufi, semL, semG = rest[20:25]
    c = lax.axis_index("c")
    s = lax.axis_index("s")
    w = s * NC + c

    sl = pl.ds(s * APT, APT)
    for src_h, dst_s in ((qa_h, qa_s), (zero_h, acc_s)):
        pltpu.sync_copy(src_h.at[sl], zbuf)
        pltpu.sync_copy(zbuf, dst_s.at[sl])
    pltpu.sync_copy(z_h.at[sl], zbufi)
    pltpu.sync_copy(zbufi, z_s.at[sl])
    pltpu.sync_copy(p0_h, p0_v)
    plsc.subcore_barrier()

    def _linear_pairs(bufs, cid):
        idxi_v, idxj_v, rx_v, ry_v, rz_v = bufs[0:5]
        return ((idxi_h.at[cid], idxi_v), (idxj_h.at[cid], idxj_v),
                (rij_h.at[0, cid], rx_v), (rij_h.at[1, cid], ry_v),
                (rij_h.at[2, cid], rz_v))

    def _gather_pairs(bufs):
        idxi_v, idxj_v = bufs[0:2]
        qi_v, qj_v, zi_v, zj_v = bufs[5:9]
        return ((qa_s.at[idxi_v], qi_v), (qa_s.at[idxj_v], qj_v),
                (z_s.at[idxi_v], zi_v), (z_s.at[idxj_v], zj_v))

    def fire_linear(bufs, u):
        cid = w + NW * u

        @pl.when(cid < NCHUNK)
        def _():
            for src, dst in _linear_pairs(bufs, cid):
                pltpu.async_copy(src, dst, semL)

    def wait_linear(bufs, u):
        cid = w + NW * u

        @pl.when(cid < NCHUNK)
        def _():
            for src, dst in _linear_pairs(bufs, cid):
                pltpu.make_async_copy(src, dst, semL).wait()

    def fire_gathers(bufs, u):
        cid = w + NW * u

        @pl.when(cid < NCHUNK)
        def _():
            for src, dst in _gather_pairs(bufs):
                pltpu.async_copy(src, dst, semG)

    def wait_gathers(bufs, u):
        cid = w + NW * u

        @pl.when(cid < NCHUNK)
        def _():
            for src, dst in _gather_pairs(bufs):
                pltpu.make_async_copy(src, dst, semG).wait()

    def compute_scatter(bufs, u):
        cid = w + NW * u
        idxi_v, idxj_v, rx_v, ry_v, rz_v, qi_v, qj_v, zi_v, zj_v, epair_v = bufs

        @pl.when(cid < NCHUNK)
        def _():
            def vbody(j, vc):
                b = pl.ds(j * L, L)
                xv = rx_v[b]
                yv = ry_v[b]
                zv = rz_v[b]
                qi = qi_v[b]
                qj = qj_v[b]
                zi32 = zi_v[b]
                zj32 = zj_v[b]
                zi = zi32.astype(jnp.float32)
                zj = zj32.astype(jnp.float32)
                pi_ = plsc.load_gather(p0_v, [zi32])
                pj_ = plsc.load_gather(p0_v, [zj32])

                d2v = xv * xv + yv * yv + zv * zv
                rinv = _rsqrt(jnp.maximum(d2v, 1e-18))
                d = d2v * rinv
                dsafe = jnp.maximum(d, EPS)
                inv_d = 1.0 / dsafe
                incut = d < CUTOFF
                xc = d * (1.0 / CUTOFF)
                xc3 = xc * xc * xc
                fcut = jnp.where(
                    incut, 1.0 - xc3 * ((6.0 * xc - 15.0) * xc + 10.0), 0.0)
                x1 = jnp.clip((d - CUTON) * 0.2, 0.0, 1.0)
                sw = x1 * x1 * x1 * (x1 * (6.0 * x1 - 15.0) + 10.0)
                damped = _rsqrt(d2v + 1.0)
                coul = (1.0 - sw) * damped + sw * inv_d
                coul = jnp.where(incut, coul + d * 0.01 - 0.2, 0.0)
                ec = KEHALF * qi * qj * coul

                c6ij = ((0.4 * zi + 1.0) * (0.4 * zj + 1.0)
                        * jnp.exp(-0.25 * (qi + qj)))
                ds2 = dsafe * dsafe
                d6 = ds2 * ds2 * ds2
                r0 = 2.0 + 0.1 * (zi + zj)
                r02 = r0 * r0
                r06 = r02 * r02 * r02
                ea = (-0.5 * fcut) * c6ij / (d6 + r06)

                xs = dsafe * ((pi_ + pj_ + EPS) * INV_ADIV)
                phi = (0.18175 * jnp.exp(-3.19980 * xs)
                       + 0.50986 * jnp.exp(-0.94229 * xs)
                       + 0.28022 * jnp.exp(-0.40290 * xs)
                       + 0.02817 * jnp.exp(-0.20162 * xs))
                ez = KEHALF * zi * zj * inv_d * phi * fcut

                epair_v[b] = ec + ea + ez
                return vc

            lax.fori_loop(0, CH // L, vbody, 0)

            pltpu.sync_copy(epair_v, acc_s.at[idxi_v], add=True)

    fire_linear(bufsA, 0)
    wait_linear(bufsA, 0)
    fire_gathers(bufsA, 0)

    def pair_body(tt, carry):
        uA = 2 * tt
        uB = uA + 1
        uN = uA + 2
        fire_linear(bufsB, uB)
        wait_gathers(bufsA, uA)
        wait_linear(bufsB, uB)
        fire_gathers(bufsB, uB)
        compute_scatter(bufsA, uA)
        fire_linear(bufsA, uN)
        wait_gathers(bufsB, uB)
        wait_linear(bufsA, uN)
        fire_gathers(bufsA, uN)
        compute_scatter(bufsB, uB)
        return carry

    lax.fori_loop(0, TMAX // 2, pair_body, 0)

    plsc.subcore_barrier()
    pltpu.sync_copy(acc_s.at[pl.ds(s * APT, APT)], zbuf)
    pltpu.sync_copy(zbuf, out_hbm.at[c, pl.ds(s * APT, APT)])


_sc_call = functools.partial(
    pl.kernel,
    out_type=jax.ShapeDtypeStruct((NC, NA_PAD), jnp.float32),
    mesh=plsc.VectorSubcoreMesh(
        core_axis_name="c", subcore_axis_name="s",
        num_cores=NC, num_subcores=NS),
    compiler_params=pltpu.CompilerParams(needs_layout_passes=False),
    scratch_types=(
        [pltpu.VMEM_SHARED((NA_PAD,), jnp.float32),
         pltpu.VMEM_SHARED((NA_PAD,), jnp.int32),
         pltpu.VMEM_SHARED((NA_PAD,), jnp.float32)]
        + [pltpu.VMEM((CH,), jnp.int32),
           pltpu.VMEM((CH,), jnp.int32),
           pltpu.VMEM((CH,), jnp.float32),
           pltpu.VMEM((CH,), jnp.float32),
           pltpu.VMEM((CH,), jnp.float32),
           pltpu.VMEM((CH,), jnp.float32),
           pltpu.VMEM((CH,), jnp.float32),
           pltpu.VMEM((CH,), jnp.int32),
           pltpu.VMEM((CH,), jnp.int32),
           pltpu.VMEM((CH,), jnp.float32)] * 2
        + [pltpu.VMEM((128,), jnp.float32),
           pltpu.VMEM((APT,), jnp.float32),
           pltpu.VMEM((APT,), jnp.int32),
           pltpu.SemaphoreType.DMA,
           pltpu.SemaphoreType.DMA]
    ),
)(_sc_body)


def kernel(yi, Z, Rij, idx_i, idx_j, idx_m):
    charge = yi[:, 1]
    pad = NA_PAD - NA
    charge2 = jnp.pad(charge, (0, pad)).reshape(ROWS, 128)
    idxm2 = jnp.pad(idx_m, (0, pad), constant_values=NM).reshape(ROWS, 128)
    qa_h = _stage1(charge2, idxm2).reshape(NA_PAD)
    z_h = jnp.pad(Z, (0, pad))
    p0tab = jnp.arange(128, dtype=jnp.float32) ** 0.23

    rijT = Rij.T.reshape(3, NCHUNK, CH)
    idxi3 = idx_i.reshape(NCHUNK, CH)
    idxj3 = idx_j.reshape(NCHUNK, CH)
    zero = jnp.zeros((NA_PAD,), jnp.float32)
    partials = _sc_call(qa_h, z_h, p0tab, rijT, idxi3, idxj3, zero)
    return (yi[:, 0] + partials[0, :NA] + partials[1, :NA])[:, None]

# --- scband reference (transcript-rebuilt; emitter-appended) ---
"""Pipeline reference for scband-phys-net-energy-27608049778839 (READ-ONLY COPY).

The authoritative reference and input builder live on the scoring server;
editing this copy changes nothing except your own understanding.
"""

import jax, jax.numpy as jnp
import numpy as np

KE = 14.399645351950548
KEHALF = KE / 2.0
CUTOFF = 10.0
CUTON = 0.25 * CUTOFF
SW_CUTOFF = 0.75 * CUTOFF
LR_CUTOFF = CUTOFF
EPS = 1e-9


def physnet_cutoff(d, rc=CUTOFF):
    x = d / rc
    f = 1.0 - 6.0 * x**5 + 15.0 * x**4 - 10.0 * x**3
    return jnp.where(d < rc, f, 0.0)


def setup_inputs(seed: int = 0) -> dict:
    key = jax.random.key(seed)
    n_atoms = 100000
    n_edges = 6400000
    k1, k2, k3, k4, k5, k6 = jax.random.split(key, 6)
    yi = jax.random.normal(k1, (n_atoms, 2), dtype=jnp.float32)
    Z = jax.random.randint(k2, (n_atoms,), 0, 86, dtype=jnp.int32)
    Rij = jax.random.normal(k3, (n_edges, 3), dtype=jnp.float32)
    idx_i = jax.random.randint(k4, (n_edges,), 0, n_atoms, dtype=jnp.int32)
    idx_j = jax.random.randint(k5, (n_edges,), 0, n_atoms, dtype=jnp.int32)
    idx_m = jnp.sort(jax.random.randint(k6, (n_atoms,), 0, 64, dtype=jnp.int32))
    return {"yi": yi, "Z": Z, "Rij": Rij, "idx_i": idx_i, "idx_j": idx_j, "idx_m": idx_m}


def _energy(yi, Rij, Z, idx_i, idx_j, idx_m):
    energy = yi[:, 0]
    charge = yi[:, 1]
    Zf = Z.astype(jnp.float32)
    n_atoms = Z.shape[0]
    d = jnp.linalg.norm(Rij, axis=1)
    d_safe = jnp.maximum(d, EPS)
    fcut = physnet_cutoff(d, CUTOFF)
    # charge redistribution so each molecule sums to zero net charge
    Qleftover = jnp.zeros(n_atoms, jnp.float32).at[idx_m].add(-charge)
    counts = jnp.zeros(n_atoms, jnp.float32).at[idx_m].add(jnp.ones(n_atoms, jnp.float32))
    w = jnp.ones(n_atoms, jnp.float32) / counts[idx_m]
    qa = charge + Qleftover[idx_m] * w
    qi = qa[idx_i]
    qj = qa[idx_j]
    # electrostatic energy with damped short range and smooth long-range cutoff
    x = jnp.clip((d - CUTON) / (SW_CUTOFF - CUTON), 0.0, 1.0)
    sw = x * x * x * (x * (6.0 * x - 15.0) + 10.0)
    damped = 1.0 / jnp.sqrt(d * d + 1.0)
    ordinary = 1.0 / d_safe
    coul = (1.0 - sw) * damped + sw * ordinary
    coul = jnp.where(d < LR_CUTOFF, coul + d / (LR_CUTOFF ** 2) - 2.0 / LR_CUTOFF, 0.0)
    ec_pair = KEHALF * qi * qj * coul
    ec = jnp.zeros(n_atoms, jnp.float32).at[idx_i].add(ec_pair)
    # D4-style charge-scaled dispersion with BJ rational damping
    zeta = jnp.exp(-0.5 * qa)
    alpha = 0.4 * Zf + 1.0
    c6a = alpha * alpha * zeta
    c6ij = jnp.sqrt(jnp.maximum(c6a[idx_i] * c6a[idx_j], EPS))
    r0 = 2.0 + 0.1 * (Zf[idx_i] + Zf[idx_j])
    e6 = -c6ij / (d_safe ** 6 + r0 ** 6)
    ea_pair = 0.5 * e6 * fcut
    ea_vdw = jnp.zeros(n_atoms, jnp.float32).at[idx_i].add(ea_pair)
    # ZBL nuclear repulsion
    a0 = 0.5291772105638411
    adiv = 0.8854 * a0 / (Zf[idx_i] ** 0.23 + Zf[idx_j] ** 0.23 + EPS)
    xs = d_safe / adiv
    phi = (0.18175 * jnp.exp(-3.19980 * xs) + 0.50986 * jnp.exp(-0.94229 * xs)
           + 0.28022 * jnp.exp(-0.40290 * xs) + 0.02817 * jnp.exp(-0.20162 * xs))
    ez_pair = KEHALF * Zf[idx_i] * Zf[idx_j] / d_safe * phi * fcut
    ez = jnp.zeros(n_atoms, jnp.float32).at[idx_i].add(ez_pair)
    return (ec + ea_vdw + energy + ez)[:, None]


def reference(yi, Z, Rij, idx_i, idx_j, idx_m):
    return _energy(yi, Rij, Z, idx_i, idx_j, idx_m)

if __name__ == "__main__":
    import jax
    _d = setup_inputs()
    print(jax.jit(kernel)(*tuple(_d.values())))

</pallas_src>

<mosaic_0001>
#map = affine_map<(d0, d1) -> (0)>
#map1 = affine_map<(d0, d1) -> (0, 0, 0)>
#map2 = affine_map<(d0, d1) -> (0, 0)>
module attributes {stable_mosaic.version = 14 : i64} {
  func.func @_sc_body(%arg0: i32, %arg1: i32, %arg2: memref<102400xf32, #tpu.memory_space<hbm>>, %arg3: memref<102400xi32, #tpu.memory_space<hbm>>, %arg4: memref<128xf32, #tpu.memory_space<hbm>>, %arg5: memref<3x3125x2048xf32, #tpu.memory_space<hbm>>, %arg6: memref<3125x2048xi32, #tpu.memory_space<hbm>>, %arg7: memref<3125x2048xi32, #tpu.memory_space<hbm>>, %arg8: memref<102400xf32, #tpu.memory_space<hbm>>, %arg9: memref<2x102400xf32, #tpu.memory_space<hbm>>, %arg10: memref<102400xf32, #tpu.memory_space<vmem_shared>>, %arg11: memref<102400xi32, #tpu.memory_space<vmem_shared>>, %arg12: memref<102400xf32, #tpu.memory_space<vmem_shared>>, %arg13: memref<2048xi32, #tpu.memory_space<vmem>>, %arg14: memref<2048xi32, #tpu.memory_space<vmem>>, %arg15: memref<2048xf32, #tpu.memory_space<vmem>>, %arg16: memref<2048xf32, #tpu.memory_space<vmem>>, %arg17: memref<2048xf32, #tpu.memory_space<vmem>>, %arg18: memref<2048xf32, #tpu.memory_space<vmem>>, %arg19: memref<2048xf32, #tpu.memory_space<vmem>>, %arg20: memref<2048xi32, #tpu.memory_space<vmem>>, %arg21: memref<2048xi32, #tpu.memory_space<vmem>>, %arg22: memref<2048xf32, #tpu.memory_space<vmem>>, %arg23: memref<2048xi32, #tpu.memory_space<vmem>>, %arg24: memref<2048xi32, #tpu.memory_space<vmem>>, %arg25: memref<2048xf32, #tpu.memory_space<vmem>>, %arg26: memref<2048xf32, #tpu.memory_space<vmem>>, %arg27: memref<2048xf32, #tpu.memory_space<vmem>>, %arg28: memref<2048xf32, #tpu.memory_space<vmem>>, %arg29: memref<2048xf32, #tpu.memory_space<vmem>>, %arg30: memref<2048xi32, #tpu.memory_space<vmem>>, %arg31: memref<2048xi32, #tpu.memory_space<vmem>>, %arg32: memref<2048xf32, #tpu.memory_space<vmem>>, %arg33: memref<128xf32, #tpu.memory_space<vmem>>, %arg34: memref<6400xf32, #tpu.memory_space<vmem>>, %arg35: memref<6400xi32, #tpu.memory_space<vmem>>, %arg36: memref<!tpu.dma_semaphore, #tpu.memory_space<semaphore_mem>>, %arg37: memref<!tpu.dma_semaphore, #tpu.memory_space<semaphore_mem>>) attributes {dimension_semantics = [#tpu.dimension_semantics<core_parallel>, #tpu.dimension_semantics<subcore_parallel>], iteration_bounds = array<i64: 2, 16>, scalar_prefetch = 0 : i64, scratch_operands = 28 : i64, tpu.core_type = #tpu.core_type<sc_vector_subcore>, window_params = [{transform_indices = #map}, {transform_indices = #map}, {transform_indices = #map}, {transform_indices = #map1}, {transform_indices = #map2}, {transform_indices = #map2}, {transform_indices = #map}, {transform_indices = #map2}]} {
    %mul3A = arith.constant 2 : i32
    %mul3A_0 = arith.muli %arg1, %mul3A : i32
    %add3A = arith.addi %mul3A_0, %arg0 : i32
    %mul3A_1 = arith.constant 6400 : i32
    %mul3A_2 = arith.muli %arg1, %mul3A_1 : i32
    "tpu.region"() ({
      %run_scoped3A = tpu.sem_alloc : memref<!tpu.dma_semaphore, #tpu.memory_space<semaphore_mem>>
      %dma_start3A = tpu.memref_slice %arg2[%mul3A_2] : memref<102400xf32, #tpu.memory_space<hbm>> -> memref<6400xf32, #tpu.memory_space<hbm>>
      %dma_start3A_31 = tpu.memref_slice %arg2[%mul3A_2] : memref<102400xf32, #tpu.memory_space<hbm>> -> memref<6400xf32, #tpu.memory_space<hbm>>
      tpu.enqueue_dma source(%dma_start3A_31 : memref<6400xf32, #tpu.memory_space<hbm>>) target(%arg34 : memref<6400xf32, #tpu.memory_space<vmem>>) target_semaphore(%run_scoped3A : memref<!tpu.dma_semaphore, #tpu.memory_space<semaphore_mem>>)
      %dma_wait3A = tpu.memref_slice %arg2[%mul3A_2] : memref<102400xf32, #tpu.memory_space<hbm>> -> memref<6400xf32, #tpu.memory_space<hbm>>
      %dma_wait3A_32 = tpu.memref_slice %arg2[%mul3A_2] : memref<102400xf32, #tpu.memory_space<hbm>> -> memref<6400xf32, #tpu.memory_space<hbm>>
      tpu.wait_dma2 semaphore(%run_scoped3A : memref<!tpu.dma_semaphore, #tpu.memory_space<semaphore_mem>>) src(%dma_wait3A_32 : memref<6400xf32, #tpu.memory_space<hbm>>) dst(%arg34 : memref<6400xf32, #tpu.memory_space<vmem>>)
      tpu.yield
    }) : () -> ()
    "tpu.region"() ({
      %run_scoped3A = tpu.sem_alloc : memref<!tpu.dma_semaphore, #tpu.memory_space<semaphore_mem>>
      %dma_start3A = tpu.memref_slice %arg10[%mul3A_2] : memref<102400xf32, #tpu.memory_space<vmem_shared>> -> memref<6400xf32, #tpu.memory_space<vmem_shared>>
      %dma_start3A_31 = tpu.memref_slice %arg10[%mul3A_2] : memref<102400xf32, #tpu.memory_space<vmem_shared>> -> memref<6400xf32, #tpu.memory_space<vmem_shared>>
      tpu.enqueue_dma source(%arg34 : memref<6400xf32, #tpu.memory_space<vmem>>) target(%dma_start3A_31 : memref<6400xf32, #tpu.memory_space<vmem_shared>>) target_semaphore(%run_scoped3A : memref<!tpu.dma_semaphore, #tpu.memory_space<semaphore_mem>>)
      %dma_wait3A = tpu.memref_slice %arg10[%mul3A_2] : memref<102400xf32, #tpu.memory_space<vmem_shared>> -> memref<6400xf32, #tpu.memory_space<vmem_shared>>
      %dma_wait3A_32 = tpu.memref_slice %arg10[%mul3A_2] : memref<102400xf32, #tpu.memory_space<vmem_shared>> -> memref<6400xf32, #tpu.memory_space<vmem_shared>>
      tpu.wait_dma2 semaphore(%run_scoped3A : memref<!tpu.dma_semaphore, #tpu.memory_space<semaphore_mem>>) src(%arg34 : memref<6400xf32, #tpu.memory_space<vmem>>) dst(%dma_wait3A_32 : memref<6400xf32, #tpu.memory_space<vmem_shared>>)
      tpu.yield
    }) : () -> ()
    "tpu.region"() ({
      %run_scoped3A = tpu.sem_alloc : memref<!tpu.dma_semaphore, #tpu.memory_space<semaphore_mem>>
      %dma_start3A = tpu.memref_slice %arg8[%mul3A_2] : memref<102400xf32, #tpu.memory_space<hbm>> -> memref<6400xf32, #tpu.memory_space<hbm>>
      %dma_start3A_31 = tpu.memref_slice %arg8[%mul3A_2] : memref<102400xf32, #tpu.memory_space<hbm>> -> memref<6400xf32, #tpu.memory_space<hbm>>
      tpu.enqueue_dma source(%dma_start3A_31 : memref<6400xf32, #tpu.memory_space<hbm>>) target(%arg34 : memref<6400xf32, #tpu.memory_space<vmem>>) target_semaphore(%run_scoped3A : memref<!tpu.dma_semaphore, #tpu.memory_space<semaphore_mem>>)
      %dma_wait3A = tpu.memref_slice %arg8[%mul3A_2] : memref<102400xf32, #tpu.memory_space<hbm>> -> memref<6400xf32, #tpu.memory_space<hbm>>
      %dma_wait3A_32 = tpu.memref_slice %arg8[%mul3A_2] : memref<102400xf32, #tpu.memory_space<hbm>> -> memref<6400xf32, #tpu.memory_space<hbm>>
      tpu.wait_dma2 semaphore(%run_scoped3A : memref<!tpu.dma_semaphore, #tpu.memory_space<semaphore_mem>>) src(%dma_wait3A_32 : memref<6400xf32, #tpu.memory_space<hbm>>) dst(%arg34 : memref<6400xf32, #tpu.memory_space<vmem>>)
      tpu.yield
    }) : () -> ()
    "tpu.region"() ({
      %run_scoped3A = tpu.sem_alloc : memref<!tpu.dma_semaphore, #tpu.memory_space<semaphore_mem>>
      %dma_start3A = tpu.memref_slice %arg12[%mul3A_2] : memref<102400xf32, #tpu.memory_space<vmem_shared>> -> memref<6400xf32, #tpu.memory_space<vmem_shared>>
      %dma_start3A_31 = tpu.memref_slice %arg12[%mul3A_2] : memref<102400xf32, #tpu.memory_space<vmem_shared>> -> memref<6400xf32, #tpu.memory_space<vmem_shared>>
      tpu.enqueue_dma source(%arg34 : memref<6400xf32, #tpu.memory_space<vmem>>) target(%dma_start3A_31 : memref<6400xf32, #tpu.memory_space<vmem_shared>>) target_semaphore(%run_scoped3A : memref<!tpu.dma_semaphore, #tpu.memory_space<semaphore_mem>>)
      %dma_wait3A = tpu.memref_slice %arg12[%mul3A_2] : memref<102400xf32, #tpu.memory_space<vmem_shared>> -> memref<6400xf32, #tpu.memory_space<vmem_shared>>
      %dma_wait3A_32 = tpu.memref_slice %arg12[%mul3A_2] : memref<102400xf32, #tpu.memory_space<vmem_shared>> -> memref<6400xf32, #tpu.memory_space<vmem_shared>>
      tpu.wait_dma2 semaphore(%run_scoped3A : memref<!tpu.dma_semaphore, #tpu.memory_space<semaphore_mem>>) src(%arg34 : memref<6400xf32, #tpu.memory_space<vmem>>) dst(%dma_wait3A_32 : memref<6400xf32, #tpu.memory_space<vmem_shared>>)
      tpu.yield
    }) : () -> ()
    "tpu.region"() ({
      %run_scoped3A = tpu.sem_alloc : memref<!tpu.dma_semaphore, #tpu.memory_space<semaphore_mem>>
      %dma_start3A = tpu.memref_slice %arg3[%mul3A_2] : memref<102400xi32, #tpu.memory_space<hbm>> -> memref<6400xi32, #tpu.memory_space<hbm>>
      %dma_start3A_31 = tpu.memref_slice %arg3[%mul3A_2] : memref<102400xi32, #tpu.memory_space<hbm>> -> memref<6400xi32, #tpu.memory_space<hbm>>
      tpu.enqueue_dma source(%dma_start3A_31 : memref<6400xi32, #tpu.memory_space<hbm>>) target(%arg35 : memref<6400xi32, #tpu.memory_space<vmem>>) target_semaphore(%run_scoped3A : memref<!tpu.dma_semaphore, #tpu.memory_space<semaphore_mem>>)
      %dma_wait3A = tpu.memref_slice %arg3[%mul3A_2] : memref<102400xi32, #tpu.memory_space<hbm>> -> memref<6400xi32, #tpu.memory_space<hbm>>
      %dma_wait3A_32 = tpu.memref_slice %arg3[%mul3A_2] : memref<102400xi32, #tpu.memory_space<hbm>> -> memref<6400xi32, #tpu.memory_space<hbm>>
      tpu.wait_dma2 semaphore(%run_scoped3A : memref<!tpu.dma_semaphore, #tpu.memory_space<semaphore_mem>>) src(%dma_wait3A_32 : memref<6400xi32, #tpu.memory_space<hbm>>) dst(%arg35 : memref<6400xi32, #tpu.memory_space<vmem>>)
      tpu.yield
    }) : () -> ()
    "tpu.region"() ({
      %run_scoped3A = tpu.sem_alloc : memref<!tpu.dma_semaphore, #tpu.memory_space<semaphore_mem>>
      %dma_start3A = tpu.memref_slice %arg11[%mul3A_2] : memref<102400xi32, #tpu.memory_space<vmem_shared>> -> memref<6400xi32, #tpu.memory_space<vmem_shared>>
      %dma_start3A_31 = tpu.memref_slice %arg11[%mul3A_2] : memref<102400xi32, #tpu.memory_space<vmem_shared>> -> memref<6400xi32, #tpu.memory_space<vmem_shared>>
      tpu.enqueue_dma source(%arg35 : memref<6400xi32, #tpu.memory_space<vmem>>) target(%dma_start3A_31 : memref<6400xi32, #tpu.memory_space<vmem_shared>>) target_semaphore(%run_scoped3A : memref<!tpu.dma_semaphore, #tpu.memory_space<semaphore_mem>>)
      %dma_wait3A = tpu.memref_slice %arg11[%mul3A_2] : memref<102400xi32, #tpu.memory_space<vmem_shared>> -> memref<6400xi32, #tpu.memory_space<vmem_shared>>
      %dma_wait3A_32 = tpu.memref_slice %arg11[%mul3A_2] : memref<102400xi32, #tpu.memory_space<vmem_shared>> -> memref<6400xi32, #tpu.memory_space<vmem_shared>>
      tpu.wait_dma2 semaphore(%run_scoped3A : memref<!tpu.dma_semaphore, #tpu.memory_space<semaphore_mem>>) src(%arg35 : memref<6400xi32, #tpu.memory_space<vmem>>) dst(%dma_wait3A_32 : memref<6400xi32, #tpu.memory_space<vmem_shared>>)
      tpu.yield
    }) : () -> ()
    "tpu.region"() ({
      %run_scoped3A = tpu.sem_alloc : memref<!tpu.dma_semaphore, #tpu.memory_space<semaphore_mem>>
      tpu.enqueue_dma source(%arg4 : memref<128xf32, #tpu.memory_space<hbm>>) target(%arg33 : memref<128xf32, #tpu.memory_space<vmem>>) target_semaphore(%run_scoped3A : memref<!tpu.dma_semaphore, #tpu.memory_space<semaphore_mem>>)
      tpu.wait_dma2 semaphore(%run_scoped3A : memref<!tpu.dma_semaphore, #tpu.memory_space<semaphore_mem>>) src(%arg4 : memref<128xf32, #tpu.memory_space<hbm>>) dst(%arg33 : memref<128xf32, #tpu.memory_space<vmem>>)
      tpu.yield
    }) : () -> ()
    %barrier3A = arith.constant 0 : index
    tpu.barrier barrier_id(%barrier3A)
    %add3A_3 = arith.constant 0 : i32
    %add3A_4 = arith.addi %add3A, %add3A_3 : i32
    %lt3A = arith.constant 3125 : i32
    %lt3A_5 = arith.cmpi slt, %add3A_4, %lt3A : i32
    %convert_element_type3A = arith.extui %lt3A_5 : i1 to i32
    %cond3A = arith.constant 0 : i32
    %cond3A_6 = arith.cmpi ne, %convert_element_type3A, %cond3A : i32
    scf.if %cond3A_6 {
      %dma_start3A = arith.constant 0 : i32
      %dma_start3A_31 = tpu.memref_slice %arg6[%add3A_4, %dma_start3A] : memref<3125x2048xi32, #tpu.memory_space<hbm>> -> memref<1x2048xi32, #tpu.memory_space<hbm>>
      %dma_start3A_32 = tpu.memref_squeeze %dma_start3A_31 : memref<1x2048xi32, #tpu.memory_space<hbm>> -> memref<2048xi32, #tpu.memory_space<hbm>>
      %dma_start3A_33 = arith.constant 0 : i32
      %dma_start3A_34 = tpu.memref_slice %arg6[%add3A_4, %dma_start3A_33] : memref<3125x2048xi32, #tpu.memory_space<hbm>> -> memref<1x2048xi32, #tpu.memory_space<hbm>>
      %dma_start3A_35 = tpu.memref_squeeze %dma_start3A_34 : memref<1x2048xi32, #tpu.memory_space<hbm>> -> memref<2048xi32, #tpu.memory_space<hbm>>
      tpu.enqueue_dma source(%dma_start3A_35 : memref<2048xi32, #tpu.memory_space<hbm>>) target(%arg13 : memref<2048xi32, #tpu.memory_space<vmem>>) target_semaphore(%arg36 : memref<!tpu.dma_semaphore, #tpu.memory_space<semaphore_mem>>)
      %dma_start3A_36 = arith.constant 0 : i32
      %dma_start3A_37 = tpu.memref_slice %arg7[%add3A_4, %dma_start3A_36] : memref<3125x2048xi32, #tpu.memory_space<hbm>> -> memref<1x2048xi32, #tpu.memory_space<hbm>>
      %dma_start3A_38 = tpu.memref_squeeze %dma_start3A_37 : memref<1x2048xi32, #tpu.memory_space<hbm>> -> memref<2048xi32, #tpu.memory_space<hbm>>
      %dma_start3A_39 = arith.constant 0 : i32
      %dma_start3A_40 = tpu.memref_slice %arg7[%add3A_4, %dma_start3A_39] : memref<3125x2048xi32, #tpu.memory_space<hbm>> -> memref<1x2048xi32, #tpu.memory_space<hbm>>
      %dma_start3A_41 = tpu.memref_squeeze %dma_start3A_40 : memref<1x2048xi32, #tpu.memory_space<hbm>> -> memref<2048xi32, #tpu.memory_space<hbm>>
      tpu.enqueue_dma source(%dma_start3A_41 : memref<2048xi32, #tpu.memory_space<hbm>>) target(%arg14 : memref<2048xi32, #tpu.memory_space<vmem>>) target_semaphore(%arg36 : memref<!tpu.dma_semaphore, #tpu.memory_space<semaphore_mem>>)
      %dma_start3A_42 = arith.constant 0 : i32
      %dma_start3A_43 = arith.constant 0 : i32
      %dma_start3A_44 = tpu.memref_slice %arg5[%dma_start3A_42, %add3A_4, %dma_start3A_43] : memref<3x3125x2048xf32, #tpu.memory_space<hbm>> -> memref<1x1x2048xf32, #tpu.memory_space<hbm>>
      %dma_start3A_45 = tpu.memref_squeeze %dma_start3A_44 : memref<1x1x2048xf32, #tpu.memory_space<hbm>> -> memref<2048xf32, #tpu.memory_space<hbm>>
      %dma_start3A_46 = arith.constant 0 : i32
      %dma_start3A_47 = tpu.memref_slice %arg5[%dma_start3A_42, %add3A_4, %dma_start3A_46] : memref<3x3125x2048xf32, #tpu.memory_space<hbm>> -> memref<1x1x2048xf32, #tpu.memory_space<hbm>>
      %dma_start3A_48 = tpu.memref_squeeze %dma_start3A_47 : memref<1x1x2048xf32, #tpu.memory_space<hbm>> -> memref<2048xf32, #tpu.memory_space<hbm>>
      tpu.enqueue_dma source(%dma_start3A_48 : memref<2048xf32, #tpu.memory_space<hbm>>) target(%arg15 : memref<2048xf32, #tpu.memory_space<vmem>>) target_semaphore(%arg36 : memref<!tpu.dma_semaphore, #tpu.memory_space<semaphore_mem>>)
      %dma_start3A_49 = arith.constant 1 : i32
      %dma_start3A_50 = arith.constant 0 : i32
      %dma_start3A_51 = tpu.memref_slice %arg5[%dma_start3A_49, %add3A_4, %dma_start3A_50] : memref<3x3125x2048xf32, #tpu.memory_space<hbm>> -> memref<1x1x2048xf32, #tpu.memory_space<hbm>>
      %dma_start3A_52 = tpu.memref_squeeze %dma_start3A_51 : memref<1x1x2048xf32, #tpu.memory_space<hbm>> -> memref<2048xf32, #tpu.memory_space<hbm>>
      %dma_start3A_53 = arith.constant 0 : i32
      %dma_start3A_54 = tpu.memref_slice %arg5[%dma_start3A_49, %add3A_4, %dma_start3A_53] : memref<3x3125x2048xf32, #tpu.memory_space<hbm>> -> memref<1x1x2048xf32, #tpu.memory_space<hbm>>
      %dma_start3A_55 = tpu.memref_squeeze %dma_start3A_54 : memref<1x1x2048xf32, #tpu.memory_space<hbm>> -> memref<2048xf32, #tpu.memory_space<hbm>>
      tpu.enqueue_dma source(%dma_start3A_55 : memref<2048xf32, #tpu.memory_space<hbm>>) target(%arg16 : memref<2048xf32, #tpu.memory_space<vmem>>) target_semaphore(%arg36 : memref<!tpu.dma_semaphore, #tpu.memory_space<semaphore_mem>>)
      %dma_start3A_56 = arith.constant 2 : i32
      %dma_start3A_57 = arith.constant 0 : i32
      %dma_start3A_58 = tpu.memref_slice %arg5[%dma_start3A_56, %add3A_4, %dma_start3A_57] : memref<3x3125x2048xf32, #tpu.memory_space<hbm>> -> memref<1x1x2048xf32, #tpu.memory_space<hbm>>
      %dma_start3A_59 = tpu.memref_squeeze %dma_start3A_58 : memref<1x1x2048xf32, #tpu.memory_space<hbm>> -> memref<2048xf32, #tpu.memory_space<hbm>>
      %dma_start3A_60 = arith.constant 0 : i32
      %dma_start3A_61 = tpu.memref_slice %arg5[%dma_start3A_56, %add3A_4, %dma_start3A_60] : memref<3x3125x2048xf32, #tpu.memory_space<hbm>> -> memref<1x1x2048xf32, #tpu.memory_space<hbm>>
      %dma_start3A_62 = tpu.memref_squeeze %dma_start3A_61 : memref<1x1x2048xf32, #tpu.memory_space<hbm>> -> memref<2048xf32, #tpu.memory_space<hbm>>
      tpu.enqueue_dma source(%dma_start3A_62 : memref<2048xf32, #tpu.memory_space<hbm>>) target(%arg17 : memref<2048xf32, #tpu.memory_space<vmem>>) target_semaphore(%arg36 : memref<!tpu.dma_semaphore, #tpu.memory_space<semaphore_mem>>)
    } else {
    }
    %add3A_7 = arith.constant 0 : i32
    %add3A_8 = arith.addi %add3A, %add3A_7 : i32
    %lt3A_9 = arith.constant 3125 : i32
    %lt3A_10 = arith.cmpi slt, %add3A_8, %lt3A_9 : i32
    %convert_element_type3A_11 = arith.extui %lt3A_10 : i1 to i32
    %cond3A_12 = arith.constant 0 : i32
    %cond3A_13 = arith.cmpi ne, %convert_element_type3A_11, %cond3A_12 : i32
    scf.if %cond3A_13 {
      %dma_wait3A = arith.constant 0 : i32
      %dma_wait3A_31 = tpu.memref_slice %arg6[%add3A_8, %dma_wait3A] : memref<3125x2048xi32, #tpu.memory_space<hbm>> -> memref<1x2048xi32, #tpu.memory_space<hbm>>
      %dma_wait3A_32 = tpu.memref_squeeze %dma_wait3A_31 : memref<1x2048xi32, #tpu.memory_space<hbm>> -> memref<2048xi32, #tpu.memory_space<hbm>>
      %dma_wait3A_33 = arith.constant 0 : i32
      %dma_wait3A_34 = tpu.memref_slice %arg6[%add3A_8, %dma_wait3A_33] : memref<3125x2048xi32, #tpu.memory_space<hbm>> -> memref<1x2048xi32, #tpu.memory_space<hbm>>
      %dma_wait3A_35 = tpu.memref_squeeze %dma_wait3A_34 : memref<1x2048xi32, #tpu.memory_space<hbm>> -> memref<2048xi32, #tpu.memory_space<hbm>>
      tpu.wait_dma2 semaphore(%arg36 : memref<!tpu.dma_semaphore, #tpu.memory_space<semaphore_mem>>) src(%dma_wait3A_35 : memref<2048xi32, #tpu.memory_space<hbm>>) dst(%arg13 : memref<2048xi32, #tpu.memory_space<vmem>>)
      %dma_wait3A_36 = arith.constant 0 : i32
      %dma_wait3A_37 = tpu.memref_slice %arg7[%add3A_8, %dma_wait3A_36] : memref<3125x2048xi32, #tpu.memory_space<hbm>> -> memref<1x2048xi32, #tpu.memory_space<hbm>>
      %dma_wait3A_38 = tpu.memref_squeeze %dma_wait3A_37 : memref<1x2048xi32, #tpu.memory_space<hbm>> -> memref<2048xi32, #tpu.memory_space<hbm>>
      %dma_wait3A_39 = arith.constant 0 : i32
      %dma_wait3A_40 = tpu.memref_slice %arg7[%add3A_8, %dma_wait3A_39] : memref<3125x2048xi32, #tpu.memory_space<hbm>> -> memref<1x2048xi32, #tpu.memory_space<hbm>>
      %dma_wait3A_41 = tpu.memref_squeeze %dma_wait3A_40 : memref<1x2048xi32, #tpu.memory_space<hbm>> -> memref<2048xi32, #tpu.memory_space<hbm>>
      tpu.wait_dma2 semaphore(%arg36 : memref<!tpu.dma_semaphore, #tpu.memory_space<semaphore_mem>>) src(%dma_wait3A_41 : memref<2048xi32, #tpu.memory_space<hbm>>) dst(%arg14 : memref<2048xi32, #tpu.memory_space<vmem>>)
      %dma_wait3A_42 = arith.constant 0 : i32
      %dma_wait3A_43 = arith.constant 0 : i32
      %dma_wait3A_44 = tpu.memref_slice %arg5[%dma_wait3A_42, %add3A_8, %dma_wait3A_43] : memref<3x3125x2048xf32, #tpu.memory_space<hbm>> -> memref<1x1x2048xf32, #tpu.memory_space<hbm>>
      %dma_wait3A_45 = tpu.memref_squeeze %dma_wait3A_44 : memref<1x1x2048xf32, #tpu.memory_space<hbm>> -> memref<2048xf32, #tpu.memory_space<hbm>>
      %dma_wait3A_46 = arith.constant 0 : i32
      %dma_wait3A_47 = tpu.memref_slice %arg5[%dma_wait3A_42, %add3A_8, %dma_wait3A_46] : memref<3x3125x2048xf32, #tpu.memory_space<hbm>> -> memref<1x1x2048xf32, #tpu.memory_space<hbm>>
      %dma_wait3A_48 = tpu.memref_squeeze %dma_wait3A_47 : memref<1x1x2048xf32, #tpu.memory_space<hbm>> -> memref<2048xf32, #tpu.memory_space<hbm>>
      tpu.wait_dma2 semaphore(%arg36 : memref<!tpu.dma_semaphore, #tpu.memory_space<semaphore_mem>>) src(%dma_wait3A_48 : memref<2048xf32, #tpu.memory_space<hbm>>) dst(%arg15 : memref<2048xf32, #tpu.memory_space<vmem>>)
      %dma_wait3A_49 = arith.constant 1 : i32
      %dma_wait3A_50 = arith.constant 0 : i32
      %dma_wait3A_51 = tpu.memref_slice %arg5[%dma_wait3A_49, %add3A_8, %dma_wait3A_50] : memref<3x3125x2048xf32, #tpu.memory_space<hbm>> -> memref<1x1x2048xf32, #tpu.memory_space<hbm>>
      %dma_wait3A_52 = tpu.memref_squeeze %dma_wait3A_51 : memref<1x1x2048xf32, #tpu.memory_space<hbm>> -> memref<2048xf32, #tpu.memory_space<hbm>>
      %dma_wait3A_53 = arith.constant 0 : i32
      %dma_wait3A_54 = tpu.memref_slice %arg5[%dma_wait3A_49, %add3A_8, %dma_wait3A_53] : memref<3x3125x2048xf32, #tpu.memory_space<hbm>> -> memref<1x1x2048xf32, #tpu.memory_space<hbm>>
      %dma_wait3A_55 = tpu.memref_squeeze %dma_wait3A_54 : memref<1x1x2048xf32, #tpu.memory_space<hbm>> -> memref<2048xf32, #tpu.memory_space<hbm>>
      tpu.wait_dma2 semaphore(%arg36 : memref<!tpu.dma_semaphore, #tpu.memory_space<semaphore_mem>>) src(%dma_wait3A_55 : memref<2048xf32, #tpu.memory_space<hbm>>) dst(%arg16 : memref<2048xf32, #tpu.memory_space<vmem>>)
      %dma_wait3A_56 = arith.constant 2 : i32
      %dma_wait3A_57 = arith.constant 0 : i32
      %dma_wait3A_58 = tpu.memref_slice %arg5[%dma_wait3A_56, %add3A_8, %dma_wait3A_57] : memref<3x3125x2048xf32, #tpu.memory_space<hbm>> -> memref<1x1x2048xf32, #tpu.memory_space<hbm>>
      %dma_wait3A_59 = tpu.memref_squeeze %dma_wait3A_58 : memref<1x1x2048xf32, #tpu.memory_space<hbm>> -> memref<2048xf32, #tpu.memory_space<hbm>>
      %dma_wait3A_60 = arith.constant 0 : i32
      %dma_wait3A_61 = tpu.memref_slice %arg5[%dma_wait3A_56, %add3A_8, %dma_wait3A_60] : memref<3x3125x2048xf32, #tpu.memory_space<hbm>> -> memref<1x1x2048xf32, #tpu.memory_space<hbm>>
      %dma_wait3A_62 = tpu.memref_squeeze %dma_wait3A_61 : memref<1x1x2048xf32, #tpu.memory_space<hbm>> -> memref<2048xf32, #tpu.memory_space<hbm>>
      tpu.wait_dma2 semaphore(%arg36 : memref<!tpu.dma_semaphore, #tpu.memory_space<semaphore_mem>>) src(%dma_wait3A_62 : memref<2048xf32, #tpu.memory_space<hbm>>) dst(%arg17 : memref<2048xf32, #tpu.memory_space<vmem>>)
    } else {
    }
    %add3A_14 = arith.constant 0 : i32
    %add3A_15 = arith.addi %add3A, %add3A_14 : i32
    %lt3A_16 = arith.constant 3125 : i32
    %lt3A_17 = arith.cmpi slt, %add3A_15, %lt3A_16 : i32
    %convert_element_type3A_18 = arith.extui %lt3A_17 : i1 to i32
    %cond3A_19 = arith.constant 0 : i32
    %cond3A_20 = arith.cmpi ne, %convert_element_type3A_18, %cond3A_19 : i32
    scf.if %cond3A_20 {
      %dma_start3A = arith.constant 0 : i32
      %dma_start3A_31 = tpu.memref_slice %arg10[%dma_start3A] : memref<102400xf32, #tpu.memory_space<vmem_shared>> -> memref<102400xf32, #tpu.memory_space<vmem_shared>>
      tpu.enqueue_indirect_dma source(%dma_start3A_31 : memref<102400xf32, #tpu.memory_space<vmem_shared>>) target(%arg18 : memref<2048xf32, #tpu.memory_space<vmem>>) offsets(%arg13 : memref<2048xi32, #tpu.memory_space<vmem>>) semaphore(%arg37 : memref<!tpu.dma_semaphore, #tpu.memory_space<semaphore_mem>>)
      %dma_start3A_32 = arith.constant 0 : i32
      %dma_start3A_33 = tpu.memref_slice %arg10[%dma_start3A_32] : memref<102400xf32, #tpu.memory_space<vmem_shared>> -> memref<102400xf32, #tpu.memory_space<vmem_shared>>
      tpu.enqueue_indirect_dma source(%dma_start3A_33 : memref<102400xf32, #tpu.memory_space<vmem_shared>>) target(%arg19 : memref<2048xf32, #tpu.memory_space<vmem>>) offsets(%arg14 : memref<2048xi32, #tpu.memory_space<vmem>>) semaphore(%arg37 : memref<!tpu.dma_semaphore, #tpu.memory_space<semaphore_mem>>)
      %dma_start3A_34 = arith.constant 0 : i32
      %dma_start3A_35 = tpu.memref_slice %arg11[%dma_start3A_34] : memref<102400xi32, #tpu.memory_space<vmem_shared>> -> memref<102400xi32, #tpu.memory_space<vmem_shared>>
      tpu.enqueue_indirect_dma source(%dma_start3A_35 : memref<102400xi32, #tpu.memory_space<vmem_shared>>) target(%arg20 : memref<2048xi32, #tpu.memory_space<vmem>>) offsets(%arg13 : memref<2048xi32, #tpu.memory_space<vmem>>) semaphore(%arg37 : memref<!tpu.dma_semaphore, #tpu.memory_space<semaphore_mem>>)
      %dma_start3A_36 = arith.constant 0 : i32
      %dma_start3A_37 = tpu.memref_slice %arg11[%dma_start3A_36] : memref<102400xi32, #tpu.memory_space<vmem_shared>> -> memref<102400xi32, #tpu.memory_space<vmem_shared>>
      tpu.enqueue_indirect_dma source(%dma_start3A_37 : memref<102400xi32, #tpu.memory_space<vmem_shared>>) target(%arg21 : memref<2048xi32, #tpu.memory_space<vmem>>) offsets(%arg14 : memref<2048xi32, #tpu.memory_space<vmem>>) semaphore(%arg37 : memref<!tpu.dma_semaphore, #tpu.memory_space<semaphore_mem>>)
    } else {
    }
    %scan3A = arith.constant 0 : i32
    %scan3A_21 = arith.constant 0 : i32
    %scan3A_22 = arith.constant 49 : i32
    %scan3A_23 = arith.addi %scan3A_21, %scan3A_22 : i32
    %scan3A_24 = arith.constant 1 : i32
    scf.for %scan3A_31 = %scan3A_21 to %scan3A_23 step %scan3A_24  : i32 {
      %mul3A_32 = arith.constant 2 : i32
      %mul3A_33 = arith.muli %mul3A_32, %scan3A_31 : i32
      %add3A_34 = arith.constant 1 : i32
      %add3A_35 = arith.addi %mul3A_33, %add3A_34 : i32
      %add3A_36 = arith.constant 2 : i32
      %add3A_37 = arith.addi %mul3A_33, %add3A_36 : i32
      %mul3A_38 = arith.constant 32 : i32
      %mul3A_39 = arith.muli %mul3A_38, %add3A_35 : i32
      %add3A_40 = arith.addi %add3A, %mul3A_39 : i32
      %lt3A_41 = arith.constant 3125 : i32
      %lt3A_42 = arith.cmpi slt, %add3A_40, %lt3A_41 : i32
      %convert_element_type3A_43 = arith.extui %lt3A_42 : i1 to i32
      %cond3A_44 = arith.constant 0 : i32
      %cond3A_45 = arith.cmpi ne, %convert_element_type3A_43, %cond3A_44 : i32
      scf.if %cond3A_45 {
        %dma_start3A = arith.constant 0 : i32
        %dma_start3A_118 = tpu.memref_slice %arg6[%add3A_40, %dma_start3A] : memref<3125x2048xi32, #tpu.memory_space<hbm>> -> memref<1x2048xi32, #tpu.memory_space<hbm>>
        %dma_start3A_119 = tpu.memref_squeeze %dma_start3A_118 : memref<1x2048xi32, #tpu.memory_space<hbm>> -> memref<2048xi32, #tpu.memory_space<hbm>>
        %dma_start3A_120 = arith.constant 0 : i32
        %dma_start3A_121 = tpu.memref_slice %arg6[%add3A_40, %dma_start3A_120] : memref<3125x2048xi32, #tpu.memory_space<hbm>> -> memref<1x2048xi32, #tpu.memory_space<hbm>>
        %dma_start3A_122 = tpu.memref_squeeze %dma_start3A_121 : memref<1x2048xi32, #tpu.memory_space<hbm>> -> memref<2048xi32, #tpu.memory_space<hbm>>
        tpu.enqueue_dma source(%dma_start3A_122 : memref<2048xi32, #tpu.memory_space<hbm>>) target(%arg23 : memref<2048xi32, #tpu.memory_space<vmem>>) target_semaphore(%arg36 : memref<!tpu.dma_semaphore, #tpu.memory_space<semaphore_mem>>)
        %dma_start3A_123 = arith.constant 0 : i32
        %dma_start3A_124 = tpu.memref_slice %arg7[%add3A_40, %dma_start3A_123] : memref<3125x2048xi32, #tpu.memory_space<hbm>> -> memref<1x2048xi32, #tpu.memory_space<hbm>>
        %dma_start3A_125 = tpu.memref_squeeze %dma_start3A_124 : memref<1x2048xi32, #tpu.memory_space<hbm>> -> memref<2048xi32, #tpu.memory_space<hbm>>
        %dma_start3A_126 = arith.constant 0 : i32
        %dma_start3A_127 = tpu.memref_slice %arg7[%add3A_40, %dma_start3A_126] : memref<3125x2048xi32, #tpu.memory_space<hbm>> -> memref<1x2048xi32, #tpu.memory_space<hbm>>
        %dma_start3A_128 = tpu.memref_squeeze %dma_start3A_127 : memref<1x2048xi32, #tpu.memory_space<hbm>> -> memref<2048xi32, #tpu.memory_space<hbm>>
        tpu.enqueue_dma source(%dma_start3A_128 : memref<2048xi32, #tpu.memory_space<hbm>>) target(%arg24 : memref<2048xi32, #tpu.memory_space<vmem>>) target_semaphore(%arg36 : memref<!tpu.dma_semaphore, #tpu.memory_space<semaphore_mem>>)
        %dma_start3A_129 = arith.constant 0 : i32
        %dma_start3A_130 = arith.constant 0 : i32
        %dma_start3A_131 = tpu.memref_slice %arg5[%dma_start3A_129, %add3A_40, %dma_start3A_130] : memref<3x3125x2048xf32, #tpu.memory_space<hbm>> -> memref<1x1x2048xf32, #tpu.memory_space<hbm>>
        %dma_start3A_132 = tpu.memref_squeeze %dma_start3A_131 : memref<1x1x2048xf32, #tpu.memory_space<hbm>> -> memref<2048xf32, #tpu.memory_space<hbm>>
        %dma_start3A_133 = arith.constant 0 : i32
        %dma_start3A_134 = tpu.memref_slice %arg5[%dma_start3A_129, %add3A_40, %dma_start3A_133] : memref<3x3125x2048xf32, #tpu.memory_space<hbm>> -> memref<1x1x2048xf32, #tpu.memory_space<hbm>>
        %dma_start3A_135 = tpu.memref_squeeze %dma_start3A_134 : memref<1x1x2048xf32, #tpu.memory_space<hbm>> -> memref<2048xf32, #tpu.memory_space<hbm>>
        tpu.enqueue_dma source(%dma_start3A_135 : memref<2048xf32, #tpu.memory_space<hbm>>) target(%arg25 : memref<2048xf32, #tpu.memory_space<vmem>>) target_semaphore(%arg36 : memref<!tpu.dma_semaphore, #tpu.memory_space<semaphore_mem>>)
        %dma_start3A_136 = arith.constant 1 : i32
        %dma_start3A_137 = arith.constant 0 : i32
        %dma_start3A_138 = tpu.memref_slice %arg5[%dma_start3A_136, %add3A_40, %dma_start3A_137] : memref<3x3125x2048xf32, #tpu.memory_space<hbm>> -> memref<1x1x2048xf32, #tpu.memory_space<hbm>>
        %dma_start3A_139 = tpu.memref_squeeze %dma_start3A_138 : memref<1x1x2048xf32, #tpu.memory_space<hbm>> -> memref<2048xf32, #tpu.memory_space<hbm>>
        %dma_start3A_140 = arith.constant 0 : i32
        %dma_start3A_141 = tpu.memref_slice %arg5[%dma_start3A_136, %add3A_40, %dma_start3A_140] : memref<3x3125x2048xf32, #tpu.memory_space<hbm>> -> memref<1x1x2048xf32, #tpu.memory_space<hbm>>
        %dma_start3A_142 = tpu.memref_squeeze %dma_start3A_141 : memref<1x1x2048xf32, #tpu.memory_space<hbm>> -> memref<2048xf32, #tpu.memory_space<hbm>>
        tpu.enqueue_dma source(%dma_start3A_142 : memref<2048xf32, #tpu.memory_space<hbm>>) target(%arg26 : memref<2048xf32, #tpu.memory_space<vmem>>) target_semaphore(%arg36 : memref<!tpu.dma_semaphore, #tpu.memory_space<semaphore_mem>>)
        %dma_start3A_143 = arith.constant 2 : i32
        %dma_start3A_144 = arith.constant 0 : i32
        %dma_start3A_145 = tpu.memref_slice %arg5[%dma_start3A_143, %add3A_40, %dma_start3A_144] : memref<3x3125x2048xf32, #tpu.memory_space<hbm>> -> memref<1x1x2048xf32, #tpu.memory_space<hbm>>
        %dma_start3A_146 = tpu.memref_squeeze %dma_start3A_145 : memref<1x1x2048xf32, #tpu.memory_space<hbm>> -> memref<2048xf32, #tpu.memory_space<hbm>>
        %dma_start3A_147 = arith.constant 0 : i32
        %dma_start3A_148 = tpu.memref_slice %arg5[%dma_start3A_143, %add3A_40, %dma_start3A_147] : memref<3x3125x2048xf32, #tpu.memory_space<hbm>> -> memref<1x1x2048xf32, #tpu.memory_space<hbm>>
        %dma_start3A_149 = tpu.memref_squeeze %dma_start3A_148 : memref<1x1x2048xf32, #tpu.memory_space<hbm>> -> memref<2048xf32, #tpu.memory_space<hbm>>
        tpu.enqueue_dma source(%dma_start3A_149 : memref<2048xf32, #tpu.memory_space<hbm>>) target(%arg27 : memref<2048xf32, #tpu.memory_space<vmem>>) target_semaphore(%arg36 : memref<!tpu.dma_semaphore, #tpu.memory_space<semaphore_mem>>)
      } else {
      }
      %mul3A_46 = arith.constant 32 : i32
      %mul3A_47 = arith.muli %mul3A_46, %mul3A_33 : i32
      %add3A_48 = arith.addi %add3A, %mul3A_47 : i32
      %lt3A_49 = arith.constant 3125 : i32
      %lt3A_50 = arith.cmpi slt, %add3A_48, %lt3A_49 : i32
      %convert_element_type3A_51 = arith.extui %lt3A_50 : i1 to i32
      %cond3A_52 = arith.constant 0 : i32
      %cond3A_53 = arith.cmpi ne, %convert_element_type3A_51, %cond3A_52 : i32
      scf.if %cond3A_53 {
        %dma_wait3A = arith.constant 0 : i32
        %dma_wait3A_118 = tpu.memref_slice %arg10[%dma_wait3A] : memref<102400xf32, #tpu.memory_space<vmem_shared>> -> memref<102400xf32, #tpu.memory_space<vmem_shared>>
        tpu.wait_indirect_dma semaphore(%arg37 : memref<!tpu.dma_semaphore, #tpu.memory_space<semaphore_mem>>) src(%dma_wait3A_118 : memref<102400xf32, #tpu.memory_space<vmem_shared>>) dst(%arg18 : memref<2048xf32, #tpu.memory_space<vmem>>)
        %dma_wait3A_119 = arith.constant 0 : i32
        %dma_wait3A_120 = tpu.memref_slice %arg10[%dma_wait3A_119] : memref<102400xf32, #tpu.memory_space<vmem_shared>> -> memref<102400xf32, #tpu.memory_space<vmem_shared>>
        tpu.wait_indirect_dma semaphore(%arg37 : memref<!tpu.dma_semaphore, #tpu.memory_space<semaphore_mem>>) src(%dma_wait3A_120 : memref<102400xf32, #tpu.memory_space<vmem_shared>>) dst(%arg19 : memref<2048xf32, #tpu.memory_space<vmem>>)
        %dma_wait3A_121 = arith.constant 0 : i32
        %dma_wait3A_122 = tpu.memref_slice %arg11[%dma_wait3A_121] : memref<102400xi32, #tpu.memory_space<vmem_shared>> -> memref<102400xi32, #tpu.memory_space<vmem_shared>>
        tpu.wait_indirect_dma semaphore(%arg37 : memref<!tpu.dma_semaphore, #tpu.memory_space<semaphore_mem>>) src(%dma_wait3A_122 : memref<102400xi32, #tpu.memory_space<vmem_shared>>) dst(%arg20 : memref<2048xi32, #tpu.memory_space<vmem>>)
        %dma_wait3A_123 = arith.constant 0 : i32
        %dma_wait3A_124 = tpu.memref_slice %arg11[%dma_wait3A_123] : memref<102400xi32, #tpu.memory_space<vmem_shared>> -> memref<102400xi32, #tpu.memory_space<vmem_shared>>
        tpu.wait_indirect_dma semaphore(%arg37 : memref<!tpu.dma_semaphore, #tpu.memory_space<semaphore_mem>>) src(%dma_wait3A_124 : memref<102400xi32, #tpu.memory_space<vmem_shared>>) dst(%arg21 : memref<2048xi32, #tpu.memory_space<vmem>>)
      } else {
      }
      %mul3A_54 = arith.constant 32 : i32
      %mul3A_55 = arith.muli %mul3A_54, %add3A_35 : i32
      %add3A_56 = arith.addi %add3A, %mul3A_55 : i32
      %lt3A_57 = arith.constant 3125 : i32
      %lt3A_58 = arith.cmpi slt, %add3A_56, %lt3A_57 : i32
      %convert_element_type3A_59 = arith.extui %lt3A_58 : i1 to i32
      %cond3A_60 = arith.constant 0 : i32
      %cond3A_61 = arith.cmpi ne, %convert_element_type3A_59, %cond3A_60 : i32
      scf.if %cond3A_61 {
        %dma_wait3A = arith.constant 0 : i32
        %dma_wait3A_118 = tpu.memref_slice %arg6[%add3A_56, %dma_wait3A] : memref<3125x2048xi32, #tpu.memory_space<hbm>> -> memref<1x2048xi32, #tpu.memory_space<hbm>>
        %dma_wait3A_119 = tpu.memref_squeeze %dma_wait3A_118 : memref<1x2048xi32, #tpu.memory_space<hbm>> -> memref<2048xi32, #tpu.memory_space<hbm>>
        %dma_wait3A_120 = arith.constant 0 : i32
        %dma_wait3A_121 = tpu.memref_slice %arg6[%add3A_56, %dma_wait3A_120] : memref<3125x2048xi32, #tpu.memory_space<hbm>> -> memref<1x2048xi32, #tpu.memory_space<hbm>>
        %dma_wait3A_122 = tpu.memref_squeeze %dma_wait3A_121 : memref<1x2048xi32, #tpu.memory_space<hbm>> -> memref<2048xi32, #tpu.memory_space<hbm>>
        tpu.wait_dma2 semaphore(%arg36 : memref<!tpu.dma_semaphore, #tpu.memory_space<semaphore_mem>>) src(%dma_wait3A_122 : memref<2048xi32, #tpu.memory_space<hbm>>) dst(%arg23 : memref<2048xi32, #tpu.memory_space<vmem>>)
        %dma_wait3A_123 = arith.constant 0 : i32
        %dma_wait3A_124 = tpu.memref_slice %arg7[%add3A_56, %dma_wait3A_123] : memref<3125x2048xi32, #tpu.memory_space<hbm>> -> memref<1x2048xi32, #tpu.memory_space<hbm>>
        %dma_wait3A_125 = tpu.memref_squeeze %dma_wait3A_124 : memref<1x2048xi32, #tpu.memory_space<hbm>> -> memref<2048xi32, #tpu.memory_space<hbm>>
        %dma_wait3A_126 = arith.constant 0 : i32
        %dma_wait3A_127 = tpu.memref_slice %arg7[%add3A_56, %dma_wait3A_126] : memref<3125x2048xi32, #tpu.memory_space<hbm>> -> memref<1x2048xi32, #tpu.memory_space<hbm>>
        %dma_wait3A_128 = tpu.memref_squeeze %dma_wait3A_127 : memref<1x2048xi32, #tpu.memory_space<hbm>> -> memref<2048xi32, #tpu.memory_space<hbm>>
        tpu.wait_dma2 semaphore(%arg36 : memref<!tpu.dma_semaphore, #tpu.memory_space<semaphore_mem>>) src(%dma_wait3A_128 : memref<2048xi32, #tpu.memory_space<hbm>>) dst(%arg24 : memref<2048xi32, #tpu.memory_space<vmem>>)
        %dma_wait3A_129 = arith.constant 0 : i32
        %dma_wait3A_130 = arith.constant 0 : i32
        %dma_wait3A_131 = tpu.memref_slice %arg5[%dma_wait3A_129, %add3A_56, %dma_wait3A_130] : memref<3x3125x2048xf32, #tpu.memory_space<hbm>> -> memref<1x1x2048xf32, #tpu.memory_space<hbm>>
        %dma_wait3A_132 = tpu.memref_squeeze %dma_wait3A_131 : memref<1x1x2048xf32, #tpu.memory_space<hbm>> -> memref<2048xf32, #tpu.memory_space<hbm>>
        %dma_wait3A_133 = arith.constant 0 : i32
        %dma_wait3A_134 = tpu.memref_slice %arg5[%dma_wait3A_129, %add3A_56, %dma_wait3A_133] : memref<3x3125x2048xf32, #tpu.memory_space<hbm>> -> memref<1x1x2048xf32, #tpu.memory_space<hbm>>
        %dma_wait3A_135 = tpu.memref_squeeze %dma_wait3A_134 : memref<1x1x2048xf32, #tpu.memory_space<hbm>> -> memref<2048xf32, #tpu.memory_space<hbm>>
        tpu.wait_dma2 semaphore(%arg36 : memref<!tpu.dma_semaphore, #tpu.memory_space<semaphore_mem>>) src(%dma_wait3A_135 : memref<2048xf32, #tpu.memory_space<hbm>>) dst(%arg25 : memref<2048xf32, #tpu.memory_space<vmem>>)
        %dma_wait3A_136 = arith.constant 1 : i32
        %dma_wait3A_137 = arith.constant 0 : i32
        %dma_wait3A_138 = tpu.memref_slice %arg5[%dma_wait3A_136, %add3A_56, %dma_wait3A_137] : memref<3x3125x2048xf32, #tpu.memory_space<hbm>> -> memref<1x1x2048xf32, #tpu.memory_space<hbm>>
        %dma_wait3A_139 = tpu.memref_squeeze %dma_wait3A_138 : memref<1x1x2048xf32, #tpu.memory_space<hbm>> -> memref<2048xf32, #tpu.memory_space<hbm>>
        %dma_wait3A_140 = arith.constant 0 : i32
        %dma_wait3A_141 = tpu.memref_slice %arg5[%dma_wait3A_136, %add3A_56, %dma_wait3A_140] : memref<3x3125x2048xf32, #tpu.memory_space<hbm>> -> memref<1x1x2048xf32, #tpu.memory_space<hbm>>
        %dma_wait3A_142 = tpu.memref_squeeze %dma_wait3A_141 : memref<1x1x2048xf32, #tpu.memory_space<hbm>> -> memref<2048xf32, #tpu.memory_space<hbm>>
        tpu.wait_dma2 semaphore(%arg36 : memref<!tpu.dma_semaphore, #tpu.memory_space<semaphore_mem>>) src(%dma_wait3A_142 : memref<2048xf32, #tpu.memory_space<hbm>>) dst(%arg26 : memref<2048xf32, #tpu.memory_space<vmem>>)
        %dma_wait3A_143 = arith.constant 2 : i32
        %dma_wait3A_144 = arith.constant 0 : i32
        %dma_wait3A_145 = tpu.memref_slice %arg5[%dma_wait3A_143, %add3A_56, %dma_wait3A_144] : memref<3x3125x2048xf32, #tpu.memory_space<hbm>> -> memref<1x1x2048xf32, #tpu.memory_space<hbm>>
        %dma_wait3A_146 = tpu.memref_squeeze %dma_wait3A_145 : memref<1x1x2048xf32, #tpu.memory_space<hbm>> -> memref<2048xf32, #tpu.memory_space<hbm>>
        %dma_wait3A_147 = arith.constant 0 : i32
        %dma_wait3A_148 = tpu.memref_slice %arg5[%dma_wait3A_143, %add3A_56, %dma_wait3A_147] : memref<3x3125x2048xf32, #tpu.memory_space<hbm>> -> memref<1x1x2048xf32, #tpu.memory_space<hbm>>
        %dma_wait3A_149 = tpu.memref_squeeze %dma_wait3A_148 : memref<1x1x2048xf32, #tpu.memory_space<hbm>> -> memref<2048xf32, #tpu.memory_space<hbm>>
        tpu.wait_dma2 semaphore(%arg36 : memref<!tpu.dma_semaphore, #tpu.memory_space<semaphore_mem>>) src(%dma_wait3A_149 : memref<2048xf32, #tpu.memory_space<hbm>>) dst(%arg27 : memref<2048xf32, #tpu.memory_space<vmem>>)
      } else {
      }
      %mul3A_62 = arith.constant 32 : i32
      %mul3A_63 = arith.muli %mul3A_62, %add3A_35 : i32
      %add3A_64 = arith.addi %add3A, %mul3A_63 : i32
      %lt3A_65 = arith.constant 3125 : i32
      %lt3A_66 = arith.cmpi slt, %add3A_64, %lt3A_65 : i32
      %convert_element_type3A_67 = arith.extui %lt3A_66 : i1 to i32
      %cond3A_68 = arith.constant 0 : i32
      %cond3A_69 = arith.cmpi ne, %convert_element_type3A_67, %cond3A_68 : i32
      scf.if %cond3A_69 {
        %dma_start3A = arith.constant 0 : i32
        %dma_start3A_118 = tpu.memref_slice %arg10[%dma_start3A] : memref<102400xf32, #tpu.memory_space<vmem_shared>> -> memref<102400xf32, #tpu.memory_space<vmem_shared>>
        tpu.enqueue_indirect_dma source(%dma_start3A_118 : memref<102400xf32, #tpu.memory_space<vmem_shared>>) target(%arg28 : memref<2048xf32, #tpu.memory_space<vmem>>) offsets(%arg23 : memref<2048xi32, #tpu.memory_space<vmem>>) semaphore(%arg37 : memref<!tpu.dma_semaphore, #tpu.memory_space<semaphore_mem>>)
        %dma_start3A_119 = arith.constant 0 : i32
        %dma_start3A_120 = tpu.memref_slice %arg10[%dma_start3A_119] : memref<102400xf32, #tpu.memory_space<vmem_shared>> -> memref<102400xf32, #tpu.memory_space<vmem_shared>>
        tpu.enqueue_indirect_dma source(%dma_start3A_120 : memref<102400xf32, #tpu.memory_space<vmem_shared>>) target(%arg29 : memref<2048xf32, #tpu.memory_space<vmem>>) offsets(%arg24 : memref<2048xi32, #tpu.memory_space<vmem>>) semaphore(%arg37 : memref<!tpu.dma_semaphore, #tpu.memory_space<semaphore_mem>>)
        %dma_start3A_121 = arith.constant 0 : i32
        %dma_start3A_122 = tpu.memref_slice %arg11[%dma_start3A_121] : memref<102400xi32, #tpu.memory_space<vmem_shared>> -> memref<102400xi32, #tpu.memory_space<vmem_shared>>
        tpu.enqueue_indirect_dma source(%dma_start3A_122 : memref<102400xi32, #tpu.memory_space<vmem_shared>>) target(%arg30 : memref<2048xi32, #tpu.memory_space<vmem>>) offsets(%arg23 : memref<2048xi32, #tpu.memory_space<vmem>>) semaphore(%arg37 : memref<!tpu.dma_semaphore, #tpu.memory_space<semaphore_mem>>)
        %dma_start3A_123 = arith.constant 0 : i32
        %dma_start3A_124 = tpu.memref_slice %arg11[%dma_start3A_123] : memref<102400xi32, #tpu.memory_space<vmem_shared>> -> memref<102400xi32, #tpu.memory_space<vmem_shared>>
        tpu.enqueue_indirect_dma source(%dma_start3A_124 : memref<102400xi32, #tpu.memory_space<vmem_shared>>) target(%arg31 : memref<2048xi32, #tpu.memory_space<vmem>>) offsets(%arg24 : memref<2048xi32, #tpu.memory_space<vmem>>) semaphore(%arg37 : memref<!tpu.dma_semaphore, #tpu.memory_space<semaphore_mem>>)
      } else {
      }
      %mul3A_70 = arith.constant 32 : i32
      %mul3A_71 = arith.muli %mul3A_70, %mul3A_33 : i32
      %add3A_72 = arith.addi %add3A, %mul3A_71 : i32
      %lt3A_73 = arith.constant 3125 : i32
      %lt3A_74 = arith.cmpi slt, %add3A_72, %lt3A_73 : i32
      %convert_element_type3A_75 = arith.extui %lt3A_74 : i1 to i32
      %cond3A_76 = arith.constant 0 : i32
      %cond3A_77 = arith.cmpi ne, %convert_element_type3A_75, %cond3A_76 : i32
      scf.if %cond3A_77 {
        %scan3A_118 = arith.constant 0 : i32
        %scan3A_119 = arith.constant 0 : i32
        %scan3A_120 = arith.constant 128 : i32
        %scan3A_121 = arith.addi %scan3A_119, %scan3A_120 : i32
        %scan3A_122 = arith.constant 1 : i32
        scf.for %scan3A_124 = %scan3A_119 to %scan3A_121 step %scan3A_122  : i32 {
          %mul3A_125 = arith.constant 16 : i32
          %mul3A_126 = arith.muli %scan3A_124, %mul3A_125 : i32
          %get3A = arith.index_cast %mul3A_126 : i32 to index
          %get3A_127 = tpu.vector_load %arg15[%get3A] {strides = array<i32>} : memref<2048xf32, #tpu.memory_space<vmem>>, vector<16xf32>,
          %get3A_128 = arith.index_cast %mul3A_126 : i32 to index
          %get3A_129 = tpu.vector_load %arg16[%get3A_128] {strides = array<i32>} : memref<2048xf32, #tpu.memory_space<vmem>>, vector<16xf32>,
          %get3A_130 = arith.index_cast %mul3A_126 : i32 to index
          %get3A_131 = tpu.vector_load %arg17[%get3A_130] {strides = array<i32>} : memref<2048xf32, #tpu.memory_space<vmem>>, vector<16xf32>,
          %get3A_132 = arith.index_cast %mul3A_126 : i32 to index
          %get3A_133 = tpu.vector_load %arg18[%get3A_132] {strides = array<i32>} : memref<2048xf32, #tpu.memory_space<vmem>>, vector<16xf32>,
          %get3A_134 = arith.index_cast %mul3A_126 : i32 to index
          %get3A_135 = tpu.vector_load %arg19[%get3A_134] {strides = array<i32>} : memref<2048xf32, #tpu.memory_space<vmem>>, vector<16xf32>,
          %get3A_136 = arith.index_cast %mul3A_126 : i32 to index
          %get3A_137 = tpu.vector_load %arg20[%get3A_136] {strides = array<i32>} : memref<2048xi32, #tpu.memory_space<vmem>>, vector<16xi32>,
          %get3A_138 = arith.index_cast %mul3A_126 : i32 to index
          %get3A_139 = tpu.vector_load %arg21[%get3A_138] {strides = array<i32>} : memref<2048xi32, #tpu.memory_space<vmem>>, vector<16xi32>,
          %convert_element_type3A_140 = arith.sitofp %get3A_137 : vector<16xi32> to vector<16xf32>
          %convert_element_type3A_141 = arith.sitofp %get3A_139 : vector<16xi32> to vector<16xf32>
          %gather3A = tpu.vector_load_idx %arg33[%get3A_137] : memref<128xf32, #tpu.memory_space<vmem>>[vector<16xi32>], vector<16xf32>,
          %gather3A_142 = tpu.vector_load_idx %arg33[%get3A_139] : memref<128xf32, #tpu.memory_space<vmem>>[vector<16xi32>], vector<16xf32>,
          %mul3A_143 = arith.mulf %get3A_127, %get3A_127 : vector<16xf32>
          %mul3A_144 = arith.mulf %get3A_129, %get3A_129 : vector<16xf32>
          %add3A_145 = arith.addf %mul3A_143, %mul3A_144 : vector<16xf32>
          %mul3A_146 = arith.mulf %get3A_131, %get3A_131 : vector<16xf32>
          %add3A_147 = arith.addf %add3A_145, %mul3A_146 : vector<16xf32>
          %max3A = arith.constant 1.000000e-18 : f32
          %max3A_148 = vector.broadcast %max3A : f32 to vector<16xf32>
          %max3A_149 = arith.maximumf %add3A_147, %max3A_148 : vector<16xf32>
          %bitcast3A = vector.bitcast %max3A_149 : vector<16xf32> to vector<16xi32>
          %shift_right_logical3A = arith.constant 1 : i32
          %shift_right_logical3A_150 = vector.broadcast %shift_right_logical3A : i32 to vector<16xi32>
          %shift_right_logical3A_151 = arith.shrui %bitcast3A, %shift_right_logical3A_150 : vector<16xi32>
          %sub3A = arith.constant 1597463007 : i32
          %sub3A_152 = vector.broadcast %sub3A : i32 to vector<16xi32>
          %sub3A_153 = arith.subi %sub3A_152, %shift_right_logical3A_151 : vector<16xi32>
          %bitcast3A_154 = vector.bitcast %sub3A_153 : vector<16xi32> to vector<16xf32>
          %mul3A_155 = arith.constant 5.000000e-01 : f32
          %mul3A_156 = vector.broadcast %mul3A_155 : f32 to vector<16xf32>
          %mul3A_157 = arith.mulf %mul3A_156, %max3A_149 : vector<16xf32>
          %mul3A_158 = arith.mulf %mul3A_157, %bitcast3A_154 : vector<16xf32>
          %mul3A_159 = arith.mulf %mul3A_158, %bitcast3A_154 : vector<16xf32>
          %sub3A_160 = arith.constant 1.500000e+00 : f32
          %sub3A_161 = vector.broadcast %sub3A_160 : f32 to vector<16xf32>
          %sub3A_162 = arith.subf %sub3A_161, %mul3A_159 : vector<16xf32>
          %mul3A_163 = arith.mulf %bitcast3A_154, %sub3A_162 : vector<16xf32>
          %mul3A_164 = arith.constant 5.000000e-01 : f32
          %mul3A_165 = vector.broadcast %mul3A_164 : f32 to vector<16xf32>
          %mul3A_166 = arith.mulf %mul3A_165, %max3A_149 : vector<16xf32>
          %mul3A_167 = arith.mulf %mul3A_166, %mul3A_163 : vector<16xf32>
          %mul3A_168 = arith.mulf %mul3A_167, %mul3A_163 : vector<16xf32>
          %sub3A_169 = arith.constant 1.500000e+00 : f32
          %sub3A_170 = vector.broadcast %sub3A_169 : f32 to vector<16xf32>
          %sub3A_171 = arith.subf %sub3A_170, %mul3A_168 : vector<16xf32>
          %mul3A_172 = arith.mulf %mul3A_163, %sub3A_171 : vector<16xf32>
          %mul3A_173 = arith.constant 5.000000e-01 : f32
          %mul3A_174 = vector.broadcast %mul3A_173 : f32 to vector<16xf32>
          %mul3A_175 = arith.mulf %mul3A_174, %max3A_149 : vector<16xf32>
          %mul3A_176 = arith.mulf %mul3A_175, %mul3A_172 : vector<16xf32>
          %mul3A_177 = arith.mulf %mul3A_176, %mul3A_172 : vector<16xf32>
          %sub3A_178 = arith.constant 1.500000e+00 : f32
          %sub3A_179 = vector.broadcast %sub3A_178 : f32 to vector<16xf32>
          %sub3A_180 = arith.subf %sub3A_179, %mul3A_177 : vector<16xf32>
          %mul3A_181 = arith.mulf %mul3A_172, %sub3A_180 : vector<16xf32>
          %mul3A_182 = arith.mulf %add3A_147, %mul3A_181 : vector<16xf32>
          %max3A_183 = arith.constant 9.99999971E-10 : f32
          %max3A_184 = vector.broadcast %max3A_183 : f32 to vector<16xf32>
          %max3A_185 = arith.maximumf %mul3A_182, %max3A_184 : vector<16xf32>
          %div3A = arith.constant 1.000000e+00 : f32
          %div3A_186 = vector.broadcast %div3A : f32 to vector<16xf32>
          %div3A_187 = arith.divf %div3A_186, %max3A_185 : vector<16xf32>
          %lt3A_188 = arith.constant 1.000000e+01 : f32
          %lt3A_189 = vector.broadcast %lt3A_188 : f32 to vector<16xf32>
          %lt3A_190 = arith.cmpf olt, %mul3A_182, %lt3A_189 : vector<16xf32>
          %mul3A_191 = arith.constant 1.000000e-01 : f32
          %mul3A_192 = vector.broadcast %mul3A_191 : f32 to vector<16xf32>
          %mul3A_193 = arith.mulf %mul3A_182, %mul3A_192 : vector<16xf32>
          %mul3A_194 = arith.mulf %mul3A_193, %mul3A_193 : vector<16xf32>
          %mul3A_195 = arith.mulf %mul3A_194, %mul3A_193 : vector<16xf32>
          %mul3A_196 = arith.constant 6.000000e+00 : f32
          %mul3A_197 = vector.broadcast %mul3A_196 : f32 to vector<16xf32>
          %mul3A_198 = arith.mulf %mul3A_197, %mul3A_193 : vector<16xf32>
          %sub3A_199 = arith.constant 1.500000e+01 : f32
          %sub3A_200 = vector.broadcast %sub3A_199 : f32 to vector<16xf32>
          %sub3A_201 = arith.subf %mul3A_198, %sub3A_200 : vector<16xf32>
          %mul3A_202 = arith.mulf %sub3A_201, %mul3A_193 : vector<16xf32>
          %add3A_203 = arith.constant 1.000000e+01 : f32
          %add3A_204 = vector.broadcast %add3A_203 : f32 to vector<16xf32>
          %add3A_205 = arith.addf %mul3A_202, %add3A_204 : vector<16xf32>
          %mul3A_206 = arith.mulf %mul3A_195, %add3A_205 : vector<16xf32>
          %sub3A_207 = arith.constant 1.000000e+00 : f32
          %sub3A_208 = vector.broadcast %sub3A_207 : f32 to vector<16xf32>
          %sub3A_209 = arith.subf %sub3A_208, %mul3A_206 : vector<16xf32>
          %jit3A = arith.constant 0.000000e+00 : f32
          %broadcast_in_dim3A = vector.broadcast %jit3A : f32 to vector<16xf32>
          %select_n3A = arith.select %lt3A_190, %sub3A_209, %broadcast_in_dim3A : vector<16xi1>, vector<16xf32>
          %sub3A_210 = arith.constant 2.500000e+00 : f32
          %sub3A_211 = vector.broadcast %sub3A_210 : f32 to vector<16xf32>
          %sub3A_212 = arith.subf %mul3A_182, %sub3A_211 : vector<16xf32>
          %mul3A_213 = arith.constant 2.000000e-01 : f32
          %mul3A_214 = vector.broadcast %mul3A_213 : f32 to vector<16xf32>
          %mul3A_215 = arith.mulf %sub3A_212, %mul3A_214 : vector<16xf32>
          %jit3A_216 = arith.constant 0.000000e+00 : f32
          %jit3A_217 = arith.constant 1.000000e+00 : f32
          %max3A_218 = vector.broadcast %jit3A_216 : f32 to vector<16xf32>
          %max3A_219 = arith.maximumf %max3A_218, %mul3A_215 : vector<16xf32>
          %min3A = vector.broadcast %jit3A_217 : f32 to vector<16xf32>
          %min3A_220 = arith.minimumf %min3A, %max3A_219 : vector<16xf32>
          %mul3A_221 = arith.mulf %min3A_220, %min3A_220 : vector<16xf32>
          %mul3A_222 = arith.mulf %mul3A_221, %min3A_220 : vector<16xf32>
          %mul3A_223 = arith.constant 6.000000e+00 : f32
          %mul3A_224 = vector.broadcast %mul3A_223 : f32 to vector<16xf32>
          %mul3A_225 = arith.mulf %mul3A_224, %min3A_220 : vector<16xf32>
          %sub3A_226 = arith.constant 1.500000e+01 : f32
          %sub3A_227 = vector.broadcast %sub3A_226 : f32 to vector<16xf32>
          %sub3A_228 = arith.subf %mul3A_225, %sub3A_227 : vector<16xf32>
          %mul3A_229 = arith.mulf %min3A_220, %sub3A_228 : vector<16xf32>
          %add3A_230 = arith.constant 1.000000e+01 : f32
          %add3A_231 = vector.broadcast %add3A_230 : f32 to vector<16xf32>
          %add3A_232 = arith.addf %mul3A_229, %add3A_231 : vector<16xf32>
          %mul3A_233 = arith.mulf %mul3A_222, %add3A_232 : vector<16xf32>
          %add3A_234 = arith.constant 1.000000e+00 : f32
          %add3A_235 = vector.broadcast %add3A_234 : f32 to vector<16xf32>
          %add3A_236 = arith.addf %add3A_147, %add3A_235 : vector<16xf32>
          %bitcast3A_237 = vector.bitcast %add3A_236 : vector<16xf32> to vector<16xi32>
          %shift_right_logical3A_238 = arith.constant 1 : i32
          %shift_right_logical3A_239 = vector.broadcast %shift_right_logical3A_238 : i32 to vector<16xi32>
          %shift_right_logical3A_240 = arith.shrui %bitcast3A_237, %shift_right_logical3A_239 : vector<16xi32>
          %sub3A_241 = arith.constant 1597463007 : i32
          %sub3A_242 = vector.broadcast %sub3A_241 : i32 to vector<16xi32>
          %sub3A_243 = arith.subi %sub3A_242, %shift_right_logical3A_240 : vector<16xi32>
          %bitcast3A_244 = vector.bitcast %sub3A_243 : vector<16xi32> to vector<16xf32>
          %mul3A_245 = arith.constant 5.000000e-01 : f32
          %mul3A_246 = vector.broadcast %mul3A_245 : f32 to vector<16xf32>
          %mul3A_247 = arith.mulf %mul3A_246, %add3A_236 : vector<16xf32>
          %mul3A_248 = arith.mulf %mul3A_247, %bitcast3A_244 : vector<16xf32>
          %mul3A_249 = arith.mulf %mul3A_248, %bitcast3A_244 : vector<16xf32>
          %sub3A_250 = arith.constant 1.500000e+00 : f32
          %sub3A_251 = vector.broadcast %sub3A_250 : f32 to vector<16xf32>
          %sub3A_252 = arith.subf %sub3A_251, %mul3A_249 : vector<16xf32>
          %mul3A_253 = arith.mulf %bitcast3A_244, %sub3A_252 : vector<16xf32>
          %mul3A_254 = arith.constant 5.000000e-01 : f32
          %mul3A_255 = vector.broadcast %mul3A_254 : f32 to vector<16xf32>
          %mul3A_256 = arith.mulf %mul3A_255, %add3A_236 : vector<16xf32>
          %mul3A_257 = arith.mulf %mul3A_256, %mul3A_253 : vector<16xf32>
          %mul3A_258 = arith.mulf %mul3A_257, %mul3A_253 : vector<16xf32>
          %sub3A_259 = arith.constant 1.500000e+00 : f32
          %sub3A_260 = vector.broadcast %sub3A_259 : f32 to vector<16xf32>
          %sub3A_261 = arith.subf %sub3A_260, %mul3A_258 : vector<16xf32>
          %mul3A_262 = arith.mulf %mul3A_253, %sub3A_261 : vector<16xf32>
          %mul3A_263 = arith.constant 5.000000e-01 : f32
          %mul3A_264 = vector.broadcast %mul3A_263 : f32 to vector<16xf32>
          %mul3A_265 = arith.mulf %mul3A_264, %add3A_236 : vector<16xf32>
          %mul3A_266 = arith.mulf %mul3A_265, %mul3A_262 : vector<16xf32>
          %mul3A_267 = arith.mulf %mul3A_266, %mul3A_262 : vector<16xf32>
          %sub3A_268 = arith.constant 1.500000e+00 : f32
          %sub3A_269 = vector.broadcast %sub3A_268 : f32 to vector<16xf32>
          %sub3A_270 = arith.subf %sub3A_269, %mul3A_267 : vector<16xf32>
          %mul3A_271 = arith.mulf %mul3A_262, %sub3A_270 : vector<16xf32>
          %sub3A_272 = arith.constant 1.000000e+00 : f32
          %sub3A_273 = vector.broadcast %sub3A_272 : f32 to vector<16xf32>
          %sub3A_274 = arith.subf %sub3A_273, %mul3A_233 : vector<16xf32>
          %mul3A_275 = arith.mulf %sub3A_274, %mul3A_271 : vector<16xf32>
          %mul3A_276 = arith.mulf %mul3A_233, %div3A_187 : vector<16xf32>
          %add3A_277 = arith.addf %mul3A_275, %mul3A_276 : vector<16xf32>
          %mul3A_278 = arith.constant 0.00999999977 : f32
          %mul3A_279 = vector.broadcast %mul3A_278 : f32 to vector<16xf32>
          %mul3A_280 = arith.mulf %mul3A_182, %mul3A_279 : vector<16xf32>
          %add3A_281 = arith.addf %add3A_277, %mul3A_280 : vector<16xf32>
          %sub3A_282 = arith.constant 2.000000e-01 : f32
          %sub3A_283 = vector.broadcast %sub3A_282 : f32 to vector<16xf32>
          %sub3A_284 = arith.subf %add3A_281, %sub3A_283 : vector<16xf32>
          %jit3A_285 = arith.constant 0.000000e+00 : f32
          %broadcast_in_dim3A_286 = vector.broadcast %jit3A_285 : f32 to vector<16xf32>
          %select_n3A_287 = arith.select %lt3A_190, %sub3A_284, %broadcast_in_dim3A_286 : vector<16xi1>, vector<16xf32>
          %mul3A_288 = arith.constant 7.1998229 : f32
          %mul3A_289 = vector.broadcast %mul3A_288 : f32 to vector<16xf32>
          %mul3A_290 = arith.mulf %mul3A_289, %get3A_133 : vector<16xf32>
          %mul3A_291 = arith.mulf %mul3A_290, %get3A_135 : vector<16xf32>
          %mul3A_292 = arith.mulf %mul3A_291, %select_n3A_287 : vector<16xf32>
          %mul3A_293 = arith.constant 4.000000e-01 : f32
          %mul3A_294 = vector.broadcast %mul3A_293 : f32 to vector<16xf32>
          %mul3A_295 = arith.mulf %mul3A_294, %convert_element_type3A_140 : vector<16xf32>
          %add3A_296 = arith.constant 1.000000e+00 : f32
          %add3A_297 = vector.broadcast %add3A_296 : f32 to vector<16xf32>
          %add3A_298 = arith.addf %mul3A_295, %add3A_297 : vector<16xf32>
          %mul3A_299 = arith.constant 4.000000e-01 : f32
          %mul3A_300 = vector.broadcast %mul3A_299 : f32 to vector<16xf32>
          %mul3A_301 = arith.mulf %mul3A_300, %convert_element_type3A_141 : vector<16xf32>
          %add3A_302 = arith.constant 1.000000e+00 : f32
          %add3A_303 = vector.broadcast %add3A_302 : f32 to vector<16xf32>
          %add3A_304 = arith.addf %mul3A_301, %add3A_303 : vector<16xf32>
          %mul3A_305 = arith.mulf %add3A_298, %add3A_304 : vector<16xf32>
          %add3A_306 = arith.addf %get3A_133, %get3A_135 : vector<16xf32>
          %mul3A_307 = arith.constant -2.500000e-01 : f32
          %mul3A_308 = vector.broadcast %mul3A_307 : f32 to vector<16xf32>
          %mul3A_309 = arith.mulf %mul3A_308, %add3A_306 : vector<16xf32>
          %exp3A = math.exp %mul3A_309 : vector<16xf32>
          %mul3A_310 = arith.mulf %mul3A_305, %exp3A : vector<16xf32>
          %mul3A_311 = arith.mulf %max3A_185, %max3A_185 : vector<16xf32>
          %mul3A_312 = arith.mulf %mul3A_311, %mul3A_311 : vector<16xf32>
          %mul3A_313 = arith.mulf %mul3A_312, %mul3A_311 : vector<16xf32>
          %add3A_314 = arith.addf %convert_element_type3A_140, %convert_element_type3A_141 : vector<16xf32>
          %mul3A_315 = arith.constant 1.000000e-01 : f32
          %mul3A_316 = vector.broadcast %mul3A_315 : f32 to vector<16xf32>
          %mul3A_317 = arith.mulf %mul3A_316, %add3A_314 : vector<16xf32>
          %add3A_318 = arith.constant 2.000000e+00 : f32
          %add3A_319 = vector.broadcast %add3A_318 : f32 to vector<16xf32>
          %add3A_320 = arith.addf %add3A_319, %mul3A_317 : vector<16xf32>
          %mul3A_321 = arith.mulf %add3A_320, %add3A_320 : vector<16xf32>
          %mul3A_322 = arith.mulf %mul3A_321, %mul3A_321 : vector<16xf32>
          %mul3A_323 = arith.mulf %mul3A_322, %mul3A_321 : vector<16xf32>
          %mul3A_324 = arith.constant -5.000000e-01 : f32
          %mul3A_325 = vector.broadcast %mul3A_324 : f32 to vector<16xf32>
          %mul3A_326 = arith.mulf %mul3A_325, %select_n3A : vector<16xf32>
          %mul3A_327 = arith.mulf %mul3A_326, %mul3A_310 : vector<16xf32>
          %add3A_328 = arith.addf %mul3A_313, %mul3A_323 : vector<16xf32>
          %div3A_329 = arith.divf %mul3A_327, %add3A_328 : vector<16xf32>
          %add3A_330 = arith.addf %gather3A, %gather3A_142 : vector<16xf32>
          %add3A_331 = arith.constant 9.99999971E-10 : f32
          %add3A_332 = vector.broadcast %add3A_331 : f32 to vector<16xf32>
          %add3A_333 = arith.addf %add3A_330, %add3A_332 : vector<16xf32>
          %mul3A_334 = arith.constant 2.13431907 : f32
          %mul3A_335 = vector.broadcast %mul3A_334 : f32 to vector<16xf32>
          %mul3A_336 = arith.mulf %add3A_333, %mul3A_335 : vector<16xf32>
          %mul3A_337 = arith.mulf %max3A_185, %mul3A_336 : vector<16xf32>
          %mul3A_338 = arith.constant -3.199800e+00 : f32
          %mul3A_339 = vector.broadcast %mul3A_338 : f32 to vector<16xf32>
          %mul3A_340 = arith.mulf %mul3A_339, %mul3A_337 : vector<16xf32>
          %exp3A_341 = math.exp %mul3A_340 : vector<16xf32>
          %mul3A_342 = arith.constant 1.817500e-01 : f32
          %mul3A_343 = vector.broadcast %mul3A_342 : f32 to vector<16xf32>
          %mul3A_344 = arith.mulf %mul3A_343, %exp3A_341 : vector<16xf32>
          %mul3A_345 = arith.constant -9.422900e-01 : f32
          %mul3A_346 = vector.broadcast %mul3A_345 : f32 to vector<16xf32>
          %mul3A_347 = arith.mulf %mul3A_346, %mul3A_337 : vector<16xf32>
          %exp3A_348 = math.exp %mul3A_347 : vector<16xf32>
          %mul3A_349 = arith.constant 5.098600e-01 : f32
          %mul3A_350 = vector.broadcast %mul3A_349 : f32 to vector<16xf32>
          %mul3A_351 = arith.mulf %mul3A_350, %exp3A_348 : vector<16xf32>
          %add3A_352 = arith.addf %mul3A_344, %mul3A_351 : vector<16xf32>
          %mul3A_353 = arith.constant -4.029000e-01 : f32
          %mul3A_354 = vector.broadcast %mul3A_353 : f32 to vector<16xf32>
          %mul3A_355 = arith.mulf %mul3A_354, %mul3A_337 : vector<16xf32>
          %exp3A_356 = math.exp %mul3A_355 : vector<16xf32>
          %mul3A_357 = arith.constant 2.802200e-01 : f32
          %mul3A_358 = vector.broadcast %mul3A_357 : f32 to vector<16xf32>
          %mul3A_359 = arith.mulf %mul3A_358, %exp3A_356 : vector<16xf32>
          %add3A_360 = arith.addf %add3A_352, %mul3A_359 : vector<16xf32>
          %mul3A_361 = arith.constant -2.016200e-01 : f32
          %mul3A_362 = vector.broadcast %mul3A_361 : f32 to vector<16xf32>
          %mul3A_363 = arith.mulf %mul3A_362, %mul3A_337 : vector<16xf32>
          %exp3A_364 = math.exp %mul3A_363 : vector<16xf32>
          %mul3A_365 = arith.constant 2.817000e-02 : f32
          %mul3A_366 = vector.broadcast %mul3A_365 : f32 to vector<16xf32>
          %mul3A_367 = arith.mulf %mul3A_366, %exp3A_364 : vector<16xf32>
          %add3A_368 = arith.addf %add3A_360, %mul3A_367 : vector<16xf32>
          %mul3A_369 = arith.constant 7.1998229 : f32
          %mul3A_370 = vector.broadcast %mul3A_369 : f32 to vector<16xf32>
          %mul3A_371 = arith.mulf %mul3A_370, %convert_element_type3A_140 : vector<16xf32>
          %mul3A_372 = arith.mulf %mul3A_371, %convert_element_type3A_141 : vector<16xf32>
          %mul3A_373 = arith.mulf %mul3A_372, %div3A_187 : vector<16xf32>
          %mul3A_374 = arith.mulf %mul3A_373, %add3A_368 : vector<16xf32>
          %mul3A_375 = arith.mulf %mul3A_374, %select_n3A : vector<16xf32>
          %add3A_376 = arith.addf %mul3A_292, %div3A_329 : vector<16xf32>
          %add3A_377 = arith.addf %add3A_376, %mul3A_375 : vector<16xf32>
          %swap3A = arith.index_cast %mul3A_126 : i32 to index
          %swap3A_378 = tpu.vector_load %arg22[%swap3A] {strides = array<i32>} : memref<2048xf32, #tpu.memory_space<vmem>>, vector<16xf32>,
          tpu.vector_store %arg22[%swap3A], %add3A_377 {strides = array<i32>} : memref<2048xf32, #tpu.memory_space<vmem>>, vector<16xf32>,
        }
        %scan3A_123 = arith.constant 128 : i32
        "tpu.region"() ({
          %run_scoped3A = tpu.sem_alloc : memref<!tpu.dma_semaphore, #tpu.memory_space<semaphore_mem>>
          %dma_start3A = arith.constant 0 : i32
          %dma_start3A_124 = tpu.memref_slice %arg12[%dma_start3A] : memref<102400xf32, #tpu.memory_space<vmem_shared>> -> memref<102400xf32, #tpu.memory_space<vmem_shared>>
          tpu.enqueue_indirect_dma source(%arg22 : memref<2048xf32, #tpu.memory_space<vmem>>) target(%dma_start3A_124 : memref<102400xf32, #tpu.memory_space<vmem_shared>>) offsets(%arg13 : memref<2048xi32, #tpu.memory_space<vmem>>) semaphore(%run_scoped3A : memref<!tpu.dma_semaphore, #tpu.memory_space<semaphore_mem>>) {add = true}
          %dma_wait3A = arith.constant 0 : i32
          %dma_wait3A_125 = tpu.memref_slice %arg12[%dma_wait3A] : memref<102400xf32, #tpu.memory_space<vmem_shared>> -> memref<102400xf32, #tpu.memory_space<vmem_shared>>
          tpu.wait_indirect_dma semaphore(%run_scoped3A : memref<!tpu.dma_semaphore, #tpu.memory_space<semaphore_mem>>) src(%arg22 : memref<2048xf32, #tpu.memory_space<vmem>>) dst(%dma_wait3A_125 : memref<102400xf32, #tpu.memory_space<vmem_shared>>)
          tpu.yield
        }) : () -> ()
      } else {
      }
      %mul3A_78 = arith.constant 32 : i32
      %mul3A_79 = arith.muli %mul3A_78, %add3A_37 : i32
      %add3A_80 = arith.addi %add3A, %mul3A_79 : i32
      %lt3A_81 = arith.constant 3125 : i32
      %lt3A_82 = arith.cmpi slt, %add3A_80, %lt3A_81 : i32
      %convert_element_type3A_83 = arith.extui %lt3A_82 : i1 to i32
      %cond3A_84 = arith.constant 0 : i32
      %cond3A_85 = arith.cmpi ne, %convert_element_type3A_83, %cond3A_84 : i32
      scf.if %cond3A_85 {
        %dma_start3A = arith.constant 0 : i32
        %dma_start3A_118 = tpu.memref_slice %arg6[%add3A_80, %dma_start3A] : memref<3125x2048xi32, #tpu.memory_space<hbm>> -> memref<1x2048xi32, #tpu.memory_space<hbm>>
        %dma_start3A_119 = tpu.memref_squeeze %dma_start3A_118 : memref<1x2048xi32, #tpu.memory_space<hbm>> -> memref<2048xi32, #tpu.memory_space<hbm>>
        %dma_start3A_120 = arith.constant 0 : i32
        %dma_start3A_121 = tpu.memref_slice %arg6[%add3A_80, %dma_start3A_120] : memref<3125x2048xi32, #tpu.memory_space<hbm>> -> memref<1x2048xi32, #tpu.memory_space<hbm>>
        %dma_start3A_122 = tpu.memref_squeeze %dma_start3A_121 : memref<1x2048xi32, #tpu.memory_space<hbm>> -> memref<2048xi32, #tpu.memory_space<hbm>>
        tpu.enqueue_dma source(%dma_start3A_122 : memref<2048xi32, #tpu.memory_space<hbm>>) target(%arg13 : memref<2048xi32, #tpu.memory_space<vmem>>) target_semaphore(%arg36 : memref<!tpu.dma_semaphore, #tpu.memory_space<semaphore_mem>>)
        %dma_start3A_123 = arith.constant 0 : i32
        %dma_start3A_124 = tpu.memref_slice %arg7[%add3A_80, %dma_start3A_123] : memref<3125x2048xi32, #tpu.memory_space<hbm>> -> memref<1x2048xi32, #tpu.memory_space<hbm>>
        %dma_start3A_125 = tpu.memref_squeeze %dma_start3A_124 : memref<1x2048xi32, #tpu.memory_space<hbm>> -> memref<2048xi32, #tpu.memory_space<hbm>>
        %dma_start3A_126 = arith.constant 0 : i32
        %dma_start3A_127 = tpu.memref_slice %arg7[%add3A_80, %dma_start3A_126] : memref<3125x2048xi32, #tpu.memory_space<hbm>> -> memref<1x2048xi32, #tpu.memory_space<hbm>>
        %dma_start3A_128 = tpu.memref_squeeze %dma_start3A_127 : memref<1x2048xi32, #tpu.memory_space<hbm>> -> memref<2048xi32, #tpu.memory_space<hbm>>
        tpu.enqueue_dma source(%dma_start3A_128 : memref<2048xi32, #tpu.memory_space<hbm>>) target(%arg14 : memref<2048xi32, #tpu.memory_space<vmem>>) target_semaphore(%arg36 : memref<!tpu.dma_semaphore, #tpu.memory_space<semaphore_mem>>)
        %dma_start3A_129 = arith.constant 0 : i32
        %dma_start3A_130 = arith.constant 0 : i32
        %dma_start3A_131 = tpu.memref_slice %arg5[%dma_start3A_129, %add3A_80, %dma_start3A_130] : memref<3x3125x2048xf32, #tpu.memory_space<hbm>> -> memref<1x1x2048xf32, #tpu.memory_space<hbm>>
        %dma_start3A_132 = tpu.memref_squeeze %dma_start3A_131 : memref<1x1x2048xf32, #tpu.memory_space<hbm>> -> memref<2048xf32, #tpu.memory_space<hbm>>
        %dma_start3A_133 = arith.constant 0 : i32
        %dma_start3A_134 = tpu.memref_slice %arg5[%dma_start3A_129, %add3A_80, %dma_start3A_133] : memref<3x3125x2048xf32, #tpu.memory_space<hbm>> -> memref<1x1x2048xf32, #tpu.memory_space<hbm>>
        %dma_start3A_135 = tpu.memref_squeeze %dma_start3A_134 : memref<1x1x2048xf32, #tpu.memory_space<hbm>> -> memref<2048xf32, #tpu.memory_space<hbm>>
        tpu.enqueue_dma source(%dma_start3A_135 : memref<2048xf32, #tpu.memory_space<hbm>>) target(%arg15 : memref<2048xf32, #tpu.memory_space<vmem>>) target_semaphore(%arg36 : memref<!tpu.dma_semaphore, #tpu.memory_space<semaphore_mem>>)
        %dma_start3A_136 = arith.constant 1 : i32
        %dma_start3A_137 = arith.constant 0 : i32
        %dma_start3A_138 = tpu.memref_slice %arg5[%dma_start3A_136, %add3A_80, %dma_start3A_137] : memref<3x3125x2048xf32, #tpu.memory_space<hbm>> -> memref<1x1x2048xf32, #tpu.memory_space<hbm>>
        %dma_start3A_139 = tpu.memref_squeeze %dma_start3A_138 : memref<1x1x2048xf32, #tpu.memory_space<hbm>> -> memref<2048xf32, #tpu.memory_space<hbm>>
        %dma_start3A_140 = arith.constant 0 : i32
        %dma_start3A_141 = tpu.memref_slice %arg5[%dma_start3A_136, %add3A_80, %dma_start3A_140] : memref<3x3125x2048xf32, #tpu.memory_space<hbm>> -> memref<1x1x2048xf32, #tpu.memory_space<hbm>>
        %dma_start3A_142 = tpu.memref_squeeze %dma_start3A_141 : memref<1x1x2048xf32, #tpu.memory_space<hbm>> -> memref<2048xf32, #tpu.memory_space<hbm>>
        tpu.enqueue_dma source(%dma_start3A_142 : memref<2048xf32, #tpu.memory_space<hbm>>) target(%arg16 : memref<2048xf32, #tpu.memory_space<vmem>>) target_semaphore(%arg36 : memref<!tpu.dma_semaphore, #tpu.memory_space<semaphore_mem>>)
        %dma_start3A_143 = arith.constant 2 : i32
        %dma_start3A_144 = arith.constant 0 : i32
        %dma_start3A_145 = tpu.memref_slice %arg5[%dma_start3A_143, %add3A_80, %dma_start3A_144] : memref<3x3125x2048xf32, #tpu.memory_space<hbm>> -> memref<1x1x2048xf32, #tpu.memory_space<hbm>>
        %dma_start3A_146 = tpu.memref_squeeze %dma_start3A_145 : memref<1x1x2048xf32, #tpu.memory_space<hbm>> -> memref<2048xf32, #tpu.memory_space<hbm>>
        %dma_start3A_147 = arith.constant 0 : i32
        %dma_start3A_148 = tpu.memref_slice %arg5[%dma_start3A_143, %add3A_80, %dma_start3A_147] : memref<3x3125x2048xf32, #tpu.memory_space<hbm>> -> memref<1x1x2048xf32, #tpu.memory_space<hbm>>
        %dma_start3A_149 = tpu.memref_squeeze %dma_start3A_148 : memref<1x1x2048xf32, #tpu.memory_space<hbm>> -> memref<2048xf32, #tpu.memory_space<hbm>>
        tpu.enqueue_dma source(%dma_start3A_149 : memref<2048xf32, #tpu.memory_space<hbm>>) target(%arg17 : memref<2048xf32, #tpu.memory_space<vmem>>) target_semaphore(%arg36 : memref<!tpu.dma_semaphore, #tpu.memory_space<semaphore_mem>>)
      } else {
      }
      %mul3A_86 = arith.constant 32 : i32
      %mul3A_87 = arith.muli %mul3A_86, %add3A_35 : i32
      %add3A_88 = arith.addi %add3A, %mul3A_87 : i32
      %lt3A_89 = arith.constant 3125 : i32
      %lt3A_90 = arith.cmpi slt, %add3A_88, %lt3A_89 : i32
      %convert_element_type3A_91 = arith.extui %lt3A_90 : i1 to i32
      %cond3A_92 = arith.constant 0 : i32
      %cond3A_93 = arith.cmpi ne, %convert_element_type3A_91, %cond3A_92 : i32
      scf.if %cond3A_93 {
        %dma_wait3A = arith.constant 0 : i32
        %dma_wait3A_118 = tpu.memref_slice %arg10[%dma_wait3A] : memref<102400xf32, #tpu.memory_space<vmem_shared>> -> memref<102400xf32, #tpu.memory_space<vmem_shared>>
        tpu.wait_indirect_dma semaphore(%arg37 : memref<!tpu.dma_semaphore, #tpu.memory_space<semaphore_mem>>) src(%dma_wait3A_118 : memref<102400xf32, #tpu.memory_space<vmem_shared>>) dst(%arg28 : memref<2048xf32, #tpu.memory_space<vmem>>)
        %dma_wait3A_119 = arith.constant 0 : i32
        %dma_wait3A_120 = tpu.memref_slice %arg10[%dma_wait3A_119] : memref<102400xf32, #tpu.memory_space<vmem_shared>> -> memref<102400xf32, #tpu.memory_space<vmem_shared>>
        tpu.wait_indirect_dma semaphore(%arg37 : memref<!tpu.dma_semaphore, #tpu.memory_space<semaphore_mem>>) src(%dma_wait3A_120 : memref<102400xf32, #tpu.memory_space<vmem_shared>>) dst(%arg29 : memref<2048xf32, #tpu.memory_space<vmem>>)
        %dma_wait3A_121 = arith.constant 0 : i32
        %dma_wait3A_122 = tpu.memref_slice %arg11[%dma_wait3A_121] : memref<102400xi32, #tpu.memory_space<vmem_shared>> -> memref<102400xi32, #tpu.memory_space<vmem_shared>>
        tpu.wait_indirect_dma semaphore(%arg37 : memref<!tpu.dma_semaphore, #tpu.memory_space<semaphore_mem>>) src(%dma_wait3A_122 : memref<102400xi32, #tpu.memory_space<vmem_shared>>) dst(%arg30 : memref<2048xi32, #tpu.memory_space<vmem>>)
        %dma_wait3A_123 = arith.constant 0 : i32
        %dma_wait3A_124 = tpu.memref_slice %arg11[%dma_wait3A_123] : memref<102400xi32, #tpu.memory_space<vmem_shared>> -> memref<102400xi32, #tpu.memory_space<vmem_shared>>
        tpu.wait_indirect_dma semaphore(%arg37 : memref<!tpu.dma_semaphore, #tpu.memory_space<semaphore_mem>>) src(%dma_wait3A_124 : memref<102400xi32, #tpu.memory_space<vmem_shared>>) dst(%arg31 : memref<2048xi32, #tpu.memory_space<vmem>>)
      } else {
      }
      %mul3A_94 = arith.constant 32 : i32
      %mul3A_95 = arith.muli %mul3A_94, %add3A_37 : i32
      %add3A_96 = arith.addi %add3A, %mul3A_95 : i32
      %lt3A_97 = arith.constant 3125 : i32
      %lt3A_98 = arith.cmpi slt, %add3A_96, %lt3A_97 : i32
      %convert_element_type3A_99 = arith.extui %lt3A_98 : i1 to i32
      %cond3A_100 = arith.constant 0 : i32
      %cond3A_101 = arith.cmpi ne, %convert_element_type3A_99, %cond3A_100 : i32
      scf.if %cond3A_101 {
        %dma_wait3A = arith.constant 0 : i32
        %dma_wait3A_118 = tpu.memref_slice %arg6[%add3A_96, %dma_wait3A] : memref<3125x2048xi32, #tpu.memory_space<hbm>> -> memref<1x2048xi32, #tpu.memory_space<hbm>>
        %dma_wait3A_119 = tpu.memref_squeeze %dma_wait3A_118 : memref<1x2048xi32, #tpu.memory_space<hbm>> -> memref<2048xi32, #tpu.memory_space<hbm>>
        %dma_wait3A_120 = arith.constant 0 : i32
        %dma_wait3A_121 = tpu.memref_slice %arg6[%add3A_96, %dma_wait3A_120] : memref<3125x2048xi32, #tpu.memory_space<hbm>> -> memref<1x2048xi32, #tpu.memory_space<hbm>>
        %dma_wait3A_122 = tpu.memref_squeeze %dma_wait3A_121 : memref<1x2048xi32, #tpu.memory_space<hbm>> -> memref<2048xi32, #tpu.memory_space<hbm>>
        tpu.wait_dma2 semaphore(%arg36 : memref<!tpu.dma_semaphore, #tpu.memory_space<semaphore_mem>>) src(%dma_wait3A_122 : memref<2048xi32, #tpu.memory_space<hbm>>) dst(%arg13 : memref<2048xi32, #tpu.memory_space<vmem>>)
        %dma_wait3A_123 = arith.constant 0 : i32
        %dma_wait3A_124 = tpu.memref_slice %arg7[%add3A_96, %dma_wait3A_123] : memref<3125x2048xi32, #tpu.memory_space<hbm>> -> memref<1x2048xi32, #tpu.memory_space<hbm>>
        %dma_wait3A_125 = tpu.memref_squeeze %dma_wait3A_124 : memref<1x2048xi32, #tpu.memory_space<hbm>> -> memref<2048xi32, #tpu.memory_space<hbm>>
        %dma_wait3A_126 = arith.constant 0 : i32
        %dma_wait3A_127 = tpu.memref_slice %arg7[%add3A_96, %dma_wait3A_126] : memref<3125x2048xi32, #tpu.memory_space<hbm>> -> memref<1x2048xi32, #tpu.memory_space<hbm>>
        %dma_wait3A_128 = tpu.memref_squeeze %dma_wait3A_127 : memref<1x2048xi32, #tpu.memory_space<hbm>> -> memref<2048xi32, #tpu.memory_space<hbm>>
        tpu.wait_dma2 semaphore(%arg36 : memref<!tpu.dma_semaphore, #tpu.memory_space<semaphore_mem>>) src(%dma_wait3A_128 : memref<2048xi32, #tpu.memory_space<hbm>>) dst(%arg14 : memref<2048xi32, #tpu.memory_space<vmem>>)
        %dma_wait3A_129 = arith.constant 0 : i32
        %dma_wait3A_130 = arith.constant 0 : i32
        %dma_wait3A_131 = tpu.memref_slice %arg5[%dma_wait3A_129, %add3A_96, %dma_wait3A_130] : memref<3x3125x2048xf32, #tpu.memory_space<hbm>> -> memref<1x1x2048xf32, #tpu.memory_space<hbm>>
        %dma_wait3A_132 = tpu.memref_squeeze %dma_wait3A_131 : memref<1x1x2048xf32, #tpu.memory_space<hbm>> -> memref<2048xf32, #tpu.memory_space<hbm>>
        %dma_wait3A_133 = arith.constant 0 : i32
        %dma_wait3A_134 = tpu.memref_slice %arg5[%dma_wait3A_129, %add3A_96, %dma_wait3A_133] : memref<3x3125x2048xf32, #tpu.memory_space<hbm>> -> memref<1x1x2048xf32, #tpu.memory_space<hbm>>
        %dma_wait3A_135 = tpu.memref_squeeze %dma_wait3A_134 : memref<1x1x2048xf32, #tpu.memory_space<hbm>> -> memref<2048xf32, #tpu.memory_space<hbm>>
        tpu.wait_dma2 semaphore(%arg36 : memref<!tpu.dma_semaphore, #tpu.memory_space<semaphore_mem>>) src(%dma_wait3A_135 : memref<2048xf32, #tpu.memory_space<hbm>>) dst(%arg15 : memref<2048xf32, #tpu.memory_space<vmem>>)
        %dma_wait3A_136 = arith.constant 1 : i32
        %dma_wait3A_137 = arith.constant 0 : i32
        %dma_wait3A_138 = tpu.memref_slice %arg5[%dma_wait3A_136, %add3A_96, %dma_wait3A_137] : memref<3x3125x2048xf32, #tpu.memory_space<hbm>> -> memref<1x1x2048xf32, #tpu.memory_space<hbm>>
        %dma_wait3A_139 = tpu.memref_squeeze %dma_wait3A_138 : memref<1x1x2048xf32, #tpu.memory_space<hbm>> -> memref<2048xf32, #tpu.memory_space<hbm>>
        %dma_wait3A_140 = arith.constant 0 : i32
        %dma_wait3A_141 = tpu.memref_slice %arg5[%dma_wait3A_136, %add3A_96, %dma_wait3A_140] : memref<3x3125x2048xf32, #tpu.memory_space<hbm>> -> memref<1x1x2048xf32, #tpu.memory_space<hbm>>
        %dma_wait3A_142 = tpu.memref_squeeze %dma_wait3A_141 : memref<1x1x2048xf32, #tpu.memory_space<hbm>> -> memref<2048xf32, #tpu.memory_space<hbm>>
        tpu.wait_dma2 semaphore(%arg36 : memref<!tpu.dma_semaphore, #tpu.memory_space<semaphore_mem>>) src(%dma_wait3A_142 : memref<2048xf32, #tpu.memory_space<hbm>>) dst(%arg16 : memref<2048xf32, #tpu.memory_space<vmem>>)
        %dma_wait3A_143 = arith.constant 2 : i32
        %dma_wait3A_144 = arith.constant 0 : i32
        %dma_wait3A_145 = tpu.memref_slice %arg5[%dma_wait3A_143, %add3A_96, %dma_wait3A_144] : memref<3x3125x2048xf32, #tpu.memory_space<hbm>> -> memref<1x1x2048xf32, #tpu.memory_space<hbm>>
        %dma_wait3A_146 = tpu.memref_squeeze %dma_wait3A_145 : memref<1x1x2048xf32, #tpu.memory_space<hbm>> -> memref<2048xf32, #tpu.memory_space<hbm>>
        %dma_wait3A_147 = arith.constant 0 : i32
        %dma_wait3A_148 = tpu.memref_slice %arg5[%dma_wait3A_143, %add3A_96, %dma_wait3A_147] : memref<3x3125x2048xf32, #tpu.memory_space<hbm>> -> memref<1x1x2048xf32, #tpu.memory_space<hbm>>
        %dma_wait3A_149 = tpu.memref_squeeze %dma_wait3A_148 : memref<1x1x2048xf32, #tpu.memory_space<hbm>> -> memref<2048xf32, #tpu.memory_space<hbm>>
        tpu.wait_dma2 semaphore(%arg36 : memref<!tpu.dma_semaphore, #tpu.memory_space<semaphore_mem>>) src(%dma_wait3A_149 : memref<2048xf32, #tpu.memory_space<hbm>>) dst(%arg17 : memref<2048xf32, #tpu.memory_space<vmem>>)
      } else {
      }
      %mul3A_102 = arith.constant 32 : i32
      %mul3A_103 = arith.muli %mul3A_102, %add3A_37 : i32
      %add3A_104 = arith.addi %add3A, %mul3A_103 : i32
      %lt3A_105 = arith.constant 3125 : i32
      %lt3A_106 = arith.cmpi slt, %add3A_104, %lt3A_105 : i32
      %convert_element_type3A_107 = arith.extui %lt3A_106 : i1 to i32
      %cond3A_108 = arith.constant 0 : i32
      %cond3A_109 = arith.cmpi ne, %convert_element_type3A_107, %cond3A_108 : i32
      scf.if %cond3A_109 {
        %dma_start3A = arith.constant 0 : i32
        %dma_start3A_118 = tpu.memref_slice %arg10[%dma_start3A] : memref<102400xf32, #tpu.memory_space<vmem_shared>> -> memref<102400xf32, #tpu.memory_space<vmem_shared>>
        tpu.enqueue_indirect_dma source(%dma_start3A_118 : memref<102400xf32, #tpu.memory_space<vmem_shared>>) target(%arg18 : memref<2048xf32, #tpu.memory_space<vmem>>) offsets(%arg13 : memref<2048xi32, #tpu.memory_space<vmem>>) semaphore(%arg37 : memref<!tpu.dma_semaphore, #tpu.memory_space<semaphore_mem>>)
        %dma_start3A_119 = arith.constant 0 : i32
        %dma_start3A_120 = tpu.memref_slice %arg10[%dma_start3A_119] : memref<102400xf32, #tpu.memory_space<vmem_shared>> -> memref<102400xf32, #tpu.memory_space<vmem_shared>>
        tpu.enqueue_indirect_dma source(%dma_start3A_120 : memref<102400xf32, #tpu.memory_space<vmem_shared>>) target(%arg19 : memref<2048xf32, #tpu.memory_space<vmem>>) offsets(%arg14 : memref<2048xi32, #tpu.memory_space<vmem>>) semaphore(%arg37 : memref<!tpu.dma_semaphore, #tpu.memory_space<semaphore_mem>>)
        %dma_start3A_121 = arith.constant 0 : i32
        %dma_start3A_122 = tpu.memref_slice %arg11[%dma_start3A_121] : memref<102400xi32, #tpu.memory_space<vmem_shared>> -> memref<102400xi32, #tpu.memory_space<vmem_shared>>
        tpu.enqueue_indirect_dma source(%dma_start3A_122 : memref<102400xi32, #tpu.memory_space<vmem_shared>>) target(%arg20 : memref<2048xi32, #tpu.memory_space<vmem>>) offsets(%arg13 : memref<2048xi32, #tpu.memory_space<vmem>>) semaphore(%arg37 : memref<!tpu.dma_semaphore, #tpu.memory_space<semaphore_mem>>)
        %dma_start3A_123 = arith.constant 0 : i32
        %dma_start3A_124 = tpu.memref_slice %arg11[%dma_start3A_123] : memref<102400xi32, #tpu.memory_space<vmem_shared>> -> memref<102400xi32, #tpu.memory_space<vmem_shared>>
        tpu.enqueue_indirect_dma source(%dma_start3A_124 : memref<102400xi32, #tpu.memory_space<vmem_shared>>) target(%arg21 : memref<2048xi32, #tpu.memory_space<vmem>>) offsets(%arg14 : memref<2048xi32, #tpu.memory_space<vmem>>) semaphore(%arg37 : memref<!tpu.dma_semaphore, #tpu.memory_space<semaphore_mem>>)
      } else {
      }
      %mul3A_110 = arith.constant 32 : i32
      %mul3A_111 = arith.muli %mul3A_110, %add3A_35 : i32
      %add3A_112 = arith.addi %add3A, %mul3A_111 : i32
      %lt3A_113 = arith.constant 3125 : i32
      %lt3A_114 = arith.cmpi slt, %add3A_112, %lt3A_113 : i32
      %convert_element_type3A_115 = arith.extui %lt3A_114 : i1 to i32
      %cond3A_116 = arith.constant 0 : i32
      %cond3A_117 = arith.cmpi ne, %convert_element_type3A_115, %cond3A_116 : i32
      scf.if %cond3A_117 {
        %scan3A_118 = arith.constant 0 : i32
        %scan3A_119 = arith.constant 0 : i32
        %scan3A_120 = arith.constant 128 : i32
        %scan3A_121 = arith.addi %scan3A_119, %scan3A_120 : i32
        %scan3A_122 = arith.constant 1 : i32
        scf.for %scan3A_124 = %scan3A_119 to %scan3A_121 step %scan3A_122  : i32 {
          %mul3A_125 = arith.constant 16 : i32
          %mul3A_126 = arith.muli %scan3A_124, %mul3A_125 : i32
          %get3A = arith.index_cast %mul3A_126 : i32 to index
          %get3A_127 = tpu.vector_load %arg25[%get3A] {strides = array<i32>} : memref<2048xf32, #tpu.memory_space<vmem>>, vector<16xf32>,
          %get3A_128 = arith.index_cast %mul3A_126 : i32 to index
          %get3A_129 = tpu.vector_load %arg26[%get3A_128] {strides = array<i32>} : memref<2048xf32, #tpu.memory_space<vmem>>, vector<16xf32>,
          %get3A_130 = arith.index_cast %mul3A_126 : i32 to index
          %get3A_131 = tpu.vector_load %arg27[%get3A_130] {strides = array<i32>} : memref<2048xf32, #tpu.memory_space<vmem>>, vector<16xf32>,
          %get3A_132 = arith.index_cast %mul3A_126 : i32 to index
          %get3A_133 = tpu.vector_load %arg28[%get3A_132] {strides = array<i32>} : memref<2048xf32, #tpu.memory_space<vmem>>, vector<16xf32>,
          %get3A_134 = arith.index_cast %mul3A_126 : i32 to index
          %get3A_135 = tpu.vector_load %arg29[%get3A_134] {strides = array<i32>} : memref<2048xf32, #tpu.memory_space<vmem>>, vector<16xf32>,
          %get3A_136 = arith.index_cast %mul3A_126 : i32 to index
          %get3A_137 = tpu.vector_load %arg30[%get3A_136] {strides = array<i32>} : memref<2048xi32, #tpu.memory_space<vmem>>, vector<16xi32>,
          %get3A_138 = arith.index_cast %mul3A_126 : i32 to index
          %get3A_139 = tpu.vector_load %arg31[%get3A_138] {strides = array<i32>} : memref<2048xi32, #tpu.memory_space<vmem>>, vector<16xi32>,
          %convert_element_type3A_140 = arith.sitofp %get3A_137 : vector<16xi32> to vector<16xf32>
          %convert_element_type3A_141 = arith.sitofp %get3A_139 : vector<16xi32> to vector<16xf32>
          %gather3A = tpu.vector_load_idx %arg33[%get3A_137] : memref<128xf32, #tpu.memory_space<vmem>>[vector<16xi32>], vector<16xf32>,
          %gather3A_142 = tpu.vector_load_idx %arg33[%get3A_139] : memref<128xf32, #tpu.memory_space<vmem>>[vector<16xi32>], vector<16xf32>,
          %mul3A_143 = arith.mulf %get3A_127, %get3A_127 : vector<16xf32>
          %mul3A_144 = arith.mulf %get3A_129, %get3A_129 : vector<16xf32>
          %add3A_145 = arith.addf %mul3A_143, %mul3A_144 : vector<16xf32>
          %mul3A_146 = arith.mulf %get3A_131, %get3A_131 : vector<16xf32>
          %add3A_147 = arith.addf %add3A_145, %mul3A_146 : vector<16xf32>
          %max3A = arith.constant 1.000000e-18 : f32
          %max3A_148 = vector.broadcast %max3A : f32 to vector<16xf32>
          %max3A_149 = arith.maximumf %add3A_147, %max3A_148 : vector<16xf32>
          %bitcast3A = vector.bitcast %max3A_149 : vector<16xf32> to vector<16xi32>
          %shift_right_logical3A = arith.constant 1 : i32
          %shift_right_logical3A_150 = vector.broadcast %shift_right_logical3A : i32 to vector<16xi32>
          %shift_right_logical3A_151 = arith.shrui %bitcast3A, %shift_right_logical3A_150 : vector<16xi32>
          %sub3A = arith.constant 1597463007 : i32
          %sub3A_152 = vector.broadcast %sub3A : i32 to vector<16xi32>
          %sub3A_153 = arith.subi %sub3A_152, %shift_right_logical3A_151 : vector<16xi32>
          %bitcast3A_154 = vector.bitcast %sub3A_153 : vector<16xi32> to vector<16xf32>
          %mul3A_155 = arith.constant 5.000000e-01 : f32
          %mul3A_156 = vector.broadcast %mul3A_155 : f32 to vector<16xf32>
          %mul3A_157 = arith.mulf %mul3A_156, %max3A_149 : vector<16xf32>
          %mul3A_158 = arith.mulf %mul3A_157, %bitcast3A_154 : vector<16xf32>
          %mul3A_159 = arith.mulf %mul3A_158, %bitcast3A_154 : vector<16xf32>
          %sub3A_160 = arith.constant 1.500000e+00 : f32
          %sub3A_161 = vector.broadcast %sub3A_160 : f32 to vector<16xf32>
          %sub3A_162 = arith.subf %sub3A_161, %mul3A_159 : vector<16xf32>
          %mul3A_163 = arith.mulf %bitcast3A_154, %sub3A_162 : vector<16xf32>
          %mul3A_164 = arith.constant 5.000000e-01 : f32
          %mul3A_165 = vector.broadcast %mul3A_164 : f32 to vector<16xf32>
          %mul3A_166 = arith.mulf %mul3A_165, %max3A_149 : vector<16xf32>
          %mul3A_167 = arith.mulf %mul3A_166, %mul3A_163 : vector<16xf32>
          %mul3A_168 = arith.mulf %mul3A_167, %mul3A_163 : vector<16xf32>
          %sub3A_169 = arith.constant 1.500000e+00 : f32
          %sub3A_170 = vector.broadcast %sub3A_169 : f32 to vector<16xf32>
          %sub3A_171 = arith.subf %sub3A_170, %mul3A_168 : vector<16xf32>
          %mul3A_172 = arith.mulf %mul3A_163, %sub3A_171 : vector<16xf32>
          %mul3A_173 = arith.constant 5.000000e-01 : f32
          %mul3A_174 = vector.broadcast %mul3A_173 : f32 to vector<16xf32>
          %mul3A_175 = arith.mulf %mul3A_174, %max3A_149 : vector<16xf32>
          %mul3A_176 = arith.mulf %mul3A_175, %mul3A_172 : vector<16xf32>
          %mul3A_177 = arith.mulf %mul3A_176, %mul3A_172 : vector<16xf32>
          %sub3A_178 = arith.constant 1.500000e+00 : f32
          %sub3A_179 = vector.broadcast %sub3A_178 : f32 to vector<16xf32>
          %sub3A_180 = arith.subf %sub3A_179, %mul3A_177 : vector<16xf32>
          %mul3A_181 = arith.mulf %mul3A_172, %sub3A_180 : vector<16xf32>
          %mul3A_182 = arith.mulf %add3A_147, %mul3A_181 : vector<16xf32>
          %max3A_183 = arith.constant 9.99999971E-10 : f32
          %max3A_184 = vector.broadcast %max3A_183 : f32 to vector<16xf32>
          %max3A_185 = arith.maximumf %mul3A_182, %max3A_184 : vector<16xf32>
          %div3A = arith.constant 1.000000e+00 : f32
          %div3A_186 = vector.broadcast %div3A : f32 to vector<16xf32>
          %div3A_187 = arith.divf %div3A_186, %max3A_185 : vector<16xf32>
          %lt3A_188 = arith.constant 1.000000e+01 : f32
          %lt3A_189 = vector.broadcast %lt3A_188 : f32 to vector<16xf32>
          %lt3A_190 = arith.cmpf olt, %mul3A_182, %lt3A_189 : vector<16xf32>
          %mul3A_191 = arith.constant 1.000000e-01 : f32
          %mul3A_192 = vector.broadcast %mul3A_191 : f32 to vector<16xf32>
          %mul3A_193 = arith.mulf %mul3A_182, %mul3A_192 : vector<16xf32>
          %mul3A_194 = arith.mulf %mul3A_193, %mul3A_193 : vector<16xf32>
          %mul3A_195 = arith.mulf %mul3A_194, %mul3A_193 : vector<16xf32>
          %mul3A_196 = arith.constant 6.000000e+00 : f32
          %mul3A_197 = vector.broadcast %mul3A_196 : f32 to vector<16xf32>
          %mul3A_198 = arith.mulf %mul3A_197, %mul3A_193 : vector<16xf32>
          %sub3A_199 = arith.constant 1.500000e+01 : f32
          %sub3A_200 = vector.broadcast %sub3A_199 : f32 to vector<16xf32>
          %sub3A_201 = arith.subf %mul3A_198, %sub3A_200 : vector<16xf32>
          %mul3A_202 = arith.mulf %sub3A_201, %mul3A_193 : vector<16xf32>
          %add3A_203 = arith.constant 1.000000e+01 : f32
          %add3A_204 = vector.broadcast %add3A_203 : f32 to vector<16xf32>
          %add3A_205 = arith.addf %mul3A_202, %add3A_204 : vector<16xf32>
          %mul3A_206 = arith.mulf %mul3A_195, %add3A_205 : vector<16xf32>
          %sub3A_207 = arith.constant 1.000000e+00 : f32
          %sub3A_208 = vector.broadcast %sub3A_207 : f32 to vector<16xf32>
          %sub3A_209 = arith.subf %sub3A_208, %mul3A_206 : vector<16xf32>
          %jit3A = arith.constant 0.000000e+00 : f32
          %broadcast_in_dim3A = vector.broadcast %jit3A : f32 to vector<16xf32>
          %select_n3A = arith.select %lt3A_190, %sub3A_209, %broadcast_in_dim3A : vector<16xi1>, vector<16xf32>
          %sub3A_210 = arith.constant 2.500000e+00 : f32
          %sub3A_211 = vector.broadcast %sub3A_210 : f32 to vector<16xf32>
          %sub3A_212 = arith.subf %mul3A_182, %sub3A_211 : vector<16xf32>
          %mul3A_213 = arith.constant 2.000000e-01 : f32
          %mul3A_214 = vector.broadcast %mul3A_213 : f32 to vector<16xf32>
          %mul3A_215 = arith.mulf %sub3A_212, %mul3A_214 : vector<16xf32>
          %jit3A_216 = arith.constant 0.000000e+00 : f32
          %jit3A_217 = arith.constant 1.000000e+00 : f32
          %max3A_218 = vector.broadcast %jit3A_216 : f32 to vector<16xf32>
          %max3A_219 = arith.maximumf %max3A_218, %mul3A_215 : vector<16xf32>
          %min3A = vector.broadcast %jit3A_217 : f32 to vector<16xf32>
          %min3A_220 = arith.minimumf %min3A, %max3A_219 : vector<16xf32>
          %mul3A_221 = arith.mulf %min3A_220, %min3A_220 : vector<16xf32>
          %mul3A_222 = arith.mulf %mul3A_221, %min3A_220 : vector<16xf32>
          %mul3A_223 = arith.constant 6.000000e+00 : f32
          %mul3A_224 = vector.broadcast %mul3A_223 : f32 to vector<16xf32>
          %mul3A_225 = arith.mulf %mul3A_224, %min3A_220 : vector<16xf32>
          %sub3A_226 = arith.constant 1.500000e+01 : f32
          %sub3A_227 = vector.broadcast %sub3A_226 : f32 to vector<16xf32>
          %sub3A_228 = arith.subf %mul3A_225, %sub3A_227 : vector<16xf32>
          %mul3A_229 = arith.mulf %min3A_220, %sub3A_228 : vector<16xf32>
          %add3A_230 = arith.constant 1.000000e+01 : f32
          %add3A_231 = vector.broadcast %add3A_230 : f32 to vector<16xf32>
          %add3A_232 = arith.addf %mul3A_229, %add3A_231 : vector<16xf32>
          %mul3A_233 = arith.mulf %mul3A_222, %add3A_232 : vector<16xf32>
          %add3A_234 = arith.constant 1.000000e+00 : f32
          %add3A_235 = vector.broadcast %add3A_234 : f32 to vector<16xf32>
          %add3A_236 = arith.addf %add3A_147, %add3A_235 : vector<16xf32>
          %bitcast3A_237 = vector.bitcast %add3A_236 : vector<16xf32> to vector<16xi32>
          %shift_right_logical3A_238 = arith.constant 1 : i32
          %shift_right_logical3A_239 = vector.broadcast %shift_right_logical3A_238 : i32 to vector<16xi32>
          %shift_right_logical3A_240 = arith.shrui %bitcast3A_237, %shift_right_logical3A_239 : vector<16xi32>
          %sub3A_241 = arith.constant 1597463007 : i32
          %sub3A_242 = vector.broadcast %sub3A_241 : i32 to vector<16xi32>
          %sub3A_243 = arith.subi %sub3A_242, %shift_right_logical3A_240 : vector<16xi32>
          %bitcast3A_244 = vector.bitcast %sub3A_243 : vector<16xi32> to vector<16xf32>
          %mul3A_245 = arith.constant 5.000000e-01 : f32
          %mul3A_246 = vector.broadcast %mul3A_245 : f32 to vector<16xf32>
          %mul3A_247 = arith.mulf %mul3A_246, %add3A_236 : vector<16xf32>
          %mul3A_248 = arith.mulf %mul3A_247, %bitcast3A_244 : vector<16xf32>
          %mul3A_249 = arith.mulf %mul3A_248, %bitcast3A_244 : vector<16xf32>
          %sub3A_250 = arith.constant 1.500000e+00 : f32
          %sub3A_251 = vector.broadcast %sub3A_250 : f32 to vector<16xf32>
          %sub3A_252 = arith.subf %sub3A_251, %mul3A_249 : vector<16xf32>
          %mul3A_253 = arith.mulf %bitcast3A_244, %sub3A_252 : vector<16xf32>
          %mul3A_254 = arith.constant 5.000000e-01 : f32
          %mul3A_255 = vector.broadcast %mul3A_254 : f32 to vector<16xf32>
          %mul3A_256 = arith.mulf %mul3A_255, %add3A_236 : vector<16xf32>
          %mul3A_257 = arith.mulf %mul3A_256, %mul3A_253 : vector<16xf32>
          %mul3A_258 = arith.mulf %mul3A_257, %mul3A_253 : vector<16xf32>
          %sub3A_259 = arith.constant 1.500000e+00 : f32
          %sub3A_260 = vector.broadcast %sub3A_259 : f32 to vector<16xf32>
          %sub3A_261 = arith.subf %sub3A_260, %mul3A_258 : vector<16xf32>
          %mul3A_262 = arith.mulf %mul3A_253, %sub3A_261 : vector<16xf32>
          %mul3A_263 = arith.constant 5.000000e-01 : f32
          %mul3A_264 = vector.broadcast %mul3A_263 : f32 to vector<16xf32>
          %mul3A_265 = arith.mulf %mul3A_264, %add3A_236 : vector<16xf32>
          %mul3A_266 = arith.mulf %mul3A_265, %mul3A_262 : vector<16xf32>
          %mul3A_267 = arith.mulf %mul3A_266, %mul3A_262 : vector<16xf32>
          %sub3A_268 = arith.constant 1.500000e+00 : f32
          %sub3A_269 = vector.broadcast %sub3A_268 : f32 to vector<16xf32>
          %sub3A_270 = arith.subf %sub3A_269, %mul3A_267 : vector<16xf32>
          %mul3A_271 = arith.mulf %mul3A_262, %sub3A_270 : vector<16xf32>
          %sub3A_272 = arith.constant 1.000000e+00 : f32
          %sub3A_273 = vector.broadcast %sub3A_272 : f32 to vector<16xf32>
          %sub3A_274 = arith.subf %sub3A_273, %mul3A_233 : vector<16xf32>
          %mul3A_275 = arith.mulf %sub3A_274, %mul3A_271 : vector<16xf32>
          %mul3A_276 = arith.mulf %mul3A_233, %div3A_187 : vector<16xf32>
          %add3A_277 = arith.addf %mul3A_275, %mul3A_276 : vector<16xf32>
          %mul3A_278 = arith.constant 0.00999999977 : f32
          %mul3A_279 = vector.broadcast %mul3A_278 : f32 to vector<16xf32>
          %mul3A_280 = arith.mulf %mul3A_182, %mul3A_279 : vector<16xf32>
          %add3A_281 = arith.addf %add3A_277, %mul3A_280 : vector<16xf32>
          %sub3A_282 = arith.constant 2.000000e-01 : f32
          %sub3A_283 = vector.broadcast %sub3A_282 : f32 to vector<16xf32>
          %sub3A_284 = arith.subf %add3A_281, %sub3A_283 : vector<16xf32>
          %jit3A_285 = arith.constant 0.000000e+00 : f32
          %broadcast_in_dim3A_286 = vector.broadcast %jit3A_285 : f32 to vector<16xf32>
          %select_n3A_287 = arith.select %lt3A_190, %sub3A_284, %broadcast_in_dim3A_286 : vector<16xi1>, vector<16xf32>
          %mul3A_288 = arith.constant 7.1998229 : f32
          %mul3A_289 = vector.broadcast %mul3A_288 : f32 to vector<16xf32>
          %mul3A_290 = arith.mulf %mul3A_289, %get3A_133 : vector<16xf32>
          %mul3A_291 = arith.mulf %mul3A_290, %get3A_135 : vector<16xf32>
          %mul3A_292 = arith.mulf %mul3A_291, %select_n3A_287 : vector<16xf32>
          %mul3A_293 = arith.constant 4.000000e-01 : f32
          %mul3A_294 = vector.broadcast %mul3A_293 : f32 to vector<16xf32>
          %mul3A_295 = arith.mulf %mul3A_294, %convert_element_type3A_140 : vector<16xf32>
          %add3A_296 = arith.constant 1.000000e+00 : f32
          %add3A_297 = vector.broadcast %add3A_296 : f32 to vector<16xf32>
          %add3A_298 = arith.addf %mul3A_295, %add3A_297 : vector<16xf32>
          %mul3A_299 = arith.constant 4.000000e-01 : f32
          %mul3A_300 = vector.broadcast %mul3A_299 : f32 to vector<16xf32>
          %mul3A_301 = arith.mulf %mul3A_300, %convert_element_type3A_141 : vector<16xf32>
          %add3A_302 = arith.constant 1.000000e+00 : f32
          %add3A_303 = vector.broadcast %add3A_302 : f32 to vector<16xf32>
          %add3A_304 = arith.addf %mul3A_301, %add3A_303 : vector<16xf32>
          %mul3A_305 = arith.mulf %add3A_298, %add3A_304 : vector<16xf32>
          %add3A_306 = arith.addf %get3A_133, %get3A_135 : vector<16xf32>
          %mul3A_307 = arith.constant -2.500000e-01 : f32
          %mul3A_308 = vector.broadcast %mul3A_307 : f32 to vector<16xf32>
          %mul3A_309 = arith.mulf %mul3A_308, %add3A_306 : vector<16xf32>
          %exp3A = math.exp %mul3A_309 : vector<16xf32>
          %mul3A_310 = arith.mulf %mul3A_305, %exp3A : vector<16xf32>
          %mul3A_311 = arith.mulf %max3A_185, %max3A_185 : vector<16xf32>
          %mul3A_312 = arith.mulf %mul3A_311, %mul3A_311 : vector<16xf32>
          %mul3A_313 = arith.mulf %mul3A_312, %mul3A_311 : vector<16xf32>
          %add3A_314 = arith.addf %convert_element_type3A_140, %convert_element_type3A_141 : vector<16xf32>
          %mul3A_315 = arith.constant 1.000000e-01 : f32
          %mul3A_316 = vector.broadcast %mul3A_315 : f32 to vector<16xf32>
          %mul3A_317 = arith.mulf %mul3A_316, %add3A_314 : vector<16xf32>
          %add3A_318 = arith.constant 2.000000e+00 : f32
          %add3A_319 = vector.broadcast %add3A_318 : f32 to vector<16xf32>
          %add3A_320 = arith.addf %add3A_319, %mul3A_317 : vector<16xf32>
          %mul3A_321 = arith.mulf %add3A_320, %add3A_320 : vector<16xf32>
          %mul3A_322 = arith.mulf %mul3A_321, %mul3A_321 : vector<16xf32>
          %mul3A_323 = arith.mulf %mul3A_322, %mul3A_321 : vector<16xf32>
          %mul3A_324 = arith.constant -5.000000e-01 : f32
          %mul3A_325 = vector.broadcast %mul3A_324 : f32 to vector<16xf32>
          %mul3A_326 = arith.mulf %mul3A_325, %select_n3A : vector<16xf32>
          %mul3A_327 = arith.mulf %mul3A_326, %mul3A_310 : vector<16xf32>
          %add3A_328 = arith.addf %mul3A_313, %mul3A_323 : vector<16xf32>
          %div3A_329 = arith.divf %mul3A_327, %add3A_328 : vector<16xf32>
          %add3A_330 = arith.addf %gather3A, %gather3A_142 : vector<16xf32>
          %add3A_331 = arith.constant 9.99999971E-10 : f32
          %add3A_332 = vector.broadcast %add3A_331 : f32 to vector<16xf32>
          %add3A_333 = arith.addf %add3A_330, %add3A_332 : vector<16xf32>
          %mul3A_334 = arith.constant 2.13431907 : f32
          %mul3A_335 = vector.broadcast %mul3A_334 : f32 to vector<16xf32>
          %mul3A_336 = arith.mulf %add3A_333, %mul3A_335 : vector<16xf32>
          %mul3A_337 = arith.mulf %max3A_185, %mul3A_336 : vector<16xf32>
          %mul3A_338 = arith.constant -3.199800e+00 : f32
          %mul3A_339 = vector.broadcast %mul3A_338 : f32 to vector<16xf32>
          %mul3A_340 = arith.mulf %mul3A_339, %mul3A_337 : vector<16xf32>
          %exp3A_341 = math.exp %mul3A_340 : vector<16xf32>
          %mul3A_342 = arith.constant 1.817500e-01 : f32
          %mul3A_343 = vector.broadcast %mul3A_342 : f32 to vector<16xf32>
          %mul3A_344 = arith.mulf %mul3A_343, %exp3A_341 : vector<16xf32>
          %mul3A_345 = arith.constant -9.422900e-01 : f32
          %mul3A_346 = vector.broadcast %mul3A_345 : f32 to vector<16xf32>
          %mul3A_347 = arith.mulf %mul3A_346, %mul3A_337 : vector<16xf32>
          %exp3A_348 = math.exp %mul3A_347 : vector<16xf32>
          %mul3A_349 = arith.constant 5.098600e-01 : f32
          %mul3A_350 = vector.broadcast %mul3A_349 : f32 to vector<16xf32>
          %mul3A_351 = arith.mulf %mul3A_350, %exp3A_348 : vector<16xf32>
          %add3A_352 = arith.addf %mul3A_344, %mul3A_351 : vector<16xf32>
          %mul3A_353 = arith.constant -4.029000e-01 : f32
          %mul3A_354 = vector.broadcast %mul3A_353 : f32 to vector<16xf32>
          %mul3A_355 = arith.mulf %mul3A_354, %mul3A_337 : vector<16xf32>
          %exp3A_356 = math.exp %mul3A_355 : vector<16xf32>
          %mul3A_357 = arith.constant 2.802200e-01 : f32
          %mul3A_358 = vector.broadcast %mul3A_357 : f32 to vector<16xf32>
          %mul3A_359 = arith.mulf %mul3A_358, %exp3A_356 : vector<16xf32>
          %add3A_360 = arith.addf %add3A_352, %mul3A_359 : vector<16xf32>
          %mul3A_361 = arith.constant -2.016200e-01 : f32
          %mul3A_362 = vector.broadcast %mul3A_361 : f32 to vector<16xf32>
          %mul3A_363 = arith.mulf %mul3A_362, %mul3A_337 : vector<16xf32>
          %exp3A_364 = math.exp %mul3A_363 : vector<16xf32>
          %mul3A_365 = arith.constant 2.817000e-02 : f32
          %mul3A_366 = vector.broadcast %mul3A_365 : f32 to vector<16xf32>
          %mul3A_367 = arith.mulf %mul3A_366, %exp3A_364 : vector<16xf32>
          %add3A_368 = arith.addf %add3A_360, %mul3A_367 : vector<16xf32>
          %mul3A_369 = arith.constant 7.1998229 : f32
          %mul3A_370 = vector.broadcast %mul3A_369 : f32 to vector<16xf32>
          %mul3A_371 = arith.mulf %mul3A_370, %convert_element_type3A_140 : vector<16xf32>
          %mul3A_372 = arith.mulf %mul3A_371, %convert_element_type3A_141 : vector<16xf32>
          %mul3A_373 = arith.mulf %mul3A_372, %div3A_187 : vector<16xf32>
          %mul3A_374 = arith.mulf %mul3A_373, %add3A_368 : vector<16xf32>
          %mul3A_375 = arith.mulf %mul3A_374, %select_n3A : vector<16xf32>
          %add3A_376 = arith.addf %mul3A_292, %div3A_329 : vector<16xf32>
          %add3A_377 = arith.addf %add3A_376, %mul3A_375 : vector<16xf32>
          %swap3A = arith.index_cast %mul3A_126 : i32 to index
          %swap3A_378 = tpu.vector_load %arg32[%swap3A] {strides = array<i32>} : memref<2048xf32, #tpu.memory_space<vmem>>, vector<16xf32>,
          tpu.vector_store %arg32[%swap3A], %add3A_377 {strides = array<i32>} : memref<2048xf32, #tpu.memory_space<vmem>>, vector<16xf32>,
        }
        %scan3A_123 = arith.constant 128 : i32
        "tpu.region"() ({
          %run_scoped3A = tpu.sem_alloc : memref<!tpu.dma_semaphore, #tpu.memory_space<semaphore_mem>>
          %dma_start3A = arith.constant 0 : i32
          %dma_start3A_124 = tpu.memref_slice %arg12[%dma_start3A] : memref<102400xf32, #tpu.memory_space<vmem_shared>> -> memref<102400xf32, #tpu.memory_space<vmem_shared>>
          tpu.enqueue_indirect_dma source(%arg32 : memref<2048xf32, #tpu.memory_space<vmem>>) target(%dma_start3A_124 : memref<102400xf32, #tpu.memory_space<vmem_shared>>) offsets(%arg23 : memref<2048xi32, #tpu.memory_space<vmem>>) semaphore(%run_scoped3A : memref<!tpu.dma_semaphore, #tpu.memory_space<semaphore_mem>>) {add = true}
          %dma_wait3A = arith.constant 0 : i32
          %dma_wait3A_125 = tpu.memref_slice %arg12[%dma_wait3A] : memref<102400xf32, #tpu.memory_space<vmem_shared>> -> memref<102400xf32, #tpu.memory_space<vmem_shared>>
          tpu.wait_indirect_dma semaphore(%run_scoped3A : memref<!tpu.dma_semaphore, #tpu.memory_space<semaphore_mem>>) src(%arg32 : memref<2048xf32, #tpu.memory_space<vmem>>) dst(%dma_wait3A_125 : memref<102400xf32, #tpu.memory_space<vmem_shared>>)
          tpu.yield
        }) : () -> ()
      } else {
      }
    }
    %scan3A_25 = arith.constant 49 : i32
    %barrier3A_26 = arith.constant 0 : index
    tpu.barrier barrier_id(%barrier3A_26)
    %mul3A_27 = arith.constant 6400 : i32
    %mul3A_28 = arith.muli %arg1, %mul3A_27 : i32
    "tpu.region"() ({
      %run_scoped3A = tpu.sem_alloc : memref<!tpu.dma_semaphore, #tpu.memory_space<semaphore_mem>>
      %dma_start3A = tpu.memref_slice %arg12[%mul3A_28] : memref<102400xf32, #tpu.memory_space<vmem_shared>> -> memref<6400xf32, #tpu.memory_space<vmem_shared>>
      %dma_start3A_31 = tpu.memref_slice %arg12[%mul3A_28] : memref<102400xf32, #tpu.memory_space<vmem_shared>> -> memref<6400xf32, #tpu.memory_space<vmem_shared>>
      tpu.enqueue_dma source(%dma_start3A_31 : memref<6400xf32, #tpu.memory_space<vmem_shared>>) target(%arg34 : memref<6400xf32, #tpu.memory_space<vmem>>) target_semaphore(%run_scoped3A : memref<!tpu.dma_semaphore, #tpu.memory_space<semaphore_mem>>)
      %dma_wait3A = tpu.memref_slice %arg12[%mul3A_28] : memref<102400xf32, #tpu.memory_space<vmem_shared>> -> memref<6400xf32, #tpu.memory_space<vmem_shared>>
      %dma_wait3A_32 = tpu.memref_slice %arg12[%mul3A_28] : memref<102400xf32, #tpu.memory_space<vmem_shared>> -> memref<6400xf32, #tpu.memory_space<vmem_shared>>
      tpu.wait_dma2 semaphore(%run_scoped3A : memref<!tpu.dma_semaphore, #tpu.memory_space<semaphore_mem>>) src(%dma_wait3A_32 : memref<6400xf32, #tpu.memory_space<vmem_shared>>) dst(%arg34 : memref<6400xf32, #tpu.memory_space<vmem>>)
      tpu.yield
    }) : () -> ()
    %mul3A_29 = arith.constant 6400 : i32
    %mul3A_30 = arith.muli %arg1, %mul3A_29 : i32
    "tpu.region"() ({
      %run_scoped3A = tpu.sem_alloc : memref<!tpu.dma_semaphore, #tpu.memory_space<semaphore_mem>>
      %dma_start3A = tpu.memref_slice %arg9[%arg0, %mul3A_30] : memref<2x102400xf32, #tpu.memory_space<hbm>> -> memref<1x6400xf32, #tpu.memory_space<hbm>>
      %dma_start3A_31 = tpu.memref_squeeze %dma_start3A : memref<1x6400xf32, #tpu.memory_space<hbm>> -> memref<6400xf32, #tpu.memory_space<hbm>>
      %dma_start3A_32 = tpu.memref_slice %arg9[%arg0, %mul3A_30] : memref<2x102400xf32, #tpu.memory_space<hbm>> -> memref<1x6400xf32, #tpu.memory_space<hbm>>
      %dma_start3A_33 = tpu.memref_squeeze %dma_start3A_32 : memref<1x6400xf32, #tpu.memory_space<hbm>> -> memref<6400xf32, #tpu.memory_space<hbm>>
      tpu.enqueue_dma source(%arg34 : memref<6400xf32, #tpu.memory_space<vmem>>) target(%dma_start3A_33 : memref<6400xf32, #tpu.memory_space<hbm>>) target_semaphore(%run_scoped3A : memref<!tpu.dma_semaphore, #tpu.memory_space<semaphore_mem>>)
      %dma_wait3A = tpu.memref_slice %arg9[%arg0, %mul3A_30] : memref<2x102400xf32, #tpu.memory_space<hbm>> -> memref<1x6400xf32, #tpu.memory_space<hbm>>
      %dma_wait3A_34 = tpu.memref_squeeze %dma_wait3A : memref<1x6400xf32, #tpu.memory_space<hbm>> -> memref<6400xf32, #tpu.memory_space<hbm>>
      %dma_wait3A_35 = tpu.memref_slice %arg9[%arg0, %mul3A_30] : memref<2x102400xf32, #tpu.memory_space<hbm>> -> memref<1x6400xf32, #tpu.memory_space<hbm>>
      %dma_wait3A_36 = tpu.memref_squeeze %dma_wait3A_35 : memref<1x6400xf32, #tpu.memory_space<hbm>> -> memref<6400xf32, #tpu.memory_space<hbm>>
      tpu.wait_dma2 semaphore(%run_scoped3A : memref<!tpu.dma_semaphore, #tpu.memory_space<semaphore_mem>>) src(%arg34 : memref<6400xf32, #tpu.memory_space<vmem>>) dst(%dma_wait3A_36 : memref<6400xf32, #tpu.memory_space<hbm>>)
      tpu.yield
    }) : () -> ()
    return
  }
}

module attributes {stable_mosaic.version = 14 : i64} {
  func.func @_atom_body(%arg0: memref<800x128xf32, #tpu.memory_space<vmem>>, %arg1: memref<800x128xi32, #tpu.memory_space<vmem>>, %arg2: memref<800x128xf32, #tpu.memory_space<vmem>>) attributes {dimension_semantics = [], scalar_prefetch = 0 : i64, scratch_operands = 0 : i64, tpu.core_type = #tpu.core_type<tc>} {
    %get3A = arith.constant 0 : index
    %get3A_0 = arith.constant 0 : index
    %get3A_1 = vector.load %arg0[%get3A, %get3A_0] : memref<800x128xf32, #tpu.memory_space<vmem>>, vector<800x128xf32>
    %get3A_2 = arith.constant 0 : index
    %get3A_3 = arith.constant 0 : index
    %get3A_4 = vector.load %arg1[%get3A_2, %get3A_3] : memref<800x128xi32, #tpu.memory_space<vmem>>, vector<800x128xi32>
    %eq3A = arith.constant 0 : i32
    %eq3A_5 = vector.broadcast %eq3A : i32 to vector<800x128xi32>
    %eq3A_6 = arith.cmpi eq, %get3A_4, %eq3A_5 : vector<800x128xi32>
    %jit3A = arith.constant 0.000000e+00 : f32
    %broadcast_in_dim3A = vector.broadcast %jit3A : f32 to vector<800x128xf32>
    %select_n3A = arith.select %eq3A_6, %get3A_1, %broadcast_in_dim3A : vector<800x128xi1>, vector<800x128xf32>
    %reduce_sum3A = vector.shape_cast %select_n3A : vector<800x128xf32> to vector<1x800x128xf32>
    %reduce_sum3A_7 = arith.constant dense<0.000000e+00> : vector<1xf32>
    %reduce_sum3A_8 = vector.multi_reduction <add>, %reduce_sum3A, %reduce_sum3A_7 [1, 2] : vector<1x800x128xf32> to vector<1xf32>
    %reduce_sum3A_9 = vector.shape_cast %reduce_sum3A_8 : vector<1xf32> to vector<1x1x1xf32>
    %reduce_sum3A_10 = vector.extract %reduce_sum3A_9[0, 0, 0] : f32 from vector<1x1x1xf32>
    %jit3A_11 = arith.constant 1.000000e+00 : f32
    %jit3A_12 = arith.constant 0.000000e+00 : f32
    %broadcast_in_dim3A_13 = vector.broadcast %jit3A_11 : f32 to vector<800x128xf32>
    %broadcast_in_dim3A_14 = vector.broadcast %jit3A_12 : f32 to vector<800x128xf32>
    %select_n3A_15 = arith.select %eq3A_6, %broadcast_in_dim3A_13, %broadcast_in_dim3A_14 : vector<800x128xi1>, vector<800x128xf32>
    %reduce_sum3A_16 = vector.shape_cast %select_n3A_15 : vector<800x128xf32> to vector<1x800x128xf32>
    %reduce_sum3A_17 = arith.constant dense<0.000000e+00> : vector<1xf32>
    %reduce_sum3A_18 = vector.multi_reduction <add>, %reduce_sum3A_16, %reduce_sum3A_17 [1, 2] : vector<1x800x128xf32> to vector<1xf32>
    %reduce_sum3A_19 = vector.shape_cast %reduce_sum3A_18 : vector<1xf32> to vector<1x1x1xf32>
    %reduce_sum3A_20 = vector.extract %reduce_sum3A_19[0, 0, 0] : f32 from vector<1x1x1xf32>
    %neg3A = arith.constant 0.000000e+00 : f32
    %neg3A_21 = arith.subf %neg3A, %reduce_sum3A_10 : f32
    %max3A = arith.constant 1.000000e+00 : f32
    %max3A_22 = arith.maximumf %reduce_sum3A_20, %max3A : f32
    %div3A = arith.divf %neg3A_21, %max3A_22 : f32
    %eq3A_23 = arith.constant 1 : i32
    %eq3A_24 = vector.broadcast %eq3A_23 : i32 to vector<800x128xi32>
    %eq3A_25 = arith.cmpi eq, %get3A_4, %eq3A_24 : vector<800x128xi32>
    %jit3A_26 = arith.constant 0.000000e+00 : f32
    %broadcast_in_dim3A_27 = vector.broadcast %jit3A_26 : f32 to vector<800x128xf32>
    %select_n3A_28 = arith.select %eq3A_25, %get3A_1, %broadcast_in_dim3A_27 : vector<800x128xi1>, vector<800x128xf32>
    %reduce_sum3A_29 = vector.shape_cast %select_n3A_28 : vector<800x128xf32> to vector<1x800x128xf32>
    %reduce_sum3A_30 = arith.constant dense<0.000000e+00> : vector<1xf32>
    %reduce_sum3A_31 = vector.multi_reduction <add>, %reduce_sum3A_29, %reduce_sum3A_30 [1, 2] : vector<1x800x128xf32> to vector<1xf32>
    %reduce_sum3A_32 = vector.shape_cast %reduce_sum3A_31 : vector<1xf32> to vector<1x1x1xf32>
    %reduce_sum3A_33 = vector.extract %reduce_sum3A_32[0, 0, 0] : f32 from vector<1x1x1xf32>
    %jit3A_34 = arith.constant 1.000000e+00 : f32
    %jit3A_35 = arith.constant 0.000000e+00 : f32
    %broadcast_in_dim3A_36 = vector.broadcast %jit3A_34 : f32 to vector<800x128xf32>
    %broadcast_in_dim3A_37 = vector.broadcast %jit3A_35 : f32 to vector<800x128xf32>
    %select_n3A_38 = arith.select %eq3A_25, %broadcast_in_dim3A_36, %broadcast_in_dim3A_37 : vector<800x128xi1>, vector<800x128xf32>
    %reduce_sum3A_39 = vector.shape_cast %select_n3A_38 : vector<800x128xf32> to vector<1x800x128xf32>
    %reduce_sum3A_40 = arith.constant dense<0.000000e+00> : vector<1xf32>
    %reduce_sum3A_41 = vector.multi_reduction <add>, %reduce_sum3A_39, %reduce_sum3A_40 [1, 2] : vector<1x800x128xf32> to vector<1xf32>
    %reduce_sum3A_42 = vector.shape_cast %reduce_sum3A_41 : vector<1xf32> to vector<1x1x1xf32>
    %reduce_sum3A_43 = vector.extract %reduce_sum3A_42[0, 0, 0] : f32 from vector<1x1x1xf32>
    %neg3A_44 = arith.constant 0.000000e+00 : f32
    %neg3A_45 = arith.subf %neg3A_44, %reduce_sum3A_33 : f32
    %max3A_46 = arith.constant 1.000000e+00 : f32
    %max3A_47 = arith.maximumf %reduce_sum3A_43, %max3A_46 : f32
    %div3A_48 = arith.divf %neg3A_45, %max3A_47 : f32
    %eq3A_49 = arith.constant 2 : i32
    %eq3A_50 = vector.broadcast %eq3A_49 : i32 to vector<800x128xi32>
    %eq3A_51 = arith.cmpi eq, %get3A_4, %eq3A_50 : vector<800x128xi32>
    %jit3A_52 = arith.constant 0.000000e+00 : f32
    %broadcast_in_dim3A_53 = vector.broadcast %jit3A_52 : f32 to vector<800x128xf32>
    %select_n3A_54 = arith.select %eq3A_51, %get3A_1, %broadcast_in_dim3A_53 : vector<800x128xi1>, vector<800x128xf32>
    %reduce_sum3A_55 = vector.shape_cast %select_n3A_54 : vector<800x128xf32> to vector<1x800x128xf32>
    %reduce_sum3A_56 = arith.constant dense<0.000000e+00> : vector<1xf32>
    %reduce_sum3A_57 = vector.multi_reduction <add>, %reduce_sum3A_55, %reduce_sum3A_56 [1, 2] : vector<1x800x128xf32> to vector<1xf32>
    %reduce_sum3A_58 = vector.shape_cast %reduce_sum3A_57 : vector<1xf32> to vector<1x1x1xf32>
    %reduce_sum3A_59 = vector.extract %reduce_sum3A_58[0, 0, 0] : f32 from vector<1x1x1xf32>
    %jit3A_60 = arith.constant 1.000000e+00 : f32
    %jit3A_61 = arith.constant 0.000000e+00 : f32
    %broadcast_in_dim3A_62 = vector.broadcast %jit3A_60 : f32 to vector<800x128xf32>
    %broadcast_in_dim3A_63 = vector.broadcast %jit3A_61 : f32 to vector<800x128xf32>
    %select_n3A_64 = arith.select %eq3A_51, %broadcast_in_dim3A_62, %broadcast_in_dim3A_63 : vector<800x128xi1>, vector<800x128xf32>
    %reduce_sum3A_65 = vector.shape_cast %select_n3A_64 : vector<800x128xf32> to vector<1x800x128xf32>
    %reduce_sum3A_66 = arith.constant dense<0.000000e+00> : vector<1xf32>
    %reduce_sum3A_67 = vector.multi_reduction <add>, %reduce_sum3A_65, %reduce_sum3A_66 [1, 2] : vector<1x800x128xf32> to vector<1xf32>
    %reduce_sum3A_68 = vector.shape_cast %reduce_sum3A_67 : vector<1xf32> to vector<1x1x1xf32>
    %reduce_sum3A_69 = vector.extract %reduce_sum3A_68[0, 0, 0] : f32 from vector<1x1x1xf32>
    %neg3A_70 = arith.constant 0.000000e+00 : f32
    %neg3A_71 = arith.subf %neg3A_70, %reduce_sum3A_59 : f32
    %max3A_72 = arith.constant 1.000000e+00 : f32
    %max3A_73 = arith.maximumf %reduce_sum3A_69, %max3A_72 : f32
    %div3A_74 = arith.divf %neg3A_71, %max3A_73 : f32
    %eq3A_75 = arith.constant 3 : i32
    %eq3A_76 = vector.broadcast %eq3A_75 : i32 to vector<800x128xi32>
    %eq3A_77 = arith.cmpi eq, %get3A_4, %eq3A_76 : vector<800x128xi32>
    %jit3A_78 = arith.constant 0.000000e+00 : f32
    %broadcast_in_dim3A_79 = vector.broadcast %jit3A_78 : f32 to vector<800x128xf32>
    %select_n3A_80 = arith.select %eq3A_77, %get3A_1, %broadcast_in_dim3A_79 : vector<800x128xi1>, vector<800x128xf32>
    %reduce_sum3A_81 = vector.shape_cast %select_n3A_80 : vector<800x128xf32> to vector<1x800x128xf32>
    %reduce_sum3A_82 = arith.constant dense<0.000000e+00> : vector<1xf32>
    %reduce_sum3A_83 = vector.multi_reduction <add>, %reduce_sum3A_81, %reduce_sum3A_82 [1, 2] : vector<1x800x128xf32> to vector<1xf32>
    %reduce_sum3A_84 = vector.shape_cast %reduce_sum3A_83 : vector<1xf32> to vector<1x1x1xf32>
    %reduce_sum3A_85 = vector.extract %reduce_sum3A_84[0, 0, 0] : f32 from vector<1x1x1xf32>
    %jit3A_86 = arith.constant 1.000000e+00 : f32
    %jit3A_87 = arith.constant 0.000000e+00 : f32
    %broadcast_in_dim3A_88 = vector.broadcast %jit3A_86 : f32 to vector<800x128xf32>
    %broadcast_in_dim3A_89 = vector.broadcast %jit3A_87 : f32 to vector<800x128xf32>
    %select_n3A_90 = arith.select %eq3A_77, %broadcast_in_dim3A_88, %broadcast_in_dim3A_89 : vector<800x128xi1>, vector<800x128xf32>
    %reduce_sum3A_91 = vector.shape_cast %select_n3A_90 : vector<800x128xf32> to vector<1x800x128xf32>
    %reduce_sum3A_92 = arith.constant dense<0.000000e+00> : vector<1xf32>
    %reduce_sum3A_93 = vector.multi_reduction <add>, %reduce_sum3A_91, %reduce_sum3A_92 [1, 2] : vector<1x800x128xf32> to vector<1xf32>
    %reduce_sum3A_94 = vector.shape_cast %reduce_sum3A_93 : vector<1xf32> to vector<1x1x1xf32>
    %reduce_sum3A_95 = vector.extract %reduce_sum3A_94[0, 0, 0] : f32 from vector<1x1x1xf32>
    %neg3A_96 = arith.constant 0.000000e+00 : f32
    %neg3A_97 = arith.subf %neg3A_96, %reduce_sum3A_85 : f32
    %max3A_98 = arith.constant 1.000000e+00 : f32
    %max3A_99 = arith.maximumf %reduce_sum3A_95, %max3A_98 : f32
    %div3A_100 = arith.divf %neg3A_97, %max3A_99 : f32
    %eq3A_101 = arith.constant 4 : i32
    %eq3A_102 = vector.broadcast %eq3A_101 : i32 to vector<800x128xi32>
    %eq3A_103 = arith.cmpi eq, %get3A_4, %eq3A_102 : vector<800x128xi32>
    %jit3A_104 = arith.constant 0.000000e+00 : f32
    %broadcast_in_dim3A_105 = vector.broadcast %jit3A_104 : f32 to vector<800x128xf32>
    %select_n3A_106 = arith.select %eq3A_103, %get3A_1, %broadcast_in_dim3A_105 : vector<800x128xi1>, vector<800x128xf32>
    %reduce_sum3A_107 = vector.shape_cast %select_n3A_106 : vector<800x128xf32> to vector<1x800x128xf32>
    %reduce_sum3A_108 = arith.constant dense<0.000000e+00> : vector<1xf32>
    %reduce_sum3A_109 = vector.multi_reduction <add>, %reduce_sum3A_107, %reduce_sum3A_108 [1, 2] : vector<1x800x128xf32> to vector<1xf32>
    %reduce_sum3A_110 = vector.shape_cast %reduce_sum3A_109 : vector<1xf32> to vector<1x1x1xf32>
    %reduce_sum3A_111 = vector.extract %reduce_sum3A_110[0, 0, 0] : f32 from vector<1x1x1xf32>
    %jit3A_112 = arith.constant 1.000000e+00 : f32
    %jit3A_113 = arith.constant 0.000000e+00 : f32
    %broadcast_in_dim3A_114 = vector.broadcast %jit3A_112 : f32 to vector<800x128xf32>
    %broadcast_in_dim3A_115 = vector.broadcast %jit3A_113 : f32 to vector<800x128xf32>
    %select_n3A_116 = arith.select %eq3A_103, %broadcast_in_dim3A_114, %broadcast_in_dim3A_115 : vector<800x128xi1>, vector<800x128xf32>
    %reduce_sum3A_117 = vector.shape_cast %select_n3A_116 : vector<800x128xf32> to vector<1x800x128xf32>
    %reduce_sum3A_118 = arith.constant dense<0.000000e+00> : vector<1xf32>
    %reduce_sum3A_119 = vector.multi_reduction <add>, %reduce_sum3A_117, %reduce_sum3A_118 [1, 2] : vector<1x800x128xf32> to vector<1xf32>
    %reduce_sum3A_120 = vector.shape_cast %reduce_sum3A_119 : vector<1xf32> to vector<1x1x1xf32>
    %reduce_sum3A_121 = vector.extract %reduce_sum3A_120[0, 0, 0] : f32 from vector<1x1x1xf32>
    %neg3A_122 = arith.constant 0.000000e+00 : f32
    %neg3A_123 = arith.subf %neg3A_122, %reduce_sum3A_111 : f32
    %max3A_124 = arith.constant 1.000000e+00 : f32
    %max3A_125 = arith.maximumf %reduce_sum3A_121, %max3A_124 : f32
    %div3A_126 = arith.divf %neg3A_123, %max3A_125 : f32
    %eq3A_127 = arith.constant 5 : i32
    %eq3A_128 = vector.broadcast %eq3A_127 : i32 to vector<800x128xi32>
    %eq3A_129 = arith.cmpi eq, %get3A_4, %eq3A_128 : vector<800x128xi32>
    %jit3A_130 = arith.constant 0.000000e+00 : f32
    %broadcast_in_dim3A_131 = vector.broadcast %jit3A_130 : f32 to vector<800x128xf32>
    %select_n3A_132 = arith.select %eq3A_129, %get3A_1, %broadcast_in_dim3A_131 : vector<800x128xi1>, vector<800x128xf32>
    %reduce_sum3A_133 = vector.shape_cast %select_n3A_132 : vector<800x128xf32> to vector<1x800x128xf32>
    %reduce_sum3A_134 = arith.constant dense<0.000000e+00> : vector<1xf32>
    %reduce_sum3A_135 = vector.multi_reduction <add>, %reduce_sum3A_133, %reduce_sum3A_134 [1, 2] : vector<1x800x128xf32> to vector<1xf32>
    %reduce_sum3A_136 = vector.shape_cast %reduce_sum3A_135 : vector<1xf32> to vector<1x1x1xf32>
    %reduce_sum3A_137 = vector.extract %reduce_sum3A_136[0, 0, 0] : f32 from vector<1x1x1xf32>
    %jit3A_138 = arith.constant 1.000000e+00 : f32
    %jit3A_139 = arith.constant 0.000000e+00 : f32
    %broadcast_in_dim3A_140 = vector.broadcast %jit3A_138 : f32 to vector<800x128xf32>
    %broadcast_in_dim3A_141 = vector.broadcast %jit3A_139 : f32 to vector<800x128xf32>
    %select_n3A_142 = arith.select %eq3A_129, %broadcast_in_dim3A_140, %broadcast_in_dim3A_141 : vector<800x128xi1>, vector<800x128xf32>
    %reduce_sum3A_143 = vector.shape_cast %select_n3A_142 : vector<800x128xf32> to vector<1x800x128xf32>
    %reduce_sum3A_144 = arith.constant dense<0.000000e+00> : vector<1xf32>
    %reduce_sum3A_145 = vector.multi_reduction <add>, %reduce_sum3A_143, %reduce_sum3A_144 [1, 2] : vector<1x800x128xf32> to vector<1xf32>
    %reduce_sum3A_146 = vector.shape_cast %reduce_sum3A_145 : vector<1xf32> to vector<1x1x1xf32>
    %reduce_sum3A_147 = vector.extract %reduce_sum3A_146[0, 0, 0] : f32 from vector<1x1x1xf32>
    %neg3A_148 = arith.constant 0.000000e+00 : f32
    %neg3A_149 = arith.subf %neg3A_148, %reduce_sum3A_137 : f32
    %max3A_150 = arith.constant 1.000000e+00 : f32
    %max3A_151 = arith.maximumf %reduce_sum3A_147, %max3A_150 : f32
    %div3A_152 = arith.divf %neg3A_149, %max3A_151 : f32
    %eq3A_153 = arith.constant 6 : i32
    %eq3A_154 = vector.broadcast %eq3A_153 : i32 to vector<800x128xi32>
    %eq3A_155 = arith.cmpi eq, %get3A_4, %eq3A_154 : vector<800x128xi32>
    %jit3A_156 = arith.constant 0.000000e+00 : f32
    %broadcast_in_dim3A_157 = vector.broadcast %jit3A_156 : f32 to vector<800x128xf32>
    %select_n3A_158 = arith.select %eq3A_155, %get3A_1, %broadcast_in_dim3A_157 : vector<800x128xi1>, vector<800x128xf32>
    %reduce_sum3A_159 = vector.shape_cast %select_n3A_158 : vector<800x128xf32> to vector<1x800x128xf32>
    %reduce_sum3A_160 = arith.constant dense<0.000000e+00> : vector<1xf32>
    %reduce_sum3A_161 = vector.multi_reduction <add>, %reduce_sum3A_159, %reduce_sum3A_160 [1, 2] : vector<1x800x128xf32> to vector<1xf32>
    %reduce_sum3A_162 = vector.shape_cast %reduce_sum3A_161 : vector<1xf32> to vector<1x1x1xf32>
    %reduce_sum3A_163 = vector.extract %reduce_sum3A_162[0, 0, 0] : f32 from vector<1x1x1xf32>
    %jit3A_164 = arith.constant 1.000000e+00 : f32
    %jit3A_165 = arith.constant 0.000000e+00 : f32
    %broadcast_in_dim3A_166 = vector.broadcast %jit3A_164 : f32 to vector<800x128xf32>
    %broadcast_in_dim3A_167 = vector.broadcast %jit3A_165 : f32 to vector<800x128xf32>
    %select_n3A_168 = arith.select %eq3A_155, %broadcast_in_dim3A_166, %broadcast_in_dim3A_167 : vector<800x128xi1>, vector<800x128xf32>
    %reduce_sum3A_169 = vector.shape_cast %select_n3A_168 : vector<800x128xf32> to vector<1x800x128xf32>
    %reduce_sum3A_170 = arith.constant dense<0.000000e+00> : vector<1xf32>
    %reduce_sum3A_171 = vector.multi_reduction <add>, %reduce_sum3A_169, %reduce_sum3A_170 [1, 2] : vector<1x800x128xf32> to vector<1xf32>
    %reduce_sum3A_172 = vector.shape_cast %reduce_sum3A_171 : vector<1xf32> to vector<1x1x1xf32>
    %reduce_sum3A_173 = vector.extract %reduce_sum3A_172[0, 0, 0] : f32 from vector<1x1x1xf32>
    %neg3A_174 = arith.constant 0.000000e+00 : f32
    %neg3A_175 = arith.subf %neg3A_174, %reduce_sum3A_163 : f32
    %max3A_176 = arith.constant 1.000000e+00 : f32
    %max3A_177 = arith.maximumf %reduce_sum3A_173, %max3A_176 : f32
    %div3A_178 = arith.divf %neg3A_175, %max3A_177 : f32
    %eq3A_179 = arith.constant 7 : i32
    %eq3A_180 = vector.broadcast %eq3A_179 : i32 to vector<800x128xi32>
    %eq3A_181 = arith.cmpi eq, %get3A_4, %eq3A_180 : vector<800x128xi32>
    %jit3A_182 = arith.constant 0.000000e+00 : f32
    %broadcast_in_dim3A_183 = vector.broadcast %jit3A_182 : f32 to vector<800x128xf32>
    %select_n3A_184 = arith.select %eq3A_181, %get3A_1, %broadcast_in_dim3A_183 : vector<800x128xi1>, vector<800x128xf32>
    %reduce_sum3A_185 = vector.shape_cast %select_n3A_184 : vector<800x128xf32> to vector<1x800x128xf32>
    %reduce_sum3A_186 = arith.constant dense<0.000000e+00> : vector<1xf32>
    %reduce_sum3A_187 = vector.multi_reduction <add>, %reduce_sum3A_185, %reduce_sum3A_186 [1, 2] : vector<1x800x128xf32> to vector<1xf32>
    %reduce_sum3A_188 = vector.shape_cast %reduce_sum3A_187 : vector<1xf32> to vector<1x1x1xf32>
    %reduce_sum3A_189 = vector.extract %reduce_sum3A_188[0, 0, 0] : f32 from vector<1x1x1xf32>
    %jit3A_190 = arith.constant 1.000000e+00 : f32
    %jit3A_191 = arith.constant 0.000000e+00 : f32
    %broadcast_in_dim3A_192 = vector.broadcast %jit3A_190 : f32 to vector<800x128xf32>
    %broadcast_in_dim3A_193 = vector.broadcast %jit3A_191 : f32 to vector<800x128xf32>
    %select_n3A_194 = arith.select %eq3A_181, %broadcast_in_dim3A_192, %broadcast_in_dim3A_193 : vector<800x128xi1>, vector<800x128xf32>
    %reduce_sum3A_195 = vector.shape_cast %select_n3A_194 : vector<800x128xf32> to vector<1x800x128xf32>
    %reduce_sum3A_196 = arith.constant dense<0.000000e+00> : vector<1xf32>
    %reduce_sum3A_197 = vector.multi_reduction <add>, %reduce_sum3A_195, %reduce_sum3A_196 [1, 2] : vector<1x800x128xf32> to vector<1xf32>
    %reduce_sum3A_198 = vector.shape_cast %reduce_sum3A_197 : vector<1xf32> to vector<1x1x1xf32>
    %reduce_sum3A_199 = vector.extract %reduce_sum3A_198[0, 0, 0] : f32 from vector<1x1x1xf32>
    %neg3A_200 = arith.constant 0.000000e+00 : f32
    %neg3A_201 = arith.subf %neg3A_200, %reduce_sum3A_189 : f32
    %max3A_202 = arith.constant 1.000000e+00 : f32
    %max3A_203 = arith.maximumf %reduce_sum3A_199, %max3A_202 : f32
    %div3A_204 = arith.divf %neg3A_201, %max3A_203 : f32
    %eq3A_205 = arith.constant 8 : i32
    %eq3A_206 = vector.broadcast %eq3A_205 : i32 to vector<800x128xi32>
    %eq3A_207 = arith.cmpi eq, %get3A_4, %eq3A_206 : vector<800x128xi32>
    %jit3A_208 = arith.constant 0.000000e+00 : f32
    %broadcast_in_dim3A_209 = vector.broadcast %jit3A_208 : f32 to vector<800x128xf32>
    %select_n3A_210 = arith.select %eq3A_207, %get3A_1, %broadcast_in_dim3A_209 : vector<800x128xi1>, vector<800x128xf32>
    %reduce_sum3A_211 = vector.shape_cast %select_n3A_210 : vector<800x128xf32> to vector<1x800x128xf32>
    %reduce_sum3A_212 = arith.constant dense<0.000000e+00> : vector<1xf32>
    %reduce_sum3A_213 = vector.multi_reduction <add>, %reduce_sum3A_211, %reduce_sum3A_212 [1, 2] : vector<1x800x128xf32> to vector<1xf32>
    %reduce_sum3A_214 = vector.shape_cast %reduce_sum3A_213 : vector<1xf32> to vector<1x1x1xf32>
    %reduce_sum3A_215 = vector.extract %reduce_sum3A_214[0, 0, 0] : f32 from vector<1x1x1xf32>
    %jit3A_216 = arith.constant 1.000000e+00 : f32
    %jit3A_217 = arith.constant 0.000000e+00 : f32
    %broadcast_in_dim3A_218 = vector.broadcast %jit3A_216 : f32 to vector<800x128xf32>
    %broadcast_in_dim3A_219 = vector.broadcast %jit3A_217 : f32 to vector<800x128xf32>
    %select_n3A_220 = arith.select %eq3A_207, %broadcast_in_dim3A_218, %broadcast_in_dim3A_219 : vector<800x128xi1>, vector<800x128xf32>
    %reduce_sum3A_221 = vector.shape_cast %select_n3A_220 : vector<800x128xf32> to vector<1x800x128xf32>
    %reduce_sum3A_222 = arith.constant dense<0.000000e+00> : vector<1xf32>
    %reduce_sum3A_223 = vector.multi_reduction <add>, %reduce_sum3A_221, %reduce_sum3A_222 [1, 2] : vector<1x800x128xf32> to vector<1xf32>
    %reduce_sum3A_224 = vector.shape_cast %reduce_sum3A_223 : vector<1xf32> to vector<1x1x1xf32>
    %reduce_sum3A_225 = vector.extract %reduce_sum3A_224[0, 0, 0] : f32 from vector<1x1x1xf32>
    %neg3A_226 = arith.constant 0.000000e+00 : f32
    %neg3A_227 = arith.subf %neg3A_226, %reduce_sum3A_215 : f32
    %max3A_228 = arith.constant 1.000000e+00 : f32
    %max3A_229 = arith.maximumf %reduce_sum3A_225, %max3A_228 : f32
    %div3A_230 = arith.divf %neg3A_227, %max3A_229 : f32
    %eq3A_231 = arith.constant 9 : i32
    %eq3A_232 = vector.broadcast %eq3A_231 : i32 to vector<800x128xi32>
    %eq3A_233 = arith.cmpi eq, %get3A_4, %eq3A_232 : vector<800x128xi32>
    %jit3A_234 = arith.constant 0.000000e+00 : f32
    %broadcast_in_dim3A_235 = vector.broadcast %jit3A_234 : f32 to vector<800x128xf32>
    %select_n3A_236 = arith.select %eq3A_233, %get3A_1, %broadcast_in_dim3A_235 : vector<800x128xi1>, vector<800x128xf32>
    %reduce_sum3A_237 = vector.shape_cast %select_n3A_236 : vector<800x128xf32> to vector<1x800x128xf32>
    %reduce_sum3A_238 = arith.constant dense<0.000000e+00> : vector<1xf32>
    %reduce_sum3A_239 = vector.multi_reduction <add>, %reduce_sum3A_237, %reduce_sum3A_238 [1, 2] : vector<1x800x128xf32> to vector<1xf32>
    %reduce_sum3A_240 = vector.shape_cast %reduce_sum3A_239 : vector<1xf32> to vector<1x1x1xf32>
    %reduce_sum3A_241 = vector.extract %reduce_sum3A_240[0, 0, 0] : f32 from vector<1x1x1xf32>
    %jit3A_242 = arith.constant 1.000000e+00 : f32
    %jit3A_243 = arith.constant 0.000000e+00 : f32
    %broadcast_in_dim3A_244 = vector.broadcast %jit3A_242 : f32 to vector<800x128xf32>
    %broadcast_in_dim3A_245 = vector.broadcast %jit3A_243 : f32 to vector<800x128xf32>
    %select_n3A_246 = arith.select %eq3A_233, %broadcast_in_dim3A_244, %broadcast_in_dim3A_245 : vector<800x128xi1>, vector<800x128xf32>
    %reduce_sum3A_247 = vector.shape_cast %select_n3A_246 : vector<800x128xf32> to vector<1x800x128xf32>
    %reduce_sum3A_248 = arith.constant dense<0.000000e+00> : vector<1xf32>
    %reduce_sum3A_249 = vector.multi_reduction <add>, %reduce_sum3A_247, %reduce_sum3A_248 [1, 2] : vector<1x800x128xf32> to vector<1xf32>
    %reduce_sum3A_250 = vector.shape_cast %reduce_sum3A_249 : vector<1xf32> to vector<1x1x1xf32>
    %reduce_sum3A_251 = vector.extract %reduce_sum3A_250[0, 0, 0] : f32 from vector<1x1x1xf32>
    %neg3A_252 = arith.constant 0.000000e+00 : f32
    %neg3A_253 = arith.subf %neg3A_252, %reduce_sum3A_241 : f32
    %max3A_254 = arith.constant 1.000000e+00 : f32
    %max3A_255 = arith.maximumf %reduce_sum3A_251, %max3A_254 : f32
    %div3A_256 = arith.divf %neg3A_253, %max3A_255 : f32
    %eq3A_257 = arith.constant 10 : i32
    %eq3A_258 = vector.broadcast %eq3A_257 : i32 to vector<800x128xi32>
    %eq3A_259 = arith.cmpi eq, %get3A_4, %eq3A_258 : vector<800x128xi32>
    %jit3A_260 = arith.constant 0.000000e+00 : f32
    %broadcast_in_dim3A_261 = vector.broadcast %jit3A_260 : f32 to vector<800x128xf32>
    %select_n3A_262 = arith.select %eq3A_259, %get3A_1, %broadcast_in_dim3A_261 : vector<800x128xi1>, vector<800x128xf32>
    %reduce_sum3A_263 = vector.shape_cast %select_n3A_262 : vector<800x128xf32> to vector<1x800x128xf32>
    %reduce_sum3A_264 = arith.constant dense<0.000000e+00> : vector<1xf32>
    %reduce_sum3A_265 = vector.multi_reduction <add>, %reduce_sum3A_263, %reduce_sum3A_264 [1, 2] : vector<1x800x128xf32> to vector<1xf32>
    %reduce_sum3A_266 = vector.shape_cast %reduce_sum3A_265 : vector<1xf32> to vector<1x1x1xf32>
    %reduce_sum3A_267 = vector.extract %reduce_sum3A_266[0, 0, 0] : f32 from vector<1x1x1xf32>
    %jit3A_268 = arith.constant 1.000000e+00 : f32
    %jit3A_269 = arith.constant 0.000000e+00 : f32
    %broadcast_in_dim3A_270 = vector.broadcast %jit3A_268 : f32 to vector<800x128xf32>
    %broadcast_in_dim3A_271 = vector.broadcast %jit3A_269 : f32 to vector<800x128xf32>
    %select_n3A_272 = arith.select %eq3A_259, %broadcast_in_dim3A_270, %broadcast_in_dim3A_271 : vector<800x128xi1>, vector<800x128xf32>
    %reduce_sum3A_273 = vector.shape_cast %select_n3A_272 : vector<800x128xf32> to vector<1x800x128xf32>
    %reduce_sum3A_274 = arith.constant dense<0.000000e+00> : vector<1xf32>
    %reduce_sum3A_275 = vector.multi_reduction <add>, %reduce_sum3A_273, %reduce_sum3A_274 [1, 2] : vector<1x800x128xf32> to vector<1xf32>
    %reduce_sum3A_276 = vector.shape_cast %reduce_sum3A_275 : vector<1xf32> to vector<1x1x1xf32>
    %reduce_sum3A_277 = vector.extract %reduce_sum3A_276[0, 0, 0] : f32 from vector<1x1x1xf32>
    %neg3A_278 = arith.constant 0.000000e+00 : f32
    %neg3A_279 = arith.subf %neg3A_278, %reduce_sum3A_267 : f32
    %max3A_280 = arith.constant 1.000000e+00 : f32
    %max3A_281 = arith.maximumf %reduce_sum3A_277, %max3A_280 : f32
    %div3A_282 = arith.divf %neg3A_279, %max3A_281 : f32
    %eq3A_283 = arith.constant 11 : i32
    %eq3A_284 = vector.broadcast %eq3A_283 : i32 to vector<800x128xi32>
    %eq3A_285 = arith.cmpi eq, %get3A_4, %eq3A_284 : vector<800x128xi32>
    %jit3A_286 = arith.constant 0.000000e+00 : f32
    %broadcast_in_dim3A_287 = vector.broadcast %jit3A_286 : f32 to vector<800x128xf32>
    %select_n3A_288 = arith.select %eq3A_285, %get3A_1, %broadcast_in_dim3A_287 : vector<800x128xi1>, vector<800x128xf32>
    %reduce_sum3A_289 = vector.shape_cast %select_n3A_288 : vector<800x128xf32> to vector<1x800x128xf32>
    %reduce_sum3A_290 = arith.constant dense<0.000000e+00> : vector<1xf32>
    %reduce_sum3A_291 = vector.multi_reduction <add>, %reduce_sum3A_289, %reduce_sum3A_290 [1, 2] : vector<1x800x128xf32> to vector<1xf32>
    %reduce_sum3A_292 = vector.shape_cast %reduce_sum3A_291 : vector<1xf32> to vector<1x1x1xf32>
    %reduce_sum3A_293 = vector.extract %reduce_sum3A_292[0, 0, 0] : f32 from vector<1x1x1xf32>
    %jit3A_294 = arith.constant 1.000000e+00 : f32
    %jit3A_295 = arith.constant 0.000000e+00 : f32
    %broadcast_in_dim3A_296 = vector.broadcast %jit3A_294 : f32 to vector<800x128xf32>
    %broadcast_in_dim3A_297 = vector.broadcast %jit3A_295 : f32 to vector<800x128xf32>
    %select_n3A_298 = arith.select %eq3A_285, %broadcast_in_dim3A_296, %broadcast_in_dim3A_297 : vector<800x128xi1>, vector<800x128xf32>
    %reduce_sum3A_299 = vector.shape_cast %select_n3A_298 : vector<800x128xf32> to vector<1x800x128xf32>
    %reduce_sum3A_300 = arith.constant dense<0.000000e+00> : vector<1xf32>
    %reduce_sum3A_301 = vector.multi_reduction <add>, %reduce_sum3A_299, %reduce_sum3A_300 [1, 2] : vector<1x800x128xf32> to vector<1xf32>
    %reduce_sum3A_302 = vector.shape_cast %reduce_sum3A_301 : vector<1xf32> to vector<1x1x1xf32>
    %reduce_sum3A_303 = vector.extract %reduce_sum3A_302[0, 0, 0] : f32 from vector<1x1x1xf32>
    %neg3A_304 = arith.constant 0.000000e+00 : f32
    %neg3A_305 = arith.subf %neg3A_304, %reduce_sum3A_293 : f32
    %max3A_306 = arith.constant 1.000000e+00 : f32
    %max3A_307 = arith.maximumf %reduce_sum3A_303, %max3A_306 : f32
    %div3A_308 = arith.divf %neg3A_305, %max3A_307 : f32
    %eq3A_309 = arith.constant 12 : i32
    %eq3A_310 = vector.broadcast %eq3A_309 : i32 to vector<800x128xi32>
    %eq3A_311 = arith.cmpi eq, %get3A_4, %eq3A_310 : vector<800x128xi32>
    %jit3A_312 = arith.constant 0.000000e+00 : f32
    %broadcast_in_dim3A_313 = vector.broadcast %jit3A_312 : f32 to vector<800x128xf32>
    %select_n3A_314 = arith.select %eq3A_311, %get3A_1, %broadcast_in_dim3A_313 : vector<800x128xi1>, vector<800x128xf32>
    %reduce_sum3A_315 = vector.shape_cast %select_n3A_314 : vector<800x128xf32> to vector<1x800x128xf32>
    %reduce_sum3A_316 = arith.constant dense<0.000000e+00> : vector<1xf32>
    %reduce_sum3A_317 = vector.multi_reduction <add>, %reduce_sum3A_315, %reduce_sum3A_316 [1, 2] : vector<1x800x128xf32> to vector<1xf32>
    %reduce_sum3A_318 = vector.shape_cast %reduce_sum3A_317 : vector<1xf32> to vector<1x1x1xf32>
    %reduce_sum3A_319 = vector.extract %reduce_sum3A_318[0, 0, 0] : f32 from vector<1x1x1xf32>
    %jit3A_320 = arith.constant 1.000000e+00 : f32
    %jit3A_321 = arith.constant 0.000000e+00 : f32
    %broadcast_in_dim3A_322 = vector.broadcast %jit3A_320 : f32 to vector<800x128xf32>
    %broadcast_in_dim3A_323 = vector.broadcast %jit3A_321 : f32 to vector<800x128xf32>
    %select_n3A_324 = arith.select %eq3A_311, %broadcast_in_dim3A_322, %broadcast_in_dim3A_323 : vector<800x128xi1>, vector<800x128xf32>
    %reduce_sum3A_325 = vector.shape_cast %select_n3A_324 : vector<800x128xf32> to vector<1x800x128xf32>
    %reduce_sum3A_326 = arith.constant dense<0.000000e+00> : vector<1xf32>
    %reduce_sum3A_327 = vector.multi_reduction <add>, %reduce_sum3A_325, %reduce_sum3A_326 [1, 2] : vector<1x800x128xf32> to vector<1xf32>
    %reduce_sum3A_328 = vector.shape_cast %reduce_sum3A_327 : vector<1xf32> to vector<1x1x1xf32>
    %reduce_sum3A_329 = vector.extract %reduce_sum3A_328[0, 0, 0] : f32 from vector<1x1x1xf32>
    %neg3A_330 = arith.constant 0.000000e+00 : f32
    %neg3A_331 = arith.subf %neg3A_330, %reduce_sum3A_319 : f32
    %max3A_332 = arith.constant 1.000000e+00 : f32
    %max3A_333 = arith.maximumf %reduce_sum3A_329, %max3A_332 : f32
    %div3A_334 = arith.divf %neg3A_331, %max3A_333 : f32
    %eq3A_335 = arith.constant 13 : i32
    %eq3A_336 = vector.broadcast %eq3A_335 : i32 to vector<800x128xi32>
    %eq3A_337 = arith.cmpi eq, %get3A_4, %eq3A_336 : vector<800x128xi32>
    %jit3A_338 = arith.constant 0.000000e+00 : f32
    %broadcast_in_dim3A_339 = vector.broadcast %jit3A_338 : f32 to vector<800x128xf32>
    %select_n3A_340 = arith.select %eq3A_337, %get3A_1, %broadcast_in_dim3A_339 : vector<800x128xi1>, vector<800x128xf32>
    %reduce_sum3A_341 = vector.shape_cast %select_n3A_340 : vector<800x128xf32> to vector<1x800x128xf32>
    %reduce_sum3A_342 = arith.constant dense<0.000000e+00> : vector<1xf32>
    %reduce_sum3A_343 = vector.multi_reduction <add>, %reduce_sum3A_341, %reduce_sum3A_342 [1, 2] : vector<1x800x128xf32> to vector<1xf32>
    %reduce_sum3A_344 = vector.shape_cast %reduce_sum3A_343 : vector<1xf32> to vector<1x1x1xf32>
    %reduce_sum3A_345 = vector.extract %reduce_sum3A_344[0, 0, 0] : f32 from vector<1x1x1xf32>
    %jit3A_346 = arith.constant 1.000000e+00 : f32
    %jit3A_347 = arith.constant 0.000000e+00 : f32
    %broadcast_in_dim3A_348 = vector.broadcast %jit3A_346 : f32 to vector<800x128xf32>
    %broadcast_in_dim3A_349 = vector.broadcast %jit3A_347 : f32 to vector<800x128xf32>
    %select_n3A_350 = arith.select %eq3A_337, %broadcast_in_dim3A_348, %broadcast_in_dim3A_349 : vector<800x128xi1>, vector<800x128xf32>
    %reduce_sum3A_351 = vector.shape_cast %select_n3A_350 : vector<800x128xf32> to vector<1x800x128xf32>
    %reduce_sum3A_352 = arith.constant dense<0.000000e+00> : vector<1xf32>
    %reduce_sum3A_353 = vector.multi_reduction <add>, %reduce_sum3A_351, %reduce_sum3A_352 [1, 2] : vector<1x800x128xf32> to vector<1xf32>
    %reduce_sum3A_354 = vector.shape_cast %reduce_sum3A_353 : vector<1xf32> to vector<1x1x1xf32>
    %reduce_sum3A_355 = vector.extract %reduce_sum3A_354[0, 0, 0] : f32 from vector<1x1x1xf32>
    %neg3A_356 = arith.constant 0.000000e+00 : f32
    %neg3A_357 = arith.subf %neg3A_356, %reduce_sum3A_345 : f32
    %max3A_358 = arith.constant 1.000000e+00 : f32
    %max3A_359 = arith.maximumf %reduce_sum3A_355, %max3A_358 : f32
    %div3A_360 = arith.divf %neg3A_357, %max3A_359 : f32
    %eq3A_361 = arith.constant 14 : i32
    %eq3A_362 = vector.broadcast %eq3A_361 : i32 to vector<800x128xi32>
    %eq3A_363 = arith.cmpi eq, %get3A_4, %eq3A_362 : vector<800x128xi32>
    %jit3A_364 = arith.constant 0.000000e+00 : f32
    %broadcast_in_dim3A_365 = vector.broadcast %jit3A_364 : f32 to vector<800x128xf32>
    %select_n3A_366 = arith.select %eq3A_363, %get3A_1, %broadcast_in_dim3A_365 : vector<800x128xi1>, vector<800x128xf32>
    %reduce_sum3A_367 = vector.shape_cast %select_n3A_366 : vector<800x128xf32> to vector<1x800x128xf32>
    %reduce_sum3A_368 = arith.constant dense<0.000000e+00> : vector<1xf32>
    %reduce_sum3A_369 = vector.multi_reduction <add>, %reduce_sum3A_367, %reduce_sum3A_368 [1, 2] : vector<1x800x128xf32> to vector<1xf32>
    %reduce_sum3A_370 = vector.shape_cast %reduce_sum3A_369 : vector<1xf32> to vector<1x1x1xf32>
    %reduce_sum3A_371 = vector.extract %reduce_sum3A_370[0, 0, 0] : f32 from vector<1x1x1xf32>
    %jit3A_372 = arith.constant 1.000000e+00 : f32
    %jit3A_373 = arith.constant 0.000000e+00 : f32
    %broadcast_in_dim3A_374 = vector.broadcast %jit3A_372 : f32 to vector<800x128xf32>
    %broadcast_in_dim3A_375 = vector.broadcast %jit3A_373 : f32 to vector<800x128xf32>
    %select_n3A_376 = arith.select %eq3A_363, %broadcast_in_dim3A_374, %broadcast_in_dim3A_375 : vector<800x128xi1>, vector<800x128xf32>
    %reduce_sum3A_377 = vector.shape_cast %select_n3A_376 : vector<800x128xf32> to vector<1x800x128xf32>
    %reduce_sum3A_378 = arith.constant dense<0.000000e+00> : vector<1xf32>
    %reduce_sum3A_379 = vector.multi_reduction <add>, %reduce_sum3A_377, %reduce_sum3A_378 [1, 2] : vector<1x800x128xf32> to vector<1xf32>
    %reduce_sum3A_380 = vector.shape_cast %reduce_sum3A_379 : vector<1xf32> to vector<1x1x1xf32>
    %reduce_sum3A_381 = vector.extract %reduce_sum3A_380[0, 0, 0] : f32 from vector<1x1x1xf32>
    %neg3A_382 = arith.constant 0.000000e+00 : f32
    %neg3A_383 = arith.subf %neg3A_382, %reduce_sum3A_371 : f32
    %max3A_384 = arith.constant 1.000000e+00 : f32
    %max3A_385 = arith.maximumf %reduce_sum3A_381, %max3A_384 : f32
    %div3A_386 = arith.divf %neg3A_383, %max3A_385 : f32
    %eq3A_387 = arith.constant 15 : i32
    %eq3A_388 = vector.broadcast %eq3A_387 : i32 to vector<800x128xi32>
    %eq3A_389 = arith.cmpi eq, %get3A_4, %eq3A_388 : vector<800x128xi32>
    %jit3A_390 = arith.constant 0.000000e+00 : f32
    %broadcast_in_dim3A_391 = vector.broadcast %jit3A_390 : f32 to vector<800x128xf32>
    %select_n3A_392 = arith.select %eq3A_389, %get3A_1, %broadcast_in_dim3A_391 : vector<800x128xi1>, vector<800x128xf32>
    %reduce_sum3A_393 = vector.shape_cast %select_n3A_392 : vector<800x128xf32> to vector<1x800x128xf32>
    %reduce_sum3A_394 = arith.constant dense<0.000000e+00> : vector<1xf32>
    %reduce_sum3A_395 = vector.multi_reduction <add>, %reduce_sum3A_393, %reduce_sum3A_394 [1, 2] : vector<1x800x128xf32> to vector<1xf32>
    %reduce_sum3A_396 = vector.shape_cast %reduce_sum3A_395 : vector<1xf32> to vector<1x1x1xf32>
    %reduce_sum3A_397 = vector.extract %reduce_sum3A_396[0, 0, 0] : f32 from vector<1x1x1xf32>
    %jit3A_398 = arith.constant 1.000000e+00 : f32
    %jit3A_399 = arith.constant 0.000000e+00 : f32
    %broadcast_in_dim3A_400 = vector.broadcast %jit3A_398 : f32 to vector<800x128xf32>
    %broadcast_in_dim3A_401 = vector.broadcast %jit3A_399 : f32 to vector<800x128xf32>
    %select_n3A_402 = arith.select %eq3A_389, %broadcast_in_dim3A_400, %broadcast_in_dim3A_401 : vector<800x128xi1>, vector<800x128xf32>
    %reduce_sum3A_403 = vector.shape_cast %select_n3A_402 : vector<800x128xf32> to vector<1x800x128xf32>
    %reduce_sum3A_404 = arith.constant dense<0.000000e+00> : vector<1xf32>
    %reduce_sum3A_405 = vector.multi_reduction <add>, %reduce_sum3A_403, %reduce_sum3A_404 [1, 2] : vector<1x800x128xf32> to vector<1xf32>
    %reduce_sum3A_406 = vector.shape_cast %reduce_sum3A_405 : vector<1xf32> to vector<1x1x1xf32>
    %reduce_sum3A_407 = vector.extract %reduce_sum3A_406[0, 0, 0] : f32 from vector<1x1x1xf32>
    %neg3A_408 = arith.constant 0.000000e+00 : f32
    %neg3A_409 = arith.subf %neg3A_408, %reduce_sum3A_397 : f32
    %max3A_410 = arith.constant 1.000000e+00 : f32
    %max3A_411 = arith.maximumf %reduce_sum3A_407, %max3A_410 : f32
    %div3A_412 = arith.divf %neg3A_409, %max3A_411 : f32
    %eq3A_413 = arith.constant 16 : i32
    %eq3A_414 = vector.broadcast %eq3A_413 : i32 to vector<800x128xi32>
    %eq3A_415 = arith.cmpi eq, %get3A_4, %eq3A_414 : vector<800x128xi32>
    %jit3A_416 = arith.constant 0.000000e+00 : f32
    %broadcast_in_dim3A_417 = vector.broadcast %jit3A_416 : f32 to vector<800x128xf32>
    %select_n3A_418 = arith.select %eq3A_415, %get3A_1, %broadcast_in_dim3A_417 : vector<800x128xi1>, vector<800x128xf32>
    %reduce_sum3A_419 = vector.shape_cast %select_n3A_418 : vector<800x128xf32> to vector<1x800x128xf32>
    %reduce_sum3A_420 = arith.constant dense<0.000000e+00> : vector<1xf32>
    %reduce_sum3A_421 = vector.multi_reduction <add>, %reduce_sum3A_419, %reduce_sum3A_420 [1, 2] : vector<1x800x128xf32> to vector<1xf32>
    %reduce_sum3A_422 = vector.shape_cast %reduce_sum3A_421 : vector<1xf32> to vector<1x1x1xf32>
    %reduce_sum3A_423 = vector.extract %reduce_sum3A_422[0, 0, 0] : f32 from vector<1x1x1xf32>
    %jit3A_424 = arith.constant 1.000000e+00 : f32
    %jit3A_425 = arith.constant 0.000000e+00 : f32
    %broadcast_in_dim3A_426 = vector.broadcast %jit3A_424 : f32 to vector<800x128xf32>
    %broadcast_in_dim3A_427 = vector.broadcast %jit3A_425 : f32 to vector<800x128xf32>
    %select_n3A_428 = arith.select %eq3A_415, %broadcast_in_dim3A_426, %broadcast_in_dim3A_427 : vector<800x128xi1>, vector<800x128xf32>
    %reduce_sum3A_429 = vector.shape_cast %select_n3A_428 : vector<800x128xf32> to vector<1x800x128xf32>
    %reduce_sum3A_430 = arith.constant dense<0.000000e+00> : vector<1xf32>
    %reduce_sum3A_431 = vector.multi_reduction <add>, %reduce_sum3A_429, %reduce_sum3A_430 [1, 2] : vector<1x800x128xf32> to vector<1xf32>
    %reduce_sum3A_432 = vector.shape_cast %reduce_sum3A_431 : vector<1xf32> to vector<1x1x1xf32>
    %reduce_sum3A_433 = vector.extract %reduce_sum3A_432[0, 0, 0] : f32 from vector<1x1x1xf32>
    %neg3A_434 = arith.constant 0.000000e+00 : f32
    %neg3A_435 = arith.subf %neg3A_434, %reduce_sum3A_423 : f32
    %max3A_436 = arith.constant 1.000000e+00 : f32
    %max3A_437 = arith.maximumf %reduce_sum3A_433, %max3A_436 : f32
    %div3A_438 = arith.divf %neg3A_435, %max3A_437 : f32
    %eq3A_439 = arith.constant 17 : i32
    %eq3A_440 = vector.broadcast %eq3A_439 : i32 to vector<800x128xi32>
    %eq3A_441 = arith.cmpi eq, %get3A_4, %eq3A_440 : vector<800x128xi32>
    %jit3A_442 = arith.constant 0.000000e+00 : f32
    %broadcast_in_dim3A_443 = vector.broadcast %jit3A_442 : f32 to vector<800x128xf32>
    %select_n3A_444 = arith.select %eq3A_441, %get3A_1, %broadcast_in_dim3A_443 : vector<800x128xi1>, vector<800x128xf32>
    %reduce_sum3A_445 = vector.shape_cast %select_n3A_444 : vector<800x128xf32> to vector<1x800x128xf32>
    %reduce_sum3A_446 = arith.constant dense<0.000000e+00> : vector<1xf32>
    %reduce_sum3A_447 = vector.multi_reduction <add>, %reduce_sum3A_445, %reduce_sum3A_446 [1, 2] : vector<1x800x128xf32> to vector<1xf32>
    %reduce_sum3A_448 = vector.shape_cast %reduce_sum3A_447 : vector<1xf32> to vector<1x1x1xf32>
    %reduce_sum3A_449 = vector.extract %reduce_sum3A_448[0, 0, 0] : f32 from vector<1x1x1xf32>
    %jit3A_450 = arith.constant 1.000000e+00 : f32
    %jit3A_451 = arith.constant 0.000000e+00 : f32
    %broadcast_in_dim3A_452 = vector.broadcast %jit3A_450 : f32 to vector<800x128xf32>
    %broadcast_in_dim3A_453 = vector.broadcast %jit3A_451 : f32 to vector<800x128xf32>
    %select_n3A_454 = arith.select %eq3A_441, %broadcast_in_dim3A_452, %broadcast_in_dim3A_453 : vector<800x128xi1>, vector<800x128xf32>
    %reduce_sum3A_455 = vector.shape_cast %select_n3A_454 : vector<800x128xf32> to vector<1x800x128xf32>
    %reduce_sum3A_456 = arith.constant dense<0.000000e+00> : vector<1xf32>
    %reduce_sum3A_457 = vector.multi_reduction <add>, %reduce_sum3A_455, %reduce_sum3A_456 [1, 2] : vector<1x800x128xf32> to vector<1xf32>
    %reduce_sum3A_458 = vector.shape_cast %reduce_sum3A_457 : vector<1xf32> to vector<1x1x1xf32>
    %reduce_sum3A_459 = vector.extract %reduce_sum3A_458[0, 0, 0] : f32 from vector<1x1x1xf32>
    %neg3A_460 = arith.constant 0.000000e+00 : f32
    %neg3A_461 = arith.subf %neg3A_460, %reduce_sum3A_449 : f32
    %max3A_462 = arith.constant 1.000000e+00 : f32
    %max3A_463 = arith.maximumf %reduce_sum3A_459, %max3A_462 : f32
    %div3A_464 = arith.divf %neg3A_461, %max3A_463 : f32
    %eq3A_465 = arith.constant 18 : i32
    %eq3A_466 = vector.broadcast %eq3A_465 : i32 to vector<800x128xi32>
    %eq3A_467 = arith.cmpi eq, %get3A_4, %eq3A_466 : vector<800x128xi32>
    %jit3A_468 = arith.constant 0.000000e+00 : f32
    %broadcast_in_dim3A_469 = vector.broadcast %jit3A_468 : f32 to vector<800x128xf32>
    %select_n3A_470 = arith.select %eq3A_467, %get3A_1, %broadcast_in_dim3A_469 : vector<800x128xi1>, vector<800x128xf32>
    %reduce_sum3A_471 = vector.shape_cast %select_n3A_470 : vector<800x128xf32> to vector<1x800x128xf32>
    %reduce_sum3A_472 = arith.constant dense<0.000000e+00> : vector<1xf32>
    %reduce_sum3A_473 = vector.multi_reduction <add>, %reduce_sum3A_471, %reduce_sum3A_472 [1, 2] : vector<1x800x128xf32> to vector<1xf32>
    %reduce_sum3A_474 = vector.shape_cast %reduce_sum3A_473 : vector<1xf32> to vector<1x1x1xf32>
    %reduce_sum3A_475 = vector.extract %reduce_sum3A_474[0, 0, 0] : f32 from vector<1x1x1xf32>
    %jit3A_476 = arith.constant 1.000000e+00 : f32
    %jit3A_477 = arith.constant 0.000000e+00 : f32
    %broadcast_in_dim3A_478 = vector.broadcast %jit3A_476 : f32 to vector<800x128xf32>
    %broadcast_in_dim3A_479 = vector.broadcast %jit3A_477 : f32 to vector<800x128xf32>
    %select_n3A_480 = arith.select %eq3A_467, %broadcast_in_dim3A_478, %broadcast_in_dim3A_479 : vector<800x128xi1>, vector<800x128xf32>
    %reduce_sum3A_481 = vector.shape_cast %select_n3A_480 : vector<800x128xf32> to vector<1x800x128xf32>
    %reduce_sum3A_482 = arith.constant dense<0.000000e+00> : vector<1xf32>
    %reduce_sum3A_483 = vector.multi_reduction <add>, %reduce_sum3A_481, %reduce_sum3A_482 [1, 2] : vector<1x800x128xf32> to vector<1xf32>
    %reduce_sum3A_484 = vector.shape_cast %reduce_sum3A_483 : vector<1xf32> to vector<1x1x1xf32>
    %reduce_sum3A_485 = vector.extract %reduce_sum3A_484[0, 0, 0] : f32 from vector<1x1x1xf32>
    %neg3A_486 = arith.constant 0.000000e+00 : f32
    %neg3A_487 = arith.subf %neg3A_486, %reduce_sum3A_475 : f32
    %max3A_488 = arith.constant 1.000000e+00 : f32
    %max3A_489 = arith.maximumf %reduce_sum3A_485, %max3A_488 : f32
    %div3A_490 = arith.divf %neg3A_487, %max3A_489 : f32
    %eq3A_491 = arith.constant 19 : i32
    %eq3A_492 = vector.broadcast %eq3A_491 : i32 to vector<800x128xi32>
    %eq3A_493 = arith.cmpi eq, %get3A_4, %eq3A_492 : vector<800x128xi32>
    %jit3A_494 = arith.constant 0.000000e+00 : f32
    %broadcast_in_dim3A_495 = vector.broadcast %jit3A_494 : f32 to vector<800x128xf32>
    %select_n3A_496 = arith.select %eq3A_493, %get3A_1, %broadcast_in_dim3A_495 : vector<800x128xi1>, vector<800x128xf32>
    %reduce_sum3A_497 = vector.shape_cast %select_n3A_496 : vector<800x128xf32> to vector<1x800x128xf32>
    %reduce_sum3A_498 = arith.constant dense<0.000000e+00> : vector<1xf32>
    %reduce_sum3A_499 = vector.multi_reduction <add>, %reduce_sum3A_497, %reduce_sum3A_498 [1, 2] : vector<1x800x128xf32> to vector<1xf32>
    %reduce_sum3A_500 = vector.shape_cast %reduce_sum3A_499 : vector<1xf32> to vector<1x1x1xf32>
    %reduce_sum3A_501 = vector.extract %reduce_sum3A_500[0, 0, 0] : f32 from vector<1x1x1xf32>
    %jit3A_502 = arith.constant 1.000000e+00 : f32
    %jit3A_503 = arith.constant 0.000000e+00 : f32
    %broadcast_in_dim3A_504 = vector.broadcast %jit3A_502 : f32 to vector<800x128xf32>
    %broadcast_in_dim3A_505 = vector.broadcast %jit3A_503 : f32 to vector<800x128xf32>
    %select_n3A_506 = arith.select %eq3A_493, %broadcast_in_dim3A_504, %broadcast_in_dim3A_505 : vector<800x128xi1>, vector<800x128xf32>
    %reduce_sum3A_507 = vector.shape_cast %select_n3A_506 : vector<800x128xf32> to vector<1x800x128xf32>
    %reduce_sum3A_508 = arith.constant dense<0.000000e+00> : vector<1xf32>
    %reduce_sum3A_509 = vector.multi_reduction <add>, %reduce_sum3A_507, %reduce_sum3A_508 [1, 2] : vector<1x800x128xf32> to vector<1xf32>
    %reduce_sum3A_510 = vector.shape_cast %reduce_sum3A_509 : vector<1xf32> to vector<1x1x1xf32>
    %reduce_sum3A_511 = vector.extract %reduce_sum3A_510[0, 0, 0] : f32 from vector<1x1x1xf32>
    %neg3A_512 = arith.constant 0.000000e+00 : f32
    %neg3A_513 = arith.subf %neg3A_512, %reduce_sum3A_501 : f32
    %max3A_514 = arith.constant 1.000000e+00 : f32
    %max3A_515 = arith.maximumf %reduce_sum3A_511, %max3A_514 : f32
    %div3A_516 = arith.divf %neg3A_513, %max3A_515 : f32
    %eq3A_517 = arith.constant 20 : i32
    %eq3A_518 = vector.broadcast %eq3A_517 : i32 to vector<800x128xi32>
    %eq3A_519 = arith.cmpi eq, %get3A_4, %eq3A_518 : vector<800x128xi32>
    %jit3A_520 = arith.constant 0.000000e+00 : f32
    %broadcast_in_dim3A_521 = vector.broadcast %jit3A_520 : f32 to vector<800x128xf32>
    %select_n3A_522 = arith.select %eq3A_519, %get3A_1, %broadcast_in_dim3A_521 : vector<800x128xi1>, vector<800x128xf32>
    %reduce_sum3A_523 = vector.shape_cast %select_n3A_522 : vector<800x128xf32> to vector<1x800x128xf32>
    %reduce_sum3A_524 = arith.constant dense<0.000000e+00> : vector<1xf32>
    %reduce_sum3A_525 = vector.multi_reduction <add>, %reduce_sum3A_523, %reduce_sum3A_524 [1, 2] : vector<1x800x128xf32> to vector<1xf32>
    %reduce_sum3A_526 = vector.shape_cast %reduce_sum3A_525 : vector<1xf32> to vector<1x1x1xf32>
    %reduce_sum3A_527 = vector.extract %reduce_sum3A_526[0, 0, 0] : f32 from vector<1x1x1xf32>
    %jit3A_528 = arith.constant 1.000000e+00 : f32
    %jit3A_529 = arith.constant 0.000000e+00 : f32
    %broadcast_in_dim3A_530 = vector.broadcast %jit3A_528 : f32 to vector<800x128xf32>
    %broadcast_in_dim3A_531 = vector.broadcast %jit3A_529 : f32 to vector<800x128xf32>
    %select_n3A_532 = arith.select %eq3A_519, %broadcast_in_dim3A_530, %broadcast_in_dim3A_531 : vector<800x128xi1>, vector<800x128xf32>
    %reduce_sum3A_533 = vector.shape_cast %select_n3A_532 : vector<800x128xf32> to vector<1x800x128xf32>
    %reduce_sum3A_534 = arith.constant dense<0.000000e+00> : vector<1xf32>
    %reduce_sum3A_535 = vector.multi_reduction <add>, %reduce_sum3A_533, %reduce_sum3A_534 [1, 2] : vector<1x800x128xf32> to vector<1xf32>
    %reduce_sum3A_536 = vector.shape_cast %reduce_sum3A_535 : vector<1xf32> to vector<1x1x1xf32>
    %reduce_sum3A_537 = vector.extract %reduce_sum3A_536[0, 0, 0] : f32 from vector<1x1x1xf32>
    %neg3A_538 = arith.constant 0.000000e+00 : f32
    %neg3A_539 = arith.subf %neg3A_538, %reduce_sum3A_527 : f32
    %max3A_540 = arith.constant 1.000000e+00 : f32
    %max3A_541 = arith.maximumf %reduce_sum3A_537, %max3A_540 : f32
    %div3A_542 = arith.divf %neg3A_539, %max3A_541 : f32
    %eq3A_543 = arith.constant 21 : i32
    %eq3A_544 = vector.broadcast %eq3A_543 : i32 to vector<800x128xi32>
    %eq3A_545 = arith.cmpi eq, %get3A_4, %eq3A_544 : vector<800x128xi32>
    %jit3A_546 = arith.constant 0.000000e+00 : f32
    %broadcast_in_dim3A_547 = vector.broadcast %jit3A_546 : f32 to vector<800x128xf32>
    %select_n3A_548 = arith.select %eq3A_545, %get3A_1, %broadcast_in_dim3A_547 : vector<800x128xi1>, vector<800x128xf32>
    %reduce_sum3A_549 = vector.shape_cast %select_n3A_548 : vector<800x128xf32> to vector<1x800x128xf32>
    %reduce_sum3A_550 = arith.constant dense<0.000000e+00> : vector<1xf32>
    %reduce_sum3A_551 = vector.multi_reduction <add>, %reduce_sum3A_549, %reduce_sum3A_550 [1, 2] : vector<1x800x128xf32> to vector<1xf32>
    %reduce_sum3A_552 = vector.shape_cast %reduce_sum3A_551 : vector<1xf32> to vector<1x1x1xf32>
    %reduce_sum3A_553 = vector.extract %reduce_sum3A_552[0, 0, 0] : f32 from vector<1x1x1xf32>
    %jit3A_554 = arith.constant 1.000000e+00 : f32
    %jit3A_555 = arith.constant 0.000000e+00 : f32
    %broadcast_in_dim3A_556 = vector.broadcast %jit3A_554 : f32 to vector<800x128xf32>
    %broadcast_in_dim3A_557 = vector.broadcast %jit3A_555 : f32 to vector<800x128xf32>
    %select_n3A_558 = arith.select %eq3A_545, %broadcast_in_dim3A_556, %broadcast_in_dim3A_557 : vector<800x128xi1>, vector<800x128xf32>
    %reduce_sum3A_559 = vector.shape_cast %select_n3A_558 : vector<800x128xf32> to vector<1x800x128xf32>
    %reduce_sum3A_560 = arith.constant dense<0.000000e+00> : vector<1xf32>
    %reduce_sum3A_561 = vector.multi_reduction <add>, %reduce_sum3A_559, %reduce_sum3A_560 [1, 2] : vector<1x800x128xf32> to vector<1xf32>
    %reduce_sum3A_562 = vector.shape_cast %reduce_sum3A_561 : vector<1xf32> to vector<1x1x1xf32>
    %reduce_sum3A_563 = vector.extract %reduce_sum3A_562[0, 0, 0] : f32 from vector<1x1x1xf32>
    %neg3A_564 = arith.constant 0.000000e+00 : f32
    %neg3A_565 = arith.subf %neg3A_564, %reduce_sum3A_553 : f32
    %max3A_566 = arith.constant 1.000000e+00 : f32
    %max3A_567 = arith.maximumf %reduce_sum3A_563, %max3A_566 : f32
    %div3A_568 = arith.divf %neg3A_565, %max3A_567 : f32
    %eq3A_569 = arith.constant 22 : i32
    %eq3A_570 = vector.broadcast %eq3A_569 : i32 to vector<800x128xi32>
    %eq3A_571 = arith.cmpi eq, %get3A_4, %eq3A_570 : vector<800x128xi32>
    %jit3A_572 = arith.constant 0.000000e+00 : f32
    %broadcast_in_dim3A_573 = vector.broadcast %jit3A_572 : f32 to vector<800x128xf32>
    %select_n3A_574 = arith.select %eq3A_571, %get3A_1, %broadcast_in_dim3A_573 : vector<800x128xi1>, vector<800x128xf32>
    %reduce_sum3A_575 = vector.shape_cast %select_n3A_574 : vector<800x128xf32> to vector<1x800x128xf32>
    %reduce_sum3A_576 = arith.constant dense<0.000000e+00> : vector<1xf32>
    %reduce_sum3A_577 = vector.multi_reduction <add>, %reduce_sum3A_575, %reduce_sum3A_576 [1, 2] : vector<1x800x128xf32> to vector<1xf32>
    %reduce_sum3A_578 = vector.shape_cast %reduce_sum3A_577 : vector<1xf32> to vector<1x1x1xf32>
    %reduce_sum3A_579 = vector.extract %reduce_sum3A_578[0, 0, 0] : f32 from vector<1x1x1xf32>
    %jit3A_580 = arith.constant 1.000000e+00 : f32
    %jit3A_581 = arith.constant 0.000000e+00 : f32
    %broadcast_in_dim3A_582 = vector.broadcast %jit3A_580 : f32 to vector<800x128xf32>
    %broadcast_in_dim3A_583 = vector.broadcast %jit3A_581 : f32 to vector<800x128xf32>
    %select_n3A_584 = arith.select %eq3A_571, %broadcast_in_dim3A_582, %broadcast_in_dim3A_583 : vector<800x128xi1>, vector<800x128xf32>
    %reduce_sum3A_585 = vector.shape_cast %select_n3A_584 : vector<800x128xf32> to vector<1x800x128xf32>
    %reduce_sum3A_586 = arith.constant dense<0.000000e+00> : vector<1xf32>
    %reduce_sum3A_587 = vector.multi_reduction <add>, %reduce_sum3A_585, %reduce_sum3A_586 [1, 2] : vector<1x800x128xf32> to vector<1xf32>
    %reduce_sum3A_588 = vector.shape_cast %reduce_sum3A_587 : vector<1xf32> to vector<1x1x1xf32>
    %reduce_sum3A_589 = vector.extract %reduce_sum3A_588[0, 0, 0] : f32 from vector<1x1x1xf32>
    %neg3A_590 = arith.constant 0.000000e+00 : f32
    %neg3A_591 = arith.subf %neg3A_590, %reduce_sum3A_579 : f32
    %max3A_592 = arith.constant 1.000000e+00 : f32
    %max3A_593 = arith.maximumf %reduce_sum3A_589, %max3A_592 : f32
    %div3A_594 = arith.divf %neg3A_591, %max3A_593 : f32
    %eq3A_595 = arith.constant 23 : i32
    %eq3A_596 = vector.broadcast %eq3A_595 : i32 to vector<800x128xi32>
    %eq3A_597 = arith.cmpi eq, %get3A_4, %eq3A_596 : vector<800x128xi32>
    %jit3A_598 = arith.constant 0.000000e+00 : f32
    %broadcast_in_dim3A_599 = vector.broadcast %jit3A_598 : f32 to vector<800x128xf32>
    %select_n3A_600 = arith.select %eq3A_597, %get3A_1, %broadcast_in_dim3A_599 : vector<800x128xi1>, vector<800x128xf32>
    %reduce_sum3A_601 = vector.shape_cast %select_n3A_600 : vector<800x128xf32> to vector<1x800x128xf32>
    %reduce_sum3A_602 = arith.constant dense<0.000000e+00> : vector<1xf32>
    %reduce_sum3A_603 = vector.multi_reduction <add>, %reduce_sum3A_601, %reduce_sum3A_602 [1, 2] : vector<1x800x128xf32> to vector<1xf32>
    %reduce_sum3A_604 = vector.shape_cast %reduce_sum3A_603 : vector<1xf32> to vector<1x1x1xf32>
    %reduce_sum3A_605 = vector.extract %reduce_sum3A_604[0, 0, 0] : f32 from vector<1x1x1xf32>
    %jit3A_606 = arith.constant 1.000000e+00 : f32
    %jit3A_607 = arith.constant 0.000000e+00 : f32
    %broadcast_in_dim3A_608 = vector.broadcast %jit3A_606 : f32 to vector<800x128xf32>
    %broadcast_in_dim3A_609 = vector.broadcast %jit3A_607 : f32 to vector<800x128xf32>
    %select_n3A_610 = arith.select %eq3A_597, %broadcast_in_dim3A_608, %broadcast_in_dim3A_609 : vector<800x128xi1>, vector<800x128xf32>
    %reduce_sum3A_611 = vector.shape_cast %select_n3A_610 : vector<800x128xf32> to vector<1x800x128xf32>
    %reduce_sum3A_612 = arith.constant dense<0.000000e+00> : vector<1xf32>
    %reduce_sum3A_613 = vector.multi_reduction <add>, %reduce_sum3A_611, %reduce_sum3A_612 [1, 2] : vector<1x800x128xf32> to vector<1xf32>
    %reduce_sum3A_614 = vector.shape_cast %reduce_sum3A_613 : vector<1xf32> to vector<1x1x1xf32>
    %reduce_sum3A_615 = vector.extract %reduce_sum3A_614[0, 0, 0] : f32 from vector<1x1x1xf32>
    %neg3A_616 = arith.constant 0.000000e+00 : f32
    %neg3A_617 = arith.subf %neg3A_616, %reduce_sum3A_605 : f32
    %max3A_618 = arith.constant 1.000000e+00 : f32
    %max3A_619 = arith.maximumf %reduce_sum3A_615, %max3A_618 : f32
    %div3A_620 = arith.divf %neg3A_617, %max3A_619 : f32
    %eq3A_621 = arith.constant 24 : i32
    %eq3A_622 = vector.broadcast %eq3A_621 : i32 to vector<800x128xi32>
    %eq3A_623 = arith.cmpi eq, %get3A_4, %eq3A_622 : vector<800x128xi32>
    %jit3A_624 = arith.constant 0.000000e+00 : f32
    %broadcast_in_dim3A_625 = vector.broadcast %jit3A_624 : f32 to vector<800x128xf32>
    %select_n3A_626 = arith.select %eq3A_623, %get3A_1, %broadcast_in_dim3A_625 : vector<800x128xi1>, vector<800x128xf32>
    %reduce_sum3A_627 = vector.shape_cast %select_n3A_626 : vector<800x128xf32> to vector<1x800x128xf32>
    %reduce_sum3A_628 = arith.constant dense<0.000000e+00> : vector<1xf32>
    %reduce_sum3A_629 = vector.multi_reduction <add>, %reduce_sum3A_627, %reduce_sum3A_628 [1, 2] : vector<1x800x128xf32> to vector<1xf32>
    %reduce_sum3A_630 = vector.shape_cast %reduce_sum3A_629 : vector<1xf32> to vector<1x1x1xf32>
    %reduce_sum3A_631 = vector.extract %reduce_sum3A_630[0, 0, 0] : f32 from vector<1x1x1xf32>
    %jit3A_632 = arith.constant 1.000000e+00 : f32
    %jit3A_633 = arith.constant 0.000000e+00 : f32
    %broadcast_in_dim3A_634 = vector.broadcast %jit3A_632 : f32 to vector<800x128xf32>
    %broadcast_in_dim3A_635 = vector.broadcast %jit3A_633 : f32 to vector<800x128xf32>
    %select_n3A_636 = arith.select %eq3A_623, %broadcast_in_dim3A_634, %broadcast_in_dim3A_635 : vector<800x128xi1>, vector<800x128xf32>
    %reduce_sum3A_637 = vector.shape_cast %select_n3A_636 : vector<800x128xf32> to vector<1x800x128xf32>
    %reduce_sum3A_638 = arith.constant dense<0.000000e+00> : vector<1xf32>
    %reduce_sum3A_639 = vector.multi_reduction <add>, %reduce_sum3A_637, %reduce_sum3A_638 [1, 2] : vector<1x800x128xf32> to vector<1xf32>
    %reduce_sum3A_640 = vector.shape_cast %reduce_sum3A_639 : vector<1xf32> to vector<1x1x1xf32>
    %reduce_sum3A_641 = vector.extract %reduce_sum3A_640[0, 0, 0] : f32 from vector<1x1x1xf32>
    %neg3A_642 = arith.constant 0.000000e+00 : f32
    %neg3A_643 = arith.subf %neg3A_642, %reduce_sum3A_631 : f32
    %max3A_644 = arith.constant 1.000000e+00 : f32
    %max3A_645 = arith.maximumf %reduce_sum3A_641, %max3A_644 : f32
    %div3A_646 = arith.divf %neg3A_643, %max3A_645 : f32
    %eq3A_647 = arith.constant 25 : i32
    %eq3A_648 = vector.broadcast %eq3A_647 : i32 to vector<800x128xi32>
    %eq3A_649 = arith.cmpi eq, %get3A_4, %eq3A_648 : vector<800x128xi32>
    %jit3A_650 = arith.constant 0.000000e+00 : f32
    %broadcast_in_dim3A_651 = vector.broadcast %jit3A_650 : f32 to vector<800x128xf32>
    %select_n3A_652 = arith.select %eq3A_649, %get3A_1, %broadcast_in_dim3A_651 : vector<800x128xi1>, vector<800x128xf32>
    %reduce_sum3A_653 = vector.shape_cast %select_n3A_652 : vector<800x128xf32> to vector<1x800x128xf32>
    %reduce_sum3A_654 = arith.constant dense<0.000000e+00> : vector<1xf32>
    %reduce_sum3A_655 = vector.multi_reduction <add>, %reduce_sum3A_653, %reduce_sum3A_654 [1, 2] : vector<1x800x128xf32> to vector<1xf32>
    %reduce_sum3A_656 = vector.shape_cast %reduce_sum3A_655 : vector<1xf32> to vector<1x1x1xf32>
    %reduce_sum3A_657 = vector.extract %reduce_sum3A_656[0, 0, 0] : f32 from vector<1x1x1xf32>
    %jit3A_658 = arith.constant 1.000000e+00 : f32
    %jit3A_659 = arith.constant 0.000000e+00 : f32
    %broadcast_in_dim3A_660 = vector.broadcast %jit3A_658 : f32 to vector<800x128xf32>
    %broadcast_in_dim3A_661 = vector.broadcast %jit3A_659 : f32 to vector<800x128xf32>
    %select_n3A_662 = arith.select %eq3A_649, %broadcast_in_dim3A_660, %broadcast_in_dim3A_661 : vector<800x128xi1>, vector<800x128xf32>
    %reduce_sum3A_663 = vector.shape_cast %select_n3A_662 : vector<800x128xf32> to vector<1x800x128xf32>
    %reduce_sum3A_664 = arith.constant dense<0.000000e+00> : vector<1xf32>
    %reduce_sum3A_665 = vector.multi_reduction <add>, %reduce_sum3A_663, %reduce_sum3A_664 [1, 2] : vector<1x800x128xf32> to vector<1xf32>
    %reduce_sum3A_666 = vector.shape_cast %reduce_sum3A_665 : vector<1xf32> to vector<1x1x1xf32>
    %reduce_sum3A_667 = vector.extract %reduce_sum3A_666[0, 0, 0] : f32 from vector<1x1x1xf32>
    %neg3A_668 = arith.constant 0.000000e+00 : f32
    %neg3A_669 = arith.subf %neg3A_668, %reduce_sum3A_657 : f32
    %max3A_670 = arith.constant 1.000000e+00 : f32
    %max3A_671 = arith.maximumf %reduce_sum3A_667, %max3A_670 : f32
    %div3A_672 = arith.divf %neg3A_669, %max3A_671 : f32
    %eq3A_673 = arith.constant 26 : i32
    %eq3A_674 = vector.broadcast %eq3A_673 : i32 to vector<800x128xi32>
    %eq3A_675 = arith.cmpi eq, %get3A_4, %eq3A_674 : vector<800x128xi32>
    %jit3A_676 = arith.constant 0.000000e+00 : f32
    %broadcast_in_dim3A_677 = vector.broadcast %jit3A_676 : f32 to vector<800x128xf32>
    %select_n3A_678 = arith.select %eq3A_675, %get3A_1, %broadcast_in_dim3A_677 : vector<800x128xi1>, vector<800x128xf32>
    %reduce_sum3A_679 = vector.shape_cast %select_n3A_678 : vector<800x128xf32> to vector<1x800x128xf32>
    %reduce_sum3A_680 = arith.constant dense<0.000000e+00> : vector<1xf32>
    %reduce_sum3A_681 = vector.multi_reduction <add>, %reduce_sum3A_679, %reduce_sum3A_680 [1, 2] : vector<1x800x128xf32> to vector<1xf32>
    %reduce_sum3A_682 = vector.shape_cast %reduce_sum3A_681 : vector<1xf32> to vector<1x1x1xf32>
    %reduce_sum3A_683 = vector.extract %reduce_sum3A_682[0, 0, 0] : f32 from vector<1x1x1xf32>
    %jit3A_684 = arith.constant 1.000000e+00 : f32
    %jit3A_685 = arith.constant 0.000000e+00 : f32
    %broadcast_in_dim3A_686 = vector.broadcast %jit3A_684 : f32 to vector<800x128xf32>
    %broadcast_in_dim3A_687 = vector.broadcast %jit3A_685 : f32 to vector<800x128xf32>
    %select_n3A_688 = arith.select %eq3A_675, %broadcast_in_dim3A_686, %broadcast_in_dim3A_687 : vector<800x128xi1>, vector<800x128xf32>
    %reduce_sum3A_689 = vector.shape_cast %select_n3A_688 : vector<800x128xf32> to vector<1x800x128xf32>
    %reduce_sum3A_690 = arith.constant dense<0.000000e+00> : vector<1xf32>
    %reduce_sum3A_691 = vector.multi_reduction <add>, %reduce_sum3A_689, %reduce_sum3A_690 [1, 2] : vector<1x800x128xf32> to vector<1xf32>
    %reduce_sum3A_692 = vector.shape_cast %reduce_sum3A_691 : vector<1xf32> to vector<1x1x1xf32>
    %reduce_sum3A_693 = vector.extract %reduce_sum3A_692[0, 0, 0] : f32 from vector<1x1x1xf32>
    %neg3A_694 = arith.constant 0.000000e+00 : f32
    %neg3A_695 = arith.subf %neg3A_694, %reduce_sum3A_683 : f32
    %max3A_696 = arith.constant 1.000000e+00 : f32
    %max3A_697 = arith.maximumf %reduce_sum3A_693, %max3A_696 : f32
    %div3A_698 = arith.divf %neg3A_695, %max3A_697 : f32
    %eq3A_699 = arith.constant 27 : i32
    %eq3A_700 = vector.broadcast %eq3A_699 : i32 to vector<800x128xi32>
    %eq3A_701 = arith.cmpi eq, %get3A_4, %eq3A_700 : vector<800x128xi32>
    %jit3A_702 = arith.constant 0.000000e+00 : f32
    %broadcast_in_dim3A_703 = vector.broadcast %jit3A_702 : f32 to vector<800x128xf32>
    %select_n3A_704 = arith.select %eq3A_701, %get3A_1, %broadcast_in_dim3A_703 : vector<800x128xi1>, vector<800x128xf32>
    %reduce_sum3A_705 = vector.shape_cast %select_n3A_704 : vector<800x128xf32> to vector<1x800x128xf32>
    %reduce_sum3A_706 = arith.constant dense<0.000000e+00> : vector<1xf32>
    %reduce_sum3A_707 = vector.multi_reduction <add>, %reduce_sum3A_705, %reduce_sum3A_706 [1, 2] : vector<1x800x128xf32> to vector<1xf32>
    %reduce_sum3A_708 = vector.shape_cast %reduce_sum3A_707 : vector<1xf32> to vector<1x1x1xf32>
    %reduce_sum3A_709 = vector.extract %reduce_sum3A_708[0, 0, 0] : f32 from vector<1x1x1xf32>
    %jit3A_710 = arith.constant 1.000000e+00 : f32
    %jit3A_711 = arith.constant 0.000000e+00 : f32
    %broadcast_in_dim3A_712 = vector.broadcast %jit3A_710 : f32 to vector<800x128xf32>
    %broadcast_in_dim3A_713 = vector.broadcast %jit3A_711 : f32 to vector<800x128xf32>
    %select_n3A_714 = arith.select %eq3A_701, %broadcast_in_dim3A_712, %broadcast_in_dim3A_713 : vector<800x128xi1>, vector<800x128xf32>
    %reduce_sum3A_715 = vector.shape_cast %select_n3A_714 : vector<800x128xf32> to vector<1x800x128xf32>
    %reduce_sum3A_716 = arith.constant dense<0.000000e+00> : vector<1xf32>
    %reduce_sum3A_717 = vector.multi_reduction <add>, %reduce_sum3A_715, %reduce_sum3A_716 [1, 2] : vector<1x800x128xf32> to vector<1xf32>
    %reduce_sum3A_718 = vector.shape_cast %reduce_sum3A_717 : vector<1xf32> to vector<1x1x1xf32>
    %reduce_sum3A_719 = vector.extract %reduce_sum3A_718[0, 0, 0] : f32 from vector<1x1x1xf32>
    %neg3A_720 = arith.constant 0.000000e+00 : f32
    %neg3A_721 = arith.subf %neg3A_720, %reduce_sum3A_709 : f32
    %max3A_722 = arith.constant 1.000000e+00 : f32
    %max3A_723 = arith.maximumf %reduce_sum3A_719, %max3A_722 : f32
    %div3A_724 = arith.divf %neg3A_721, %max3A_723 : f32
    %eq3A_725 = arith.constant 28 : i32
    %eq3A_726 = vector.broadcast %eq3A_725 : i32 to vector<800x128xi32>
    %eq3A_727 = arith.cmpi eq, %get3A_4, %eq3A_726 : vector<800x128xi32>
    %jit3A_728 = arith.constant 0.000000e+00 : f32
    %broadcast_in_dim3A_729 = vector.broadcast %jit3A_728 : f32 to vector<800x128xf32>
    %select_n3A_730 = arith.select %eq3A_727, %get3A_1, %broadcast_in_dim3A_729 : vector<800x128xi1>, vector<800x128xf32>
    %reduce_sum3A_731 = vector.shape_cast %select_n3A_730 : vector<800x128xf32> to vector<1x800x128xf32>
    %reduce_sum3A_732 = arith.constant dense<0.000000e+00> : vector<1xf32>
    %reduce_sum3A_733 = vector.multi_reduction <add>, %reduce_sum3A_731, %reduce_sum3A_732 [1, 2] : vector<1x800x128xf32> to vector<1xf32>
    %reduce_sum3A_734 = vector.shape_cast %reduce_sum3A_733 : vector<1xf32> to vector<1x1x1xf32>
    %reduce_sum3A_735 = vector.extract %reduce_sum3A_734[0, 0, 0] : f32 from vector<1x1x1xf32>
    %jit3A_736 = arith.constant 1.000000e+00 : f32
    %jit3A_737 = arith.constant 0.000000e+00 : f32
    %broadcast_in_dim3A_738 = vector.broadcast %jit3A_736 : f32 to vector<800x128xf32>
    %broadcast_in_dim3A_739 = vector.broadcast %jit3A_737 : f32 to vector<800x128xf32>
    %select_n3A_740 = arith.select %eq3A_727, %broadcast_in_dim3A_738, %broadcast_in_dim3A_739 : vector<800x128xi1>, vector<800x128xf32>
    %reduce_sum3A_741 = vector.shape_cast %select_n3A_740 : vector<800x128xf32> to vector<1x800x128xf32>
    %reduce_sum3A_742 = arith.constant dense<0.000000e+00> : vector<1xf32>
    %reduce_sum3A_743 = vector.multi_reduction <add>, %reduce_sum3A_741, %reduce_sum3A_742 [1, 2] : vector<1x800x128xf32> to vector<1xf32>
    %reduce_sum3A_744 = vector.shape_cast %reduce_sum3A_743 : vector<1xf32> to vector<1x1x1xf32>
    %reduce_sum3A_745 = vector.extract %reduce_sum3A_744[0, 0, 0] : f32 from vector<1x1x1xf32>
    %neg3A_746 = arith.constant 0.000000e+00 : f32
    %neg3A_747 = arith.subf %neg3A_746, %reduce_sum3A_735 : f32
    %max3A_748 = arith.constant 1.000000e+00 : f32
    %max3A_749 = arith.maximumf %reduce_sum3A_745, %max3A_748 : f32
    %div3A_750 = arith.divf %neg3A_747, %max3A_749 : f32
    %eq3A_751 = arith.constant 29 : i32
    %eq3A_752 = vector.broadcast %eq3A_751 : i32 to vector<800x128xi32>
    %eq3A_753 = arith.cmpi eq, %get3A_4, %eq3A_752 : vector<800x128xi32>
    %jit3A_754 = arith.constant 0.000000e+00 : f32
    %broadcast_in_dim3A_755 = vector.broadcast %jit3A_754 : f32 to vector<800x128xf32>
    %select_n3A_756 = arith.select %eq3A_753, %get3A_1, %broadcast_in_dim3A_755 : vector<800x128xi1>, vector<800x128xf32>
    %reduce_sum3A_757 = vector.shape_cast %select_n3A_756 : vector<800x128xf32> to vector<1x800x128xf32>
    %reduce_sum3A_758 = arith.constant dense<0.000000e+00> : vector<1xf32>
    %reduce_sum3A_759 = vector.multi_reduction <add>, %reduce_sum3A_757, %reduce_sum3A_758 [1, 2] : vector<1x800x128xf32> to vector<1xf32>
    %reduce_sum3A_760 = vector.shape_cast %reduce_sum3A_759 : vector<1xf32> to vector<1x1x1xf32>
    %reduce_sum3A_761 = vector.extract %reduce_sum3A_760[0, 0, 0] : f32 from vector<1x1x1xf32>
    %jit3A_762 = arith.constant 1.000000e+00 : f32
    %jit3A_763 = arith.constant 0.000000e+00 : f32
    %broadcast_in_dim3A_764 = vector.broadcast %jit3A_762 : f32 to vector<800x128xf32>
    %broadcast_in_dim3A_765 = vector.broadcast %jit3A_763 : f32 to vector<800x128xf32>
    %select_n3A_766 = arith.select %eq3A_753, %broadcast_in_dim3A_764, %broadcast_in_dim3A_765 : vector<800x128xi1>, vector<800x128xf32>
    %reduce_sum3A_767 = vector.shape_cast %select_n3A_766 : vector<800x128xf32> to vector<1x800x128xf32>
    %reduce_sum3A_768 = arith.constant dense<0.000000e+00> : vector<1xf32>
    %reduce_sum3A_769 = vector.multi_reduction <add>, %reduce_sum3A_767, %reduce_sum3A_768 [1, 2] : vector<1x800x128xf32> to vector<1xf32>
    %reduce_sum3A_770 = vector.shape_cast %reduce_sum3A_769 : vector<1xf32> to vector<1x1x1xf32>
    %reduce_sum3A_771 = vector.extract %reduce_sum3A_770[0, 0, 0] : f32 from vector<1x1x1xf32>
    %neg3A_772 = arith.constant 0.000000e+00 : f32
    %neg3A_773 = arith.subf %neg3A_772, %reduce_sum3A_761 : f32
    %max3A_774 = arith.constant 1.000000e+00 : f32
    %max3A_775 = arith.maximumf %reduce_sum3A_771, %max3A_774 : f32
    %div3A_776 = arith.divf %neg3A_773, %max3A_775 : f32
    %eq3A_777 = arith.constant 30 : i32
    %eq3A_778 = vector.broadcast %eq3A_777 : i32 to vector<800x128xi32>
    %eq3A_779 = arith.cmpi eq, %get3A_4, %eq3A_778 : vector<800x128xi32>
    %jit3A_780 = arith.constant 0.000000e+00 : f32
    %broadcast_in_dim3A_781 = vector.broadcast %jit3A_780 : f32 to vector<800x128xf32>
    %select_n3A_782 = arith.select %eq3A_779, %get3A_1, %broadcast_in_dim3A_781 : vector<800x128xi1>, vector<800x128xf32>
    %reduce_sum3A_783 = vector.shape_cast %select_n3A_782 : vector<800x128xf32> to vector<1x800x128xf32>
    %reduce_sum3A_784 = arith.constant dense<0.000000e+00> : vector<1xf32>
    %reduce_sum3A_785 = vector.multi_reduction <add>, %reduce_sum3A_783, %reduce_sum3A_784 [1, 2] : vector<1x800x128xf32> to vector<1xf32>
    %reduce_sum3A_786 = vector.shape_cast %reduce_sum3A_785 : vector<1xf32> to vector<1x1x1xf32>
    %reduce_sum3A_787 = vector.extract %reduce_sum3A_786[0, 0, 0] : f32 from vector<1x1x1xf32>
    %jit3A_788 = arith.constant 1.000000e+00 : f32
    %jit3A_789 = arith.constant 0.000000e+00 : f32
    %broadcast_in_dim3A_790 = vector.broadcast %jit3A_788 : f32 to vector<800x128xf32>
    %broadcast_in_dim3A_791 = vector.broadcast %jit3A_789 : f32 to vector<800x128xf32>
    %select_n3A_792 = arith.select %eq3A_779, %broadcast_in_dim3A_790, %broadcast_in_dim3A_791 : vector<800x128xi1>, vector<800x128xf32>
    %reduce_sum3A_793 = vector.shape_cast %select_n3A_792 : vector<800x128xf32> to vector<1x800x128xf32>
    %reduce_sum3A_794 = arith.constant dense<0.000000e+00> : vector<1xf32>
    %reduce_sum3A_795 = vector.multi_reduction <add>, %reduce_sum3A_793, %reduce_sum3A_794 [1, 2] : vector<1x800x128xf32> to vector<1xf32>
    %reduce_sum3A_796 = vector.shape_cast %reduce_sum3A_795 : vector<1xf32> to vector<1x1x1xf32>
    %reduce_sum3A_797 = vector.extract %reduce_sum3A_796[0, 0, 0] : f32 from vector<1x1x1xf32>
    %neg3A_798 = arith.constant 0.000000e+00 : f32
    %neg3A_799 = arith.subf %neg3A_798, %reduce_sum3A_787 : f32
    %max3A_800 = arith.constant 1.000000e+00 : f32
    %max3A_801 = arith.maximumf %reduce_sum3A_797, %max3A_800 : f32
    %div3A_802 = arith.divf %neg3A_799, %max3A_801 : f32
    %eq3A_803 = arith.constant 31 : i32
    %eq3A_804 = vector.broadcast %eq3A_803 : i32 to vector<800x128xi32>
    %eq3A_805 = arith.cmpi eq, %get3A_4, %eq3A_804 : vector<800x128xi32>
    %jit3A_806 = arith.constant 0.000000e+00 : f32
    %broadcast_in_dim3A_807 = vector.broadcast %jit3A_806 : f32 to vector<800x128xf32>
    %select_n3A_808 = arith.select %eq3A_805, %get3A_1, %broadcast_in_dim3A_807 : vector<800x128xi1>, vector<800x128xf32>
    %reduce_sum3A_809 = vector.shape_cast %select_n3A_808 : vector<800x128xf32> to vector<1x800x128xf32>
    %reduce_sum3A_810 = arith.constant dense<0.000000e+00> : vector<1xf32>
    %reduce_sum3A_811 = vector.multi_reduction <add>, %reduce_sum3A_809, %reduce_sum3A_810 [1, 2] : vector<1x800x128xf32> to vector<1xf32>
    %reduce_sum3A_812 = vector.shape_cast %reduce_sum3A_811 : vector<1xf32> to vector<1x1x1xf32>
    %reduce_sum3A_813 = vector.extract %reduce_sum3A_812[0, 0, 0] : f32 from vector<1x1x1xf32>
    %jit3A_814 = arith.constant 1.000000e+00 : f32
    %jit3A_815 = arith.constant 0.000000e+00 : f32
    %broadcast_in_dim3A_816 = vector.broadcast %jit3A_814 : f32 to vector<800x128xf32>
    %broadcast_in_dim3A_817 = vector.broadcast %jit3A_815 : f32 to vector<800x128xf32>
    %select_n3A_818 = arith.select %eq3A_805, %broadcast_in_dim3A_816, %broadcast_in_dim3A_817 : vector<800x128xi1>, vector<800x128xf32>
    %reduce_sum3A_819 = vector.shape_cast %select_n3A_818 : vector<800x128xf32> to vector<1x800x128xf32>
    %reduce_sum3A_820 = arith.constant dense<0.000000e+00> : vector<1xf32>
    %reduce_sum3A_821 = vector.multi_reduction <add>, %reduce_sum3A_819, %reduce_sum3A_820 [1, 2] : vector<1x800x128xf32> to vector<1xf32>
    %reduce_sum3A_822 = vector.shape_cast %reduce_sum3A_821 : vector<1xf32> to vector<1x1x1xf32>
    %reduce_sum3A_823 = vector.extract %reduce_sum3A_822[0, 0, 0] : f32 from vector<1x1x1xf32>
    %neg3A_824 = arith.constant 0.000000e+00 : f32
    %neg3A_825 = arith.subf %neg3A_824, %reduce_sum3A_813 : f32
    %max3A_826 = arith.constant 1.000000e+00 : f32
    %max3A_827 = arith.maximumf %reduce_sum3A_823, %max3A_826 : f32
    %div3A_828 = arith.divf %neg3A_825, %max3A_827 : f32
    %eq3A_829 = arith.constant 32 : i32
    %eq3A_830 = vector.broadcast %eq3A_829 : i32 to vector<800x128xi32>
    %eq3A_831 = arith.cmpi eq, %get3A_4, %eq3A_830 : vector<800x128xi32>
    %jit3A_832 = arith.constant 0.000000e+00 : f32
    %broadcast_in_dim3A_833 = vector.broadcast %jit3A_832 : f32 to vector<800x128xf32>
    %select_n3A_834 = arith.select %eq3A_831, %get3A_1, %broadcast_in_dim3A_833 : vector<800x128xi1>, vector<800x128xf32>
    %reduce_sum3A_835 = vector.shape_cast %select_n3A_834 : vector<800x128xf32> to vector<1x800x128xf32>
    %reduce_sum3A_836 = arith.constant dense<0.000000e+00> : vector<1xf32>
    %reduce_sum3A_837 = vector.multi_reduction <add>, %reduce_sum3A_835, %reduce_sum3A_836 [1, 2] : vector<1x800x128xf32> to vector<1xf32>
    %reduce_sum3A_838 = vector.shape_cast %reduce_sum3A_837 : vector<1xf32> to vector<1x1x1xf32>
    %reduce_sum3A_839 = vector.extract %reduce_sum3A_838[0, 0, 0] : f32 from vector<1x1x1xf32>
    %jit3A_840 = arith.constant 1.000000e+00 : f32
    %jit3A_841 = arith.constant 0.000000e+00 : f32
    %broadcast_in_dim3A_842 = vector.broadcast %jit3A_840 : f32 to vector<800x128xf32>
    %broadcast_in_dim3A_843 = vector.broadcast %jit3A_841 : f32 to vector<800x128xf32>
    %select_n3A_844 = arith.select %eq3A_831, %broadcast_in_dim3A_842, %broadcast_in_dim3A_843 : vector<800x128xi1>, vector<800x128xf32>
    %reduce_sum3A_845 = vector.shape_cast %select_n3A_844 : vector<800x128xf32> to vector<1x800x128xf32>
    %reduce_sum3A_846 = arith.constant dense<0.000000e+00> : vector<1xf32>
    %reduce_sum3A_847 = vector.multi_reduction <add>, %reduce_sum3A_845, %reduce_sum3A_846 [1, 2] : vector<1x800x128xf32> to vector<1xf32>
    %reduce_sum3A_848 = vector.shape_cast %reduce_sum3A_847 : vector<1xf32> to vector<1x1x1xf32>
    %reduce_sum3A_849 = vector.extract %reduce_sum3A_848[0, 0, 0] : f32 from vector<1x1x1xf32>
    %neg3A_850 = arith.constant 0.000000e+00 : f32
    %neg3A_851 = arith.subf %neg3A_850, %reduce_sum3A_839 : f32
    %max3A_852 = arith.constant 1.000000e+00 : f32
    %max3A_853 = arith.maximumf %reduce_sum3A_849, %max3A_852 : f32
    %div3A_854 = arith.divf %neg3A_851, %max3A_853 : f32
    %eq3A_855 = arith.constant 33 : i32
    %eq3A_856 = vector.broadcast %eq3A_855 : i32 to vector<800x128xi32>
    %eq3A_857 = arith.cmpi eq, %get3A_4, %eq3A_856 : vector<800x128xi32>
    %jit3A_858 = arith.constant 0.000000e+00 : f32
    %broadcast_in_dim3A_859 = vector.broadcast %jit3A_858 : f32 to vector<800x128xf32>
    %select_n3A_860 = arith.select %eq3A_857, %get3A_1, %broadcast_in_dim3A_859 : vector<800x128xi1>, vector<800x128xf32>
    %reduce_sum3A_861 = vector.shape_cast %select_n3A_860 : vector<800x128xf32> to vector<1x800x128xf32>
    %reduce_sum3A_862 = arith.constant dense<0.000000e+00> : vector<1xf32>
    %reduce_sum3A_863 = vector.multi_reduction <add>, %reduce_sum3A_861, %reduce_sum3A_862 [1, 2] : vector<1x800x128xf32> to vector<1xf32>
    %reduce_sum3A_864 = vector.shape_cast %reduce_sum3A_863 : vector<1xf32> to vector<1x1x1xf32>
    %reduce_sum3A_865 = vector.extract %reduce_sum3A_864[0, 0, 0] : f32 from vector<1x1x1xf32>
    %jit3A_866 = arith.constant 1.000000e+00 : f32
    %jit3A_867 = arith.constant 0.000000e+00 : f32
    %broadcast_in_dim3A_868 = vector.broadcast %jit3A_866 : f32 to vector<800x128xf32>
    %broadcast_in_dim3A_869 = vector.broadcast %jit3A_867 : f32 to vector<800x128xf32>
    %select_n3A_870 = arith.select %eq3A_857, %broadcast_in_dim3A_868, %broadcast_in_dim3A_869 : vector<800x128xi1>, vector<800x128xf32>
    %reduce_sum3A_871 = vector.shape_cast %select_n3A_870 : vector<800x128xf32> to vector<1x800x128xf32>
    %reduce_sum3A_872 = arith.constant dense<0.000000e+00> : vector<1xf32>
    %reduce_sum3A_873 = vector.multi_reduction <add>, %reduce_sum3A_871, %reduce_sum3A_872 [1, 2] : vector<1x800x128xf32> to vector<1xf32>
    %reduce_sum3A_874 = vector.shape_cast %reduce_sum3A_873 : vector<1xf32> to vector<1x1x1xf32>
    %reduce_sum3A_875 = vector.extract %reduce_sum3A_874[0, 0, 0] : f32 from vector<1x1x1xf32>
    %neg3A_876 = arith.constant 0.000000e+00 : f32
    %neg3A_877 = arith.subf %neg3A_876, %reduce_sum3A_865 : f32
    %max3A_878 = arith.constant 1.000000e+00 : f32
    %max3A_879 = arith.maximumf %reduce_sum3A_875, %max3A_878 : f32
    %div3A_880 = arith.divf %neg3A_877, %max3A_879 : f32
    %eq3A_881 = arith.constant 34 : i32
    %eq3A_882 = vector.broadcast %eq3A_881 : i32 to vector<800x128xi32>
    %eq3A_883 = arith.cmpi eq, %get3A_4, %eq3A_882 : vector<800x128xi32>
    %jit3A_884 = arith.constant 0.000000e+00 : f32
    %broadcast_in_dim3A_885 = vector.broadcast %jit3A_884 : f32 to vector<800x128xf32>
    %select_n3A_886 = arith.select %eq3A_883, %get3A_1, %broadcast_in_dim3A_885 : vector<800x128xi1>, vector<800x128xf32>
    %reduce_sum3A_887 = vector.shape_cast %select_n3A_886 : vector<800x128xf32> to vector<1x800x128xf32>
    %reduce_sum3A_888 = arith.constant dense<0.000000e+00> : vector<1xf32>
    %reduce_sum3A_889 = vector.multi_reduction <add>, %reduce_sum3A_887, %reduce_sum3A_888 [1, 2] : vector<1x800x128xf32> to vector<1xf32>
    %reduce_sum3A_890 = vector.shape_cast %reduce_sum3A_889 : vector<1xf32> to vector<1x1x1xf32>
    %reduce_sum3A_891 = vector.extract %reduce_sum3A_890[0, 0, 0] : f32 from vector<1x1x1xf32>
    %jit3A_892 = arith.constant 1.000000e+00 : f32
    %jit3A_893 = arith.constant 0.000000e+00 : f32
    %broadcast_in_dim3A_894 = vector.broadcast %jit3A_892 : f32 to vector<800x128xf32>
    %broadcast_in_dim3A_895 = vector.broadcast %jit3A_893 : f32 to vector<800x128xf32>
    %select_n3A_896 = arith.select %eq3A_883, %broadcast_in_dim3A_894, %broadcast_in_dim3A_895 : vector<800x128xi1>, vector<800x128xf32>
    %reduce_sum3A_897 = vector.shape_cast %select_n3A_896 : vector<800x128xf32> to vector<1x800x128xf32>
    %reduce_sum3A_898 = arith.constant dense<0.000000e+00> : vector<1xf32>
    %reduce_sum3A_899 = vector.multi_reduction <add>, %reduce_sum3A_897, %reduce_sum3A_898 [1, 2] : vector<1x800x128xf32> to vector<1xf32>
    %reduce_sum3A_900 = vector.shape_cast %reduce_sum3A_899 : vector<1xf32> to vector<1x1x1xf32>
    %reduce_sum3A_901 = vector.extract %reduce_sum3A_900[0, 0, 0] : f32 from vector<1x1x1xf32>
    %neg3A_902 = arith.constant 0.000000e+00 : f32
    %neg3A_903 = arith.subf %neg3A_902, %reduce_sum3A_891 : f32
    %max3A_904 = arith.constant 1.000000e+00 : f32
    %max3A_905 = arith.maximumf %reduce_sum3A_901, %max3A_904 : f32
    %div3A_906 = arith.divf %neg3A_903, %max3A_905 : f32
    %eq3A_907 = arith.constant 35 : i32
    %eq3A_908 = vector.broadcast %eq3A_907 : i32 to vector<800x128xi32>
    %eq3A_909 = arith.cmpi eq, %get3A_4, %eq3A_908 : vector<800x128xi32>
    %jit3A_910 = arith.constant 0.000000e+00 : f32
    %broadcast_in_dim3A_911 = vector.broadcast %jit3A_910 : f32 to vector<800x128xf32>
    %select_n3A_912 = arith.select %eq3A_909, %get3A_1, %broadcast_in_dim3A_911 : vector<800x128xi1>, vector<800x128xf32>
    %reduce_sum3A_913 = vector.shape_cast %select_n3A_912 : vector<800x128xf32> to vector<1x800x128xf32>
    %reduce_sum3A_914 = arith.constant dense<0.000000e+00> : vector<1xf32>
    %reduce_sum3A_915 = vector.multi_reduction <add>, %reduce_sum3A_913, %reduce_sum3A_914 [1, 2] : vector<1x800x128xf32> to vector<1xf32>
    %reduce_sum3A_916 = vector.shape_cast %reduce_sum3A_915 : vector<1xf32> to vector<1x1x1xf32>
    %reduce_sum3A_917 = vector.extract %reduce_sum3A_916[0, 0, 0] : f32 from vector<1x1x1xf32>
    %jit3A_918 = arith.constant 1.000000e+00 : f32
    %jit3A_919 = arith.constant 0.000000e+00 : f32
    %broadcast_in_dim3A_920 = vector.broadcast %jit3A_918 : f32 to vector<800x128xf32>
    %broadcast_in_dim3A_921 = vector.broadcast %jit3A_919 : f32 to vector<800x128xf32>
    %select_n3A_922 = arith.select %eq3A_909, %broadcast_in_dim3A_920, %broadcast_in_dim3A_921 : vector<800x128xi1>, vector<800x128xf32>
    %reduce_sum3A_923 = vector.shape_cast %select_n3A_922 : vector<800x128xf32> to vector<1x800x128xf32>
    %reduce_sum3A_924 = arith.constant dense<0.000000e+00> : vector<1xf32>
    %reduce_sum3A_925 = vector.multi_reduction <add>, %reduce_sum3A_923, %reduce_sum3A_924 [1, 2] : vector<1x800x128xf32> to vector<1xf32>
    %reduce_sum3A_926 = vector.shape_cast %reduce_sum3A_925 : vector<1xf32> to vector<1x1x1xf32>
    %reduce_sum3A_927 = vector.extract %reduce_sum3A_926[0, 0, 0] : f32 from vector<1x1x1xf32>
    %neg3A_928 = arith.constant 0.000000e+00 : f32
    %neg3A_929 = arith.subf %neg3A_928, %reduce_sum3A_917 : f32
    %max3A_930 = arith.constant 1.000000e+00 : f32
    %max3A_931 = arith.maximumf %reduce_sum3A_927, %max3A_930 : f32
    %div3A_932 = arith.divf %neg3A_929, %max3A_931 : f32
    %eq3A_933 = arith.constant 36 : i32
    %eq3A_934 = vector.broadcast %eq3A_933 : i32 to vector<800x128xi32>
    %eq3A_935 = arith.cmpi eq, %get3A_4, %eq3A_934 : vector<800x128xi32>
    %jit3A_936 = arith.constant 0.000000e+00 : f32
    %broadcast_in_dim3A_937 = vector.broadcast %jit3A_936 : f32 to vector<800x128xf32>
    %select_n3A_938 = arith.select %eq3A_935, %get3A_1, %broadcast_in_dim3A_937 : vector<800x128xi1>, vector<800x128xf32>
    %reduce_sum3A_939 = vector.shape_cast %select_n3A_938 : vector<800x128xf32> to vector<1x800x128xf32>
    %reduce_sum3A_940 = arith.constant dense<0.000000e+00> : vector<1xf32>
    %reduce_sum3A_941 = vector.multi_reduction <add>, %reduce_sum3A_939, %reduce_sum3A_940 [1, 2] : vector<1x800x128xf32> to vector<1xf32>
    %reduce_sum3A_942 = vector.shape_cast %reduce_sum3A_941 : vector<1xf32> to vector<1x1x1xf32>
    %reduce_sum3A_943 = vector.extract %reduce_sum3A_942[0, 0, 0] : f32 from vector<1x1x1xf32>
    %jit3A_944 = arith.constant 1.000000e+00 : f32
    %jit3A_945 = arith.constant 0.000000e+00 : f32
    %broadcast_in_dim3A_946 = vector.broadcast %jit3A_944 : f32 to vector<800x128xf32>
    %broadcast_in_dim3A_947 = vector.broadcast %jit3A_945 : f32 to vector<800x128xf32>
    %select_n3A_948 = arith.select %eq3A_935, %broadcast_in_dim3A_946, %broadcast_in_dim3A_947 : vector<800x128xi1>, vector<800x128xf32>
    %reduce_sum3A_949 = vector.shape_cast %select_n3A_948 : vector<800x128xf32> to vector<1x800x128xf32>
    %reduce_sum3A_950 = arith.constant dense<0.000000e+00> : vector<1xf32>
    %reduce_sum3A_951 = vector.multi_reduction <add>, %reduce_sum3A_949, %reduce_sum3A_950 [1, 2] : vector<1x800x128xf32> to vector<1xf32>
    %reduce_sum3A_952 = vector.shape_cast %reduce_sum3A_951 : vector<1xf32> to vector<1x1x1xf32>
    %reduce_sum3A_953 = vector.extract %reduce_sum3A_952[0, 0, 0] : f32 from vector<1x1x1xf32>
    %neg3A_954 = arith.constant 0.000000e+00 : f32
    %neg3A_955 = arith.subf %neg3A_954, %reduce_sum3A_943 : f32
    %max3A_956 = arith.constant 1.000000e+00 : f32
    %max3A_957 = arith.maximumf %reduce_sum3A_953, %max3A_956 : f32
    %div3A_958 = arith.divf %neg3A_955, %max3A_957 : f32
    %eq3A_959 = arith.constant 37 : i32
    %eq3A_960 = vector.broadcast %eq3A_959 : i32 to vector<800x128xi32>
    %eq3A_961 = arith.cmpi eq, %get3A_4, %eq3A_960 : vector<800x128xi32>
    %jit3A_962 = arith.constant 0.000000e+00 : f32
    %broadcast_in_dim3A_963 = vector.broadcast %jit3A_962 : f32 to vector<800x128xf32>
    %select_n3A_964 = arith.select %eq3A_961, %get3A_1, %broadcast_in_dim3A_963 : vector<800x128xi1>, vector<800x128xf32>
    %reduce_sum3A_965 = vector.shape_cast %select_n3A_964 : vector<800x128xf32> to vector<1x800x128xf32>
    %reduce_sum3A_966 = arith.constant dense<0.000000e+00> : vector<1xf32>
    %reduce_sum3A_967 = vector.multi_reduction <add>, %reduce_sum3A_965, %reduce_sum3A_966 [1, 2] : vector<1x800x128xf32> to vector<1xf32>
    %reduce_sum3A_968 = vector.shape_cast %reduce_sum3A_967 : vector<1xf32> to vector<1x1x1xf32>
    %reduce_sum3A_969 = vector.extract %reduce_sum3A_968[0, 0, 0] : f32 from vector<1x1x1xf32>
    %jit3A_970 = arith.constant 1.000000e+00 : f32
    %jit3A_971 = arith.constant 0.000000e+00 : f32
    %broadcast_in_dim3A_972 = vector.broadcast %jit3A_970 : f32 to vector<800x128xf32>
    %broadcast_in_dim3A_973 = vector.broadcast %jit3A_971 : f32 to vector<800x128xf32>
    %select_n3A_974 = arith.select %eq3A_961, %broadcast_in_dim3A_972, %broadcast_in_dim3A_973 : vector<800x128xi1>, vector<800x128xf32>
    %reduce_sum3A_975 = vector.shape_cast %select_n3A_974 : vector<800x128xf32> to vector<1x800x128xf32>
    %reduce_sum3A_976 = arith.constant dense<0.000000e+00> : vector<1xf32>
    %reduce_sum3A_977 = vector.multi_reduction <add>, %reduce_sum3A_975, %reduce_sum3A_976 [1, 2] : vector<1x800x128xf32> to vector<1xf32>
    %reduce_sum3A_978 = vector.shape_cast %reduce_sum3A_977 : vector<1xf32> to vector<1x1x1xf32>
    %reduce_sum3A_979 = vector.extract %reduce_sum3A_978[0, 0, 0] : f32 from vector<1x1x1xf32>
    %neg3A_980 = arith.constant 0.000000e+00 : f32
    %neg3A_981 = arith.subf %neg3A_980, %reduce_sum3A_969 : f32
    %max3A_982 = arith.constant 1.000000e+00 : f32
    %max3A_983 = arith.maximumf %reduce_sum3A_979, %max3A_982 : f32
    %div3A_984 = arith.divf %neg3A_981, %max3A_983 : f32
    %eq3A_985 = arith.constant 38 : i32
    %eq3A_986 = vector.broadcast %eq3A_985 : i32 to vector<800x128xi32>
    %eq3A_987 = arith.cmpi eq, %get3A_4, %eq3A_986 : vector<800x128xi32>
    %jit3A_988 = arith.constant 0.000000e+00 : f32
    %broadcast_in_dim3A_989 = vector.broadcast %jit3A_988 : f32 to vector<800x128xf32>
    %select_n3A_990 = arith.select %eq3A_987, %get3A_1, %broadcast_in_dim3A_989 : vector<800x128xi1>, vector<800x128xf32>
    %reduce_sum3A_991 = vector.shape_cast %select_n3A_990 : vector<800x128xf32> to vector<1x800x128xf32>
    %reduce_sum3A_992 = arith.constant dense<0.000000e+00> : vector<1xf32>
    %reduce_sum3A_993 = vector.multi_reduction <add>, %reduce_sum3A_991, %reduce_sum3A_992 [1, 2] : vector<1x800x128xf32> to vector<1xf32>
    %reduce_sum3A_994 = vector.shape_cast %reduce_sum3A_993 : vector<1xf32> to vector<1x1x1xf32>
    %reduce_sum3A_995 = vector.extract %reduce_sum3A_994[0, 0, 0] : f32 from vector<1x1x1xf32>
    %jit3A_996 = arith.constant 1.000000e+00 : f32
    %jit3A_997 = arith.constant 0.000000e+00 : f32
    %broadcast_in_dim3A_998 = vector.broadcast %jit3A_996 : f32 to vector<800x128xf32>
    %broadcast_in_dim3A_999 = vector.broadcast %jit3A_997 : f32 to vector<800x128xf32>
    %select_n3A_1000 = arith.select %eq3A_987, %broadcast_in_dim3A_998, %broadcast_in_dim3A_999 : vector<800x128xi1>, vector<800x128xf32>
    %reduce_sum3A_1001 = vector.shape_cast %select_n3A_1000 : vector<800x128xf32> to vector<1x800x128xf32>
    %reduce_sum3A_1002 = arith.constant dense<0.000000e+00> : vector<1xf32>
    %reduce_sum3A_1003 = vector.multi_reduction <add>, %reduce_sum3A_1001, %reduce_sum3A_1002 [1, 2] : vector<1x800x128xf32> to vector<1xf32>
    %reduce_sum3A_1004 = vector.shape_cast %reduce_sum3A_1003 : vector<1xf32> to vector<1x1x1xf32>
    %reduce_sum3A_1005 = vector.extract %reduce_sum3A_1004[0, 0, 0] : f32 from vector<1x1x1xf32>
    %neg3A_1006 = arith.constant 0.000000e+00 : f32
    %neg3A_1007 = arith.subf %neg3A_1006, %reduce_sum3A_995 : f32
    %max3A_1008 = arith.constant 1.000000e+00 : f32
    %max3A_1009 = arith.maximumf %reduce_sum3A_1005, %max3A_1008 : f32
    %div3A_1010 = arith.divf %neg3A_1007, %max3A_1009 : f32
    %eq3A_1011 = arith.constant 39 : i32
    %eq3A_1012 = vector.broadcast %eq3A_1011 : i32 to vector<800x128xi32>
    %eq3A_1013 = arith.cmpi eq, %get3A_4, %eq3A_1012 : vector<800x128xi32>
    %jit3A_1014 = arith.constant 0.000000e+00 : f32
    %broadcast_in_dim3A_1015 = vector.broadcast %jit3A_1014 : f32 to vector<800x128xf32>
    %select_n3A_1016 = arith.select %eq3A_1013, %get3A_1, %broadcast_in_dim3A_1015 : vector<800x128xi1>, vector<800x128xf32>
    %reduce_sum3A_1017 = vector.shape_cast %select_n3A_1016 : vector<800x128xf32> to vector<1x800x128xf32>
    %reduce_sum3A_1018 = arith.constant dense<0.000000e+00> : vector<1xf32>
    %reduce_sum3A_1019 = vector.multi_reduction <add>, %reduce_sum3A_1017, %reduce_sum3A_1018 [1, 2] : vector<1x800x128xf32> to vector<1xf32>
    %reduce_sum3A_1020 = vector.shape_cast %reduce_sum3A_1019 : vector<1xf32> to vector<1x1x1xf32>
    %reduce_sum3A_1021 = vector.extract %reduce_sum3A_1020[0, 0, 0] : f32 from vector<1x1x1xf32>
    %jit3A_1022 = arith.constant 1.000000e+00 : f32
    %jit3A_1023 = arith.constant 0.000000e+00 : f32
    %broadcast_in_dim3A_1024 = vector.broadcast %jit3A_1022 : f32 to vector<800x128xf32>
    %broadcast_in_dim3A_1025 = vector.broadcast %jit3A_1023 : f32 to vector<800x128xf32>
    %select_n3A_1026 = arith.select %eq3A_1013, %broadcast_in_dim3A_1024, %broadcast_in_dim3A_1025 : vector<800x128xi1>, vector<800x128xf32>
    %reduce_sum3A_1027 = vector.shape_cast %select_n3A_1026 : vector<800x128xf32> to vector<1x800x128xf32>
    %reduce_sum3A_1028 = arith.constant dense<0.000000e+00> : vector<1xf32>
    %reduce_sum3A_1029 = vector.multi_reduction <add>, %reduce_sum3A_1027, %reduce_sum3A_1028 [1, 2] : vector<1x800x128xf32> to vector<1xf32>
    %reduce_sum3A_1030 = vector.shape_cast %reduce_sum3A_1029 : vector<1xf32> to vector<1x1x1xf32>
    %reduce_sum3A_1031 = vector.extract %reduce_sum3A_1030[0, 0, 0] : f32 from vector<1x1x1xf32>
    %neg3A_1032 = arith.constant 0.000000e+00 : f32
    %neg3A_1033 = arith.subf %neg3A_1032, %reduce_sum3A_1021 : f32
    %max3A_1034 = arith.constant 1.000000e+00 : f32
    %max3A_1035 = arith.maximumf %reduce_sum3A_1031, %max3A_1034 : f32
    %div3A_1036 = arith.divf %neg3A_1033, %max3A_1035 : f32
    %eq3A_1037 = arith.constant 40 : i32
    %eq3A_1038 = vector.broadcast %eq3A_1037 : i32 to vector<800x128xi32>
    %eq3A_1039 = arith.cmpi eq, %get3A_4, %eq3A_1038 : vector<800x128xi32>
    %jit3A_1040 = arith.constant 0.000000e+00 : f32
    %broadcast_in_dim3A_1041 = vector.broadcast %jit3A_1040 : f32 to vector<800x128xf32>
    %select_n3A_1042 = arith.select %eq3A_1039, %get3A_1, %broadcast_in_dim3A_1041 : vector<800x128xi1>, vector<800x128xf32>
    %reduce_sum3A_1043 = vector.shape_cast %select_n3A_1042 : vector<800x128xf32> to vector<1x800x128xf32>
    %reduce_sum3A_1044 = arith.constant dense<0.000000e+00> : vector<1xf32>
    %reduce_sum3A_1045 = vector.multi_reduction <add>, %reduce_sum3A_1043, %reduce_sum3A_1044 [1, 2] : vector<1x800x128xf32> to vector<1xf32>
    %reduce_sum3A_1046 = vector.shape_cast %reduce_sum3A_1045 : vector<1xf32> to vector<1x1x1xf32>
    %reduce_sum3A_1047 = vector.extract %reduce_sum3A_1046[0, 0, 0] : f32 from vector<1x1x1xf32>
    %jit3A_1048 = arith.constant 1.000000e+00 : f32
    %jit3A_1049 = arith.constant 0.000000e+00 : f32
    %broadcast_in_dim3A_1050 = vector.broadcast %jit3A_1048 : f32 to vector<800x128xf32>
    %broadcast_in_dim3A_1051 = vector.broadcast %jit3A_1049 : f32 to vector<800x128xf32>
    %select_n3A_1052 = arith.select %eq3A_1039, %broadcast_in_dim3A_1050, %broadcast_in_dim3A_1051 : vector<800x128xi1>, vector<800x128xf32>
    %reduce_sum3A_1053 = vector.shape_cast %select_n3A_1052 : vector<800x128xf32> to vector<1x800x128xf32>
    %reduce_sum3A_1054 = arith.constant dense<0.000000e+00> : vector<1xf32>
    %reduce_sum3A_1055 = vector.multi_reduction <add>, %reduce_sum3A_1053, %reduce_sum3A_1054 [1, 2] : vector<1x800x128xf32> to vector<1xf32>
    %reduce_sum3A_1056 = vector.shape_cast %reduce_sum3A_1055 : vector<1xf32> to vector<1x1x1xf32>
    %reduce_sum3A_1057 = vector.extract %reduce_sum3A_1056[0, 0, 0] : f32 from vector<1x1x1xf32>
    %neg3A_1058 = arith.constant 0.000000e+00 : f32
    %neg3A_1059 = arith.subf %neg3A_1058, %reduce_sum3A_1047 : f32
    %max3A_1060 = arith.constant 1.000000e+00 : f32
    %max3A_1061 = arith.maximumf %reduce_sum3A_1057, %max3A_1060 : f32
    %div3A_1062 = arith.divf %neg3A_1059, %max3A_1061 : f32
    %eq3A_1063 = arith.constant 41 : i32
    %eq3A_1064 = vector.broadcast %eq3A_1063 : i32 to vector<800x128xi32>
    %eq3A_1065 = arith.cmpi eq, %get3A_4, %eq3A_1064 : vector<800x128xi32>
    %jit3A_1066 = arith.constant 0.000000e+00 : f32
    %broadcast_in_dim3A_1067 = vector.broadcast %jit3A_1066 : f32 to vector<800x128xf32>
    %select_n3A_1068 = arith.select %eq3A_1065, %get3A_1, %broadcast_in_dim3A_1067 : vector<800x128xi1>, vector<800x128xf32>
    %reduce_sum3A_1069 = vector.shape_cast %select_n3A_1068 : vector<800x128xf32> to vector<1x800x128xf32>
    %reduce_sum3A_1070 = arith.constant dense<0.000000e+00> : vector<1xf32>
    %reduce_sum3A_1071 = vector.multi_reduction <add>, %reduce_sum3A_1069, %reduce_sum3A_1070 [1, 2] : vector<1x800x128xf32> to vector<1xf32>
    %reduce_sum3A_1072 = vector.shape_cast %reduce_sum3A_1071 : vector<1xf32> to vector<1x1x1xf32>
    %reduce_sum3A_1073 = vector.extract %reduce_sum3A_1072[0, 0, 0] : f32 from vector<1x1x1xf32>
    %jit3A_1074 = arith.constant 1.000000e+00 : f32
    %jit3A_1075 = arith.constant 0.000000e+00 : f32
    %broadcast_in_dim3A_1076 = vector.broadcast %jit3A_1074 : f32 to vector<800x128xf32>
    %broadcast_in_dim3A_1077 = vector.broadcast %jit3A_1075 : f32 to vector<800x128xf32>
    %select_n3A_1078 = arith.select %eq3A_1065, %broadcast_in_dim3A_1076, %broadcast_in_dim3A_1077 : vector<800x128xi1>, vector<800x128xf32>
    %reduce_sum3A_1079 = vector.shape_cast %select_n3A_1078 : vector<800x128xf32> to vector<1x800x128xf32>
    %reduce_sum3A_1080 = arith.constant dense<0.000000e+00> : vector<1xf32>
    %reduce_sum3A_1081 = vector.multi_reduction <add>, %reduce_sum3A_1079, %reduce_sum3A_1080 [1, 2] : vector<1x800x128xf32> to vector<1xf32>
    %reduce_sum3A_1082 = vector.shape_cast %reduce_sum3A_1081 : vector<1xf32> to vector<1x1x1xf32>
    %reduce_sum3A_1083 = vector.extract %reduce_sum3A_1082[0, 0, 0] : f32 from vector<1x1x1xf32>
    %neg3A_1084 = arith.constant 0.000000e+00 : f32
    %neg3A_1085 = arith.subf %neg3A_1084, %reduce_sum3A_1073 : f32
    %max3A_1086 = arith.constant 1.000000e+00 : f32
    %max3A_1087 = arith.maximumf %reduce_sum3A_1083, %max3A_1086 : f32
    %div3A_1088 = arith.divf %neg3A_1085, %max3A_1087 : f32
    %eq3A_1089 = arith.constant 42 : i32
    %eq3A_1090 = vector.broadcast %eq3A_1089 : i32 to vector<800x128xi32>
    %eq3A_1091 = arith.cmpi eq, %get3A_4, %eq3A_1090 : vector<800x128xi32>
    %jit3A_1092 = arith.constant 0.000000e+00 : f32
    %broadcast_in_dim3A_1093 = vector.broadcast %jit3A_1092 : f32 to vector<800x128xf32>
    %select_n3A_1094 = arith.select %eq3A_1091, %get3A_1, %broadcast_in_dim3A_1093 : vector<800x128xi1>, vector<800x128xf32>
    %reduce_sum3A_1095 = vector.shape_cast %select_n3A_1094 : vector<800x128xf32> to vector<1x800x128xf32>
    %reduce_sum3A_1096 = arith.constant dense<0.000000e+00> : vector<1xf32>
    %reduce_sum3A_1097 = vector.multi_reduction <add>, %reduce_sum3A_1095, %reduce_sum3A_1096 [1, 2] : vector<1x800x128xf32> to vector<1xf32>
    %reduce_sum3A_1098 = vector.shape_cast %reduce_sum3A_1097 : vector<1xf32> to vector<1x1x1xf32>
    %reduce_sum3A_1099 = vector.extract %reduce_sum3A_1098[0, 0, 0] : f32 from vector<1x1x1xf32>
    %jit3A_1100 = arith.constant 1.000000e+00 : f32
    %jit3A_1101 = arith.constant 0.000000e+00 : f32
    %broadcast_in_dim3A_1102 = vector.broadcast %jit3A_1100 : f32 to vector<800x128xf32>
    %broadcast_in_dim3A_1103 = vector.broadcast %jit3A_1101 : f32 to vector<800x128xf32>
    %select_n3A_1104 = arith.select %eq3A_1091, %broadcast_in_dim3A_1102, %broadcast_in_dim3A_1103 : vector<800x128xi1>, vector<800x128xf32>
    %reduce_sum3A_1105 = vector.shape_cast %select_n3A_1104 : vector<800x128xf32> to vector<1x800x128xf32>
    %reduce_sum3A_1106 = arith.constant dense<0.000000e+00> : vector<1xf32>
    %reduce_sum3A_1107 = vector.multi_reduction <add>, %reduce_sum3A_1105, %reduce_sum3A_1106 [1, 2] : vector<1x800x128xf32> to vector<1xf32>
    %reduce_sum3A_1108 = vector.shape_cast %reduce_sum3A_1107 : vector<1xf32> to vector<1x1x1xf32>
    %reduce_sum3A_1109 = vector.extract %reduce_sum3A_1108[0, 0, 0] : f32 from vector<1x1x1xf32>
    %neg3A_1110 = arith.constant 0.000000e+00 : f32
    %neg3A_1111 = arith.subf %neg3A_1110, %reduce_sum3A_1099 : f32
    %max3A_1112 = arith.constant 1.000000e+00 : f32
    %max3A_1113 = arith.maximumf %reduce_sum3A_1109, %max3A_1112 : f32
    %div3A_1114 = arith.divf %neg3A_1111, %max3A_1113 : f32
    %eq3A_1115 = arith.constant 43 : i32
    %eq3A_1116 = vector.broadcast %eq3A_1115 : i32 to vector<800x128xi32>
    %eq3A_1117 = arith.cmpi eq, %get3A_4, %eq3A_1116 : vector<800x128xi32>
    %jit3A_1118 = arith.constant 0.000000e+00 : f32
    %broadcast_in_dim3A_1119 = vector.broadcast %jit3A_1118 : f32 to vector<800x128xf32>
    %select_n3A_1120 = arith.select %eq3A_1117, %get3A_1, %broadcast_in_dim3A_1119 : vector<800x128xi1>, vector<800x128xf32>
    %reduce_sum3A_1121 = vector.shape_cast %select_n3A_1120 : vector<800x128xf32> to vector<1x800x128xf32>
    %reduce_sum3A_1122 = arith.constant dense<0.000000e+00> : vector<1xf32>
    %reduce_sum3A_1123 = vector.multi_reduction <add>, %reduce_sum3A_1121, %reduce_sum3A_1122 [1, 2] : vector<1x800x128xf32> to vector<1xf32>
    %reduce_sum3A_1124 = vector.shape_cast %reduce_sum3A_1123 : vector<1xf32> to vector<1x1x1xf32>
    %reduce_sum3A_1125 = vector.extract %reduce_sum3A_1124[0, 0, 0] : f32 from vector<1x1x1xf32>
    %jit3A_1126 = arith.constant 1.000000e+00 : f32
    %jit3A_1127 = arith.constant 0.000000e+00 : f32
    %broadcast_in_dim3A_1128 = vector.broadcast %jit3A_1126 : f32 to vector<800x128xf32>
    %broadcast_in_dim3A_1129 = vector.broadcast %jit3A_1127 : f32 to vector<800x128xf32>
    %select_n3A_1130 = arith.select %eq3A_1117, %broadcast_in_dim3A_1128, %broadcast_in_dim3A_1129 : vector<800x128xi1>, vector<800x128xf32>
    %reduce_sum3A_1131 = vector.shape_cast %select_n3A_1130 : vector<800x128xf32> to vector<1x800x128xf32>
    %reduce_sum3A_1132 = arith.constant dense<0.000000e+00> : vector<1xf32>
    %reduce_sum3A_1133 = vector.multi_reduction <add>, %reduce_sum3A_1131, %reduce_sum3A_1132 [1, 2] : vector<1x800x128xf32> to vector<1xf32>
    %reduce_sum3A_1134 = vector.shape_cast %reduce_sum3A_1133 : vector<1xf32> to vector<1x1x1xf32>
    %reduce_sum3A_1135 = vector.extract %reduce_sum3A_1134[0, 0, 0] : f32 from vector<1x1x1xf32>
    %neg3A_1136 = arith.constant 0.000000e+00 : f32
    %neg3A_1137 = arith.subf %neg3A_1136, %reduce_sum3A_1125 : f32
    %max3A_1138 = arith.constant 1.000000e+00 : f32
    %max3A_1139 = arith.maximumf %reduce_sum3A_1135, %max3A_1138 : f32
    %div3A_1140 = arith.divf %neg3A_1137, %max3A_1139 : f32
    %eq3A_1141 = arith.constant 44 : i32
    %eq3A_1142 = vector.broadcast %eq3A_1141 : i32 to vector<800x128xi32>
    %eq3A_1143 = arith.cmpi eq, %get3A_4, %eq3A_1142 : vector<800x128xi32>
    %jit3A_1144 = arith.constant 0.000000e+00 : f32
    %broadcast_in_dim3A_1145 = vector.broadcast %jit3A_1144 : f32 to vector<800x128xf32>
    %select_n3A_1146 = arith.select %eq3A_1143, %get3A_1, %broadcast_in_dim3A_1145 : vector<800x128xi1>, vector<800x128xf32>
    %reduce_sum3A_1147 = vector.shape_cast %select_n3A_1146 : vector<800x128xf32> to vector<1x800x128xf32>
    %reduce_sum3A_1148 = arith.constant dense<0.000000e+00> : vector<1xf32>
    %reduce_sum3A_1149 = vector.multi_reduction <add>, %reduce_sum3A_1147, %reduce_sum3A_1148 [1, 2] : vector<1x800x128xf32> to vector<1xf32>
    %reduce_sum3A_1150 = vector.shape_cast %reduce_sum3A_1149 : vector<1xf32> to vector<1x1x1xf32>
    %reduce_sum3A_1151 = vector.extract %reduce_sum3A_1150[0, 0, 0] : f32 from vector<1x1x1xf32>
    %jit3A_1152 = arith.constant 1.000000e+00 : f32
    %jit3A_1153 = arith.constant 0.000000e+00 : f32
    %broadcast_in_dim3A_1154 = vector.broadcast %jit3A_1152 : f32 to vector<800x128xf32>
    %broadcast_in_dim3A_1155 = vector.broadcast %jit3A_1153 : f32 to vector<800x128xf32>
    %select_n3A_1156 = arith.select %eq3A_1143, %broadcast_in_dim3A_1154, %broadcast_in_dim3A_1155 : vector<800x128xi1>, vector<800x128xf32>
    %reduce_sum3A_1157 = vector.shape_cast %select_n3A_1156 : vector<800x128xf32> to vector<1x800x128xf32>
    %reduce_sum3A_1158 = arith.constant dense<0.000000e+00> : vector<1xf32>
    %reduce_sum3A_1159 = vector.multi_reduction <add>, %reduce_sum3A_1157, %reduce_sum3A_1158 [1, 2] : vector<1x800x128xf32> to vector<1xf32>
    %reduce_sum3A_1160 = vector.shape_cast %reduce_sum3A_1159 : vector<1xf32> to vector<1x1x1xf32>
    %reduce_sum3A_1161 = vector.extract %reduce_sum3A_1160[0, 0, 0] : f32 from vector<1x1x1xf32>
    %neg3A_1162 = arith.constant 0.000000e+00 : f32
    %neg3A_1163 = arith.subf %neg3A_1162, %reduce_sum3A_1151 : f32
    %max3A_1164 = arith.constant 1.000000e+00 : f32
    %max3A_1165 = arith.maximumf %reduce_sum3A_1161, %max3A_1164 : f32
    %div3A_1166 = arith.divf %neg3A_1163, %max3A_1165 : f32
    %eq3A_1167 = arith.constant 45 : i32
    %eq3A_1168 = vector.broadcast %eq3A_1167 : i32 to vector<800x128xi32>
    %eq3A_1169 = arith.cmpi eq, %get3A_4, %eq3A_1168 : vector<800x128xi32>
    %jit3A_1170 = arith.constant 0.000000e+00 : f32
    %broadcast_in_dim3A_1171 = vector.broadcast %jit3A_1170 : f32 to vector<800x128xf32>
    %select_n3A_1172 = arith.select %eq3A_1169, %get3A_1, %broadcast_in_dim3A_1171 : vector<800x128xi1>, vector<800x128xf32>
    %reduce_sum3A_1173 = vector.shape_cast %select_n3A_1172 : vector<800x128xf32> to vector<1x800x128xf32>
    %reduce_sum3A_1174 = arith.constant dense<0.000000e+00> : vector<1xf32>
    %reduce_sum3A_1175 = vector.multi_reduction <add>, %reduce_sum3A_1173, %reduce_sum3A_1174 [1, 2] : vector<1x800x128xf32> to vector<1xf32>
    %reduce_sum3A_1176 = vector.shape_cast %reduce_sum3A_1175 : vector<1xf32> to vector<1x1x1xf32>
    %reduce_sum3A_1177 = vector.extract %reduce_sum3A_1176[0, 0, 0] : f32 from vector<1x1x1xf32>
    %jit3A_1178 = arith.constant 1.000000e+00 : f32
    %jit3A_1179 = arith.constant 0.000000e+00 : f32
    %broadcast_in_dim3A_1180 = vector.broadcast %jit3A_1178 : f32 to vector<800x128xf32>
    %broadcast_in_dim3A_1181 = vector.broadcast %jit3A_1179 : f32 to vector<800x128xf32>
    %select_n3A_1182 = arith.select %eq3A_1169, %broadcast_in_dim3A_1180, %broadcast_in_dim3A_1181 : vector<800x128xi1>, vector<800x128xf32>
    %reduce_sum3A_1183 = vector.shape_cast %select_n3A_1182 : vector<800x128xf32> to vector<1x800x128xf32>
    %reduce_sum3A_1184 = arith.constant dense<0.000000e+00> : vector<1xf32>
    %reduce_sum3A_1185 = vector.multi_reduction <add>, %reduce_sum3A_1183, %reduce_sum3A_1184 [1, 2] : vector<1x800x128xf32> to vector<1xf32>
    %reduce_sum3A_1186 = vector.shape_cast %reduce_sum3A_1185 : vector<1xf32> to vector<1x1x1xf32>
    %reduce_sum3A_1187 = vector.extract %reduce_sum3A_1186[0, 0, 0] : f32 from vector<1x1x1xf32>
    %neg3A_1188 = arith.constant 0.000000e+00 : f32
    %neg3A_1189 = arith.subf %neg3A_1188, %reduce_sum3A_1177 : f32
    %max3A_1190 = arith.constant 1.000000e+00 : f32
    %max3A_1191 = arith.maximumf %reduce_sum3A_1187, %max3A_1190 : f32
    %div3A_1192 = arith.divf %neg3A_1189, %max3A_1191 : f32
    %eq3A_1193 = arith.constant 46 : i32
    %eq3A_1194 = vector.broadcast %eq3A_1193 : i32 to vector<800x128xi32>
    %eq3A_1195 = arith.cmpi eq, %get3A_4, %eq3A_1194 : vector<800x128xi32>
    %jit3A_1196 = arith.constant 0.000000e+00 : f32
    %broadcast_in_dim3A_1197 = vector.broadcast %jit3A_1196 : f32 to vector<800x128xf32>
    %select_n3A_1198 = arith.select %eq3A_1195, %get3A_1, %broadcast_in_dim3A_1197 : vector<800x128xi1>, vector<800x128xf32>
    %reduce_sum3A_1199 = vector.shape_cast %select_n3A_1198 : vector<800x128xf32> to vector<1x800x128xf32>
    %reduce_sum3A_1200 = arith.constant dense<0.000000e+00> : vector<1xf32>
    %reduce_sum3A_1201 = vector.multi_reduction <add>, %reduce_sum3A_1199, %reduce_sum3A_1200 [1, 2] : vector<1x800x128xf32> to vector<1xf32>
    %reduce_sum3A_1202 = vector.shape_cast %reduce_sum3A_1201 : vector<1xf32> to vector<1x1x1xf32>
    %reduce_sum3A_1203 = vector.extract %reduce_sum3A_1202[0, 0, 0] : f32 from vector<1x1x1xf32>
    %jit3A_1204 = arith.constant 1.000000e+00 : f32
    %jit3A_1205 = arith.constant 0.000000e+00 : f32
    %broadcast_in_dim3A_1206 = vector.broadcast %jit3A_1204 : f32 to vector<800x128xf32>
    %broadcast_in_dim3A_1207 = vector.broadcast %jit3A_1205 : f32 to vector<800x128xf32>
    %select_n3A_1208 = arith.select %eq3A_1195, %broadcast_in_dim3A_1206, %broadcast_in_dim3A_1207 : vector<800x128xi1>, vector<800x128xf32>
    %reduce_sum3A_1209 = vector.shape_cast %select_n3A_1208 : vector<800x128xf32> to vector<1x800x128xf32>
    %reduce_sum3A_1210 = arith.constant dense<0.000000e+00> : vector<1xf32>
    %reduce_sum3A_1211 = vector.multi_reduction <add>, %reduce_sum3A_1209, %reduce_sum3A_1210 [1, 2] : vector<1x800x128xf32> to vector<1xf32>
    %reduce_sum3A_1212 = vector.shape_cast %reduce_sum3A_1211 : vector<1xf32> to vector<1x1x1xf32>
    %reduce_sum3A_1213 = vector.extract %reduce_sum3A_1212[0, 0, 0] : f32 from vector<1x1x1xf32>
    %neg3A_1214 = arith.constant 0.000000e+00 : f32
    %neg3A_1215 = arith.subf %neg3A_1214, %reduce_sum3A_1203 : f32
    %max3A_1216 = arith.constant 1.000000e+00 : f32
    %max3A_1217 = arith.maximumf %reduce_sum3A_1213, %max3A_1216 : f32
    %div3A_1218 = arith.divf %neg3A_1215, %max3A_1217 : f32
    %eq3A_1219 = arith.constant 47 : i32
    %eq3A_1220 = vector.broadcast %eq3A_1219 : i32 to vector<800x128xi32>
    %eq3A_1221 = arith.cmpi eq, %get3A_4, %eq3A_1220 : vector<800x128xi32>
    %jit3A_1222 = arith.constant 0.000000e+00 : f32
    %broadcast_in_dim3A_1223 = vector.broadcast %jit3A_1222 : f32 to vector<800x128xf32>
    %select_n3A_1224 = arith.select %eq3A_1221, %get3A_1, %broadcast_in_dim3A_1223 : vector<800x128xi1>, vector<800x128xf32>
    %reduce_sum3A_1225 = vector.shape_cast %select_n3A_1224 : vector<800x128xf32> to vector<1x800x128xf32>
    %reduce_sum3A_1226 = arith.constant dense<0.000000e+00> : vector<1xf32>
    %reduce_sum3A_1227 = vector.multi_reduction <add>, %reduce_sum3A_1225, %reduce_sum3A_1226 [1, 2] : vector<1x800x128xf32> to vector<1xf32>
    %reduce_sum3A_1228 = vector.shape_cast %reduce_sum3A_1227 : vector<1xf32> to vector<1x1x1xf32>
    %reduce_sum3A_1229 = vector.extract %reduce_sum3A_1228[0, 0, 0] : f32 from vector<1x1x1xf32>
    %jit3A_1230 = arith.constant 1.000000e+00 : f32
    %jit3A_1231 = arith.constant 0.000000e+00 : f32
    %broadcast_in_dim3A_1232 = vector.broadcast %jit3A_1230 : f32 to vector<800x128xf32>
    %broadcast_in_dim3A_1233 = vector.broadcast %jit3A_1231 : f32 to vector<800x128xf32>
    %select_n3A_1234 = arith.select %eq3A_1221, %broadcast_in_dim3A_1232, %broadcast_in_dim3A_1233 : vector<800x128xi1>, vector<800x128xf32>
    %reduce_sum3A_1235 = vector.shape_cast %select_n3A_1234 : vector<800x128xf32> to vector<1x800x128xf32>
    %reduce_sum3A_1236 = arith.constant dense<0.000000e+00> : vector<1xf32>
    %reduce_sum3A_1237 = vector.multi_reduction <add>, %reduce_sum3A_1235, %reduce_sum3A_1236 [1, 2] : vector<1x800x128xf32> to vector<1xf32>
    %reduce_sum3A_1238 = vector.shape_cast %reduce_sum3A_1237 : vector<1xf32> to vector<1x1x1xf32>
    %reduce_sum3A_1239 = vector.extract %reduce_sum3A_1238[0, 0, 0] : f32 from vector<1x1x1xf32>
    %neg3A_1240 = arith.constant 0.000000e+00 : f32
    %neg3A_1241 = arith.subf %neg3A_1240, %reduce_sum3A_1229 : f32
    %max3A_1242 = arith.constant 1.000000e+00 : f32
    %max3A_1243 = arith.maximumf %reduce_sum3A_1239, %max3A_1242 : f32
    %div3A_1244 = arith.divf %neg3A_1241, %max3A_1243 : f32
    %eq3A_1245 = arith.constant 48 : i32
    %eq3A_1246 = vector.broadcast %eq3A_1245 : i32 to vector<800x128xi32>
    %eq3A_1247 = arith.cmpi eq, %get3A_4, %eq3A_1246 : vector<800x128xi32>
    %jit3A_1248 = arith.constant 0.000000e+00 : f32
    %broadcast_in_dim3A_1249 = vector.broadcast %jit3A_1248 : f32 to vector<800x128xf32>
    %select_n3A_1250 = arith.select %eq3A_1247, %get3A_1, %broadcast_in_dim3A_1249 : vector<800x128xi1>, vector<800x128xf32>
    %reduce_sum3A_1251 = vector.shape_cast %select_n3A_1250 : vector<800x128xf32> to vector<1x800x128xf32>
    %reduce_sum3A_1252 = arith.constant dense<0.000000e+00> : vector<1xf32>
    %reduce_sum3A_1253 = vector.multi_reduction <add>, %reduce_sum3A_1251, %reduce_sum3A_1252 [1, 2] : vector<1x800x128xf32> to vector<1xf32>
    %reduce_sum3A_1254 = vector.shape_cast %reduce_sum3A_1253 : vector<1xf32> to vector<1x1x1xf32>
    %reduce_sum3A_1255 = vector.extract %reduce_sum3A_1254[0, 0, 0] : f32 from vector<1x1x1xf32>
    %jit3A_1256 = arith.constant 1.000000e+00 : f32
    %jit3A_1257 = arith.constant 0.000000e+00 : f32
    %broadcast_in_dim3A_1258 = vector.broadcast %jit3A_1256 : f32 to vector<800x128xf32>
    %broadcast_in_dim3A_1259 = vector.broadcast %jit3A_1257 : f32 to vector<800x128xf32>
    %select_n3A_1260 = arith.select %eq3A_1247, %broadcast_in_dim3A_1258, %broadcast_in_dim3A_1259 : vector<800x128xi1>, vector<800x128xf32>
    %reduce_sum3A_1261 = vector.shape_cast %select_n3A_1260 : vector<800x128xf32> to vector<1x800x128xf32>
    %reduce_sum3A_1262 = arith.constant dense<0.000000e+00> : vector<1xf32>
    %reduce_sum3A_1263 = vector.multi_reduction <add>, %reduce_sum3A_1261, %reduce_sum3A_1262 [1, 2] : vector<1x800x128xf32> to vector<1xf32>
    %reduce_sum3A_1264 = vector.shape_cast %reduce_sum3A_1263 : vector<1xf32> to vector<1x1x1xf32>
    %reduce_sum3A_1265 = vector.extract %reduce_sum3A_1264[0, 0, 0] : f32 from vector<1x1x1xf32>
    %neg3A_1266 = arith.constant 0.000000e+00 : f32
    %neg3A_1267 = arith.subf %neg3A_1266, %reduce_sum3A_1255 : f32
    %max3A_1268 = arith.constant 1.000000e+00 : f32
    %max3A_1269 = arith.maximumf %reduce_sum3A_1265, %max3A_1268 : f32
    %div3A_1270 = arith.divf %neg3A_1267, %max3A_1269 : f32
    %eq3A_1271 = arith.constant 49 : i32
    %eq3A_1272 = vector.broadcast %eq3A_1271 : i32 to vector<800x128xi32>
    %eq3A_1273 = arith.cmpi eq, %get3A_4, %eq3A_1272 : vector<800x128xi32>
    %jit3A_1274 = arith.constant 0.000000e+00 : f32
    %broadcast_in_dim3A_1275 = vector.broadcast %jit3A_1274 : f32 to vector<800x128xf32>
    %select_n3A_1276 = arith.select %eq3A_1273, %get3A_1, %broadcast_in_dim3A_1275 : vector<800x128xi1>, vector<800x128xf32>
    %reduce_sum3A_1277 = vector.shape_cast %select_n3A_1276 : vector<800x128xf32> to vector<1x800x128xf32>
    %reduce_sum3A_1278 = arith.constant dense<0.000000e+00> : vector<1xf32>
    %reduce_sum3A_1279 = vector.multi_reduction <add>, %reduce_sum3A_1277, %reduce_sum3A_1278 [1, 2] : vector<1x800x128xf32> to vector<1xf32>
    %reduce_sum3A_1280 = vector.shape_cast %reduce_sum3A_1279 : vector<1xf32> to vector<1x1x1xf32>
    %reduce_sum3A_1281 = vector.extract %reduce_sum3A_1280[0, 0, 0] : f32 from vector<1x1x1xf32>
    %jit3A_1282 = arith.constant 1.000000e+00 : f32
    %jit3A_1283 = arith.constant 0.000000e+00 : f32
    %broadcast_in_dim3A_1284 = vector.broadcast %jit3A_1282 : f32 to vector<800x128xf32>
    %broadcast_in_dim3A_1285 = vector.broadcast %jit3A_1283 : f32 to vector<800x128xf32>
    %select_n3A_1286 = arith.select %eq3A_1273, %broadcast_in_dim3A_1284, %broadcast_in_dim3A_1285 : vector<800x128xi1>, vector<800x128xf32>
    %reduce_sum3A_1287 = vector.shape_cast %select_n3A_1286 : vector<800x128xf32> to vector<1x800x128xf32>
    %reduce_sum3A_1288 = arith.constant dense<0.000000e+00> : vector<1xf32>
    %reduce_sum3A_1289 = vector.multi_reduction <add>, %reduce_sum3A_1287, %reduce_sum3A_1288 [1, 2] : vector<1x800x128xf32> to vector<1xf32>
    %reduce_sum3A_1290 = vector.shape_cast %reduce_sum3A_1289 : vector<1xf32> to vector<1x1x1xf32>
    %reduce_sum3A_1291 = vector.extract %reduce_sum3A_1290[0, 0, 0] : f32 from vector<1x1x1xf32>
    %neg3A_1292 = arith.constant 0.000000e+00 : f32
    %neg3A_1293 = arith.subf %neg3A_1292, %reduce_sum3A_1281 : f32
    %max3A_1294 = arith.constant 1.000000e+00 : f32
    %max3A_1295 = arith.maximumf %reduce_sum3A_1291, %max3A_1294 : f32
    %div3A_1296 = arith.divf %neg3A_1293, %max3A_1295 : f32
    %eq3A_1297 = arith.constant 50 : i32
    %eq3A_1298 = vector.broadcast %eq3A_1297 : i32 to vector<800x128xi32>
    %eq3A_1299 = arith.cmpi eq, %get3A_4, %eq3A_1298 : vector<800x128xi32>
    %jit3A_1300 = arith.constant 0.000000e+00 : f32
    %broadcast_in_dim3A_1301 = vector.broadcast %jit3A_1300 : f32 to vector<800x128xf32>
    %select_n3A_1302 = arith.select %eq3A_1299, %get3A_1, %broadcast_in_dim3A_1301 : vector<800x128xi1>, vector<800x128xf32>
    %reduce_sum3A_1303 = vector.shape_cast %select_n3A_1302 : vector<800x128xf32> to vector<1x800x128xf32>
    %reduce_sum3A_1304 = arith.constant dense<0.000000e+00> : vector<1xf32>
    %reduce_sum3A_1305 = vector.multi_reduction <add>, %reduce_sum3A_1303, %reduce_sum3A_1304 [1, 2] : vector<1x800x128xf32> to vector<1xf32>
    %reduce_sum3A_1306 = vector.shape_cast %reduce_sum3A_1305 : vector<1xf32> to vector<1x1x1xf32>
    %reduce_sum3A_1307 = vector.extract %reduce_sum3A_1306[0, 0, 0] : f32 from vector<1x1x1xf32>
    %jit3A_1308 = arith.constant 1.000000e+00 : f32
    %jit3A_1309 = arith.constant 0.000000e+00 : f32
    %broadcast_in_dim3A_1310 = vector.broadcast %jit3A_1308 : f32 to vector<800x128xf32>
    %broadcast_in_dim3A_1311 = vector.broadcast %jit3A_1309 : f32 to vector<800x128xf32>
    %select_n3A_1312 = arith.select %eq3A_1299, %broadcast_in_dim3A_1310, %broadcast_in_dim3A_1311 : vector<800x128xi1>, vector<800x128xf32>
    %reduce_sum3A_1313 = vector.shape_cast %select_n3A_1312 : vector<800x128xf32> to vector<1x800x128xf32>
    %reduce_sum3A_1314 = arith.constant dense<0.000000e+00> : vector<1xf32>
    %reduce_sum3A_1315 = vector.multi_reduction <add>, %reduce_sum3A_1313, %reduce_sum3A_1314 [1, 2] : vector<1x800x128xf32> to vector<1xf32>
    %reduce_sum3A_1316 = vector.shape_cast %reduce_sum3A_1315 : vector<1xf32> to vector<1x1x1xf32>
    %reduce_sum3A_1317 = vector.extract %reduce_sum3A_1316[0, 0, 0] : f32 from vector<1x1x1xf32>
    %neg3A_1318 = arith.constant 0.000000e+00 : f32
    %neg3A_1319 = arith.subf %neg3A_1318, %reduce_sum3A_1307 : f32
    %max3A_1320 = arith.constant 1.000000e+00 : f32
    %max3A_1321 = arith.maximumf %reduce_sum3A_1317, %max3A_1320 : f32
    %div3A_1322 = arith.divf %neg3A_1319, %max3A_1321 : f32
    %eq3A_1323 = arith.constant 51 : i32
    %eq3A_1324 = vector.broadcast %eq3A_1323 : i32 to vector<800x128xi32>
    %eq3A_1325 = arith.cmpi eq, %get3A_4, %eq3A_1324 : vector<800x128xi32>
    %jit3A_1326 = arith.constant 0.000000e+00 : f32
    %broadcast_in_dim3A_1327 = vector.broadcast %jit3A_1326 : f32 to vector<800x128xf32>
    %select_n3A_1328 = arith.select %eq3A_1325, %get3A_1, %broadcast_in_dim3A_1327 : vector<800x128xi1>, vector<800x128xf32>
    %reduce_sum3A_1329 = vector.shape_cast %select_n3A_1328 : vector<800x128xf32> to vector<1x800x128xf32>
    %reduce_sum3A_1330 = arith.constant dense<0.000000e+00> : vector<1xf32>
    %reduce_sum3A_1331 = vector.multi_reduction <add>, %reduce_sum3A_1329, %reduce_sum3A_1330 [1, 2] : vector<1x800x128xf32> to vector<1xf32>
    %reduce_sum3A_1332 = vector.shape_cast %reduce_sum3A_1331 : vector<1xf32> to vector<1x1x1xf32>
    %reduce_sum3A_1333 = vector.extract %reduce_sum3A_1332[0, 0, 0] : f32 from vector<1x1x1xf32>
    %jit3A_1334 = arith.constant 1.000000e+00 : f32
    %jit3A_1335 = arith.constant 0.000000e+00 : f32
    %broadcast_in_dim3A_1336 = vector.broadcast %jit3A_1334 : f32 to vector<800x128xf32>
    %broadcast_in_dim3A_1337 = vector.broadcast %jit3A_1335 : f32 to vector<800x128xf32>
    %select_n3A_1338 = arith.select %eq3A_1325, %broadcast_in_dim3A_1336, %broadcast_in_dim3A_1337 : vector<800x128xi1>, vector<800x128xf32>
    %reduce_sum3A_1339 = vector.shape_cast %select_n3A_1338 : vector<800x128xf32> to vector<1x800x128xf32>
    %reduce_sum3A_1340 = arith.constant dense<0.000000e+00> : vector<1xf32>
    %reduce_sum3A_1341 = vector.multi_reduction <add>, %reduce_sum3A_1339, %reduce_sum3A_1340 [1, 2] : vector<1x800x128xf32> to vector<1xf32>
    %reduce_sum3A_1342 = vector.shape_cast %reduce_sum3A_1341 : vector<1xf32> to vector<1x1x1xf32>
    %reduce_sum3A_1343 = vector.extract %reduce_sum3A_1342[0, 0, 0] : f32 from vector<1x1x1xf32>
    %neg3A_1344 = arith.constant 0.000000e+00 : f32
    %neg3A_1345 = arith.subf %neg3A_1344, %reduce_sum3A_1333 : f32
    %max3A_1346 = arith.constant 1.000000e+00 : f32
    %max3A_1347 = arith.maximumf %reduce_sum3A_1343, %max3A_1346 : f32
    %div3A_1348 = arith.divf %neg3A_1345, %max3A_1347 : f32
    %eq3A_1349 = arith.constant 52 : i32
    %eq3A_1350 = vector.broadcast %eq3A_1349 : i32 to vector<800x128xi32>
    %eq3A_1351 = arith.cmpi eq, %get3A_4, %eq3A_1350 : vector<800x128xi32>
    %jit3A_1352 = arith.constant 0.000000e+00 : f32
    %broadcast_in_dim3A_1353 = vector.broadcast %jit3A_1352 : f32 to vector<800x128xf32>
    %select_n3A_1354 = arith.select %eq3A_1351, %get3A_1, %broadcast_in_dim3A_1353 : vector<800x128xi1>, vector<800x128xf32>
    %reduce_sum3A_1355 = vector.shape_cast %select_n3A_1354 : vector<800x128xf32> to vector<1x800x128xf32>
    %reduce_sum3A_1356 = arith.constant dense<0.000000e+00> : vector<1xf32>
    %reduce_sum3A_1357 = vector.multi_reduction <add>, %reduce_sum3A_1355, %reduce_sum3A_1356 [1, 2] : vector<1x800x128xf32> to vector<1xf32>
    %reduce_sum3A_1358 = vector.shape_cast %reduce_sum3A_1357 : vector<1xf32> to vector<1x1x1xf32>
    %reduce_sum3A_1359 = vector.extract %reduce_sum3A_1358[0, 0, 0] : f32 from vector<1x1x1xf32>
    %jit3A_1360 = arith.constant 1.000000e+00 : f32
    %jit3A_1361 = arith.constant 0.000000e+00 : f32
    %broadcast_in_dim3A_1362 = vector.broadcast %jit3A_1360 : f32 to vector<800x128xf32>
    %broadcast_in_dim3A_1363 = vector.broadcast %jit3A_1361 : f32 to vector<800x128xf32>
    %select_n3A_1364 = arith.select %eq3A_1351, %broadcast_in_dim3A_1362, %broadcast_in_dim3A_1363 : vector<800x128xi1>, vector<800x128xf32>
    %reduce_sum3A_1365 = vector.shape_cast %select_n3A_1364 : vector<800x128xf32> to vector<1x800x128xf32>
    %reduce_sum3A_1366 = arith.constant dense<0.000000e+00> : vector<1xf32>
    %reduce_sum3A_1367 = vector.multi_reduction <add>, %reduce_sum3A_1365, %reduce_sum3A_1366 [1, 2] : vector<1x800x128xf32> to vector<1xf32>
    %reduce_sum3A_1368 = vector.shape_cast %reduce_sum3A_1367 : vector<1xf32> to vector<1x1x1xf32>
    %reduce_sum3A_1369 = vector.extract %reduce_sum3A_1368[0, 0, 0] : f32 from vector<1x1x1xf32>
    %neg3A_1370 = arith.constant 0.000000e+00 : f32
    %neg3A_1371 = arith.subf %neg3A_1370, %reduce_sum3A_1359 : f32
    %max3A_1372 = arith.constant 1.000000e+00 : f32
    %max3A_1373 = arith.maximumf %reduce_sum3A_1369, %max3A_1372 : f32
    %div3A_1374 = arith.divf %neg3A_1371, %max3A_1373 : f32
    %eq3A_1375 = arith.constant 53 : i32
    %eq3A_1376 = vector.broadcast %eq3A_1375 : i32 to vector<800x128xi32>
    %eq3A_1377 = arith.cmpi eq, %get3A_4, %eq3A_1376 : vector<800x128xi32>
    %jit3A_1378 = arith.constant 0.000000e+00 : f32
    %broadcast_in_dim3A_1379 = vector.broadcast %jit3A_1378 : f32 to vector<800x128xf32>
    %select_n3A_1380 = arith.select %eq3A_1377, %get3A_1, %broadcast_in_dim3A_1379 : vector<800x128xi1>, vector<800x128xf32>
    %reduce_sum3A_1381 = vector.shape_cast %select_n3A_1380 : vector<800x128xf32> to vector<1x800x128xf32>
    %reduce_sum3A_1382 = arith.constant dense<0.000000e+00> : vector<1xf32>
    %reduce_sum3A_1383 = vector.multi_reduction <add>, %reduce_sum3A_1381, %reduce_sum3A_1382 [1, 2] : vector<1x800x128xf32> to vector<1xf32>
    %reduce_sum3A_1384 = vector.shape_cast %reduce_sum3A_1383 : vector<1xf32> to vector<1x1x1xf32>
    %reduce_sum3A_1385 = vector.extract %reduce_sum3A_1384[0, 0, 0] : f32 from vector<1x1x1xf32>
    %jit3A_1386 = arith.constant 1.000000e+00 : f32
    %jit3A_1387 = arith.constant 0.000000e+00 : f32
    %broadcast_in_dim3A_1388 = vector.broadcast %jit3A_1386 : f32 to vector<800x128xf32>
    %broadcast_in_dim3A_1389 = vector.broadcast %jit3A_1387 : f32 to vector<800x128xf32>
    %select_n3A_1390 = arith.select %eq3A_1377, %broadcast_in_dim3A_1388, %broadcast_in_dim3A_1389 : vector<800x128xi1>, vector<800x128xf32>
    %reduce_sum3A_1391 = vector.shape_cast %select_n3A_1390 : vector<800x128xf32> to vector<1x800x128xf32>
    %reduce_sum3A_1392 = arith.constant dense<0.000000e+00> : vector<1xf32>
    %reduce_sum3A_1393 = vector.multi_reduction <add>, %reduce_sum3A_1391, %reduce_sum3A_1392 [1, 2] : vector<1x800x128xf32> to vector<1xf32>
    %reduce_sum3A_1394 = vector.shape_cast %reduce_sum3A_1393 : vector<1xf32> to vector<1x1x1xf32>
    %reduce_sum3A_1395 = vector.extract %reduce_sum3A_1394[0, 0, 0] : f32 from vector<1x1x1xf32>
    %neg3A_1396 = arith.constant 0.000000e+00 : f32
    %neg3A_1397 = arith.subf %neg3A_1396, %reduce_sum3A_1385 : f32
    %max3A_1398 = arith.constant 1.000000e+00 : f32
    %max3A_1399 = arith.maximumf %reduce_sum3A_1395, %max3A_1398 : f32
    %div3A_1400 = arith.divf %neg3A_1397, %max3A_1399 : f32
    %eq3A_1401 = arith.constant 54 : i32
    %eq3A_1402 = vector.broadcast %eq3A_1401 : i32 to vector<800x128xi32>
    %eq3A_1403 = arith.cmpi eq, %get3A_4, %eq3A_1402 : vector<800x128xi32>
    %jit3A_1404 = arith.constant 0.000000e+00 : f32
    %broadcast_in_dim3A_1405 = vector.broadcast %jit3A_1404 : f32 to vector<800x128xf32>
    %select_n3A_1406 = arith.select %eq3A_1403, %get3A_1, %broadcast_in_dim3A_1405 : vector<800x128xi1>, vector<800x128xf32>
    %reduce_sum3A_1407 = vector.shape_cast %select_n3A_1406 : vector<800x128xf32> to vector<1x800x128xf32>
    %reduce_sum3A_1408 = arith.constant dense<0.000000e+00> : vector<1xf32>
    %reduce_sum3A_1409 = vector.multi_reduction <add>, %reduce_sum3A_1407, %reduce_sum3A_1408 [1, 2] : vector<1x800x128xf32> to vector<1xf32>
    %reduce_sum3A_1410 = vector.shape_cast %reduce_sum3A_1409 : vector<1xf32> to vector<1x1x1xf32>
    %reduce_sum3A_1411 = vector.extract %reduce_sum3A_1410[0, 0, 0] : f32 from vector<1x1x1xf32>
    %jit3A_1412 = arith.constant 1.000000e+00 : f32
    %jit3A_1413 = arith.constant 0.000000e+00 : f32
    %broadcast_in_dim3A_1414 = vector.broadcast %jit3A_1412 : f32 to vector<800x128xf32>
    %broadcast_in_dim3A_1415 = vector.broadcast %jit3A_1413 : f32 to vector<800x128xf32>
    %select_n3A_1416 = arith.select %eq3A_1403, %broadcast_in_dim3A_1414, %broadcast_in_dim3A_1415 : vector<800x128xi1>, vector<800x128xf32>
    %reduce_sum3A_1417 = vector.shape_cast %select_n3A_1416 : vector<800x128xf32> to vector<1x800x128xf32>
    %reduce_sum3A_1418 = arith.constant dense<0.000000e+00> : vector<1xf32>
    %reduce_sum3A_1419 = vector.multi_reduction <add>, %reduce_sum3A_1417, %reduce_sum3A_1418 [1, 2] : vector<1x800x128xf32> to vector<1xf32>
    %reduce_sum3A_1420 = vector.shape_cast %reduce_sum3A_1419 : vector<1xf32> to vector<1x1x1xf32>
    %reduce_sum3A_1421 = vector.extract %reduce_sum3A_1420[0, 0, 0] : f32 from vector<1x1x1xf32>
    %neg3A_1422 = arith.constant 0.000000e+00 : f32
    %neg3A_1423 = arith.subf %neg3A_1422, %reduce_sum3A_1411 : f32
    %max3A_1424 = arith.constant 1.000000e+00 : f32
    %max3A_1425 = arith.maximumf %reduce_sum3A_1421, %max3A_1424 : f32
    %div3A_1426 = arith.divf %neg3A_1423, %max3A_1425 : f32
    %eq3A_1427 = arith.constant 55 : i32
    %eq3A_1428 = vector.broadcast %eq3A_1427 : i32 to vector<800x128xi32>
    %eq3A_1429 = arith.cmpi eq, %get3A_4, %eq3A_1428 : vector<800x128xi32>
    %jit3A_1430 = arith.constant 0.000000e+00 : f32
    %broadcast_in_dim3A_1431 = vector.broadcast %jit3A_1430 : f32 to vector<800x128xf32>
    %select_n3A_1432 = arith.select %eq3A_1429, %get3A_1, %broadcast_in_dim3A_1431 : vector<800x128xi1>, vector<800x128xf32>
    %reduce_sum3A_1433 = vector.shape_cast %select_n3A_1432 : vector<800x128xf32> to vector<1x800x128xf32>
    %reduce_sum3A_1434 = arith.constant dense<0.000000e+00> : vector<1xf32>
    %reduce_sum3A_1435 = vector.multi_reduction <add>, %reduce_sum3A_1433, %reduce_sum3A_1434 [1, 2] : vector<1x800x128xf32> to vector<1xf32>
    %reduce_sum3A_1436 = vector.shape_cast %reduce_sum3A_1435 : vector<1xf32> to vector<1x1x1xf32>
    %reduce_sum3A_1437 = vector.extract %reduce_sum3A_1436[0, 0, 0] : f32 from vector<1x1x1xf32>
    %jit3A_1438 = arith.constant 1.000000e+00 : f32
    %jit3A_1439 = arith.constant 0.000000e+00 : f32
    %broadcast_in_dim3A_1440 = vector.broadcast %jit3A_1438 : f32 to vector<800x128xf32>
    %broadcast_in_dim3A_1441 = vector.broadcast %jit3A_1439 : f32 to vector<800x128xf32>
    %select_n3A_1442 = arith.select %eq3A_1429, %broadcast_in_dim3A_1440, %broadcast_in_dim3A_1441 : vector<800x128xi1>, vector<800x128xf32>
    %reduce_sum3A_1443 = vector.shape_cast %select_n3A_1442 : vector<800x128xf32> to vector<1x800x128xf32>
    %reduce_sum3A_1444 = arith.constant dense<0.000000e+00> : vector<1xf32>
    %reduce_sum3A_1445 = vector.multi_reduction <add>, %reduce_sum3A_1443, %reduce_sum3A_1444 [1, 2] : vector<1x800x128xf32> to vector<1xf32>
    %reduce_sum3A_1446 = vector.shape_cast %reduce_sum3A_1445 : vector<1xf32> to vector<1x1x1xf32>
    %reduce_sum3A_1447 = vector.extract %reduce_sum3A_1446[0, 0, 0] : f32 from vector<1x1x1xf32>
    %neg3A_1448 = arith.constant 0.000000e+00 : f32
    %neg3A_1449 = arith.subf %neg3A_1448, %reduce_sum3A_1437 : f32
    %max3A_1450 = arith.constant 1.000000e+00 : f32
    %max3A_1451 = arith.maximumf %reduce_sum3A_1447, %max3A_1450 : f32
    %div3A_1452 = arith.divf %neg3A_1449, %max3A_1451 : f32
    %eq3A_1453 = arith.constant 56 : i32
    %eq3A_1454 = vector.broadcast %eq3A_1453 : i32 to vector<800x128xi32>
    %eq3A_1455 = arith.cmpi eq, %get3A_4, %eq3A_1454 : vector<800x128xi32>
    %jit3A_1456 = arith.constant 0.000000e+00 : f32
    %broadcast_in_dim3A_1457 = vector.broadcast %jit3A_1456 : f32 to vector<800x128xf32>
    %select_n3A_1458 = arith.select %eq3A_1455, %get3A_1, %broadcast_in_dim3A_1457 : vector<800x128xi1>, vector<800x128xf32>
    %reduce_sum3A_1459 = vector.shape_cast %select_n3A_1458 : vector<800x128xf32> to vector<1x800x128xf32>
    %reduce_sum3A_1460 = arith.constant dense<0.000000e+00> : vector<1xf32>
    %reduce_sum3A_1461 = vector.multi_reduction <add>, %reduce_sum3A_1459, %reduce_sum3A_1460 [1, 2] : vector<1x800x128xf32> to vector<1xf32>
    %reduce_sum3A_1462 = vector.shape_cast %reduce_sum3A_1461 : vector<1xf32> to vector<1x1x1xf32>
    %reduce_sum3A_1463 = vector.extract %reduce_sum3A_1462[0, 0, 0] : f32 from vector<1x1x1xf32>
    %jit3A_1464 = arith.constant 1.000000e+00 : f32
    %jit3A_1465 = arith.constant 0.000000e+00 : f32
    %broadcast_in_dim3A_1466 = vector.broadcast %jit3A_1464 : f32 to vector<800x128xf32>
    %broadcast_in_dim3A_1467 = vector.broadcast %jit3A_1465 : f32 to vector<800x128xf32>
    %select_n3A_1468 = arith.select %eq3A_1455, %broadcast_in_dim3A_1466, %broadcast_in_dim3A_1467 : vector<800x128xi1>, vector<800x128xf32>
    %reduce_sum3A_1469 = vector.shape_cast %select_n3A_1468 : vector<800x128xf32> to vector<1x800x128xf32>
    %reduce_sum3A_1470 = arith.constant dense<0.000000e+00> : vector<1xf32>
    %reduce_sum3A_1471 = vector.multi_reduction <add>, %reduce_sum3A_1469, %reduce_sum3A_1470 [1, 2] : vector<1x800x128xf32> to vector<1xf32>
    %reduce_sum3A_1472 = vector.shape_cast %reduce_sum3A_1471 : vector<1xf32> to vector<1x1x1xf32>
    %reduce_sum3A_1473 = vector.extract %reduce_sum3A_1472[0, 0, 0] : f32 from vector<1x1x1xf32>
    %neg3A_1474 = arith.constant 0.000000e+00 : f32
    %neg3A_1475 = arith.subf %neg3A_1474, %reduce_sum3A_1463 : f32
    %max3A_1476 = arith.constant 1.000000e+00 : f32
    %max3A_1477 = arith.maximumf %reduce_sum3A_1473, %max3A_1476 : f32
    %div3A_1478 = arith.divf %neg3A_1475, %max3A_1477 : f32
    %eq3A_1479 = arith.constant 57 : i32
    %eq3A_1480 = vector.broadcast %eq3A_1479 : i32 to vector<800x128xi32>
    %eq3A_1481 = arith.cmpi eq, %get3A_4, %eq3A_1480 : vector<800x128xi32>
    %jit3A_1482 = arith.constant 0.000000e+00 : f32
    %broadcast_in_dim3A_1483 = vector.broadcast %jit3A_1482 : f32 to vector<800x128xf32>
    %select_n3A_1484 = arith.select %eq3A_1481, %get3A_1, %broadcast_in_dim3A_1483 : vector<800x128xi1>, vector<800x128xf32>
    %reduce_sum3A_1485 = vector.shape_cast %select_n3A_1484 : vector<800x128xf32> to vector<1x800x128xf32>
    %reduce_sum3A_1486 = arith.constant dense<0.000000e+00> : vector<1xf32>
    %reduce_sum3A_1487 = vector.multi_reduction <add>, %reduce_sum3A_1485, %reduce_sum3A_1486 [1, 2] : vector<1x800x128xf32> to vector<1xf32>
    %reduce_sum3A_1488 = vector.shape_cast %reduce_sum3A_1487 : vector<1xf32> to vector<1x1x1xf32>
    %reduce_sum3A_1489 = vector.extract %reduce_sum3A_1488[0, 0, 0] : f32 from vector<1x1x1xf32>
    %jit3A_1490 = arith.constant 1.000000e+00 : f32
    %jit3A_1491 = arith.constant 0.000000e+00 : f32
    %broadcast_in_dim3A_1492 = vector.broadcast %jit3A_1490 : f32 to vector<800x128xf32>
    %broadcast_in_dim3A_1493 = vector.broadcast %jit3A_1491 : f32 to vector<800x128xf32>
    %select_n3A_1494 = arith.select %eq3A_1481, %broadcast_in_dim3A_1492, %broadcast_in_dim3A_1493 : vector<800x128xi1>, vector<800x128xf32>
    %reduce_sum3A_1495 = vector.shape_cast %select_n3A_1494 : vector<800x128xf32> to vector<1x800x128xf32>
    %reduce_sum3A_1496 = arith.constant dense<0.000000e+00> : vector<1xf32>
    %reduce_sum3A_1497 = vector.multi_reduction <add>, %reduce_sum3A_1495, %reduce_sum3A_1496 [1, 2] : vector<1x800x128xf32> to vector<1xf32>
    %reduce_sum3A_1498 = vector.shape_cast %reduce_sum3A_1497 : vector<1xf32> to vector<1x1x1xf32>
    %reduce_sum3A_1499 = vector.extract %reduce_sum3A_1498[0, 0, 0] : f32 from vector<1x1x1xf32>
    %neg3A_1500 = arith.constant 0.000000e+00 : f32
    %neg3A_1501 = arith.subf %neg3A_1500, %reduce_sum3A_1489 : f32
    %max3A_1502 = arith.constant 1.000000e+00 : f32
    %max3A_1503 = arith.maximumf %reduce_sum3A_1499, %max3A_1502 : f32
    %div3A_1504 = arith.divf %neg3A_1501, %max3A_1503 : f32
    %eq3A_1505 = arith.constant 58 : i32
    %eq3A_1506 = vector.broadcast %eq3A_1505 : i32 to vector<800x128xi32>
    %eq3A_1507 = arith.cmpi eq, %get3A_4, %eq3A_1506 : vector<800x128xi32>
    %jit3A_1508 = arith.constant 0.000000e+00 : f32
    %broadcast_in_dim3A_1509 = vector.broadcast %jit3A_1508 : f32 to vector<800x128xf32>
    %select_n3A_1510 = arith.select %eq3A_1507, %get3A_1, %broadcast_in_dim3A_1509 : vector<800x128xi1>, vector<800x128xf32>
    %reduce_sum3A_1511 = vector.shape_cast %select_n3A_1510 : vector<800x128xf32> to vector<1x800x128xf32>
    %reduce_sum3A_1512 = arith.constant dense<0.000000e+00> : vector<1xf32>
    %reduce_sum3A_1513 = vector.multi_reduction <add>, %reduce_sum3A_1511, %reduce_sum3A_1512 [1, 2] : vector<1x800x128xf32> to vector<1xf32>
    %reduce_sum3A_1514 = vector.shape_cast %reduce_sum3A_1513 : vector<1xf32> to vector<1x1x1xf32>
    %reduce_sum3A_1515 = vector.extract %reduce_sum3A_1514[0, 0, 0] : f32 from vector<1x1x1xf32>
    %jit3A_1516 = arith.constant 1.000000e+00 : f32
    %jit3A_1517 = arith.constant 0.000000e+00 : f32
    %broadcast_in_dim3A_1518 = vector.broadcast %jit3A_1516 : f32 to vector<800x128xf32>
    %broadcast_in_dim3A_1519 = vector.broadcast %jit3A_1517 : f32 to vector<800x128xf32>
    %select_n3A_1520 = arith.select %eq3A_1507, %broadcast_in_dim3A_1518, %broadcast_in_dim3A_1519 : vector<800x128xi1>, vector<800x128xf32>
    %reduce_sum3A_1521 = vector.shape_cast %select_n3A_1520 : vector<800x128xf32> to vector<1x800x128xf32>
    %reduce_sum3A_1522 = arith.constant dense<0.000000e+00> : vector<1xf32>
    %reduce_sum3A_1523 = vector.multi_reduction <add>, %reduce_sum3A_1521, %reduce_sum3A_1522 [1, 2] : vector<1x800x128xf32> to vector<1xf32>
    %reduce_sum3A_1524 = vector.shape_cast %reduce_sum3A_1523 : vector<1xf32> to vector<1x1x1xf32>
    %reduce_sum3A_1525 = vector.extract %reduce_sum3A_1524[0, 0, 0] : f32 from vector<1x1x1xf32>
    %neg3A_1526 = arith.constant 0.000000e+00 : f32
    %neg3A_1527 = arith.subf %neg3A_1526, %reduce_sum3A_1515 : f32
    %max3A_1528 = arith.constant 1.000000e+00 : f32
    %max3A_1529 = arith.maximumf %reduce_sum3A_1525, %max3A_1528 : f32
    %div3A_1530 = arith.divf %neg3A_1527, %max3A_1529 : f32
    %eq3A_1531 = arith.constant 59 : i32
    %eq3A_1532 = vector.broadcast %eq3A_1531 : i32 to vector<800x128xi32>
    %eq3A_1533 = arith.cmpi eq, %get3A_4, %eq3A_1532 : vector<800x128xi32>
    %jit3A_1534 = arith.constant 0.000000e+00 : f32
    %broadcast_in_dim3A_1535 = vector.broadcast %jit3A_1534 : f32 to vector<800x128xf32>
    %select_n3A_1536 = arith.select %eq3A_1533, %get3A_1, %broadcast_in_dim3A_1535 : vector<800x128xi1>, vector<800x128xf32>
    %reduce_sum3A_1537 = vector.shape_cast %select_n3A_1536 : vector<800x128xf32> to vector<1x800x128xf32>
    %reduce_sum3A_1538 = arith.constant dense<0.000000e+00> : vector<1xf32>
    %reduce_sum3A_1539 = vector.multi_reduction <add>, %reduce_sum3A_1537, %reduce_sum3A_1538 [1, 2] : vector<1x800x128xf32> to vector<1xf32>
    %reduce_sum3A_1540 = vector.shape_cast %reduce_sum3A_1539 : vector<1xf32> to vector<1x1x1xf32>
    %reduce_sum3A_1541 = vector.extract %reduce_sum3A_1540[0, 0, 0] : f32 from vector<1x1x1xf32>
    %jit3A_1542 = arith.constant 1.000000e+00 : f32
    %jit3A_1543 = arith.constant 0.000000e+00 : f32
    %broadcast_in_dim3A_1544 = vector.broadcast %jit3A_1542 : f32 to vector<800x128xf32>
    %broadcast_in_dim3A_1545 = vector.broadcast %jit3A_1543 : f32 to vector<800x128xf32>
    %select_n3A_1546 = arith.select %eq3A_1533, %broadcast_in_dim3A_1544, %broadcast_in_dim3A_1545 : vector<800x128xi1>, vector<800x128xf32>
    %reduce_sum3A_1547 = vector.shape_cast %select_n3A_1546 : vector<800x128xf32> to vector<1x800x128xf32>
    %reduce_sum3A_1548 = arith.constant dense<0.000000e+00> : vector<1xf32>
    %reduce_sum3A_1549 = vector.multi_reduction <add>, %reduce_sum3A_1547, %reduce_sum3A_1548 [1, 2] : vector<1x800x128xf32> to vector<1xf32>
    %reduce_sum3A_1550 = vector.shape_cast %reduce_sum3A_1549 : vector<1xf32> to vector<1x1x1xf32>
    %reduce_sum3A_1551 = vector.extract %reduce_sum3A_1550[0, 0, 0] : f32 from vector<1x1x1xf32>
    %neg3A_1552 = arith.constant 0.000000e+00 : f32
    %neg3A_1553 = arith.subf %neg3A_1552, %reduce_sum3A_1541 : f32
    %max3A_1554 = arith.constant 1.000000e+00 : f32
    %max3A_1555 = arith.maximumf %reduce_sum3A_1551, %max3A_1554 : f32
    %div3A_1556 = arith.divf %neg3A_1553, %max3A_1555 : f32
    %eq3A_1557 = arith.constant 60 : i32
    %eq3A_1558 = vector.broadcast %eq3A_1557 : i32 to vector<800x128xi32>
    %eq3A_1559 = arith.cmpi eq, %get3A_4, %eq3A_1558 : vector<800x128xi32>
    %jit3A_1560 = arith.constant 0.000000e+00 : f32
    %broadcast_in_dim3A_1561 = vector.broadcast %jit3A_1560 : f32 to vector<800x128xf32>
    %select_n3A_1562 = arith.select %eq3A_1559, %get3A_1, %broadcast_in_dim3A_1561 : vector<800x128xi1>, vector<800x128xf32>
    %reduce_sum3A_1563 = vector.shape_cast %select_n3A_1562 : vector<800x128xf32> to vector<1x800x128xf32>
    %reduce_sum3A_1564 = arith.constant dense<0.000000e+00> : vector<1xf32>
    %reduce_sum3A_1565 = vector.multi_reduction <add>, %reduce_sum3A_1563, %reduce_sum3A_1564 [1, 2] : vector<1x800x128xf32> to vector<1xf32>
    %reduce_sum3A_1566 = vector.shape_cast %reduce_sum3A_1565 : vector<1xf32> to vector<1x1x1xf32>
    %reduce_sum3A_1567 = vector.extract %reduce_sum3A_1566[0, 0, 0] : f32 from vector<1x1x1xf32>
    %jit3A_1568 = arith.constant 1.000000e+00 : f32
    %jit3A_1569 = arith.constant 0.000000e+00 : f32
    %broadcast_in_dim3A_1570 = vector.broadcast %jit3A_1568 : f32 to vector<800x128xf32>
    %broadcast_in_dim3A_1571 = vector.broadcast %jit3A_1569 : f32 to vector<800x128xf32>
    %select_n3A_1572 = arith.select %eq3A_1559, %broadcast_in_dim3A_1570, %broadcast_in_dim3A_1571 : vector<800x128xi1>, vector<800x128xf32>
    %reduce_sum3A_1573 = vector.shape_cast %select_n3A_1572 : vector<800x128xf32> to vector<1x800x128xf32>
    %reduce_sum3A_1574 = arith.constant dense<0.000000e+00> : vector<1xf32>
    %reduce_sum3A_1575 = vector.multi_reduction <add>, %reduce_sum3A_1573, %reduce_sum3A_1574 [1, 2] : vector<1x800x128xf32> to vector<1xf32>
    %reduce_sum3A_1576 = vector.shape_cast %reduce_sum3A_1575 : vector<1xf32> to vector<1x1x1xf32>
    %reduce_sum3A_1577 = vector.extract %reduce_sum3A_1576[0, 0, 0] : f32 from vector<1x1x1xf32>
    %neg3A_1578 = arith.constant 0.000000e+00 : f32
    %neg3A_1579 = arith.subf %neg3A_1578, %reduce_sum3A_1567 : f32
    %max3A_1580 = arith.constant 1.000000e+00 : f32
    %max3A_1581 = arith.maximumf %reduce_sum3A_1577, %max3A_1580 : f32
    %div3A_1582 = arith.divf %neg3A_1579, %max3A_1581 : f32
    %eq3A_1583 = arith.constant 61 : i32
    %eq3A_1584 = vector.broadcast %eq3A_1583 : i32 to vector<800x128xi32>
    %eq3A_1585 = arith.cmpi eq, %get3A_4, %eq3A_1584 : vector<800x128xi32>
    %jit3A_1586 = arith.constant 0.000000e+00 : f32
    %broadcast_in_dim3A_1587 = vector.broadcast %jit3A_1586 : f32 to vector<800x128xf32>
    %select_n3A_1588 = arith.select %eq3A_1585, %get3A_1, %broadcast_in_dim3A_1587 : vector<800x128xi1>, vector<800x128xf32>
    %reduce_sum3A_1589 = vector.shape_cast %select_n3A_1588 : vector<800x128xf32> to vector<1x800x128xf32>
    %reduce_sum3A_1590 = arith.constant dense<0.000000e+00> : vector<1xf32>
    %reduce_sum3A_1591 = vector.multi_reduction <add>, %reduce_sum3A_1589, %reduce_sum3A_1590 [1, 2] : vector<1x800x128xf32> to vector<1xf32>
    %reduce_sum3A_1592 = vector.shape_cast %reduce_sum3A_1591 : vector<1xf32> to vector<1x1x1xf32>
    %reduce_sum3A_1593 = vector.extract %reduce_sum3A_1592[0, 0, 0] : f32 from vector<1x1x1xf32>
    %jit3A_1594 = arith.constant 1.000000e+00 : f32
    %jit3A_1595 = arith.constant 0.000000e+00 : f32
    %broadcast_in_dim3A_1596 = vector.broadcast %jit3A_1594 : f32 to vector<800x128xf32>
    %broadcast_in_dim3A_1597 = vector.broadcast %jit3A_1595 : f32 to vector<800x128xf32>
    %select_n3A_1598 = arith.select %eq3A_1585, %broadcast_in_dim3A_1596, %broadcast_in_dim3A_1597 : vector<800x128xi1>, vector<800x128xf32>
    %reduce_sum3A_1599 = vector.shape_cast %select_n3A_1598 : vector<800x128xf32> to vector<1x800x128xf32>
    %reduce_sum3A_1600 = arith.constant dense<0.000000e+00> : vector<1xf32>
    %reduce_sum3A_1601 = vector.multi_reduction <add>, %reduce_sum3A_1599, %reduce_sum3A_1600 [1, 2] : vector<1x800x128xf32> to vector<1xf32>
    %reduce_sum3A_1602 = vector.shape_cast %reduce_sum3A_1601 : vector<1xf32> to vector<1x1x1xf32>
    %reduce_sum3A_1603 = vector.extract %reduce_sum3A_1602[0, 0, 0] : f32 from vector<1x1x1xf32>
    %neg3A_1604 = arith.constant 0.000000e+00 : f32
    %neg3A_1605 = arith.subf %neg3A_1604, %reduce_sum3A_1593 : f32
    %max3A_1606 = arith.constant 1.000000e+00 : f32
    %max3A_1607 = arith.maximumf %reduce_sum3A_1603, %max3A_1606 : f32
    %div3A_1608 = arith.divf %neg3A_1605, %max3A_1607 : f32
    %eq3A_1609 = arith.constant 62 : i32
    %eq3A_1610 = vector.broadcast %eq3A_1609 : i32 to vector<800x128xi32>
    %eq3A_1611 = arith.cmpi eq, %get3A_4, %eq3A_1610 : vector<800x128xi32>
    %jit3A_1612 = arith.constant 0.000000e+00 : f32
    %broadcast_in_dim3A_1613 = vector.broadcast %jit3A_1612 : f32 to vector<800x128xf32>
    %select_n3A_1614 = arith.select %eq3A_1611, %get3A_1, %broadcast_in_dim3A_1613 : vector<800x128xi1>, vector<800x128xf32>
    %reduce_sum3A_1615 = vector.shape_cast %select_n3A_1614 : vector<800x128xf32> to vector<1x800x128xf32>
    %reduce_sum3A_1616 = arith.constant dense<0.000000e+00> : vector<1xf32>
    %reduce_sum3A_1617 = vector.multi_reduction <add>, %reduce_sum3A_1615, %reduce_sum3A_1616 [1, 2] : vector<1x800x128xf32> to vector<1xf32>
    %reduce_sum3A_1618 = vector.shape_cast %reduce_sum3A_1617 : vector<1xf32> to vector<1x1x1xf32>
    %reduce_sum3A_1619 = vector.extract %reduce_sum3A_1618[0, 0, 0] : f32 from vector<1x1x1xf32>
    %jit3A_1620 = arith.constant 1.000000e+00 : f32
    %jit3A_1621 = arith.constant 0.000000e+00 : f32
    %broadcast_in_dim3A_1622 = vector.broadcast %jit3A_1620 : f32 to vector<800x128xf32>
    %broadcast_in_dim3A_1623 = vector.broadcast %jit3A_1621 : f32 to vector<800x128xf32>
    %select_n3A_1624 = arith.select %eq3A_1611, %broadcast_in_dim3A_1622, %broadcast_in_dim3A_1623 : vector<800x128xi1>, vector<800x128xf32>
    %reduce_sum3A_1625 = vector.shape_cast %select_n3A_1624 : vector<800x128xf32> to vector<1x800x128xf32>
    %reduce_sum3A_1626 = arith.constant dense<0.000000e+00> : vector<1xf32>
    %reduce_sum3A_1627 = vector.multi_reduction <add>, %reduce_sum3A_1625, %reduce_sum3A_1626 [1, 2] : vector<1x800x128xf32> to vector<1xf32>
    %reduce_sum3A_1628 = vector.shape_cast %reduce_sum3A_1627 : vector<1xf32> to vector<1x1x1xf32>
    %reduce_sum3A_1629 = vector.extract %reduce_sum3A_1628[0, 0, 0] : f32 from vector<1x1x1xf32>
    %neg3A_1630 = arith.constant 0.000000e+00 : f32
    %neg3A_1631 = arith.subf %neg3A_1630, %reduce_sum3A_1619 : f32
    %max3A_1632 = arith.constant 1.000000e+00 : f32
    %max3A_1633 = arith.maximumf %reduce_sum3A_1629, %max3A_1632 : f32
    %div3A_1634 = arith.divf %neg3A_1631, %max3A_1633 : f32
    %eq3A_1635 = arith.constant 63 : i32
    %eq3A_1636 = vector.broadcast %eq3A_1635 : i32 to vector<800x128xi32>
    %eq3A_1637 = arith.cmpi eq, %get3A_4, %eq3A_1636 : vector<800x128xi32>
    %jit3A_1638 = arith.constant 0.000000e+00 : f32
    %broadcast_in_dim3A_1639 = vector.broadcast %jit3A_1638 : f32 to vector<800x128xf32>
    %select_n3A_1640 = arith.select %eq3A_1637, %get3A_1, %broadcast_in_dim3A_1639 : vector<800x128xi1>, vector<800x128xf32>
    %reduce_sum3A_1641 = vector.shape_cast %select_n3A_1640 : vector<800x128xf32> to vector<1x800x128xf32>
    %reduce_sum3A_1642 = arith.constant dense<0.000000e+00> : vector<1xf32>
    %reduce_sum3A_1643 = vector.multi_reduction <add>, %reduce_sum3A_1641, %reduce_sum3A_1642 [1, 2] : vector<1x800x128xf32> to vector<1xf32>
    %reduce_sum3A_1644 = vector.shape_cast %reduce_sum3A_1643 : vector<1xf32> to vector<1x1x1xf32>
    %reduce_sum3A_1645 = vector.extract %reduce_sum3A_1644[0, 0, 0] : f32 from vector<1x1x1xf32>
    %jit3A_1646 = arith.constant 1.000000e+00 : f32
    %jit3A_1647 = arith.constant 0.000000e+00 : f32
    %broadcast_in_dim3A_1648 = vector.broadcast %jit3A_1646 : f32 to vector<800x128xf32>
    %broadcast_in_dim3A_1649 = vector.broadcast %jit3A_1647 : f32 to vector<800x128xf32>
    %select_n3A_1650 = arith.select %eq3A_1637, %broadcast_in_dim3A_1648, %broadcast_in_dim3A_1649 : vector<800x128xi1>, vector<800x128xf32>
    %reduce_sum3A_1651 = vector.shape_cast %select_n3A_1650 : vector<800x128xf32> to vector<1x800x128xf32>
    %reduce_sum3A_1652 = arith.constant dense<0.000000e+00> : vector<1xf32>
    %reduce_sum3A_1653 = vector.multi_reduction <add>, %reduce_sum3A_1651, %reduce_sum3A_1652 [1, 2] : vector<1x800x128xf32> to vector<1xf32>
    %reduce_sum3A_1654 = vector.shape_cast %reduce_sum3A_1653 : vector<1xf32> to vector<1x1x1xf32>
    %reduce_sum3A_1655 = vector.extract %reduce_sum3A_1654[0, 0, 0] : f32 from vector<1x1x1xf32>
    %neg3A_1656 = arith.constant 0.000000e+00 : f32
    %neg3A_1657 = arith.subf %neg3A_1656, %reduce_sum3A_1645 : f32
    %max3A_1658 = arith.constant 1.000000e+00 : f32
    %max3A_1659 = arith.maximumf %reduce_sum3A_1655, %max3A_1658 : f32
    %div3A_1660 = arith.divf %neg3A_1657, %max3A_1659 : f32
    %broadcast_in_dim3A_1661 = arith.constant 0.000000e+00 : f32
    %broadcast_in_dim3A_1662 = vector.broadcast %broadcast_in_dim3A_1661 : f32 to vector<800x128xf32>
    %eq3A_1663 = arith.constant 0 : i32
    %eq3A_1664 = vector.broadcast %eq3A_1663 : i32 to vector<800x128xi32>
    %eq3A_1665 = arith.cmpi eq, %get3A_4, %eq3A_1664 : vector<800x128xi32>
    %broadcast_in_dim3A_1666 = vector.broadcast %div3A : f32 to vector<800x128xf32>
    %select_n3A_1667 = arith.select %eq3A_1665, %broadcast_in_dim3A_1666, %broadcast_in_dim3A_1662 : vector<800x128xi1>, vector<800x128xf32>
    %eq3A_1668 = arith.constant 1 : i32
    %eq3A_1669 = vector.broadcast %eq3A_1668 : i32 to vector<800x128xi32>
    %eq3A_1670 = arith.cmpi eq, %get3A_4, %eq3A_1669 : vector<800x128xi32>
    %broadcast_in_dim3A_1671 = vector.broadcast %div3A_48 : f32 to vector<800x128xf32>
    %select_n3A_1672 = arith.select %eq3A_1670, %broadcast_in_dim3A_1671, %select_n3A_1667 : vector<800x128xi1>, vector<800x128xf32>
    %eq3A_1673 = arith.constant 2 : i32
    %eq3A_1674 = vector.broadcast %eq3A_1673 : i32 to vector<800x128xi32>
    %eq3A_1675 = arith.cmpi eq, %get3A_4, %eq3A_1674 : vector<800x128xi32>
    %broadcast_in_dim3A_1676 = vector.broadcast %div3A_74 : f32 to vector<800x128xf32>
    %select_n3A_1677 = arith.select %eq3A_1675, %broadcast_in_dim3A_1676, %select_n3A_1672 : vector<800x128xi1>, vector<800x128xf32>
    %eq3A_1678 = arith.constant 3 : i32
    %eq3A_1679 = vector.broadcast %eq3A_1678 : i32 to vector<800x128xi32>
    %eq3A_1680 = arith.cmpi eq, %get3A_4, %eq3A_1679 : vector<800x128xi32>
    %broadcast_in_dim3A_1681 = vector.broadcast %div3A_100 : f32 to vector<800x128xf32>
    %select_n3A_1682 = arith.select %eq3A_1680, %broadcast_in_dim3A_1681, %select_n3A_1677 : vector<800x128xi1>, vector<800x128xf32>
    %eq3A_1683 = arith.constant 4 : i32
    %eq3A_1684 = vector.broadcast %eq3A_1683 : i32 to vector<800x128xi32>
    %eq3A_1685 = arith.cmpi eq, %get3A_4, %eq3A_1684 : vector<800x128xi32>
    %broadcast_in_dim3A_1686 = vector.broadcast %div3A_126 : f32 to vector<800x128xf32>
    %select_n3A_1687 = arith.select %eq3A_1685, %broadcast_in_dim3A_1686, %select_n3A_1682 : vector<800x128xi1>, vector<800x128xf32>
    %eq3A_1688 = arith.constant 5 : i32
    %eq3A_1689 = vector.broadcast %eq3A_1688 : i32 to vector<800x128xi32>
    %eq3A_1690 = arith.cmpi eq, %get3A_4, %eq3A_1689 : vector<800x128xi32>
    %broadcast_in_dim3A_1691 = vector.broadcast %div3A_152 : f32 to vector<800x128xf32>
    %select_n3A_1692 = arith.select %eq3A_1690, %broadcast_in_dim3A_1691, %select_n3A_1687 : vector<800x128xi1>, vector<800x128xf32>
    %eq3A_1693 = arith.constant 6 : i32
    %eq3A_1694 = vector.broadcast %eq3A_1693 : i32 to vector<800x128xi32>
    %eq3A_1695 = arith.cmpi eq, %get3A_4, %eq3A_1694 : vector<800x128xi32>
    %broadcast_in_dim3A_1696 = vector.broadcast %div3A_178 : f32 to vector<800x128xf32>
    %select_n3A_1697 = arith.select %eq3A_1695, %broadcast_in_dim3A_1696, %select_n3A_1692 : vector<800x128xi1>, vector<800x128xf32>
    %eq3A_1698 = arith.constant 7 : i32
    %eq3A_1699 = vector.broadcast %eq3A_1698 : i32 to vector<800x128xi32>
    %eq3A_1700 = arith.cmpi eq, %get3A_4, %eq3A_1699 : vector<800x128xi32>
    %broadcast_in_dim3A_1701 = vector.broadcast %div3A_204 : f32 to vector<800x128xf32>
    %select_n3A_1702 = arith.select %eq3A_1700, %broadcast_in_dim3A_1701, %select_n3A_1697 : vector<800x128xi1>, vector<800x128xf32>
    %eq3A_1703 = arith.constant 8 : i32
    %eq3A_1704 = vector.broadcast %eq3A_1703 : i32 to vector<800x128xi32>
    %eq3A_1705 = arith.cmpi eq, %get3A_4, %eq3A_1704 : vector<800x128xi32>
    %broadcast_in_dim3A_1706 = vector.broadcast %div3A_230 : f32 to vector<800x128xf32>
    %select_n3A_1707 = arith.select %eq3A_1705, %broadcast_in_dim3A_1706, %select_n3A_1702 : vector<800x128xi1>, vector<800x128xf32>
    %eq3A_1708 = arith.constant 9 : i32
    %eq3A_1709 = vector.broadcast %eq3A_1708 : i32 to vector<800x128xi32>
    %eq3A_1710 = arith.cmpi eq, %get3A_4, %eq3A_1709 : vector<800x128xi32>
    %broadcast_in_dim3A_1711 = vector.broadcast %div3A_256 : f32 to vector<800x128xf32>
    %select_n3A_1712 = arith.select %eq3A_1710, %broadcast_in_dim3A_1711, %select_n3A_1707 : vector<800x128xi1>, vector<800x128xf32>
    %eq3A_1713 = arith.constant 10 : i32
    %eq3A_1714 = vector.broadcast %eq3A_1713 : i32 to vector<800x128xi32>
    %eq3A_1715 = arith.cmpi eq, %get3A_4, %eq3A_1714 : vector<800x128xi32>
    %broadcast_in_dim3A_1716 = vector.broadcast %div3A_282 : f32 to vector<800x128xf32>
    %select_n3A_1717 = arith.select %eq3A_1715, %broadcast_in_dim3A_1716, %select_n3A_1712 : vector<800x128xi1>, vector<800x128xf32>
    %eq3A_1718 = arith.constant 11 : i32
    %eq3A_1719 = vector.broadcast %eq3A_1718 : i32 to vector<800x128xi32>
    %eq3A_1720 = arith.cmpi eq, %get3A_4, %eq3A_1719 : vector<800x128xi32>
    %broadcast_in_dim3A_1721 = vector.broadcast %div3A_308 : f32 to vector<800x128xf32>
    %select_n3A_1722 = arith.select %eq3A_1720, %broadcast_in_dim3A_1721, %select_n3A_1717 : vector<800x128xi1>, vector<800x128xf32>
    %eq3A_1723 = arith.constant 12 : i32
    %eq3A_1724 = vector.broadcast %eq3A_1723 : i32 to vector<800x128xi32>
    %eq3A_1725 = arith.cmpi eq, %get3A_4, %eq3A_1724 : vector<800x128xi32>
    %broadcast_in_dim3A_1726 = vector.broadcast %div3A_334 : f32 to vector<800x128xf32>
    %select_n3A_1727 = arith.select %eq3A_1725, %broadcast_in_dim3A_1726, %select_n3A_1722 : vector<800x128xi1>, vector<800x128xf32>
    %eq3A_1728 = arith.constant 13 : i32
    %eq3A_1729 = vector.broadcast %eq3A_1728 : i32 to vector<800x128xi32>
    %eq3A_1730 = arith.cmpi eq, %get3A_4, %eq3A_1729 : vector<800x128xi32>
    %broadcast_in_dim3A_1731 = vector.broadcast %div3A_360 : f32 to vector<800x128xf32>
    %select_n3A_1732 = arith.select %eq3A_1730, %broadcast_in_dim3A_1731, %select_n3A_1727 : vector<800x128xi1>, vector<800x128xf32>
    %eq3A_1733 = arith.constant 14 : i32
    %eq3A_1734 = vector.broadcast %eq3A_1733 : i32 to vector<800x128xi32>
    %eq3A_1735 = arith.cmpi eq, %get3A_4, %eq3A_1734 : vector<800x128xi32>
    %broadcast_in_dim3A_1736 = vector.broadcast %div3A_386 : f32 to vector<800x128xf32>
    %select_n3A_1737 = arith.select %eq3A_1735, %broadcast_in_dim3A_1736, %select_n3A_1732 : vector<800x128xi1>, vector<800x128xf32>
    %eq3A_1738 = arith.constant 15 : i32
    %eq3A_1739 = vector.broadcast %eq3A_1738 : i32 to vector<800x128xi32>
    %eq3A_1740 = arith.cmpi eq, %get3A_4, %eq3A_1739 : vector<800x128xi32>
    %broadcast_in_dim3A_1741 = vector.broadcast %div3A_412 : f32 to vector<800x128xf32>
    %select_n3A_1742 = arith.select %eq3A_1740, %broadcast_in_dim3A_1741, %select_n3A_1737 : vector<800x128xi1>, vector<800x128xf32>
    %eq3A_1743 = arith.constant 16 : i32
    %eq3A_1744 = vector.broadcast %eq3A_1743 : i32 to vector<800x128xi32>
    %eq3A_1745 = arith.cmpi eq, %get3A_4, %eq3A_1744 : vector<800x128xi32>
    %broadcast_in_dim3A_1746 = vector.broadcast %div3A_438 : f32 to vector<800x128xf32>
    %select_n3A_1747 = arith.select %eq3A_1745, %broadcast_in_dim3A_1746, %select_n3A_1742 : vector<800x128xi1>, vector<800x128xf32>
    %eq3A_1748 = arith.constant 17 : i32
    %eq3A_1749 = vector.broadcast %eq3A_1748 : i32 to vector<800x128xi32>
    %eq3A_1750 = arith.cmpi eq, %get3A_4, %eq3A_1749 : vector<800x128xi32>
    %broadcast_in_dim3A_1751 = vector.broadcast %div3A_464 : f32 to vector<800x128xf32>
    %select_n3A_1752 = arith.select %eq3A_1750, %broadcast_in_dim3A_1751, %select_n3A_1747 : vector<800x128xi1>, vector<800x128xf32>
    %eq3A_1753 = arith.constant 18 : i32
    %eq3A_1754 = vector.broadcast %eq3A_1753 : i32 to vector<800x128xi32>
    %eq3A_1755 = arith.cmpi eq, %get3A_4, %eq3A_1754 : vector<800x128xi32>
    %broadcast_in_dim3A_1756 = vector.broadcast %div3A_490 : f32 to vector<800x128xf32>
    %select_n3A_1757 = arith.select %eq3A_1755, %broadcast_in_dim3A_1756, %select_n3A_1752 : vector<800x128xi1>, vector<800x128xf32>
    %eq3A_1758 = arith.constant 19 : i32
    %eq3A_1759 = vector.broadcast %eq3A_1758 : i32 to vector<800x128xi32>
    %eq3A_1760 = arith.cmpi eq, %get3A_4, %eq3A_1759 : vector<800x128xi32>
    %broadcast_in_dim3A_1761 = vector.broadcast %div3A_516 : f32 to vector<800x128xf32>
    %select_n3A_1762 = arith.select %eq3A_1760, %broadcast_in_dim3A_1761, %select_n3A_1757 : vector<800x128xi1>, vector<800x128xf32>
    %eq3A_1763 = arith.constant 20 : i32
    %eq3A_1764 = vector.broadcast %eq3A_1763 : i32 to vector<800x128xi32>
    %eq3A_1765 = arith.cmpi eq, %get3A_4, %eq3A_1764 : vector<800x128xi32>
    %broadcast_in_dim3A_1766 = vector.broadcast %div3A_542 : f32 to vector<800x128xf32>
    %select_n3A_1767 = arith.select %eq3A_1765, %broadcast_in_dim3A_1766, %select_n3A_1762 : vector<800x128xi1>, vector<800x128xf32>
    %eq3A_1768 = arith.constant 21 : i32
    %eq3A_1769 = vector.broadcast %eq3A_1768 : i32 to vector<800x128xi32>
    %eq3A_1770 = arith.cmpi eq, %get3A_4, %eq3A_1769 : vector<800x128xi32>
    %broadcast_in_dim3A_1771 = vector.broadcast %div3A_568 : f32 to vector<800x128xf32>
    %select_n3A_1772 = arith.select %eq3A_1770, %broadcast_in_dim3A_1771, %select_n3A_1767 : vector<800x128xi1>, vector<800x128xf32>
    %eq3A_1773 = arith.constant 22 : i32
    %eq3A_1774 = vector.broadcast %eq3A_1773 : i32 to vector<800x128xi32>
    %eq3A_1775 = arith.cmpi eq, %get3A_4, %eq3A_1774 : vector<800x128xi32>
    %broadcast_in_dim3A_1776 = vector.broadcast %div3A_594 : f32 to vector<800x128xf32>
    %select_n3A_1777 = arith.select %eq3A_1775, %broadcast_in_dim3A_1776, %select_n3A_1772 : vector<800x128xi1>, vector<800x128xf32>
    %eq3A_1778 = arith.constant 23 : i32
    %eq3A_1779 = vector.broadcast %eq3A_1778 : i32 to vector<800x128xi32>
    %eq3A_1780 = arith.cmpi eq, %get3A_4, %eq3A_1779 : vector<800x128xi32>
    %broadcast_in_dim3A_1781 = vector.broadcast %div3A_620 : f32 to vector<800x128xf32>
    %select_n3A_1782 = arith.select %eq3A_1780, %broadcast_in_dim3A_1781, %select_n3A_1777 : vector<800x128xi1>, vector<800x128xf32>
    %eq3A_1783 = arith.constant 24 : i32
    %eq3A_1784 = vector.broadcast %eq3A_1783 : i32 to vector<800x128xi32>
    %eq3A_1785 = arith.cmpi eq, %get3A_4, %eq3A_1784 : vector<800x128xi32>
    %broadcast_in_dim3A_1786 = vector.broadcast %div3A_646 : f32 to vector<800x128xf32>
    %select_n3A_1787 = arith.select %eq3A_1785, %broadcast_in_dim3A_1786, %select_n3A_1782 : vector<800x128xi1>, vector<800x128xf32>
    %eq3A_1788 = arith.constant 25 : i32
    %eq3A_1789 = vector.broadcast %eq3A_1788 : i32 to vector<800x128xi32>
    %eq3A_1790 = arith.cmpi eq, %get3A_4, %eq3A_1789 : vector<800x128xi32>
    %broadcast_in_dim3A_1791 = vector.broadcast %div3A_672 : f32 to vector<800x128xf32>
    %select_n3A_1792 = arith.select %eq3A_1790, %broadcast_in_dim3A_1791, %select_n3A_1787 : vector<800x128xi1>, vector<800x128xf32>
    %eq3A_1793 = arith.constant 26 : i32
    %eq3A_1794 = vector.broadcast %eq3A_1793 : i32 to vector<800x128xi32>
    %eq3A_1795 = arith.cmpi eq, %get3A_4, %eq3A_1794 : vector<800x128xi32>
    %broadcast_in_dim3A_1796 = vector.broadcast %div3A_698 : f32 to vector<800x128xf32>
    %select_n3A_1797 = arith.select %eq3A_1795, %broadcast_in_dim3A_1796, %select_n3A_1792 : vector<800x128xi1>, vector<800x128xf32>
    %eq3A_1798 = arith.constant 27 : i32
    %eq3A_1799 = vector.broadcast %eq3A_1798 : i32 to vector<800x128xi32>
    %eq3A_1800 = arith.cmpi eq, %get3A_4, %eq3A_1799 : vector<800x128xi32>
    %broadcast_in_dim3A_1801 = vector.broadcast %div3A_724 : f32 to vector<800x128xf32>
    %select_n3A_1802 = arith.select %eq3A_1800, %broadcast_in_dim3A_1801, %select_n3A_1797 : vector<800x128xi1>, vector<800x128xf32>
    %eq3A_1803 = arith.constant 28 : i32
    %eq3A_1804 = vector.broadcast %eq3A_1803 : i32 to vector<800x128xi32>
    %eq3A_1805 = arith.cmpi eq, %get3A_4, %eq3A_1804 : vector<800x128xi32>
    %broadcast_in_dim3A_1806 = vector.broadcast %div3A_750 : f32 to vector<800x128xf32>
    %select_n3A_1807 = arith.select %eq3A_1805, %broadcast_in_dim3A_1806, %select_n3A_1802 : vector<800x128xi1>, vector<800x128xf32>
    %eq3A_1808 = arith.constant 29 : i32
    %eq3A_1809 = vector.broadcast %eq3A_1808 : i32 to vector<800x128xi32>
    %eq3A_1810 = arith.cmpi eq, %get3A_4, %eq3A_1809 : vector<800x128xi32>
    %broadcast_in_dim3A_1811 = vector.broadcast %div3A_776 : f32 to vector<800x128xf32>
    %select_n3A_1812 = arith.select %eq3A_1810, %broadcast_in_dim3A_1811, %select_n3A_1807 : vector<800x128xi1>, vector<800x128xf32>
    %eq3A_1813 = arith.constant 30 : i32
    %eq3A_1814 = vector.broadcast %eq3A_1813 : i32 to vector<800x128xi32>
    %eq3A_1815 = arith.cmpi eq, %get3A_4, %eq3A_1814 : vector<800x128xi32>
    %broadcast_in_dim3A_1816 = vector.broadcast %div3A_802 : f32 to vector<800x128xf32>
    %select_n3A_1817 = arith.select %eq3A_1815, %broadcast_in_dim3A_1816, %select_n3A_1812 : vector<800x128xi1>, vector<800x128xf32>
    %eq3A_1818 = arith.constant 31 : i32
    %eq3A_1819 = vector.broadcast %eq3A_1818 : i32 to vector<800x128xi32>
    %eq3A_1820 = arith.cmpi eq, %get3A_4, %eq3A_1819 : vector<800x128xi32>
    %broadcast_in_dim3A_1821 = vector.broadcast %div3A_828 : f32 to vector<800x128xf32>
    %select_n3A_1822 = arith.select %eq3A_1820, %broadcast_in_dim3A_1821, %select_n3A_1817 : vector<800x128xi1>, vector<800x128xf32>
    %eq3A_1823 = arith.constant 32 : i32
    %eq3A_1824 = vector.broadcast %eq3A_1823 : i32 to vector<800x128xi32>
    %eq3A_1825 = arith.cmpi eq, %get3A_4, %eq3A_1824 : vector<800x128xi32>
    %broadcast_in_dim3A_1826 = vector.broadcast %div3A_854 : f32 to vector<800x128xf32>
    %select_n3A_1827 = arith.select %eq3A_1825, %broadcast_in_dim3A_1826, %select_n3A_1822 : vector<800x128xi1>, vector<800x128xf32>
    %eq3A_1828 = arith.constant 33 : i32
    %eq3A_1829 = vector.broadcast %eq3A_1828 : i32 to vector<800x128xi32>
    %eq3A_1830 = arith.cmpi eq, %get3A_4, %eq3A_1829 : vector<800x128xi32>
    %broadcast_in_dim3A_1831 = vector.broadcast %div3A_880 : f32 to vector<800x128xf32>
    %select_n3A_1832 = arith.select %eq3A_1830, %broadcast_in_dim3A_1831, %select_n3A_1827 : vector<800x128xi1>, vector<800x128xf32>
    %eq3A_1833 = arith.constant 34 : i32
    %eq3A_1834 = vector.broadcast %eq3A_1833 : i32 to vector<800x128xi32>
    %eq3A_1835 = arith.cmpi eq, %get3A_4, %eq3A_1834 : vector<800x128xi32>
    %broadcast_in_dim3A_1836 = vector.broadcast %div3A_906 : f32 to vector<800x128xf32>
    %select_n3A_1837 = arith.select %eq3A_1835, %broadcast_in_dim3A_1836, %select_n3A_1832 : vector<800x128xi1>, vector<800x128xf32>
    %eq3A_1838 = arith.constant 35 : i32
    %eq3A_1839 = vector.broadcast %eq3A_1838 : i32 to vector<800x128xi32>
    %eq3A_1840 = arith.cmpi eq, %get3A_4, %eq3A_1839 : vector<800x128xi32>
    %broadcast_in_dim3A_1841 = vector.broadcast %div3A_932 : f32 to vector<800x128xf32>
    %select_n3A_1842 = arith.select %eq3A_1840, %broadcast_in_dim3A_1841, %select_n3A_1837 : vector<800x128xi1>, vector<800x128xf32>
    %eq3A_1843 = arith.constant 36 : i32
    %eq3A_1844 = vector.broadcast %eq3A_1843 : i32 to vector<800x128xi32>
    %eq3A_1845 = arith.cmpi eq, %get3A_4, %eq3A_1844 : vector<800x128xi32>
    %broadcast_in_dim3A_1846 = vector.broadcast %div3A_958 : f32 to vector<800x128xf32>
    %select_n3A_1847 = arith.select %eq3A_1845, %broadcast_in_dim3A_1846, %select_n3A_1842 : vector<800x128xi1>, vector<800x128xf32>
    %eq3A_1848 = arith.constant 37 : i32
    %eq3A_1849 = vector.broadcast %eq3A_1848 : i32 to vector<800x128xi32>
    %eq3A_1850 = arith.cmpi eq, %get3A_4, %eq3A_1849 : vector<800x128xi32>
    %broadcast_in_dim3A_1851 = vector.broadcast %div3A_984 : f32 to vector<800x128xf32>
    %select_n3A_1852 = arith.select %eq3A_1850, %broadcast_in_dim3A_1851, %select_n3A_1847 : vector<800x128xi1>, vector<800x128xf32>
    %eq3A_1853 = arith.constant 38 : i32
    %eq3A_1854 = vector.broadcast %eq3A_1853 : i32 to vector<800x128xi32>
    %eq3A_1855 = arith.cmpi eq, %get3A_4, %eq3A_1854 : vector<800x128xi32>
    %broadcast_in_dim3A_1856 = vector.broadcast %div3A_1010 : f32 to vector<800x128xf32>
    %select_n3A_1857 = arith.select %eq3A_1855, %broadcast_in_dim3A_1856, %select_n3A_1852 : vector<800x128xi1>, vector<800x128xf32>
    %eq3A_1858 = arith.constant 39 : i32
    %eq3A_1859 = vector.broadcast %eq3A_1858 : i32 to vector<800x128xi32>
    %eq3A_1860 = arith.cmpi eq, %get3A_4, %eq3A_1859 : vector<800x128xi32>
    %broadcast_in_dim3A_1861 = vector.broadcast %div3A_1036 : f32 to vector<800x128xf32>
    %select_n3A_1862 = arith.select %eq3A_1860, %broadcast_in_dim3A_1861, %select_n3A_1857 : vector<800x128xi1>, vector<800x128xf32>
    %eq3A_1863 = arith.constant 40 : i32
    %eq3A_1864 = vector.broadcast %eq3A_1863 : i32 to vector<800x128xi32>
    %eq3A_1865 = arith.cmpi eq, %get3A_4, %eq3A_1864 : vector<800x128xi32>
    %broadcast_in_dim3A_1866 = vector.broadcast %div3A_1062 : f32 to vector<800x128xf32>
    %select_n3A_1867 = arith.select %eq3A_1865, %broadcast_in_dim3A_1866, %select_n3A_1862 : vector<800x128xi1>, vector<800x128xf32>
    %eq3A_1868 = arith.constant 41 : i32
    %eq3A_1869 = vector.broadcast %eq3A_1868 : i32 to vector<800x128xi32>
    %eq3A_1870 = arith.cmpi eq, %get3A_4, %eq3A_1869 : vector<800x128xi32>
    %broadcast_in_dim3A_1871 = vector.broadcast %div3A_1088 : f32 to vector<800x128xf32>
    %select_n3A_1872 = arith.select %eq3A_1870, %broadcast_in_dim3A_1871, %select_n3A_1867 : vector<800x128xi1>, vector<800x128xf32>
    %eq3A_1873 = arith.constant 42 : i32
    %eq3A_1874 = vector.broadcast %eq3A_1873 : i32 to vector<800x128xi32>
    %eq3A_1875 = arith.cmpi eq, %get3A_4, %eq3A_1874 : vector<800x128xi32>
    %broadcast_in_dim3A_1876 = vector.broadcast %div3A_1114 : f32 to vector<800x128xf32>
    %select_n3A_1877 = arith.select %eq3A_1875, %broadcast_in_dim3A_1876, %select_n3A_1872 : vector<800x128xi1>, vector<800x128xf32>
    %eq3A_1878 = arith.constant 43 : i32
    %eq3A_1879 = vector.broadcast %eq3A_1878 : i32 to vector<800x128xi32>
    %eq3A_1880 = arith.cmpi eq, %get3A_4, %eq3A_1879 : vector<800x128xi32>
    %broadcast_in_dim3A_1881 = vector.broadcast %div3A_1140 : f32 to vector<800x128xf32>
    %select_n3A_1882 = arith.select %eq3A_1880, %broadcast_in_dim3A_1881, %select_n3A_1877 : vector<800x128xi1>, vector<800x128xf32>
    %eq3A_1883 = arith.constant 44 : i32
    %eq3A_1884 = vector.broadcast %eq3A_1883 : i32 to vector<800x128xi32>
    %eq3A_1885 = arith.cmpi eq, %get3A_4, %eq3A_1884 : vector<800x128xi32>
    %broadcast_in_dim3A_1886 = vector.broadcast %div3A_1166 : f32 to vector<800x128xf32>
    %select_n3A_1887 = arith.select %eq3A_1885, %broadcast_in_dim3A_1886, %select_n3A_1882 : vector<800x128xi1>, vector<800x128xf32>
    %eq3A_1888 = arith.constant 45 : i32
    %eq3A_1889 = vector.broadcast %eq3A_1888 : i32 to vector<800x128xi32>
    %eq3A_1890 = arith.cmpi eq, %get3A_4, %eq3A_1889 : vector<800x128xi32>
    %broadcast_in_dim3A_1891 = vector.broadcast %div3A_1192 : f32 to vector<800x128xf32>
    %select_n3A_1892 = arith.select %eq3A_1890, %broadcast_in_dim3A_1891, %select_n3A_1887 : vector<800x128xi1>, vector<800x128xf32>
    %eq3A_1893 = arith.constant 46 : i32
    %eq3A_1894 = vector.broadcast %eq3A_1893 : i32 to vector<800x128xi32>
    %eq3A_1895 = arith.cmpi eq, %get3A_4, %eq3A_1894 : vector<800x128xi32>
    %broadcast_in_dim3A_1896 = vector.broadcast %div3A_1218 : f32 to vector<800x128xf32>
    %select_n3A_1897 = arith.select %eq3A_1895, %broadcast_in_dim3A_1896, %select_n3A_1892 : vector<800x128xi1>, vector<800x128xf32>
    %eq3A_1898 = arith.constant 47 : i32
    %eq3A_1899 = vector.broadcast %eq3A_1898 : i32 to vector<800x128xi32>
    %eq3A_1900 = arith.cmpi eq, %get3A_4, %eq3A_1899 : vector<800x128xi32>
    %broadcast_in_dim3A_1901 = vector.broadcast %div3A_1244 : f32 to vector<800x128xf32>
    %select_n3A_1902 = arith.select %eq3A_1900, %broadcast_in_dim3A_1901, %select_n3A_1897 : vector<800x128xi1>, vector<800x128xf32>
    %eq3A_1903 = arith.constant 48 : i32
    %eq3A_1904 = vector.broadcast %eq3A_1903 : i32 to vector<800x128xi32>
    %eq3A_1905 = arith.cmpi eq, %get3A_4, %eq3A_1904 : vector<800x128xi32>
    %broadcast_in_dim3A_1906 = vector.broadcast %div3A_1270 : f32 to vector<800x128xf32>
    %select_n3A_1907 = arith.select %eq3A_1905, %broadcast_in_dim3A_1906, %select_n3A_1902 : vector<800x128xi1>, vector<800x128xf32>
    %eq3A_1908 = arith.constant 49 : i32
    %eq3A_1909 = vector.broadcast %eq3A_1908 : i32 to vector<800x128xi32>
    %eq3A_1910 = arith.cmpi eq, %get3A_4, %eq3A_1909 : vector<800x128xi32>
    %broadcast_in_dim3A_1911 = vector.broadcast %div3A_1296 : f32 to vector<800x128xf32>
    %select_n3A_1912 = arith.select %eq3A_1910, %broadcast_in_dim3A_1911, %select_n3A_1907 : vector<800x128xi1>, vector<800x128xf32>
    %eq3A_1913 = arith.constant 50 : i32
    %eq3A_1914 = vector.broadcast %eq3A_1913 : i32 to vector<800x128xi32>
    %eq3A_1915 = arith.cmpi eq, %get3A_4, %eq3A_1914 : vector<800x128xi32>
    %broadcast_in_dim3A_1916 = vector.broadcast %div3A_1322 : f32 to vector<800x128xf32>
    %select_n3A_1917 = arith.select %eq3A_1915, %broadcast_in_dim3A_1916, %select_n3A_1912 : vector<800x128xi1>, vector<800x128xf32>
    %eq3A_1918 = arith.constant 51 : i32
    %eq3A_1919 = vector.broadcast %eq3A_1918 : i32 to vector<800x128xi32>
    %eq3A_1920 = arith.cmpi eq, %get3A_4, %eq3A_1919 : vector<800x128xi32>
    %broadcast_in_dim3A_1921 = vector.broadcast %div3A_1348 : f32 to vector<800x128xf32>
    %select_n3A_1922 = arith.select %eq3A_1920, %broadcast_in_dim3A_1921, %select_n3A_1917 : vector<800x128xi1>, vector<800x128xf32>
    %eq3A_1923 = arith.constant 52 : i32
    %eq3A_1924 = vector.broadcast %eq3A_1923 : i32 to vector<800x128xi32>
    %eq3A_1925 = arith.cmpi eq, %get3A_4, %eq3A_1924 : vector<800x128xi32>
    %broadcast_in_dim3A_1926 = vector.broadcast %div3A_1374 : f32 to vector<800x128xf32>
    %select_n3A_1927 = arith.select %eq3A_1925, %broadcast_in_dim3A_1926, %select_n3A_1922 : vector<800x128xi1>, vector<800x128xf32>
    %eq3A_1928 = arith.constant 53 : i32
    %eq3A_1929 = vector.broadcast %eq3A_1928 : i32 to vector<800x128xi32>
    %eq3A_1930 = arith.cmpi eq, %get3A_4, %eq3A_1929 : vector<800x128xi32>
    %broadcast_in_dim3A_1931 = vector.broadcast %div3A_1400 : f32 to vector<800x128xf32>
    %select_n3A_1932 = arith.select %eq3A_1930, %broadcast_in_dim3A_1931, %select_n3A_1927 : vector<800x128xi1>, vector<800x128xf32>
    %eq3A_1933 = arith.constant 54 : i32
    %eq3A_1934 = vector.broadcast %eq3A_1933 : i32 to vector<800x128xi32>
    %eq3A_1935 = arith.cmpi eq, %get3A_4, %eq3A_1934 : vector<800x128xi32>
    %broadcast_in_dim3A_1936 = vector.broadcast %div3A_1426 : f32 to vector<800x128xf32>
    %select_n3A_1937 = arith.select %eq3A_1935, %broadcast_in_dim3A_1936, %select_n3A_1932 : vector<800x128xi1>, vector<800x128xf32>
    %eq3A_1938 = arith.constant 55 : i32
    %eq3A_1939 = vector.broadcast %eq3A_1938 : i32 to vector<800x128xi32>
    %eq3A_1940 = arith.cmpi eq, %get3A_4, %eq3A_1939 : vector<800x128xi32>
    %broadcast_in_dim3A_1941 = vector.broadcast %div3A_1452 : f32 to vector<800x128xf32>
    %select_n3A_1942 = arith.select %eq3A_1940, %broadcast_in_dim3A_1941, %select_n3A_1937 : vector<800x128xi1>, vector<800x128xf32>
    %eq3A_1943 = arith.constant 56 : i32
    %eq3A_1944 = vector.broadcast %eq3A_1943 : i32 to vector<800x128xi32>
    %eq3A_1945 = arith.cmpi eq, %get3A_4, %eq3A_1944 : vector<800x128xi32>
    %broadcast_in_dim3A_1946 = vector.broadcast %div3A_1478 : f32 to vector<800x128xf32>
    %select_n3A_1947 = arith.select %eq3A_1945, %broadcast_in_dim3A_1946, %select_n3A_1942 : vector<800x128xi1>, vector<800x128xf32>
    %eq3A_1948 = arith.constant 57 : i32
    %eq3A_1949 = vector.broadcast %eq3A_1948 : i32 to vector<800x128xi32>
    %eq3A_1950 = arith.cmpi eq, %get3A_4, %eq3A_1949 : vector<800x128xi32>
    %broadcast_in_dim3A_1951 = vector.broadcast %div3A_1504 : f32 to vector<800x128xf32>
    %select_n3A_1952 = arith.select %eq3A_1950, %broadcast_in_dim3A_1951, %select_n3A_1947 : vector<800x128xi1>, vector<800x128xf32>
    %eq3A_1953 = arith.constant 58 : i32
    %eq3A_1954 = vector.broadcast %eq3A_1953 : i32 to vector<800x128xi32>
    %eq3A_1955 = arith.cmpi eq, %get3A_4, %eq3A_1954 : vector<800x128xi32>
    %broadcast_in_dim3A_1956 = vector.broadcast %div3A_1530 : f32 to vector<800x128xf32>
    %select_n3A_1957 = arith.select %eq3A_1955, %broadcast_in_dim3A_1956, %select_n3A_1952 : vector<800x128xi1>, vector<800x128xf32>
    %eq3A_1958 = arith.constant 59 : i32
    %eq3A_1959 = vector.broadcast %eq3A_1958 : i32 to vector<800x128xi32>
    %eq3A_1960 = arith.cmpi eq, %get3A_4, %eq3A_1959 : vector<800x128xi32>
    %broadcast_in_dim3A_1961 = vector.broadcast %div3A_1556 : f32 to vector<800x128xf32>
    %select_n3A_1962 = arith.select %eq3A_1960, %broadcast_in_dim3A_1961, %select_n3A_1957 : vector<800x128xi1>, vector<800x128xf32>
    %eq3A_1963 = arith.constant 60 : i32
    %eq3A_1964 = vector.broadcast %eq3A_1963 : i32 to vector<800x128xi32>
    %eq3A_1965 = arith.cmpi eq, %get3A_4, %eq3A_1964 : vector<800x128xi32>
    %broadcast_in_dim3A_1966 = vector.broadcast %div3A_1582 : f32 to vector<800x128xf32>
    %select_n3A_1967 = arith.select %eq3A_1965, %broadcast_in_dim3A_1966, %select_n3A_1962 : vector<800x128xi1>, vector<800x128xf32>
    %eq3A_1968 = arith.constant 61 : i32
    %eq3A_1969 = vector.broadcast %eq3A_1968 : i32 to vector<800x128xi32>
    %eq3A_1970 = arith.cmpi eq, %get3A_4, %eq3A_1969 : vector<800x128xi32>
    %broadcast_in_dim3A_1971 = vector.broadcast %div3A_1608 : f32 to vector<800x128xf32>
    %select_n3A_1972 = arith.select %eq3A_1970, %broadcast_in_dim3A_1971, %select_n3A_1967 : vector<800x128xi1>, vector<800x128xf32>
    %eq3A_1973 = arith.constant 62 : i32
    %eq3A_1974 = vector.broadcast %eq3A_1973 : i32 to vector<800x128xi32>
    %eq3A_1975 = arith.cmpi eq, %get3A_4, %eq3A_1974 : vector<800x128xi32>
    %broadcast_in_dim3A_1976 = vector.broadcast %div3A_1634 : f32 to vector<800x128xf32>
    %select_n3A_1977 = arith.select %eq3A_1975, %broadcast_in_dim3A_1976, %select_n3A_1972 : vector<800x128xi1>, vector<800x128xf32>
    %eq3A_1978 = arith.constant 63 : i32
    %eq3A_1979 = vector.broadcast %eq3A_1978 : i32 to vector<800x128xi32>
    %eq3A_1980 = arith.cmpi eq, %get3A_4, %eq3A_1979 : vector<800x128xi32>
    %broadcast_in_dim3A_1981 = vector.broadcast %div3A_1660 : f32 to vector<800x128xf32>
    %select_n3A_1982 = arith.select %eq3A_1980, %broadcast_in_dim3A_1981, %select_n3A_1977 : vector<800x128xi1>, vector<800x128xf32>
    %add3A = arith.addf %get3A_1, %select_n3A_1982 : vector<800x128xf32>
    %swap3A = arith.constant 0 : index
    %swap3A_1983 = arith.constant 0 : index
    %swap3A_1984 = vector.load %arg2[%swap3A, %swap3A_1983] : memref<800x128xf32, #tpu.memory_space<vmem>>, vector<800x128xf32>
    tpu.vector_store %arg2[%swap3A, %swap3A_1983], %add3A {strides = array<i32>} : memref<800x128xf32, #tpu.memory_space<vmem>>, vector<800x128xf32>,
    return
  }
}

</mosaic_0001>

<sc_bundles>
// kernel: kernel.4.cloned.1.call-start
scs
__scs_entry_jumppad:
0x0: {  	(pc) =	sbr.rel $0x88, $3  }
0x1: {  	(tag) =	ssettag $0x0;
	lr =	simm.s32 $0x1  }
0x2: {  	[smem:$0x3F9B] =	sst lr;
	_ =	strace $0xD0000000  }
0x3: {  	_ = 	snop  }
0x4: {  	_ = 	snop  }
0x5: {  	_ = 	snop  }
0x6: {  	_ = 	snop  }
0x7: {  	_ = 	snop  }
__scs_overlays_trampoline_lowered:
0x8: {  	[smem:$0x3FAA] =	sst s0  }
0x9: {  	[smem:$0x3FAB] =	sst s1  }
0xa: {  	[smem:$0x3FAC] =	sst s2  }
0xb: {  	[smem:$0x3FAD] =	sst s3  }
0xc: {  	[smem:$0x3FAE] =	sst s4  }
0xd: {  	[smem:$0x3FAF] =	sst s5  }
0xe: {  	[smem:$0x3FB0] =	sst s6  }
0xf: {  	[smem:$0x3FB1] =	sst s7  }
0x10: {  	[smem:$0x3FB2] =	sst s8  }
0x11: {  	[smem:$0x3FB3] =	sst s9;
	s0 =	simm.s32 @!p0 $0x0  }
0x12: {  	s1 =	sld [smem:$0x3F99];
	s0 =	simm.s32 @p0 $0x1  }
0x13: {  	[smem:$0x3FB4] =	sst s0;
	s0 =	simm.s32 @!p1 $0x0  }
0x14: {  	s2 =	sld [smem:$0x3F98];
	s0 =	simm.s32 @p1 $0x1  }
0x15: {  	[smem:$0x3FB5] =	sst s0;
	s0 =	simm.s32 @!p2 $0x0  }
0x16: {  	s3 =	sld [smem:$0x3FDB];
	s0 =	simm.s32 @p2 $0x1  }
0x17: {  	s4 =	simm.s32 $0x1BF5;
	[smem:$0x3FB7] =	sst s0  }
0x18: {  	s0 =	sld [smem:$0x3F9A];
	_ =	swait.ge [sflag:s4], $0x0  }
0x19: {  	s7 =	sld [smem:$0x3F9B]  }
0x1a: {  	s8 =	sadd.s32 $0xFFFFE003, lr  }
0x1b: {  	s9 =	sadd.s32 $0xFFFFFEF7, lr;
	s5 =	simm.s32 $0xFFFFFFFF;
	p2 =	slt.u32 s8, $0xFFFFF086  }
0x1c: {  	p1 =	slt.u32 s9, $0xF7A;
	s5 =	simm.s32 @!p2 $0x0  }
0x1d: {  	s5 =	simm.s32 @p1 $0x1;
	p0 =	seq.s32 s7, s2  }
0x1e: {  	s7 =	smul.u32 @!p0 $0xF7A, s2;
	p2 =	seq.s32 @!p0 s5, $0x0  }
0x1f: {  	s9 =	smul.u32 $0xF7A, s1;
	s8 =	simm.s32 @!p0 $0x1BF5;
	p2 =	por !p2, p0  }
0x20: {  	[sflag:s8] =	ssyncset.s32 @!p0 $0xFFFFF086;
	s6 =	sadd.s32 @!p0 s3, s7;
	s7 =	simm.s32 @!p0 $0x108  }
0x21: {  	s3 =	sadd.s32 s3, s9;
	s6 =	sadd.s32 @!p0 $0x88, s6;
	s7 =	simm.s32 @p2 $0x1082  }
0x22: {  	[simem:s7], [sflag:s8] =	dma.local @!p0 [hbm:s6], $0xF7A  }
0x23: {  	s9 =	sor.u32 $0xD0000000, s2;
	s6 =	simm.s32 $0x108;
	_ =	swait.ge @!p0 [sflag:s8], $0x0  }
0x24: {  	s3 =	sadd.s32 $0x88, s3;
	s6 =	simm.s32 @!p1 $0x1082;
	[sflag:s4] =	ssyncset.s32 $0xFFFFF086  }
0x25: {  	[simem:s6], [sflag:s4] =	dma.local [hbm:s3], $0xF7A  }
0x26: {  	[smem:$0x3F9B] =	sst s1;
	(tag) =	ssettag s2;
	_ =	strace s9  }
0x27: {  	s1 =	sld [smem:$0x3FAB]  }
0x28: {  	s2 =	sld [smem:$0x3FAC]  }
0x29: {  	s4 =	sld [smem:$0x3FAE]  }
0x2a: {  	p0 =	seq.s32 s5, $0x0;
	s5 =	sld [smem:$0x3FAF]  }
0x2b: {  	s6 =	sld [smem:$0x3FB0]  }
0x2c: {  	s7 =	sld [smem:$0x3FB1]  }
0x2d: {  	s3 =	simm.s32 $0x108;
	s8 =	sld [smem:$0x3FB2]  }
0x2e: {  	s3 =	simm.s32 @!p0 $0x1082;
	s9 =	sld [smem:$0x3FB3]  }
0x2f: {  	lr =	sadd.s32 s0, s3;
	s0 =	sld [smem:$0x3FAA]  }
0x30: {  	s3 =	sld [smem:$0x3FAD]  }
0x31: {  	[smem:$0x3FB6] =	sst s10  }
0x32: {  	s10 =	sld [smem:$0x3FB4];
	_ =	sdelay $0x3  }
0x33: {  	p0 =	seq.s32 s10, $0x1;
	s10 =	sld [smem:$0x3FB6];
	_ =	sdelay $0x3  }
0x34: {  	[smem:$0x3FB6] =	sst s10  }
0x35: {  	s10 =	sld [smem:$0x3FB5];
	_ =	sdelay $0x3  }
0x36: {  	p1 =	seq.s32 s10, $0x1;
	s10 =	sld [smem:$0x3FB6];
	_ =	sdelay $0x3  }
0x37: {  	[smem:$0x3FB6] =	sst s10  }
0x38: {  	s10 =	sld [smem:$0x3FB7]  }
0x39: {  	_ = 	snop;
	(pc) =	sbr.ind lr, $3  }
0x3a: {  	_ = 	snop  }
0x3b: {  	_ = 	snop  }
0x3c: {  	p2 =	seq.s32 s10, $0x1;
	s10 =	sld [smem:$0x3FB6]  }
0x3d: {  	_ =	shalt  }
0x3e: {  	_ =	shalt  }
0x3f: {  	_ =	shalt  }
0x40: {  	_ =	shalt  }
0x41: {  	_ =	shalt  }
0x42: {  	_ =	shalt  }
0x43: {  	_ =	shalt  }
0x44: {  	_ =	shalt  }
0x45: {  	_ =	shalt  }
0x46: {  	_ =	shalt  }
0x47: {  	_ =	shalt  }
0x48: {  	_ =	shalt  }
0x49: {  	_ =	shalt  }
0x4a: {  	_ =	shalt  }
0x4b: {  	_ =	shalt  }
0x4c: {  	_ =	shalt  }
0x4d: {  	_ =	shalt  }
0x4e: {  	_ =	shalt  }
0x4f: {  	_ =	shalt  }
0x50: {  	_ =	shalt  }
0x51: {  	_ =	shalt  }
0x52: {  	_ =	shalt  }
0x53: {  	_ =	shalt  }
0x54: {  	_ =	shalt  }
0x55: {  	_ =	shalt  }
0x56: {  	_ =	shalt  }
0x57: {  	_ =	shalt  }
0x58: {  	_ =	shalt  }
0x59: {  	_ =	shalt  }
0x5a: {  	_ =	shalt  }
0x5b: {  	_ =	shalt  }
0x5c: {  	_ =	shalt  }
0x5d: {  	_ =	shalt  }
0x5e: {  	_ =	shalt  }
0x5f: {  	_ =	shalt  }
0x60: {  	_ =	shalt  }
0x61: {  	_ =	shalt  }
0x62: {  	_ =	shalt  }
0x63: {  	_ =	shalt  }
0x64: {  	_ =	shalt  }
0x65: {  	_ =	shalt  }
0x66: {  	_ =	shalt  }
0x67: {  	_ =	shalt  }
0x68: {  	_ =	shalt  }
0x69: {  	_ =	shalt  }
0x6a: {  	_ =	shalt  }
0x6b: {  	_ =	shalt  }
0x6c: {  	_ =	shalt  }
0x6d: {  	_ =	shalt  }
0x6e: {  	_ =	shalt  }
0x6f: {  	_ =	shalt  }
0x70: {  	_ =	shalt  }
0x71: {  	_ =	shalt  }
0x72: {  	_ =	shalt  }
0x73: {  	_ =	shalt  }
0x74: {  	_ =	shalt  }
0x75: {  	_ =	shalt  }
0x76: {  	_ =	shalt  }
0x77: {  	_ =	shalt  }
0x78: {  	_ =	shalt  }
0x79: {  	_ =	shalt  }
0x7a: {  	_ =	shalt  }
0x7b: {  	_ =	shalt  }
0x7c: {  	_ =	shalt  }
0x7d: {  	_ =	shalt  }
0x7e: {  	_ =	shalt  }
0x7f: {  	_ =	shalt  }
0x80: {  	_ =	shalt  }
0x81: {  	_ =	shalt  }
0x82: {  	_ =	shalt  }
0x83: {  	_ =	shalt  }
0x84: {  	_ =	shalt  }
0x85: {  	_ =	shalt  }
0x86: {  	_ =	shalt  }
0x87: {  	_ =	shalt  }
.Lfunc_end0:
.L_simem_size_0:
called_computation_lowered:
.L_overlay_start_0:
0x88: {  	s2 =	sld [smem:$0x3FD9]  }
0x89: {  	s3 =	sld [smem:$0x3FFE];
	_ =	sdelay $0x1  }
0x8a: {  	s1 =	srdreg.scid  }
0x8b: {  	s0 =	sand.u32 $0x1, s1  }
0x8c: {  	s17 =	sshll.u32 s0, $0xA;
	s2 =	sadd.s32 s3, s2  }
0x8d: {  	s2 =	sadd.s32 s2, s17  }
0x8e: {  	[smem:$0x3FC2] =	sst s2  }
0x8f: {  	_ = 	snop  }
0x90: {  	s2 =	sld [smem:$0x3FD0];
	(tm) =	ssettm $0x1  }
0x91: {  	s18 =	sld [smem:$0x3FFB];
	_ =	sdelay $0x3  }
0x92: {  	_ =	strace s18  }
0x93: {  	s3 =	sld [smem:$0x3FFC];
	_ =	sdelay $0x3  }
0x94: {  	_ =	strace s3  }
0x95: {  	s3 =	sld [smem:$0x3FFD];
	_ =	sdelay $0x3  }
0x96: {  	_ =	strace s3  }
0x97: {  	_ =	strace $0x8FFFFFFF  }
0x98: {  	s19 =	sld [smem:$0x3FDB];
	_ =	sdelay $0x1  }
0x99: {  	s4 =	simm.s32 $_scs_section_size  }
0x9a: {  	s5 =	simm.s32 $_size__tile_overlayer_lowered;
	s6 =	simm.s32 $_tile_overlayer_lowered  }
0x9b: {  	s22 =	simm.s32 $0x1BFF;
	s21 =	sshll.u32 s6, $0x1;
	s3 =	sadd.s32 s4, s19  }
0x9c: {  	s7 =	simm.s32 $0x0;
	s20 =	sshll.u32 s5, $0x1;
	s5 =	sadd.s32 s21, s3  }
0x9d: {  	[timem:s7], [sflag:s22] =	dma.local [hbm:s5], s20  }
0x9e: {  	_ =	swait.ge [sflag:s22], s20  }
0x9f: {  	s4 =	ssub.s32 $0x0, s20;
	[sflag:s22] =	ssyncset.done $0x0  }
0xa0: {  	[sflag:s22] =	ssyncadd.s32 s4;
	_ =	sdelay $0x1  }
0xa1: {  	s23 =	simm.s32 $0x1B8B  }
0xa2: {  	_ =	swait.ge [sflag:s23], $0x1  }
0xa3: {  	[sflag:s23] =	ssyncset.done $0x0  }
0xa4: {  	s25 =	simm.s32 $0x1B8E;
	s24 =	sld [smem:$0x3FFE];
	[sflag:s23] =	ssyncadd.s32 $0xFFFFFFFF  }
0xa5: {  	s26 =	simm.s32 $execute0_lowered;
	[smem:$0x3FD2] =	sst s25  }
0xa6: {  	s5 =	sshll.u32 s26, $0x1;
	_ =	strace $0x80000046;
	[dreg:$0x1] =	wrdreg $0xFFFFFFFF  }
0xa7: {  	s28 =	simm.s32 $_size_execute0_lowered;
	s3 =	sadd.s32 s3, s5;
	[dreg:$0x0] =	wrdreg $0x0  }
0xa8: {  	s5 =	sshll.u32 s28, $0x1;
	[dreg:$0x2] =	wrdreg s3  }
0xa9: {  	[dreg:$0x3] =	wrdreg s5  }
0xaa: {  	[dreg:$0x4] =	wrdreg $0xC0  }
0xab: {  	_ =	task [dreg:s7], $0x5FFFF  }
0xac: {  	[dreg:$0x1] =	wrdreg $0xFFFFFFFF  }
0xad: {  	[dreg:$0x0] =	wrdreg $0x60  }
0xae: {  	[dreg:$0x2] =	wrdreg s24  }
0xaf: {  	[dreg:$0x3] =	wrdreg s2  }
0xb0: {  	[dreg:$0x4] =	wrdreg $0x0  }
0xb1: {  	[dreg:$0x5] =	wrdreg $0x32000  }
0xb2: {  	[dreg:$0x6] =	wrdreg $0x19000  }
0xb3: {  	[dreg:$0x7] =	wrdreg $0x9  }
0xb4: {  	_ =	task.clear_ibuf [dreg:s7], $0x8FFFF;
	_ =	strace $0x90000046  }
0xb5: {  	s29 =	simm.s32 $0x9;
	_ =	strace $0x80000048  }
0xb6: {  	_ =	swait.ge [sflag:s29], $0x1  }
0xb7: {  	[sflag:s29] =	ssyncadd.s32 $0xFFFFFFFF  }
0xb8: {  	_ =	strace $0x90000048  }
0xb9: {  	_ =	sfence  }
0xba: {  	s30 =	sld [smem:$0x0];
	_ =	sdelay $0x2  }
0xbb: {  	s31 =	sshll.u32 s1, $0xD;
	s1 =	sshrl.u32 s1, $0x2  }
0xbc: {  	s3 =	sand.u32 $0x4000, s31;
	s1 =	sadd.s32 s1, s30  }
0xbd: {  	s0 =	sor.u32 s3, s0;
	s1 =	sshll.u32 s1, $0x11  }
0xbe: {  	s0 =	sor.u32 s1, s0  }
0xbf: {  	s0 =	sadd.s32 $0x8F2B, s0  }
0xc0: {  	[sflag:s0] =	ssyncadd.remote.s32 $0x1  }
0xc1: {  	_ =	sfence.sel $0xFFFF  }
0xc2: {  	[dreg:$0x0] =	wrdreg $0xFFFFFFFF;
	(pc) =	sbr.abs _section_cstart, $3  }
0xc3: {  	[dreg:$0x1] =	wrdreg $0xFFFFFFFF  }
0xc4: {  	_ =	task.clear_ibuf [dreg:s7], $0x2FFFF;
	_ =	strace $0x9FFFFFFF  }
0xc5: {  	(tm) =	ssettm $0x7FFFFFFF  }
tec
execute0_lowered:
.L_overlay_start_1:
0x0: {  	(tag) =	ssettag $0x1  }
0x1: {  	s0 =	rddreg [dreg:$0x0]  }
0x2: {  	s3 =	rddreg [dreg:$0x2]  }
0x3: {  	s4 =	rddreg [dreg:$0x3]  }
0x4: {  	s5 =	rddreg [dreg:$0x4];
	s14 =	stileid.u32  }
0x5: {  	s2 =	simm.s32 $0x0;
	s6 =	srdreg.scid;
	s30 =	simm.s32 $0x3  }
0x6: {  	s31 =	simm.s32 $0x9300;
	s1 =	smul.u32 $0x1900, s14;
	[smem:$0x7FF] =	sst s2  }
0x7: {  	s6 =	sand.u32 $0x1, s6;
	s10 =	smul.u32 $0x3200, s14;
	s7 =	sadd.s32 $0x189200, s0  }
0x8: {  	s8 =	sadd.s32 $0x2200, s0;
	s9 =	sadd.s32 $0xC5A00, s0;
	s13 =	sshll.u32 s14, $0x1  }
0x9: {  	s16 =	sshll.u32 s14, $0xC;
	s14 =	simm.s32 $0x800;
	_ =	strace $0x80000047  }
0xa: {  	s11 =	sshll.u32 s6, $0x7;
	s26 =	ssub.s32 $0x2, s6;
	s6 =	sor.u32 s6, s13  }
0xb: {  	s25 =	sshrl.u32 s1, $0x3;
	s10 =	sor.u32 s11, s10;
	s12 =	sshrl.u32 s26, $0x1  }
0xc: {  	s17 =	sshll.u32 s6, $0x7;
	s18 =	sadd.s32 s1, s3;
	s13 =	sadd.s32 s1, s4  }
0xd: {  	s1 =	sadd.s32 s1, s5;
	s2 =	sadd.s32 s25, s0;
	s10 =	sshrl.u32 s10, $0x3  }
0xe: {  	s29 =	ssub.s32 s26, s12;
	[dreg:$0x7] =	wrdreg s18;
	s11 =	sor.u32 s16, s17  }
0xf: {  	[dreg:$0xb] =	wrdreg s1;
	s16 =	sand.u32 $0x380, s17;
	s12 =	simm.s32 $0x1  }
0x10: {  	s17 =	simm.s32 $0x4;
	s18 =	simm.s32 $0x9B00;
	[dreg:$0x9] =	wrdreg s13  }
0x11: {  	s0 =	sadd.s32 s10, s0;
	s15 =	sadd.s32 $0x3D6C00, s2;
	s19 =	sadd.s32 $0x3D9E00, s2  }
0x12: {  	s2 =	sadd.s32 $0x3D3A00, s2;
	s20 =	sand.u32 $0xC380, s11;
	[dreg:$0x6] =	wrdreg s15  }
0x13: {  	s29 =	smax.u32 s29, $0x1;
	s28 =	sor.u32 $0xC38000, s16;
	[dreg:$0x8] =	wrdreg s19  }
0x14: {  	s10 =	simm.s32 $0x4B00;
	[dreg:$0xa] =	wrdreg s2;
	s21 =	sshrl.u32 s20, $0x3  }
0x15: {  	s23 =	sadd.s32 $0x61C000, s20;
	s2 =	sadd.s32 $0xC38000, s20;
	s0 =	sadd.s32 $0x3DD000, s0  }
0x16: {  	[dreg:$0x12] =	wrdreg s29;
	s15 =	simm.s32 $0x2;
	s19 =	simm.s32 $0xE300  }
0x17: {  	s20 =	simm.s32 $0x0;
	s22 =	sadd.s32 s8, s21;
	[dreg:$0x11] =	wrdreg s0  }
0x18: {  	s24 =	sadd.s32 s9, s21;
	s11 =	sshrl.u32 s23, $0x3;
	[dreg:$0xc] =	wrdreg s22  }
.Ltmp0:
0x19: {  	s1 =	sadd.s32 s7, s21;
	[dreg:$0xd] =	wrdreg s24;
	(pc) =	sbr.rel .LBB2_1-.Ltmp0, $4  }
0x1a: {  	s2 =	sshrl.u32 s2, $0x3;
	[dreg:$0xe] =	wrdreg s1;
	s25 =	sadd.s32 s7, s11  }
0x1b: {  	s0 =	simm.s32 $0xEB00;
	s26 =	sadd.s32 s7, s2;
	[dreg:$0xf] =	wrdreg s25  }
0x1c: {  	s22 =	sor.u32 $0x40, s6;
	s11 =	simm.s32 $0x80;
	[dreg:$0x10] =	wrdreg s26  }
0x1d: {  	s25 =	sor.u32 $0x20, s6;
	s26 =	sor.u32 $0x61C000, s16;
	s6 =	simm.s32 $0xEB80  }
.LBB2_9:
0x1e: {  	[bflag:$0x0] =	sbarrier.arrive $0xFFFF  }
0x1f: {  	s6 =	simm.s32 $0xEB80;
	s13 =	rddreg [dreg:$0x9]  }
0x20: {  	[tilespmem:s6], [sflag:$0x3] =	stream.linear.gather [spmem:s13], $0x1900, $0x38;
	[tilespmem:$0x11D80] =	vst v63  }
0x21: {  	_ =	swait.ge [sflag:s30], $0x1900  }
0x22: {  	s11 =	simm.s32 $0x80;
	[sflag:s30] =	ssyncset.done $0x0  }
0x23: {  	s2 =	simm.s32 $0x100;
	s1 =	rddreg [dreg:$0x11];
	[sflag:s30] =	ssyncadd.s32 $0xFFFFE700  }
0x24: {  	[hbm4b:s1+s11] =	stream.strided.scatter [tilespmem:s6], [sflag:$0x3], $0x1900, s2, s11, $0x38;
	[tilespmem:$0x11D80] =	vst v63  }
0x25: {  	_ =	swait.ge [sflag:s30], $0x1900  }
0x26: {  	s20 =	sadd.s32 $0x1, s20;
	s29 =	rddreg [dreg:$0x12]  }
0x27: {  	p0 =	sne.s32 s20, s29  }
.Ltmp1:
0x28: {  	_ = 	snop;
	(pc) =	sbr.rel @!p0 .LBB2_10-.Ltmp1, $3  }
0x29: {  	_ =	sdelay $0x1  }
0x2a: {  	[sflag:s30] =	ssyncset.done $0x0  }
0x2b: {  	[sflag:s30] =	ssyncadd.s32 $0xFFFFE700  }
.LBB2_1:
0x2c: {  	s2 =	simm.s32 $0x0;
	s1 =	rddreg [dreg:$0x6]  }
0x2d: {  	[tilespmem:s6], [sflag:$0x3] =	stream.linear.gather [hbm4b:s1+s2], $0x1900, $0x38;
	[tilespmem:$0x11D80] =	vst v63  }
0x2e: {  	_ =	swait.ge [sflag:s30], $0x1900  }
0x2f: {  	[sflag:s30] =	ssyncset.done $0x0  }
0x30: {  	s29 =	rddreg [dreg:$0x7];
	[sflag:s30] =	ssyncadd.s32 $0xFFFFE700  }
0x31: {  	[spmem:s29] =	stream.linear.scatter [tilespmem:s6], [sflag:$0x3], $0x1900, $0x38;
	[tilespmem:$0x11D80] =	vst v63  }
0x32: {  	_ =	swait.ge [sflag:s30], $0x1900  }
0x33: {  	[sflag:s30] =	ssyncset.done $0x0  }
0x34: {  	s21 =	rddreg [dreg:$0x8];
	[sflag:s30] =	ssyncadd.s32 $0xFFFFE700  }
0x35: {  	[tilespmem:s6], [sflag:$0x3] =	stream.linear.gather [hbm4b:s21+s2], $0x1900, $0x38;
	[tilespmem:$0x11D80] =	vst v63  }
0x36: {  	_ =	swait.ge [sflag:s30], $0x1900  }
0x37: {  	[sflag:s30] =	ssyncset.done $0x0  }
0x38: {  	[sflag:s30] =	ssyncadd.s32 $0xFFFFE700  }
0x39: {  	[spmem:s13] =	stream.linear.scatter [tilespmem:s6], [sflag:$0x3], $0x1900, $0x38;
	[tilespmem:$0x11D80] =	vst v63  }
0x3a: {  	_ =	swait.ge [sflag:s30], $0x1900  }
0x3b: {  	[sflag:s30] =	ssyncset.done $0x0  }
0x3c: {  	s24 =	simm.s32 $0x10480;
	s23 =	rddreg [dreg:$0xa];
	[sflag:s30] =	ssyncadd.s32 $0xFFFFE700  }
0x3d: {  	[tilespmem:s24], [sflag:$0x3] =	stream.linear.gather [hbm4b:s23+s2], $0x1900, $0x38;
	[tilespmem:$0x11D80] =	vst v63  }
0x3e: {  	_ =	swait.ge [sflag:s30], $0x1900  }
0x3f: {  	[sflag:s30] =	ssyncset.done $0x0  }
0x40: {  	s29 =	rddreg [dreg:$0xb];
	[sflag:s30] =	ssyncadd.s32 $0xFFFFE700  }
0x41: {  	[spmem:s29] =	stream.linear.scatter [tilespmem:s24], [sflag:$0x3], $0x1900, $0x38;
	[tilespmem:$0x11D80] =	vst v63  }
0x42: {  	_ =	swait.ge [sflag:s30], $0x1900  }
0x43: {  	[sflag:s30] =	ssyncset.done $0x0  }
0x44: {  	[sflag:s30] =	ssyncadd.s32 $0xFFFFE700  }
0x45: {  	s13 =	rddreg [dreg:$0x1]  }
0x46: {  	[tilespmem:s0], [sflag:$0x3] =	stream.linear.gather [hbm4b:s13+s2], $0x80, $0x38;
	[tilespmem:$0x11D80] =	vst v63  }
0x47: {  	_ =	swait.ge [sflag:s30], $0x80  }
0x48: {  	[sflag:s30] =	ssyncset.done $0x0  }
0x49: {  	[sflag:s30] =	ssyncadd.s32 $0xFFFFFF80  }
0x4a: {  	[bflag:$0x0] =	sbarrier.arrive $0xFFFF  }
0x4b: {  	s2 =	simm.s32 $0x400;
	s21 =	rddreg [dreg:$0xc]  }
0x4c: {  	[tilespmem:s10], [sflag:$0x1] =	stream.strided.gather [hbm4b:s21+s11], $0x800, s2, s11, $0x38;
	[tilespmem:$0x11D80] =	vst v63  }
0x4d: {  	s6 =	simm.s32 $0x5300;
	s23 =	rddreg [dreg:$0xd]  }
0x4e: {  	[tilespmem:s6], [sflag:$0x1] =	stream.strided.gather [hbm4b:s23+s11], $0x800, s2, s11, $0x38;
	[tilespmem:$0x11D80] =	vst v63  }
0x4f: {  	s29 =	simm.s32 $0x5B00;
	s24 =	rddreg [dreg:$0xe]  }
0x50: {  	[tilespmem:s29], [sflag:$0x1] =	stream.strided.gather [hbm4b:s24+s11], $0x800, s2, s11, $0x38;
	[tilespmem:$0x11D80] =	vst v63  }
0x51: {  	s21 =	rddreg [dreg:$0xf];
	s23 =	simm.s32 $0x6300  }
0x52: {  	[tilespmem:s23], [sflag:$0x1] =	stream.strided.gather [hbm4b:s21+s11], $0x800, s2, s11, $0x38;
	[tilespmem:$0x11D80] =	vst v63  }
0x53: {  	s24 =	rddreg [dreg:$0x10];
	s29 =	simm.s32 $0x6B00  }
0x54: {  	[tilespmem:s29], [sflag:$0x1] =	stream.strided.gather [hbm4b:s24+s11], $0x800, s2, s11, $0x38;
	[tilespmem:$0x11D80] =	vst v63  }
0x55: {  	_ =	swait.ge [sflag:s12], $0x800  }
0x56: {  	[sflag:s12] =	ssyncset.done $0x0  }
0x57: {  	[sflag:s12] =	ssyncadd.s32 $0xFFFFF800  }
0x58: {  	_ =	swait.ge [sflag:s12], $0x800  }
0x59: {  	[sflag:s12] =	ssyncset.done $0x0  }
0x5a: {  	[sflag:s12] =	ssyncadd.s32 $0xFFFFF800  }
0x5b: {  	_ =	swait.ge [sflag:s12], $0x800  }
0x5c: {  	[sflag:s12] =	ssyncset.done $0x0  }
0x5d: {  	[sflag:s12] =	ssyncadd.s32 $0xFFFFF800  }
0x5e: {  	_ =	swait.ge [sflag:s12], $0x800  }
0x5f: {  	[sflag:s12] =	ssyncset.done $0x0  }
0x60: {  	[sflag:s12] =	ssyncadd.s32 $0xFFFFF800  }
0x61: {  	_ =	swait.ge [sflag:s12], $0x800  }
0x62: {  	[sflag:s12] =	ssyncset.done $0x0  }
0x63: {  	s21 =	simm.s32 $0x7300;
	[sflag:s12] =	ssyncadd.s32 $0xFFFFF800  }
0x64: {  	[tilespmem:s21], [sflag:$0x2] =	stream.indirect.gather [spmem:s3], $0x1, s10, s14, $0xb8;
	[tilespmem:$0x11D80] =	vst v63  }
0x65: {  	s23 =	simm.s32 $0x7B00  }
0x66: {  	[tilespmem:s23], [sflag:$0x2] =	stream.indirect.gather [spmem:s3], $0x1, s6, s14, $0xb8;
	[tilespmem:$0x11D80] =	vst v63  }
.Ltmp2:
0x67: {  	_ = 	snop;
	(pc) =	sbr.rel .LBB2_2-.Ltmp2, $4  }
0x68: {  	s24 =	simm.s32 $0x8300  }
0x69: {  	[tilespmem:s24], [sflag:$0x2] =	stream.indirect.gather [spmem:s5], $0x1, s10, s14, $0xb8;
	[tilespmem:$0x11D80] =	vst v63  }
0x6a: {  	s29 =	simm.s32 $0x8B00;
	s21 =	simm.s32 $0x0  }
0x6b: {  	[tilespmem:s29], [sflag:$0x2] =	stream.indirect.gather [spmem:s5], $0x1, s6, s14, $0xb8;
	[tilespmem:$0x11D80] =	vst v63  }
.LBB2_8:
0x6c: {  	s21 =	sadd.s32 $0x1, s21  }
0x6d: {  	p0 =	sne.s32 s21, $0x31  }
.Ltmp3:
0x6e: {  	_ = 	snop;
	(pc) =	sbr.rel @!p0 .LBB2_9-.Ltmp3, $1  }
0x6f: {  	_ =	sdelay $0x3  }
.LBB2_2:
0x70: {  	s23 =	sshll.u32 s21, $0x6  }
0x71: {  	s6 =	sor.u32 s25, s23  }
0x72: {  	p0 =	sgt.u32 s6, $0xC34  }
0x73: {  	s6 =	sshll.u32 @!p0 s6, $0xB  }
0x74: {  	s6 =	sand.u32 @!p0 $0x7FC000, s6  }
0x75: {  	s11 =	sor.u32 @!p0 s16, s6  }
0x76: {  	s13 =	simm.s32 @!p0 $0x80;
	s11 =	sshrl.u32 @!p0 s11, $0x3  }
0x77: {  	s2 =	simm.s32 @!p0 $0x400;
	s29 =	simm.s32 @!p0 $0x9B00;
	s24 =	sadd.s32 @!p0 s8, s11  }
0x78: {  	[tilespmem:s29], [sflag:$0x1] =	stream.strided.gather @!p0 [hbm4b:s24+s13], $0x800, s2, s13, $0x38;
	[tilespmem:$0x11D80] =	vst v63  }
0x79: {  	s1 =	simm.s32 @!p0 $0xA300;
	s24 =	sadd.s32 @!p0 s9, s11  }
0x7a: {  	[tilespmem:s1], [sflag:$0x1] =	stream.strided.gather @!p0 [hbm4b:s24+s13], $0x800, s2, s13, $0x38;
	[tilespmem:$0x11D80] =	vst v63  }
0x7b: {  	s11 =	sadd.s32 @!p0 s7, s11;
	s24 =	simm.s32 @!p0 $0xAB00  }
0x7c: {  	[tilespmem:s24], [sflag:$0x1] =	stream.strided.gather @!p0 [hbm4b:s11+s13], $0x800, s2, s13, $0x38;
	[tilespmem:$0x11D80] =	vst v63  }
0x7d: {  	s11 =	sadd.s32 @!p0 s26, s6  }
0x7e: {  	s6 =	sadd.s32 @!p0 s28, s6;
	s11 =	sshrl.u32 @!p0 s11, $0x3  }
0x7f: {  	s24 =	simm.s32 @!p0 $0xB300;
	s6 =	sshrl.u32 @!p0 s6, $0x3;
	s11 =	sadd.s32 @!p0 s7, s11  }
0x80: {  	[tilespmem:s24], [sflag:$0x1] =	stream.strided.gather @!p0 [hbm4b:s11+s13], $0x800, s2, s13, $0x38;
	[tilespmem:$0x11D80] =	vst v63  }
0x81: {  	s6 =	sadd.s32 @!p0 s7, s6;
	s11 =	simm.s32 @!p0 $0xBB00  }
0x82: {  	[tilespmem:s11], [sflag:$0x1] =	stream.strided.gather @!p0 [hbm4b:s6+s13], $0x800, s2, s13, $0x38;
	[tilespmem:$0x11D80] =	vst v63  }
0x83: {  	_ =	swait.ge [sflag:s15], $0x800  }
0x84: {  	[sflag:s15] =	ssyncset.done $0x0  }
0x85: {  	[sflag:s15] =	ssyncadd.s32 $0xFFFFF800  }
0x86: {  	_ =	swait.ge [sflag:s15], $0x800  }
0x87: {  	[sflag:s15] =	ssyncset.done $0x0  }
0x88: {  	[sflag:s15] =	ssyncadd.s32 $0xFFFFF800  }
0x89: {  	_ =	swait.ge [sflag:s15], $0x800  }
0x8a: {  	[sflag:s15] =	ssyncset.done $0x0  }
0x8b: {  	[sflag:s15] =	ssyncadd.s32 $0xFFFFF800  }
0x8c: {  	_ =	swait.ge [sflag:s15], $0x800  }
0x8d: {  	[sflag:s15] =	ssyncset.done $0x0  }
0x8e: {  	s2 =	simm.s32 @!p0 $0x1;
	[sflag:s15] =	ssyncadd.s32 $0xFFFFF800  }
0x8f: {  	_ =	swait.ge @!p0 [sflag:s2], $0x800  }
0x90: {  	[sflag:s2] =	ssyncset.done @!p0 $0x0  }
0x91: {  	[sflag:s2] =	ssyncadd.s32 @!p0 $0xFFFFF800  }
0x92: {  	_ =	swait.ge @!p0 [sflag:s2], $0x800  }
0x93: {  	[sflag:s2] =	ssyncset.done @!p0 $0x0  }
0x94: {  	[sflag:s2] =	ssyncadd.s32 @!p0 $0xFFFFF800  }
0x95: {  	_ =	swait.ge @!p0 [sflag:s2], $0x800  }
0x96: {  	[sflag:s2] =	ssyncset.done @!p0 $0x0  }
0x97: {  	[sflag:s2] =	ssyncadd.s32 @!p0 $0xFFFFF800  }
0x98: {  	_ =	swait.ge @!p0 [sflag:s2], $0x800  }
0x99: {  	[sflag:s2] =	ssyncset.done @!p0 $0x0  }
0x9a: {  	[sflag:s2] =	ssyncadd.s32 @!p0 $0xFFFFF800  }
0x9b: {  	_ =	swait.ge @!p0 [sflag:s2], $0x800  }
0x9c: {  	[sflag:s2] =	ssyncset.done @!p0 $0x0  }
0x9d: {  	s6 =	simm.s32 @!p0 $0xC300;
	[sflag:s2] =	ssyncadd.s32 @!p0 $0xFFFFF800;
	s2 =	simm.s32 @!p0 $0x800  }
0x9e: {  	[tilespmem:s6], [sflag:$0x2] =	stream.indirect.gather @!p0 [spmem:s3], $0x1, s29, s2, $0xb8;
	[tilespmem:$0x11D80] =	vst v63  }
0x9f: {  	s6 =	simm.s32 @!p0 $0xCB00  }
0xa0: {  	[tilespmem:s6], [sflag:$0x2] =	stream.indirect.gather @!p0 [spmem:s3], $0x1, s1, s2, $0xb8;
	[tilespmem:$0x11D80] =	vst v63  }
0xa1: {  	s6 =	simm.s32 @!p0 $0xD300  }
0xa2: {  	[tilespmem:s6], [sflag:$0x2] =	stream.indirect.gather @!p0 [spmem:s5], $0x1, s29, s2, $0xb8;
	[tilespmem:$0x11D80] =	vst v63  }
0xa3: {  	s11 =	simm.s32 $0x0;
	s6 =	simm.s32 @!p0 $0xDB00  }
0xa4: {  	[tilespmem:s6], [sflag:$0x2] =	stream.indirect.gather @!p0 [spmem:s5], $0x1, s1, s2, $0xb8;
	[tilespmem:$0x11D80] =	vst v63  }
0xa5: {  	v0 =	vld [tilespmem:s11+$0x5B00]  }
0xa6: {  	v1 =	vld [tilespmem:s11+$0x6300];
	_ =	sdelay $0x1  }
0xa7: {  	v2 =	vld [tilespmem:s11+$0x6B00];
	_ =	sdelay $0x2  }
0xa8: {  	v0 =	vmul.f32 v0, v0;
	v1 =	vmul.f32 v1, v1;
	_ =	sdelay $0x1  }
0xa9: {  	v2 =	vmul.f32 v2, v2;
	v0 =	vadd.f32 v1, v0;
	_ =	sdelay $0x1  }
0xaa: {  	v5 =	vadd.f32 v2, v0;
	_ =	sdelay $0x1  }
0xab: {  	v0 =	vmax.f32 v5, $1.000000050e-18  }
0xac: {  	v2 =	vmul.f32 $5.000000000e-01, v0;
	v0 =	vshrl.u32 v0, $0x1  }
0xad: {  	v0 =	vsub.s32 $0x5F3759DF, v0  }
0xae: {  	v1 =	vmul.f32 v0, v2;
	_ =	sdelay $0x1  }
0xaf: {  	v8 =	vld [tilespmem:s11+$0x8B00];
	v1 =	vmul.f32 v0, v1  }
0xb0: {  	v7 =	vld [tilespmem:s11+$0x8300];
	v6 =	vadd.f32 $1.000000000e+00, v5  }
0xb1: {  	v1 =	vsub.f32 $1.500000000e+00, v1  }
0xb2: {  	v3 =	vld [tilespmem:s11+$0x7300];
	v9 =	vshrl.u32 v6, $0x1;
	v10 =	vmul.f32 $5.000000000e-01, v6  }
0xb3: {  	s24 =	simm.s32 $0x10;
	v4 =	vld [tilespmem:s11+$0x7B00];
	v9 =	vsub.s32 $0x5F3759DF, v9;
	v0 =	vmul.f32 v0, v1  }
0xb4: {  	v11 =	vld [tilespmem:s24+$0x6300];
	v12 =	vmul.f32 v9, v10  }
0xb5: {  	v1 =	vld [tilespmem:s24+$0x5B00];
	v14 =	vmul.f32 v0, v2  }
0xb6: {  	v12 =	vmul.f32 v9, v12  }
0xb7: {  	v16 =	vcvt.s32.f32 v8;
	v8 =	vld.idx.msk [tilespmem:v8+s0+$0x0], $0xffff;
	v14 =	vmul.f32 v14, v0  }
0xb8: {  	v15 =	vcvt.s32.f32 v7;
	v7 =	vld.idx.msk [tilespmem:v7+s0+$0x0], $0xffff;
	v12 =	vsub.f32 $1.500000000e+00, v12  }
0xb9: {  	v13 =	vmul.f32 $7.199822900e+00, v3;
	v11 =	vmul.f32 v11, v11;
	v14 =	vsub.f32 $1.500000000e+00, v14  }
0xba: {  	v3 =	vadd.f32 v4, v3;
	v9 =	vmul.f32 v9, v12;
	v17 =	vmul.f32 v1, v1  }
0xbb: {  	v1 =	vmul.f32 v4, v13;
	v13 =	vmul.f32 v14, v0  }
0xbc: {  	v18 =	vmul.f32 $-2.500000000e-01, v3;
	v6 =	vld [tilespmem:s24+$0x6B00];
	v12 =	vmul.f32 $7.199822900e+00, v15  }
0xbd: {  	v7 =	vadd.f32 v8, v7;
	v4 =	vmul.f32 v9, v10;
	v2 =	vmul.f32 v13, v2  }
0xbe: {  	v0 =	vmul.f32 $4.000000060e-01, v15;
	v14 =	vmul.f32 $4.000000060e-01, v16;
	v15 =	vadd.f32 v16, v15  }
0xbf: {  	v11 =	vadd.f32 v11, v17;
	v3 =	vmul.f32 v4, v9;
	v2 =	vmul.f32 v2, v13  }
0xc0: {  	v4 =	vmul.f32 $1.000000010e-01, v15;
	v0 =	vadd.f32 $1.000000000e+00, v0;
	v14 =	vadd.f32 $1.000000000e+00, v14  }
0xc1: {  	v6 =	vmul.f32 v6, v6;
	v15 =	vsub.f32 $1.500000000e+00, v3;
	v2 =	vsub.f32 $1.500000000e+00, v2  }
0xc2: {  	v3 =	vmul.f32 v16, v12;
	v12 =	vmul.f32 $1.442695020e+00, v18;
	v17 =	vadd.f32 $2.000000000e+00, v4  }
0xc3: {  	v4 =	vmul.f32 v14, v0;
	v0 =	vadd.f32 v6, v11;
	v11 =	vmul.f32 v2, v13  }
0xc4: {  	v6 =	vmul.f32 v15, v9;
	v9 =	vmul.f32 v17, v17  }
0xc5: {  	v7 =	vadd.f32 $9.999999710e-10, v7;
	(erf) = vpow2.f32 v12;
	v5 =	vmul.f32 v11, v5  }
0xc6: {  	v12 =	vmax.f32 v0, $1.000000050e-18;
	v8 =	vmul.f32 v6, v10;
	v10 =	vmul.f32 v9, v9  }
0xc7: {  	v7 =	vmul.f32 $2.134319070e+00, v7;
	v2 =	vmul.f32 $5.000000000e-01, v12;
	v11 =	vadd.f32 $-2.500000000e+00, v5  }
0xc8: {  	v8 =	vmul.f32 v8, v6;
	v9 =	vmul.f32 v10, v9  }
0xc9: {  	v14 =	vmax.f32 v5, $9.999999710e-10;
	v10 =	vmul.f32 $1.000000010e-01, v5;
	v15 =	vmul.f32 $2.000000030e-01, v11  }
0xca: {  	v13 =	vmul.f32 v14, v14;
	v17 =	vmul.f32 v14, v7  }
0xcb: {  	(erf) = vrcp.f32 v14;
	v11 =	vmul.f32 v10, v10;
	v7 =	vmax.f32 v15, $0.0e+00  }
0xcc: {  	v16 =	vmul.f32 $6.000000000e+00, v10;
	v19 =	vmul.f32 $-3.199800010e+00, v17  }
0xcd: {  	v14 =	vmul.f32 v13, v13;
	v18 =	vmul.f32 $-9.422900080e-01, v17;
	v15 =	vmin.f32 v7, $1.000000000e+00  }
0xce: {  	s6 =	simm.s32 $0x80;
	v19 =	vmul.f32 $1.442695020e+00, v19;
	v20 =	vmul.f32 $6.000000000e+00, v15;
	v7 =	vpop (erf)  }
.LBB2_3:
0xcf: {  	p1 =	sne.s32 s6, $0x1FC0;
	v18 =	vmul.f32 $1.442695020e+00, v18;
	v21 =	vmul.f32 $-4.029000100e-01, v17  }
0xd0: {  	v17 =	vmul.f32 $-2.016199980e-01, v17;
	v20 =	vadd.f32 $-1.500000000e+01, v20;
	(erf) = vpow2.f32 v19  }
0xd1: {  	v19 =	vmul.f32 $1.442695020e+00, v21;
	(erf) = vpow2.f32 v18  }
0xd2: {  	v12 =	vshrl.u32 v12, $0x1;
	v18 =	vmul.f32 v15, v15;
	v20 =	vmul.f32 v20, v15  }
0xd3: {  	v16 =	vadd.f32 $-1.500000000e+01, v16;
	v17 =	vmul.f32 $1.442695020e+00, v17;
	(erf) = vpow2.f32 v19  }
0xd4: {  	v13 =	vmul.f32 v14, v13;
	v15 =	vmul.f32 v18, v15;
	v18 =	vadd.f32 $1.000000000e+01, v20;
	v14 =	vpop (erf)  }
0xd5: {  	v12 =	vsub.s32 $0x5F3759DF, v12;
	v16 =	vmul.f32 v16, v10;
	(erf) = vpow2.f32 v17  }
0xd6: {  	v8 =	vsub.f32 $1.500000000e+00, v8;
	v9 =	vadd.f32 v13, v9;
	v15 =	vmul.f32 v18, v15  }
0xd7: {  	v13 =	vmul.f32 v12, v2;
	v10 =	vmul.f32 v11, v10;
	v16 =	vadd.f32 $1.000000000e+01, v16  }
0xd8: {  	v6 =	vmul.f32 v8, v6;
	v8 =	vsub.f32 $1.000000000e+00, v15;
	(erf) = vrcp.f32 v9  }
0xd9: {  	v10 =	vmul.f32 v16, v10;
	v9 =	vmul.f32 v12, v13;
	v11 =	vpop (erf)  }
0xda: {  	v13 =	vadd.f32 $1.000000000e+00, v0;
	v16 =	vmul.f32 v15, v14;
	v6 =	vmul.f32 v8, v6;
	v15 =	vpop (erf)  }
0xdb: {  	v10 =	vsub.f32 $1.000000000e+00, v10;
	v11 =	vmul.f32 $1.817500000e-01, v11;
	v15 =	vmul.f32 $5.098599790e-01, v15  }
0xdc: {  	vm0 =	vlt.f32 v5, $1.000000000e+01;
	v5 =	vmul.f32 $9.999999770e-03, v5;
	v6 =	vadd.f32 v6, v16;
	v8 =	vpop (erf)  }
0xdd: {  	v10 =	vnsel vm0, $0x0, v10;
	v11 =	vadd.f32 v15, v11;
	v8 =	vmul.f32 $2.802200020e-01, v8  }
0xde: {  	v4 =	vmul.f32 v4, v7;
	v15 =	vld [tilespmem:s24+$0x7300];
	v5 =	vadd.f32 v6, v5;
	v6 =	vmul.f32 $5.000000000e-01, v10;
	v7 =	vpop (erf)  }
0xdf: {  	v17 =	vshrl.u32 v13, $0x1;
	v16 =	vld [tilespmem:s24+$0x7B00];
	v18 =	vadd.f32 v11, v8;
	v7 =	vmul.f32 $2.817000080e-02, v7  }
0xe0: {  	v9 =	vsub.f32 $1.500000000e+00, v9;
	v11 =	vld [tilespmem:s24+$0x8300];
	v5 =	vadd.f32 $-2.000000030e-01, v5;
	v4 =	vmul.f32 v6, v4  }
0xe1: {  	s1 =	sshra.s32 s6, $0x2;
	v3 =	vmul.f32 v14, v3;
	v13 =	vmul.f32 $5.000000000e-01, v13;
	v6 =	vld [tilespmem:s24+$0x8B00];
	v7 =	vadd.f32 v18, v7;
	v8 =	vpop (erf)  }
0xe2: {  	v9 =	vmul.f32 v12, v9;
	v14 =	vld [tilespmem:s1+$0x6B00];
	v5 =	vnsel vm0, $0x0, v5;
	v4 =	vmul.f32 v4, v8  }
0xe3: {  	v12 =	vsub.s32 $0x5F3759DF, v17;
	v8 =	vld [tilespmem:s1+$0x5B00];
	v1 =	vmul.f32 v5, v1;
	v3 =	vmul.f32 v7, v3  }
0xe4: {  	v7 =	vmul.f32 v12, v13;
	v17 =	vmul.f32 $7.199822900e+00, v15;
	v5 =	vld [tilespmem:s1+$0x6300]  }
0xe5: {  	v18 =	vmul.f32 v9, v2;
	v3 =	vmul.f32 v3, v10;
	v1 =	vsub.f32 v1, v4  }
0xe6: {  	v4 =	vcvt.s32.f32 v11;
	v7 =	vmul.f32 v12, v7  }
0xe7: {  	v18 =	vmul.f32 v18, v9;
	v10 =	vcvt.s32.f32 v6;
	v3 =	vadd.f32 v1, v3  }
0xe8: {  	v14 =	vmul.f32 v14, v14;
	v7 =	vsub.f32 $1.500000000e+00, v7;
	v8 =	vmul.f32 v8, v8  }
0xe9: {  	v18 =	vsub.f32 $1.500000000e+00, v18;
	v1 =	vmul.f32 v16, v17;
	v5 =	vmul.f32 v5, v5;
	[tilespmem:s11+$0x9300] =	vst v3;
	s11 =	smov.u32 s24;
	s24 =	smov.u32 s1  }
0xea: {  	v7 =	vmul.f32 v12, v7;
	v3 =	vmul.f32 $7.199822900e+00, v4  }
0xeb: {  	v15 =	vadd.f32 v16, v15;
	v9 =	vmul.f32 v18, v9;
	v12 =	vmul.f32 $4.000000060e-01, v4  }
0xec: {  	v17 =	vmul.f32 $4.000000060e-01, v10;
	v4 =	vadd.f32 v10, v4;
	v16 =	vld.idx.msk [tilespmem:v6+s0+$0x0], $0xffff;
	v6 =	vmul.f32 v7, v13  }
0xed: {  	v15 =	vmul.f32 $-2.500000000e-01, v15;
	v2 =	vmul.f32 v9, v2;
	v11 =	vld.idx.msk [tilespmem:v11+s0+$0x0], $0xffff  }
0xee: {  	v5 =	vadd.f32 v5, v8;
	v4 =	vmul.f32 $1.000000010e-01, v4;
	v6 =	vmul.f32 v6, v7  }
0xef: {  	v2 =	vmul.f32 v2, v9;
	v8 =	vadd.f32 $1.000000000e+00, v12;
	v12 =	vadd.f32 $1.000000000e+00, v17  }
0xf0: {  	v3 =	vmul.f32 v10, v3;
	v17 =	vadd.f32 $2.000000000e+00, v4;
	v6 =	vsub.f32 $1.500000000e+00, v6  }
0xf1: {  	v2 =	vsub.f32 $1.500000000e+00, v2;
	v4 =	vmul.f32 v12, v8;
	v8 =	vmul.f32 $1.442695020e+00, v15  }
0xf2: {  	v10 =	vadd.f32 v14, v5;
	v6 =	vmul.f32 v6, v7;
	v7 =	vmul.f32 v17, v17  }
0xf3: {  	v5 =	vmul.f32 v2, v9;
	v9 =	vadd.f32 v16, v11;
	(erf) = vpow2.f32 v8  }
0xf4: {  	v12 =	vmax.f32 v10, $1.000000050e-18;
	v8 =	vmul.f32 v6, v13;
	v11 =	vmul.f32 v7, v7  }
0xf5: {  	v2 =	vmul.f32 $5.000000000e-01, v12;
	v5 =	vmul.f32 v5, v0;
	v0 =	vmovc v10;
	v13 =	vadd.f32 $9.999999710e-10, v9  }
0xf6: {  	v8 =	vmul.f32 v8, v6;
	v9 =	vmul.f32 v11, v7  }
0xf7: {  	v7 =	vmax.f32 v5, $9.999999710e-10;
	v11 =	vadd.f32 $-2.500000000e+00, v5;
	v14 =	vmul.f32 $2.134319070e+00, v13  }
0xf8: {  	v10 =	vmul.f32 $1.000000010e-01, v5;
	v13 =	vmul.f32 v7, v7  }
.Ltmp4:
0xf9: {  	v15 =	vmul.f32 $2.000000030e-01, v11;
	v17 =	vmul.f32 v7, v14;
	(pc) =	sbr.rel @p1 .LBB2_3-.Ltmp4, $4  }
0xfa: {  	v11 =	vmul.f32 v10, v10;
	(erf) = vrcp.f32 v7  }
0xfb: {  	v16 =	vmul.f32 $6.000000000e+00, v10;
	v20 =	vmax.f32 v15, $0.0e+00;
	v19 =	vmul.f32 $-3.199800010e+00, v17  }
0xfc: {  	v14 =	vmul.f32 v13, v13;
	v18 =	vmul.f32 $-9.422900080e-01, v17;
	v15 =	vmin.f32 v20, $1.000000000e+00;
	v7 =	vpop (erf)  }
0xfd: {  	s6 =	sadd.s32 $0x40, s6;
	v20 =	vmul.f32 $6.000000000e+00, v15;
	v19 =	vmul.f32 $1.442695020e+00, v19  }
0xfe: {  	v18 =	vmul.f32 $1.442695020e+00, v18;
	v21 =	vmul.f32 $-4.029000100e-01, v17  }
0xff: {  	v63 =	vmul.f32 $-2.016199980e-01, v17;
	v25 =	vmul.f32 v15, v15  }
0x100: {  	v13 =	vmul.f32 v14, v13;
	v20 =	vadd.f32 $-1.500000000e+01, v20;
	(erf) = vpow2.f32 v19  }
0x101: {  	v12 =	vshrl.u32 v12, $0x1;
	v24 =	vmul.f32 $1.442695020e+00, v21;
	(erf) = vpow2.f32 v18  }
0x102: {  	v16 =	vadd.f32 $-1.500000000e+01, v16;
	v30 =	vmul.f32 v11, v10;
	v20 =	vmul.f32 v20, v15  }
0x103: {  	v8 =	vsub.f32 $1.500000000e+00, v8;
	v17 =	vmul.f32 $1.442695020e+00, v63;
	(erf) = vpow2.f32 v24  }
0x104: {  	v39 =	vmul.f32 $9.999999770e-03, v5;
	v26 =	vmul.f32 v25, v15;
	v27 =	vadd.f32 $1.000000000e+01, v20  }
0x105: {  	v38 =	vadd.f32 $1.000000000e+00, v0;
	v28 =	vmul.f32 v16, v10;
	(erf) = vpow2.f32 v17  }
0x106: {  	v12 =	vsub.s32 $0x5F3759DF, v12;
	v9 =	vadd.f32 v13, v9;
	v15 =	vmul.f32 v27, v26  }
0x107: {  	v4 =	vmul.f32 v4, v7;
	v29 =	vmul.f32 v12, v2;
	v31 =	vadd.f32 $1.000000000e+01, v28  }
0x108: {  	v6 =	vmul.f32 v8, v6;
	v32 =	vpop (erf);
	(erf) = vrcp.f32 v9;
	v33 =	vsub.f32 $1.000000000e+00, v15  }
0x109: {  	vm0 =	vlt.f32 v5, $1.000000000e+01;
	v34 =	vmul.f32 v12, v29;
	v10 =	vmul.f32 v31, v30;
	v35 =	vpop (erf)  }
0x10a: {  	v45 =	vshrl.u32 v38, $0x1;
	v36 =	vmul.f32 v15, v32;
	v6 =	vmul.f32 v33, v6;
	v37 =	vpop (erf)  }
0x10b: {  	v10 =	vsub.f32 $1.000000000e+00, v10;
	v11 =	vmul.f32 $1.817500000e-01, v35;
	v13 =	vmul.f32 $5.098599790e-01, v37  }
0x10c: {  	v46 =	vmul.f32 $5.000000000e-01, v38;
	v9 =	vsub.f32 $1.500000000e+00, v34;
	v6 =	vadd.f32 v6, v36;
	v40 =	vpop (erf)  }
0x10d: {  	v10 =	vnsel vm0, $0x0, v10;
	v41 =	vadd.f32 v13, v11;
	v42 =	vmul.f32 $2.802200020e-01, v40  }
0x10e: {  	v9 =	vmul.f32 v12, v9;
	v44 =	vmul.f32 $5.000000000e-01, v10;
	v43 =	vpop (erf);
	v6 =	vadd.f32 v6, v39  }
0x10f: {  	v11 =	vsub.s32 $0x5F3759DF, v45;
	v7 =	vmul.f32 $2.817000080e-02, v43;
	v5 =	vadd.f32 v41, v42  }
0x110: {  	v48 =	vld [tilespmem:s24+$0x8300];
	v4 =	vmul.f32 v44, v4;
	v49 =	vmul.f32 v11, v46;
	v6 =	vadd.f32 $-2.000000030e-01, v6  }
0x111: {  	v50 =	vld [tilespmem:s24+$0x8B00];
	v3 =	vmul.f32 v32, v3;
	v51 =	vmul.f32 v9, v2;
	v47 =	vpop (erf);
	v5 =	vadd.f32 v5, v7  }
0x112: {  	v4 =	vmul.f32 v4, v47;
	v52 =	vmul.f32 v11, v49;
	v6 =	vnsel vm0, $0x0, v6  }
0x113: {  	v1 =	vmul.f32 v6, v1;
	v3 =	vmul.f32 v5, v3  }
0x114: {  	v6 =	vmul.f32 v51, v9  }
0x115: {  	v54 =	vsub.f32 $1.500000000e+00, v52;
	v3 =	vmul.f32 v3, v10;
	v1 =	vsub.f32 v1, v4  }
0x116: {  	v55 =	vcvt.s32.f32 v48;
	v14 =	vcvt.s32.f32 v50;
	v6 =	vsub.f32 $1.500000000e+00, v6  }
0x117: {  	v53 =	vld [tilespmem:s24+$0x7300];
	v56 =	vmul.f32 v11, v54;
	v1 =	vadd.f32 v1, v3  }
0x118: {  	v59 =	vadd.f32 v14, v55;
	v10 =	vld [tilespmem:s24+$0x7B00];
	v57 =	vmul.f32 v6, v9  }
0x119: {  	v58 =	vmul.f32 v56, v46;
	[tilespmem:s11+$0x9300] =	vst v1  }
0x11a: {  	v6 =	vmul.f32 $1.000000010e-01, v59;
	v61 =	vmul.f32 v57, v2;
	v60 =	vld.idx.msk [tilespmem:v50+s0+$0x0], $0xffff  }
0x11b: {  	v62 =	vmul.f32 $7.199822900e+00, v55;
	v1 =	vmul.f32 v58, v56;
	v12 =	vld.idx.msk [tilespmem:v48+s0+$0x0], $0xffff  }
0x11c: {  	v63 =	vmul.f32 $4.000000060e-01, v14;
	v6 =	vadd.f32 $2.000000000e+00, v6;
	v2 =	vmul.f32 v61, v57  }
0x11d: {  	v5 =	vmul.f32 $4.000000060e-01, v55;
	v7 =	vadd.f32 v10, v53;
	v1 =	vsub.f32 $1.500000000e+00, v1  }
0x11e: {  	v9 =	vmul.f32 $7.199822900e+00, v53;
	v24 =	vmul.f32 v6, v6;
	v2 =	vsub.f32 $1.500000000e+00, v2  }
0x11f: {  	v7 =	vmul.f32 $-2.500000000e-01, v7;
	v1 =	vmul.f32 v1, v56  }
0x120: {  	v28 =	vmul.f32 v24, v24;
	v2 =	vmul.f32 v2, v57;
	v26 =	vadd.f32 v60, v12  }
0x121: {  	v25 =	vmul.f32 $1.442695020e+00, v7;
	v27 =	vmul.f32 v1, v46  }
0x122: {  	v3 =	vmul.f32 v28, v24;
	v29 =	vmul.f32 v2, v0;
	v30 =	vadd.f32 $9.999999710e-10, v26  }
0x123: {  	(erf) = vpow2.f32 v25;
	v31 =	vmul.f32 v27, v1  }
0x124: {  	v32 =	vmax.f32 v29, $9.999999710e-10;
	v33 =	vadd.f32 $-2.500000000e+00, v29;
	v2 =	vmul.f32 $2.134319070e+00, v30  }
0x125: {  	v34 =	vmul.f32 $1.000000010e-01, v29;
	v35 =	vmul.f32 v32, v32  }
0x126: {  	v7 =	vmul.f32 $2.000000030e-01, v33;
	v2 =	vmul.f32 v32, v2  }
0x127: {  	(erf) = vrcp.f32 v32;
	v36 =	vmul.f32 v34, v34  }
0x128: {  	v37 =	vmul.f32 $6.000000000e+00, v34;
	v7 =	vmax.f32 v7, $0.0e+00;
	v38 =	vmul.f32 $-3.199800010e+00, v2  }
0x129: {  	v39 =	vmul.f32 v35, v35;
	v40 =	vmul.f32 $-9.422900080e-01, v2;
	v7 =	vmin.f32 v7, $1.000000000e+00  }
0x12a: {  	v41 =	vmul.f32 $6.000000000e+00, v7;
	v16 =	vmul.f32 $1.442695020e+00, v38  }
0x12b: {  	v42 =	vmul.f32 $-4.029000100e-01, v2;
	v18 =	vmul.f32 $1.442695020e+00, v40  }
0x12c: {  	v2 =	vmul.f32 $-2.016199980e-01, v2;
	v19 =	vadd.f32 $-1.500000000e+01, v41;
	(erf) = vpow2.f32 v16  }
0x12d: {  	v43 =	vmul.f32 $1.442695020e+00, v42;
	(erf) = vpow2.f32 v18  }
0x12e: {  	v44 =	vmul.f32 v7, v7;
	v19 =	vmul.f32 v19, v7  }
0x12f: {  	v6 =	vadd.f32 $-1.500000000e+01, v37;
	v2 =	vmul.f32 $1.442695020e+00, v2;
	(erf) = vpow2.f32 v43  }
0x130: {  	v11 =	vmul.f32 v39, v35;
	v7 =	vmul.f32 v44, v7;
	v45 =	vadd.f32 $1.000000000e+01, v19  }
0x131: {  	v5 =	vadd.f32 $1.000000000e+00, v5;
	v6 =	vmul.f32 v6, v34;
	(erf) = vpow2.f32 v2  }
0x132: {  	v4 =	vsub.f32 $1.500000000e+00, v31;
	v3 =	vadd.f32 v11, v3;
	v46 =	vmul.f32 v45, v7  }
0x133: {  	v48 =	vadd.f32 $1.000000000e+00, v63;
	v8 =	vmul.f32 v36, v34;
	v47 =	vpop (erf);
	v6 =	vadd.f32 $1.000000000e+01, v6  }
0x134: {  	v1 =	vmul.f32 v4, v1;
	v49 =	vpop (erf);
	(erf) = vrcp.f32 v3;
	v50 =	vsub.f32 $1.000000000e+00, v46  }
0x135: {  	v51 =	vmul.f32 v48, v5;
	v52 =	vmul.f32 v6, v8;
	v53 =	vpop (erf)  }
0x136: {  	v2 =	vmul.f32 v46, v49;
	v1 =	vmul.f32 v50, v1;
	v54 =	vpop (erf)  }
0x137: {  	v5 =	vsub.f32 $1.000000000e+00, v52;
	v6 =	vmul.f32 $1.817500000e-01, v53;
	v4 =	vmul.f32 $5.098599790e-01, v54  }
0x138: {  	vm15 =	vlt.f32 v29, $1.000000000e+01;
	v0 =	vmul.f32 $9.999999770e-03, v29;
	v55 =	vpop (erf);
	v1 =	vadd.f32 v1, v2  }
0x139: {  	v5 =	vnsel vm15, $0x0, v5;
	v2 =	vmul.f32 $2.802200020e-01, v55;
	v4 =	vadd.f32 v4, v6  }
0x13a: {  	v56 =	vmul.f32 v51, v47;
	v57 =	vmul.f32 $5.000000000e-01, v5;
	v58 =	vpop (erf);
	v0 =	vadd.f32 v1, v0  }
0x13b: {  	v59 =	vmul.f32 v14, v62;
	v60 =	vmul.f32 $2.817000080e-02, v58;
	v2 =	vadd.f32 v4, v2  }
0x13c: {  	v1 =	vmul.f32 v57, v56;
	v0 =	vadd.f32 $-2.000000030e-01, v0  }
0x13d: {  	v61 =	vmul.f32 v10, v9;
	v62 =	vmul.f32 v49, v59;
	v63 =	vpop (erf);
	v2 =	vadd.f32 v2, v60  }
0x13e: {  	v1 =	vmul.f32 v1, v63;
	v0 =	vnsel vm15, $0x0, v0  }
0x13f: {  	v0 =	vmul.f32 v0, v61;
	v2 =	vmul.f32 v2, v62;
	_ =	sdelay $0x1  }
0x140: {  	v2 =	vmul.f32 v2, v5;
	v0 =	vsub.f32 v0, v1  }
0x141: {  	s1 =	sadd.s32 s22, s23  }
0x142: {  	p1 =	sgt.u32 s1, $0xC34;
	v0 =	vadd.f32 v0, v2  }
0x143: {  	s1 =	sshll.u32 @!p1 s1, $0xB  }
0x144: {  	s1 =	sand.u32 @!p1 $0x7EC000, s1;
	[tilespmem:s24+$0x9300] =	vst v0  }
0x145: {  	[spmem:s4] =	stream.indirect.scatter.add.f32 [tilespmem:s31], [sflag:$0x4], $0x1, s10, s14, $0xb8;
	[tilespmem:$0x11D80] =	vst v63  }
0x146: {  	s13 =	simm.s32 @!p1 $0x400;
	s2 =	sor.u32 @!p1 s16, s1;
	_ =	swait.ge [sflag:s17], $0x800  }
0x147: {  	s23 =	simm.s32 @!p1 $0x4B00;
	s2 =	sshrl.u32 @!p1 s2, $0x3;
	[sflag:s17] =	ssyncset.done $0x0  }
0x148: {  	s6 =	sadd.s32 @!p1 s8, s2;
	s11 =	simm.s32 @!p1 $0x80;
	[sflag:s17] =	ssyncadd.s32 $0xFFFFF800  }
0x149: {  	[tilespmem:s23], [sflag:$0x1] =	stream.strided.gather @!p1 [hbm4b:s6+s11], $0x800, s13, s11, $0x38;
	[tilespmem:$0x11D80] =	vst v63  }
0x14a: {  	s24 =	simm.s32 @!p1 $0x5300;
	s6 =	sadd.s32 @!p1 s9, s2  }
0x14b: {  	[tilespmem:s24], [sflag:$0x1] =	stream.strided.gather @!p1 [hbm4b:s6+s11], $0x800, s13, s11, $0x38;
	[tilespmem:$0x11D80] =	vst v63  }
0x14c: {  	s2 =	sadd.s32 @!p1 s7, s2;
	s6 =	simm.s32 @!p1 $0x5B00  }
0x14d: {  	[tilespmem:s6], [sflag:$0x1] =	stream.strided.gather @!p1 [hbm4b:s2+s11], $0x800, s13, s11, $0x38;
	[tilespmem:$0x11D80] =	vst v63  }
0x14e: {  	s2 =	sadd.s32 @!p1 s26, s1  }
0x14f: {  	s1 =	sadd.s32 @!p1 s28, s1;
	s2 =	sshrl.u32 @!p1 s2, $0x3  }
0x150: {  	s6 =	simm.s32 @!p1 $0x6300;
	s1 =	sshrl.u32 @!p1 s1, $0x3;
	s2 =	sadd.s32 @!p1 s7, s2  }
0x151: {  	[tilespmem:s6], [sflag:$0x1] =	stream.strided.gather @!p1 [hbm4b:s2+s11], $0x800, s13, s11, $0x38;
	[tilespmem:$0x11D80] =	vst v63  }
0x152: {  	s1 =	sadd.s32 @!p1 s7, s1;
	s2 =	simm.s32 @!p1 $0x6B00  }
0x153: {  	[tilespmem:s2], [sflag:$0x1] =	stream.strided.gather @!p1 [hbm4b:s1+s11], $0x800, s13, s11, $0x38;
	[tilespmem:$0x11D80] =	vst v63  }
0x154: {  	s1 =	simm.s32 @!p0 $0x2  }
0x155: {  	_ =	swait.ge @!p0 [sflag:s1], $0x800  }
0x156: {  	[sflag:s1] =	ssyncset.done @!p0 $0x0  }
0x157: {  	[sflag:s1] =	ssyncadd.s32 @!p0 $0xFFFFF800  }
0x158: {  	_ =	swait.ge @!p0 [sflag:s1], $0x800  }
0x159: {  	[sflag:s1] =	ssyncset.done @!p0 $0x0  }
0x15a: {  	[sflag:s1] =	ssyncadd.s32 @!p0 $0xFFFFF800  }
0x15b: {  	_ =	swait.ge @!p0 [sflag:s1], $0x800  }
0x15c: {  	[sflag:s1] =	ssyncset.done @!p0 $0x0  }
0x15d: {  	[sflag:s1] =	ssyncadd.s32 @!p0 $0xFFFFF800  }
0x15e: {  	_ =	swait.ge @!p0 [sflag:s1], $0x800  }
0x15f: {  	[sflag:s1] =	ssyncset.done @!p0 $0x0  }
0x160: {  	[sflag:s1] =	ssyncadd.s32 @!p0 $0xFFFFF800;
	s1 =	simm.s32 @!p1 $0x1  }
0x161: {  	_ =	swait.ge @!p1 [sflag:s1], $0x800  }
0x162: {  	[sflag:s1] =	ssyncset.done @!p1 $0x0  }
0x163: {  	[sflag:s1] =	ssyncadd.s32 @!p1 $0xFFFFF800  }
0x164: {  	_ =	swait.ge @!p1 [sflag:s1], $0x800  }
0x165: {  	[sflag:s1] =	ssyncset.done @!p1 $0x0  }
0x166: {  	[sflag:s1] =	ssyncadd.s32 @!p1 $0xFFFFF800  }
0x167: {  	_ =	swait.ge @!p1 [sflag:s1], $0x800  }
0x168: {  	[sflag:s1] =	ssyncset.done @!p1 $0x0  }
0x169: {  	[sflag:s1] =	ssyncadd.s32 @!p1 $0xFFFFF800  }
0x16a: {  	_ =	swait.ge @!p1 [sflag:s1], $0x800  }
0x16b: {  	[sflag:s1] =	ssyncset.done @!p1 $0x0  }
0x16c: {  	[sflag:s1] =	ssyncadd.s32 @!p1 $0xFFFFF800  }
0x16d: {  	_ =	swait.ge @!p1 [sflag:s1], $0x800  }
0x16e: {  	[sflag:s1] =	ssyncset.done @!p1 $0x0  }
0x16f: {  	s2 =	simm.s32 @!p1 $0x7300;
	[sflag:s1] =	ssyncadd.s32 @!p1 $0xFFFFF800;
	s1 =	simm.s32 @!p1 $0x800  }
0x170: {  	[tilespmem:s2], [sflag:$0x2] =	stream.indirect.gather @!p1 [spmem:s3], $0x1, s23, s1, $0xb8;
	[tilespmem:$0x11D80] =	vst v63  }
0x171: {  	s2 =	simm.s32 @!p1 $0x7B00  }
0x172: {  	[tilespmem:s2], [sflag:$0x2] =	stream.indirect.gather @!p1 [spmem:s3], $0x1, s24, s1, $0xb8;
	[tilespmem:$0x11D80] =	vst v63  }
.Ltmp5:
0x173: {  	_ = 	snop;
	(pc) =	sbr.rel @p0 .LBB2_8-.Ltmp5, $4  }
0x174: {  	s2 =	simm.s32 @!p1 $0x8300  }
0x175: {  	[tilespmem:s2], [sflag:$0x2] =	stream.indirect.gather @!p1 [spmem:s5], $0x1, s23, s1, $0xb8;
	[tilespmem:$0x11D80] =	vst v63  }
0x176: {  	s2 =	simm.s32 @!p1 $0x8B00  }
0x177: {  	[tilespmem:s2], [sflag:$0x2] =	stream.indirect.gather @!p1 [spmem:s5], $0x1, s24, s1, $0xb8;
	[tilespmem:$0x11D80] =	vst v63  }
0x178: {  	s11 =	simm.s32 $0x0  }
0x179: {  	v0 =	vld [tilespmem:s11+$0xAB00]  }
0x17a: {  	v1 =	vld [tilespmem:s11+$0xB300];
	_ =	sdelay $0x1  }
0x17b: {  	v2 =	vld [tilespmem:s11+$0xBB00];
	_ =	sdelay $0x2  }
0x17c: {  	v0 =	vmul.f32 v0, v0;
	v1 =	vmul.f32 v1, v1;
	_ =	sdelay $0x1  }
0x17d: {  	v2 =	vmul.f32 v2, v2;
	v0 =	vadd.f32 v1, v0;
	_ =	sdelay $0x1  }
0x17e: {  	v5 =	vadd.f32 v2, v0;
	_ =	sdelay $0x1  }
0x17f: {  	v0 =	vmax.f32 v5, $1.000000050e-18  }
0x180: {  	v2 =	vmul.f32 $5.000000000e-01, v0;
	v0 =	vshrl.u32 v0, $0x1  }
0x181: {  	v0 =	vsub.s32 $0x5F3759DF, v0  }
0x182: {  	v1 =	vmul.f32 v0, v2;
	_ =	sdelay $0x1  }
0x183: {  	v8 =	vld [tilespmem:s11+$0xDB00];
	v1 =	vmul.f32 v0, v1  }
0x184: {  	v7 =	vld [tilespmem:s11+$0xD300];
	v6 =	vadd.f32 $1.000000000e+00, v5  }
0x185: {  	v1 =	vsub.f32 $1.500000000e+00, v1  }
0x186: {  	v3 =	vld [tilespmem:s11+$0xC300];
	v9 =	vshrl.u32 v6, $0x1;
	v10 =	vmul.f32 $5.000000000e-01, v6  }
0x187: {  	s23 =	simm.s32 $0x10;
	v4 =	vld [tilespmem:s11+$0xCB00];
	v9 =	vsub.s32 $0x5F3759DF, v9;
	v0 =	vmul.f32 v0, v1  }
0x188: {  	v11 =	vld [tilespmem:s23+$0xB300];
	v12 =	vmul.f32 v9, v10  }
0x189: {  	v1 =	vld [tilespmem:s23+$0xAB00];
	v14 =	vmul.f32 v0, v2  }
0x18a: {  	v12 =	vmul.f32 v9, v12  }
0x18b: {  	v16 =	vcvt.s32.f32 v8;
	v8 =	vld.idx.msk [tilespmem:v8+s0+$0x0], $0xffff;
	v14 =	vmul.f32 v14, v0  }
0x18c: {  	v15 =	vcvt.s32.f32 v7;
	v7 =	vld.idx.msk [tilespmem:v7+s0+$0x0], $0xffff;
	v12 =	vsub.f32 $1.500000000e+00, v12  }
0x18d: {  	v13 =	vmul.f32 $7.199822900e+00, v3;
	v11 =	vmul.f32 v11, v11;
	v14 =	vsub.f32 $1.500000000e+00, v14  }
0x18e: {  	v3 =	vadd.f32 v4, v3;
	v9 =	vmul.f32 v9, v12;
	v17 =	vmul.f32 v1, v1  }
0x18f: {  	v1 =	vmul.f32 v4, v13;
	v13 =	vmul.f32 v14, v0  }
0x190: {  	v18 =	vmul.f32 $-2.500000000e-01, v3;
	v6 =	vld [tilespmem:s23+$0xBB00];
	v12 =	vmul.f32 $7.199822900e+00, v15  }
0x191: {  	v7 =	vadd.f32 v8, v7;
	v4 =	vmul.f32 v9, v10;
	v2 =	vmul.f32 v13, v2  }
0x192: {  	v0 =	vmul.f32 $4.000000060e-01, v15;
	v14 =	vmul.f32 $4.000000060e-01, v16;
	v15 =	vadd.f32 v16, v15  }
0x193: {  	v11 =	vadd.f32 v11, v17;
	v3 =	vmul.f32 v4, v9;
	v2 =	vmul.f32 v2, v13  }
0x194: {  	v4 =	vmul.f32 $1.000000010e-01, v15;
	v0 =	vadd.f32 $1.000000000e+00, v0;
	v14 =	vadd.f32 $1.000000000e+00, v14  }
0x195: {  	v6 =	vmul.f32 v6, v6;
	v15 =	vsub.f32 $1.500000000e+00, v3;
	v2 =	vsub.f32 $1.500000000e+00, v2  }
0x196: {  	v3 =	vmul.f32 v16, v12;
	v12 =	vmul.f32 $1.442695020e+00, v18;
	v17 =	vadd.f32 $2.000000000e+00, v4  }
0x197: {  	v4 =	vmul.f32 v14, v0;
	v0 =	vadd.f32 v6, v11;
	v11 =	vmul.f32 v2, v13  }
0x198: {  	v6 =	vmul.f32 v15, v9;
	v9 =	vmul.f32 v17, v17  }
0x199: {  	v7 =	vadd.f32 $9.999999710e-10, v7;
	(erf) = vpow2.f32 v12;
	v5 =	vmul.f32 v11, v5  }
0x19a: {  	v12 =	vmax.f32 v0, $1.000000050e-18;
	v8 =	vmul.f32 v6, v10;
	v10 =	vmul.f32 v9, v9  }
0x19b: {  	v7 =	vmul.f32 $2.134319070e+00, v7;
	v2 =	vmul.f32 $5.000000000e-01, v12;
	v11 =	vadd.f32 $-2.500000000e+00, v5  }
0x19c: {  	v8 =	vmul.f32 v8, v6;
	v9 =	vmul.f32 v10, v9  }
0x19d: {  	v14 =	vmax.f32 v5, $9.999999710e-10;
	v10 =	vmul.f32 $1.000000010e-01, v5;
	v15 =	vmul.f32 $2.000000030e-01, v11  }
0x19e: {  	v13 =	vmul.f32 v14, v14;
	v17 =	vmul.f32 v14, v7  }
0x19f: {  	(erf) = vrcp.f32 v14;
	v11 =	vmul.f32 v10, v10;
	v7 =	vmax.f32 v15, $0.0e+00  }
0x1a0: {  	v16 =	vmul.f32 $6.000000000e+00, v10;
	v19 =	vmul.f32 $-3.199800010e+00, v17  }
0x1a1: {  	v14 =	vmul.f32 v13, v13;
	v18 =	vmul.f32 $-9.422900080e-01, v17;
	v15 =	vmin.f32 v7, $1.000000000e+00  }
0x1a2: {  	s6 =	simm.s32 $0x80;
	v19 =	vmul.f32 $1.442695020e+00, v19;
	v20 =	vmul.f32 $6.000000000e+00, v15;
	v7 =	vpop (erf)  }
.LBB2_6:
0x1a3: {  	p0 =	sne.s32 s6, $0x1FC0;
	v18 =	vmul.f32 $1.442695020e+00, v18;
	v21 =	vmul.f32 $-4.029000100e-01, v17  }
0x1a4: {  	v17 =	vmul.f32 $-2.016199980e-01, v17;
	v20 =	vadd.f32 $-1.500000000e+01, v20;
	(erf) = vpow2.f32 v19  }
0x1a5: {  	v19 =	vmul.f32 $1.442695020e+00, v21;
	(erf) = vpow2.f32 v18  }
0x1a6: {  	v12 =	vshrl.u32 v12, $0x1;
	v18 =	vmul.f32 v15, v15;
	v20 =	vmul.f32 v20, v15  }
0x1a7: {  	v16 =	vadd.f32 $-1.500000000e+01, v16;
	v17 =	vmul.f32 $1.442695020e+00, v17;
	(erf) = vpow2.f32 v19  }
0x1a8: {  	v13 =	vmul.f32 v14, v13;
	v15 =	vmul.f32 v18, v15;
	v18 =	vadd.f32 $1.000000000e+01, v20;
	v14 =	vpop (erf)  }
0x1a9: {  	v12 =	vsub.s32 $0x5F3759DF, v12;
	v16 =	vmul.f32 v16, v10;
	(erf) = vpow2.f32 v17  }
0x1aa: {  	v8 =	vsub.f32 $1.500000000e+00, v8;
	v9 =	vadd.f32 v13, v9;
	v15 =	vmul.f32 v18, v15  }
0x1ab: {  	v13 =	vmul.f32 v12, v2;
	v10 =	vmul.f32 v11, v10;
	v16 =	vadd.f32 $1.000000000e+01, v16  }
0x1ac: {  	v6 =	vmul.f32 v8, v6;
	v8 =	vsub.f32 $1.000000000e+00, v15;
	(erf) = vrcp.f32 v9  }
0x1ad: {  	v10 =	vmul.f32 v16, v10;
	v9 =	vmul.f32 v12, v13;
	v11 =	vpop (erf)  }
0x1ae: {  	v13 =	vadd.f32 $1.000000000e+00, v0;
	v16 =	vmul.f32 v15, v14;
	v6 =	vmul.f32 v8, v6;
	v15 =	vpop (erf)  }
0x1af: {  	v10 =	vsub.f32 $1.000000000e+00, v10;
	v11 =	vmul.f32 $1.817500000e-01, v11;
	v15 =	vmul.f32 $5.098599790e-01, v15  }
0x1b0: {  	vm0 =	vlt.f32 v5, $1.000000000e+01;
	v5 =	vmul.f32 $9.999999770e-03, v5;
	v6 =	vadd.f32 v6, v16;
	v8 =	vpop (erf)  }
0x1b1: {  	v10 =	vnsel vm0, $0x0, v10;
	v11 =	vadd.f32 v15, v11;
	v8 =	vmul.f32 $2.802200020e-01, v8  }
0x1b2: {  	v4 =	vmul.f32 v4, v7;
	v15 =	vld [tilespmem:s23+$0xC300];
	v5 =	vadd.f32 v6, v5;
	v6 =	vmul.f32 $5.000000000e-01, v10;
	v7 =	vpop (erf)  }
0x1b3: {  	v17 =	vshrl.u32 v13, $0x1;
	v16 =	vld [tilespmem:s23+$0xCB00];
	v18 =	vadd.f32 v11, v8;
	v7 =	vmul.f32 $2.817000080e-02, v7  }
0x1b4: {  	v9 =	vsub.f32 $1.500000000e+00, v9;
	v11 =	vld [tilespmem:s23+$0xD300];
	v5 =	vadd.f32 $-2.000000030e-01, v5;
	v4 =	vmul.f32 v6, v4  }
0x1b5: {  	s1 =	sshra.s32 s6, $0x2;
	v3 =	vmul.f32 v14, v3;
	v13 =	vmul.f32 $5.000000000e-01, v13;
	v6 =	vld [tilespmem:s23+$0xDB00];
	v7 =	vadd.f32 v18, v7;
	v8 =	vpop (erf)  }
0x1b6: {  	v9 =	vmul.f32 v12, v9;
	v14 =	vld [tilespmem:s1+$0xBB00];
	v5 =	vnsel vm0, $0x0, v5;
	v4 =	vmul.f32 v4, v8  }
0x1b7: {  	v12 =	vsub.s32 $0x5F3759DF, v17;
	v8 =	vld [tilespmem:s1+$0xAB00];
	v1 =	vmul.f32 v5, v1;
	v3 =	vmul.f32 v7, v3  }
0x1b8: {  	v7 =	vmul.f32 v12, v13;
	v17 =	vmul.f32 $7.199822900e+00, v15;
	v5 =	vld [tilespmem:s1+$0xB300]  }
0x1b9: {  	v18 =	vmul.f32 v9, v2;
	v3 =	vmul.f32 v3, v10;
	v1 =	vsub.f32 v1, v4  }
0x1ba: {  	v4 =	vcvt.s32.f32 v11;
	v7 =	vmul.f32 v12, v7  }
0x1bb: {  	v18 =	vmul.f32 v18, v9;
	v10 =	vcvt.s32.f32 v6;
	v3 =	vadd.f32 v1, v3  }
0x1bc: {  	v14 =	vmul.f32 v14, v14;
	v7 =	vsub.f32 $1.500000000e+00, v7;
	v8 =	vmul.f32 v8, v8  }
0x1bd: {  	v18 =	vsub.f32 $1.500000000e+00, v18;
	v1 =	vmul.f32 v16, v17;
	v5 =	vmul.f32 v5, v5;
	[tilespmem:s11+$0xE300] =	vst v3;
	s11 =	smov.u32 s23;
	s23 =	smov.u32 s1  }
0x1be: {  	v7 =	vmul.f32 v12, v7;
	v3 =	vmul.f32 $7.199822900e+00, v4  }
0x1bf: {  	v15 =	vadd.f32 v16, v15;
	v9 =	vmul.f32 v18, v9;
	v12 =	vmul.f32 $4.000000060e-01, v4  }
0x1c0: {  	v17 =	vmul.f32 $4.000000060e-01, v10;
	v4 =	vadd.f32 v10, v4;
	v16 =	vld.idx.msk [tilespmem:v6+s0+$0x0], $0xffff;
	v6 =	vmul.f32 v7, v13  }
0x1c1: {  	v15 =	vmul.f32 $-2.500000000e-01, v15;
	v2 =	vmul.f32 v9, v2;
	v11 =	vld.idx.msk [tilespmem:v11+s0+$0x0], $0xffff  }
0x1c2: {  	v5 =	vadd.f32 v5, v8;
	v4 =	vmul.f32 $1.000000010e-01, v4;
	v6 =	vmul.f32 v6, v7  }
0x1c3: {  	v2 =	vmul.f32 v2, v9;
	v8 =	vadd.f32 $1.000000000e+00, v12;
	v12 =	vadd.f32 $1.000000000e+00, v17  }
0x1c4: {  	v3 =	vmul.f32 v10, v3;
	v17 =	vadd.f32 $2.000000000e+00, v4;
	v6 =	vsub.f32 $1.500000000e+00, v6  }
0x1c5: {  	v2 =	vsub.f32 $1.500000000e+00, v2;
	v4 =	vmul.f32 v12, v8;
	v8 =	vmul.f32 $1.442695020e+00, v15  }
0x1c6: {  	v10 =	vadd.f32 v14, v5;
	v6 =	vmul.f32 v6, v7;
	v7 =	vmul.f32 v17, v17  }
0x1c7: {  	v5 =	vmul.f32 v2, v9;
	v9 =	vadd.f32 v16, v11;
	(erf) = vpow2.f32 v8  }
0x1c8: {  	v12 =	vmax.f32 v10, $1.000000050e-18;
	v8 =	vmul.f32 v6, v13;
	v11 =	vmul.f32 v7, v7  }
0x1c9: {  	v2 =	vmul.f32 $5.000000000e-01, v12;
	v5 =	vmul.f32 v5, v0;
	v0 =	vmovc v10;
	v13 =	vadd.f32 $9.999999710e-10, v9  }
0x1ca: {  	v8 =	vmul.f32 v8, v6;
	v9 =	vmul.f32 v11, v7  }
0x1cb: {  	v7 =	vmax.f32 v5, $9.999999710e-10;
	v11 =	vadd.f32 $-2.500000000e+00, v5;
	v14 =	vmul.f32 $2.134319070e+00, v13  }
0x1cc: {  	v10 =	vmul.f32 $1.000000010e-01, v5;
	v13 =	vmul.f32 v7, v7  }
.Ltmp6:
0x1cd: {  	v15 =	vmul.f32 $2.000000030e-01, v11;
	v17 =	vmul.f32 v7, v14;
	(pc) =	sbr.rel @p0 .LBB2_6-.Ltmp6, $4  }
0x1ce: {  	v11 =	vmul.f32 v10, v10;
	(erf) = vrcp.f32 v7  }
0x1cf: {  	v16 =	vmul.f32 $6.000000000e+00, v10;
	v20 =	vmax.f32 v15, $0.0e+00;
	v19 =	vmul.f32 $-3.199800010e+00, v17  }
0x1d0: {  	v14 =	vmul.f32 v13, v13;
	v18 =	vmul.f32 $-9.422900080e-01, v17;
	v15 =	vmin.f32 v20, $1.000000000e+00;
	v7 =	vpop (erf)  }
0x1d1: {  	s6 =	sadd.s32 $0x40, s6;
	v20 =	vmul.f32 $6.000000000e+00, v15;
	v19 =	vmul.f32 $1.442695020e+00, v19  }
0x1d2: {  	v18 =	vmul.f32 $1.442695020e+00, v18;
	v21 =	vmul.f32 $-4.029000100e-01, v17  }
0x1d3: {  	v63 =	vmul.f32 $-2.016199980e-01, v17;
	v25 =	vmul.f32 v15, v15  }
0x1d4: {  	v13 =	vmul.f32 v14, v13;
	v20 =	vadd.f32 $-1.500000000e+01, v20;
	(erf) = vpow2.f32 v19  }
0x1d5: {  	v12 =	vshrl.u32 v12, $0x1;
	v24 =	vmul.f32 $1.442695020e+00, v21;
	(erf) = vpow2.f32 v18  }
0x1d6: {  	v16 =	vadd.f32 $-1.500000000e+01, v16;
	v30 =	vmul.f32 v11, v10;
	v20 =	vmul.f32 v20, v15  }
0x1d7: {  	v8 =	vsub.f32 $1.500000000e+00, v8;
	v17 =	vmul.f32 $1.442695020e+00, v63;
	(erf) = vpow2.f32 v24  }
0x1d8: {  	v39 =	vmul.f32 $9.999999770e-03, v5;
	v26 =	vmul.f32 v25, v15;
	v27 =	vadd.f32 $1.000000000e+01, v20  }
0x1d9: {  	v38 =	vadd.f32 $1.000000000e+00, v0;
	v28 =	vmul.f32 v16, v10;
	(erf) = vpow2.f32 v17  }
0x1da: {  	v12 =	vsub.s32 $0x5F3759DF, v12;
	v9 =	vadd.f32 v13, v9;
	v15 =	vmul.f32 v27, v26  }
0x1db: {  	v4 =	vmul.f32 v4, v7;
	v29 =	vmul.f32 v12, v2;
	v31 =	vadd.f32 $1.000000000e+01, v28  }
0x1dc: {  	v6 =	vmul.f32 v8, v6;
	v32 =	vpop (erf);
	(erf) = vrcp.f32 v9;
	v33 =	vsub.f32 $1.000000000e+00, v15  }
0x1dd: {  	vm0 =	vlt.f32 v5, $1.000000000e+01;
	v34 =	vmul.f32 v12, v29;
	v10 =	vmul.f32 v31, v30;
	v35 =	vpop (erf)  }
0x1de: {  	v45 =	vshrl.u32 v38, $0x1;
	v36 =	vmul.f32 v15, v32;
	v6 =	vmul.f32 v33, v6;
	v37 =	vpop (erf)  }
0x1df: {  	v10 =	vsub.f32 $1.000000000e+00, v10;
	v11 =	vmul.f32 $1.817500000e-01, v35;
	v13 =	vmul.f32 $5.098599790e-01, v37  }
0x1e0: {  	v46 =	vmul.f32 $5.000000000e-01, v38;
	v9 =	vsub.f32 $1.500000000e+00, v34;
	v6 =	vadd.f32 v6, v36;
	v40 =	vpop (erf)  }
0x1e1: {  	v10 =	vnsel vm0, $0x0, v10;
	v41 =	vadd.f32 v13, v11;
	v42 =	vmul.f32 $2.802200020e-01, v40  }
0x1e2: {  	v9 =	vmul.f32 v12, v9;
	v44 =	vmul.f32 $5.000000000e-01, v10;
	v43 =	vpop (erf);
	v6 =	vadd.f32 v6, v39  }
0x1e3: {  	v11 =	vsub.s32 $0x5F3759DF, v45;
	v7 =	vmul.f32 $2.817000080e-02, v43;
	v5 =	vadd.f32 v41, v42  }
0x1e4: {  	v48 =	vld [tilespmem:s23+$0xD300];
	v4 =	vmul.f32 v44, v4;
	v49 =	vmul.f32 v11, v46;
	v6 =	vadd.f32 $-2.000000030e-01, v6  }
0x1e5: {  	v50 =	vld [tilespmem:s23+$0xDB00];
	v3 =	vmul.f32 v32, v3;
	v51 =	vmul.f32 v9, v2;
	v47 =	vpop (erf);
	v5 =	vadd.f32 v5, v7  }
0x1e6: {  	v4 =	vmul.f32 v4, v47;
	v52 =	vmul.f32 v11, v49;
	v6 =	vnsel vm0, $0x0, v6  }
0x1e7: {  	v1 =	vmul.f32 v6, v1;
	v3 =	vmul.f32 v5, v3  }
0x1e8: {  	v6 =	vmul.f32 v51, v9  }
0x1e9: {  	v54 =	vsub.f32 $1.500000000e+00, v52;
	v3 =	vmul.f32 v3, v10;
	v1 =	vsub.f32 v1, v4  }
0x1ea: {  	v55 =	vcvt.s32.f32 v48;
	v14 =	vcvt.s32.f32 v50;
	v6 =	vsub.f32 $1.500000000e+00, v6  }
0x1eb: {  	v53 =	vld [tilespmem:s23+$0xC300];
	v56 =	vmul.f32 v11, v54;
	v1 =	vadd.f32 v1, v3  }
0x1ec: {  	v59 =	vadd.f32 v14, v55;
	v10 =	vld [tilespmem:s23+$0xCB00];
	v57 =	vmul.f32 v6, v9  }
0x1ed: {  	v58 =	vmul.f32 v56, v46;
	[tilespmem:s11+$0xE300] =	vst v1  }
0x1ee: {  	v6 =	vmul.f32 $1.000000010e-01, v59;
	v61 =	vmul.f32 v57, v2;
	v60 =	vld.idx.msk [tilespmem:v50+s0+$0x0], $0xffff  }
0x1ef: {  	v62 =	vmul.f32 $7.199822900e+00, v55;
	v1 =	vmul.f32 v58, v56;
	v12 =	vld.idx.msk [tilespmem:v48+s0+$0x0], $0xffff  }
0x1f0: {  	v63 =	vmul.f32 $4.000000060e-01, v14;
	v6 =	vadd.f32 $2.000000000e+00, v6;
	v2 =	vmul.f32 v61, v57  }
0x1f1: {  	v5 =	vmul.f32 $4.000000060e-01, v55;
	v7 =	vadd.f32 v10, v53;
	v1 =	vsub.f32 $1.500000000e+00, v1  }
0x1f2: {  	v9 =	vmul.f32 $7.199822900e+00, v53;
	v24 =	vmul.f32 v6, v6;
	v2 =	vsub.f32 $1.500000000e+00, v2  }
0x1f3: {  	v7 =	vmul.f32 $-2.500000000e-01, v7;
	v1 =	vmul.f32 v1, v56  }
0x1f4: {  	v28 =	vmul.f32 v24, v24;
	v2 =	vmul.f32 v2, v57;
	v26 =	vadd.f32 v60, v12  }
0x1f5: {  	v25 =	vmul.f32 $1.442695020e+00, v7;
	v27 =	vmul.f32 v1, v46  }
0x1f6: {  	v3 =	vmul.f32 v28, v24;
	v29 =	vmul.f32 v2, v0;
	v30 =	vadd.f32 $9.999999710e-10, v26  }
0x1f7: {  	(erf) = vpow2.f32 v25;
	v31 =	vmul.f32 v27, v1  }
0x1f8: {  	v32 =	vmax.f32 v29, $9.999999710e-10;
	v33 =	vadd.f32 $-2.500000000e+00, v29;
	v2 =	vmul.f32 $2.134319070e+00, v30  }
0x1f9: {  	v34 =	vmul.f32 $1.000000010e-01, v29;
	v35 =	vmul.f32 v32, v32  }
0x1fa: {  	v7 =	vmul.f32 $2.000000030e-01, v33;
	v2 =	vmul.f32 v32, v2  }
0x1fb: {  	(erf) = vrcp.f32 v32;
	v36 =	vmul.f32 v34, v34  }
0x1fc: {  	v37 =	vmul.f32 $6.000000000e+00, v34;
	v7 =	vmax.f32 v7, $0.0e+00;
	v38 =	vmul.f32 $-3.199800010e+00, v2  }
0x1fd: {  	v39 =	vmul.f32 v35, v35;
	v40 =	vmul.f32 $-9.422900080e-01, v2;
	v7 =	vmin.f32 v7, $1.000000000e+00  }
0x1fe: {  	v41 =	vmul.f32 $6.000000000e+00, v7;
	v16 =	vmul.f32 $1.442695020e+00, v38  }
0x1ff: {  	v42 =	vmul.f32 $-4.029000100e-01, v2;
	v18 =	vmul.f32 $1.442695020e+00, v40  }
0x200: {  	v2 =	vmul.f32 $-2.016199980e-01, v2;
	v19 =	vadd.f32 $-1.500000000e+01, v41;
	(erf) = vpow2.f32 v16  }
0x201: {  	v43 =	vmul.f32 $1.442695020e+00, v42;
	(erf) = vpow2.f32 v18  }
0x202: {  	v44 =	vmul.f32 v7, v7;
	v19 =	vmul.f32 v19, v7  }
0x203: {  	v6 =	vadd.f32 $-1.500000000e+01, v37;
	v2 =	vmul.f32 $1.442695020e+00, v2;
	(erf) = vpow2.f32 v43  }
0x204: {  	v11 =	vmul.f32 v39, v35;
	v7 =	vmul.f32 v44, v7;
	v45 =	vadd.f32 $1.000000000e+01, v19  }
0x205: {  	v5 =	vadd.f32 $1.000000000e+00, v5;
	v6 =	vmul.f32 v6, v34;
	(erf) = vpow2.f32 v2  }
0x206: {  	v4 =	vsub.f32 $1.500000000e+00, v31;
	v3 =	vadd.f32 v11, v3;
	v46 =	vmul.f32 v45, v7  }
0x207: {  	v48 =	vadd.f32 $1.000000000e+00, v63;
	v8 =	vmul.f32 v36, v34;
	v47 =	vpop (erf);
	v6 =	vadd.f32 $1.000000000e+01, v6  }
0x208: {  	v1 =	vmul.f32 v4, v1;
	v49 =	vpop (erf);
	(erf) = vrcp.f32 v3;
	v50 =	vsub.f32 $1.000000000e+00, v46  }
0x209: {  	v51 =	vmul.f32 v48, v5;
	v52 =	vmul.f32 v6, v8;
	v53 =	vpop (erf)  }
0x20a: {  	v2 =	vmul.f32 v46, v49;
	v1 =	vmul.f32 v50, v1;
	v54 =	vpop (erf)  }
0x20b: {  	v5 =	vsub.f32 $1.000000000e+00, v52;
	v6 =	vmul.f32 $1.817500000e-01, v53;
	v4 =	vmul.f32 $5.098599790e-01, v54  }
0x20c: {  	vm15 =	vlt.f32 v29, $1.000000000e+01;
	v0 =	vmul.f32 $9.999999770e-03, v29;
	v55 =	vpop (erf);
	v1 =	vadd.f32 v1, v2  }
0x20d: {  	v5 =	vnsel vm15, $0x0, v5;
	v2 =	vmul.f32 $2.802200020e-01, v55;
	v4 =	vadd.f32 v4, v6  }
0x20e: {  	v56 =	vmul.f32 v51, v47;
	v57 =	vmul.f32 $5.000000000e-01, v5;
	v58 =	vpop (erf);
	v0 =	vadd.f32 v1, v0  }
0x20f: {  	v59 =	vmul.f32 v14, v62;
	v60 =	vmul.f32 $2.817000080e-02, v58;
	v2 =	vadd.f32 v4, v2  }
0x210: {  	v1 =	vmul.f32 v57, v56;
	v0 =	vadd.f32 $-2.000000030e-01, v0  }
0x211: {  	v61 =	vmul.f32 v10, v9;
	v62 =	vmul.f32 v49, v59;
	v63 =	vpop (erf);
	v2 =	vadd.f32 v2, v60  }
0x212: {  	v1 =	vmul.f32 v1, v63;
	v0 =	vnsel vm15, $0x0, v0  }
0x213: {  	v0 =	vmul.f32 v0, v61;
	v2 =	vmul.f32 v2, v62;
	_ =	sdelay $0x1  }
0x214: {  	v2 =	vmul.f32 v2, v5;
	v0 =	vsub.f32 v0, v1;
	_ =	sdelay $0x1  }
0x215: {  	v0 =	vadd.f32 v0, v2;
	_ =	sdelay $0x1  }
.Ltmp7:
0x216: {  	[tilespmem:s23+$0xE300] =	vst v0;
	(pc) =	sbr.rel .LBB2_8-.Ltmp7, $4  }
0x217: {  	[spmem:s4] =	stream.indirect.scatter.add.f32 [tilespmem:s19], [sflag:$0x3], $0x1, s18, s14, $0xb8;
	[tilespmem:$0x11D80] =	vst v63  }
0x218: {  	_ =	swait.ge [sflag:s30], $0x800  }
0x219: {  	[sflag:s30] =	ssyncset.done $0x0  }
0x21a: {  	[sflag:s30] =	ssyncadd.s32 $0xFFFFF800  }
.LBB2_10:
0x21b: {  	_ =	sfence.sel $0x180000  }
0x21c: {  	[bflag:$0x0] =	sbarrier.arrive $0xFFFF  }
0x21d: {  	_ =	strace $0x90000047  }
0x21e: {  	s0 =	stileid.u32;
	[bflag:$0x2] =	sbarrier.arrive $0xFFFF  }
0x21f: {  	p0 =	sne.s32 s0, $0x0;
	s0 =	rddreg [dreg:$0x5]  }
0x220: {  	s0 =	sadd.s32 @!p0 $0x100000, s0  }
0x221: {  	[sflag:s0] =	ssyncadd.tile.s32 @!p0 $0x1;
	_ =	shalt  }
.Lfunc_end2:
_tile_overlayer_lowered:
.L_overlay_start_2:
0x222: {  	(tag) =	ssettag $0x2  }
0x223: {  	s0 =	rddreg [dreg:$0x0];
	s2 =	stileid.u32  }
0x224: {  	s1 =	rddreg [dreg:$0x1];
	p0 =	sne.s32 s2, $0x0  }
0x225: {  	s3 =	rddreg [dreg:$0x2];
	[bflag:$0x3] =	sbarrier.arrive $0xFFFF;
	s2 =	simm.s32 @!p0 $0x1C03  }
0x226: {  	[timem:s3], [sflag:s2] =	dma.local @!p0 [hbm:s0], s1  }
0x227: {  	s0 =	simm.s32 @!p0 $0x3  }
0x228: {  	_ =	swait.ge @!p0 [sflag:s0], s1  }
0x229: {  	s1 =	ssub.s32 @!p0 $0x0, s1;
	[sflag:s0] =	ssyncset.done @!p0 $0x0  }
0x22a: {  	[sflag:s0] =	ssyncadd.s32 @!p0 s1  }
0x22b: {  	[bflag:$0x3] =	sbarrier.arrive $0xFFFF  }
0x22c: {  	_ =	shalt  }

</sc_bundles>
